<compile_context>
chip_gen: v7x
topology: tpu7x:2x2x1
jax: 0.10.2.dev20260603
libtpu: 0.0.44.dev20260713+nightly
codegen_flags: <defaults>
</compile_context>

<pallas_src>
import functools

import jax
import jax.numpy as jnp
from jax import lax
from jax.experimental import pallas as pl
from jax.experimental.pallas import tpu as pltpu
from jax.experimental.pallas import tpu_sc as plsc

N = 10000
E = 320000
D = 128
H = 128

NC = 2
NS = 16
NW = NC * NS
EPT = E // NW
CH = 40
NCH = EPT // CH
ROWS_PT = N // NS
BLK = 2000
NBUF = 5
NFULL = (NCH // NBUF - 1) * NBUF


def _mesh():
    return plsc.VectorSubcoreMesh(
        core_axis_name="c", subcore_axis_name="s", num_cores=NC, num_subcores=NS
    )


_SC_PARAMS = pltpu.CompilerParams(
    needs_layout_passes=False, use_tc_tiling_on_sc=False
)


def _hist_body(ei_hbm, aux_hbm, hist_hbm, srcv, dstv, hist_o, hist_i, ridx, shd):
    cid = lax.axis_index("c")
    sid = lax.axis_index("s")
    wid = cid * NS + sid
    base = wid * EPT
    pltpu.sync_copy(ei_hbm.at[0, pl.ds(base, EPT)], srcv)
    pltpu.sync_copy(ei_hbm.at[1, pl.ds(base, EPT)], dstv)
    pltpu.sync_copy(aux_hbm, ridx)

    zeros16 = jnp.zeros((16,), jnp.float32)

    def zbody(i, c):
        for u in range(5):
            o = (i * 5 + u) * 16
            hist_o[0, pl.ds(o, 16)] = zeros16
            hist_i[0, pl.ds(o, 16)] = zeros16
        return c

    lax.fori_loop(0, N // 80, zbody, 0)
    @pl.when(sid < NS - 6)
    def _():
        row = sid // 5
        pltpu.sync_copy(
            hist_o.at[0, pl.ds(0, 1000)],
            shd.at[row, pl.ds((sid % 5) * 2000, 1000)],
        )
        pltpu.sync_copy(
            hist_i.at[0, pl.ds(0, 1000)],
            shd.at[row, pl.ds((sid % 5) * 2000 + 1000, 1000)],
        )

    plsc.subcore_barrier()

    ones16 = jnp.ones((16,), jnp.float32)
    zidx16 = jnp.zeros((16,), jnp.int32)

    def ebody(i, c):
        for u in range(5):
            o = (i * 5 + u) * 16
            s = srcv[pl.ds(o, 16)]
            plsc.addupdate_scatter(hist_o, [zidx16, s], ones16)
            d = dstv[pl.ds(o, 16)]
            plsc.addupdate_scatter(hist_i, [zidx16, d], ones16)
        return c

    lax.fori_loop(0, EPT // 80, ebody, 0)

    pltpu.sync_copy(hist_o, shd.at[ridx.at[pl.ds(0, 1)]], add=True)
    pltpu.sync_copy(hist_i, shd.at[ridx.at[pl.ds(8, 1)]], add=True)
    plsc.subcore_barrier()

    @pl.when(sid == 0)
    def _():
        pltpu.sync_copy(shd.at[0], hist_hbm.at[0, cid])
        pltpu.sync_copy(shd.at[1], hist_hbm.at[1, cid])


def _hist_call(edge_index, aux):
    f = pl.kernel(
        _hist_body,
        out_type=jax.ShapeDtypeStruct((2, NC, N), jnp.float32),
        mesh=_mesh(),
        scratch_types=[
            pltpu.VMEM((EPT,), jnp.int32),
            pltpu.VMEM((EPT,), jnp.int32),
            pltpu.VMEM((1, N), jnp.float32),
            pltpu.VMEM((1, N), jnp.float32),
            pltpu.VMEM((16,), jnp.int32),
            pltpu.VMEM_SHARED((2, N), jnp.float32),
        ],
        compiler_params=_SC_PARAMS,
    )
    return f(edge_index, aux)


def _scatter_body(y_hbm, ei_hbm, part_hbm, srcv, dstv, rows, *rest):
    sems = rest[:NBUF]
    dsem = rest[NBUF]
    zsem = rest[NBUF + 1]
    acc = rest[NBUF + 2]
    cid = lax.axis_index("c")
    sid = lax.axis_index("s")
    wid = cid * NS + sid
    base = wid * EPT
    r0 = sid * ROWS_PT
    pltpu.sync_copy(ei_hbm.at[0, pl.ds(base, EPT)], srcv)
    def stage(r, c):
        pltpu.async_copy(ei_hbm.at[1, pl.ds(base + r * CH, CH)], dstv.at[r], dsem)
        return c

    lax.fori_loop(0, NCH, stage, 0)
    zeros16 = jnp.zeros((16,), jnp.float32)

    def zb(i, c):
        for u in range(H // 16):
            rows[0, i, pl.ds(u * 16, 16)] = zeros16
        return c

    lax.fori_loop(0, CH, zb, 0)
    for t in range(ROWS_PT // CH):
        pltpu.async_copy(rows.at[0], acc.at[pl.ds(r0 + t * CH, CH)], zsem)
    pltpu.async_copy(
        rows.at[0, pl.ds(0, ROWS_PT % CH)],
        acc.at[pl.ds(r0 + (ROWS_PT // CH) * CH, ROWS_PT % CH)],
        zsem,
    )
    for t in range(ROWS_PT // CH):
        pltpu.make_async_copy(rows.at[0], acc.at[pl.ds(r0 + t * CH, CH)], zsem).wait()
    pltpu.make_async_copy(
        rows.at[0, pl.ds(0, ROWS_PT % CH)],
        acc.at[pl.ds(r0 + (ROWS_PT // CH) * CH, ROWS_PT % CH)],
        zsem,
    ).wait()

    def drain(r, c):
        pltpu.make_async_copy(
            ei_hbm.at[1, pl.ds(base + r * CH, CH)], dstv.at[r], dsem
        ).wait()
        return c

    lax.fori_loop(0, NCH, drain, 0)
    plsc.subcore_barrier()

    for b in range(NBUF):
        pltpu.async_copy(y_hbm.at[srcv.at[pl.ds(b * CH, CH)]], rows.at[b], sems[b])

    def body(g, c):
        for b in range(NBUF):
            j = g * NBUF + b
            pltpu.make_async_copy(
                y_hbm.at[srcv.at[pl.ds(j * CH, CH)]], rows.at[b], sems[b]
            ).wait()
            pltpu.sync_copy(rows.at[b], acc.at[dstv.at[j]], add=True)
            pltpu.async_copy(
                y_hbm.at[srcv.at[pl.ds((j + NBUF) * CH, CH)]], rows.at[b], sems[b]
            )
        return c

    lax.fori_loop(0, NCH // NBUF - 1, body, 0)
    for b in range(NBUF):
        j = NFULL + b
        pltpu.make_async_copy(
            y_hbm.at[srcv.at[pl.ds(j * CH, CH)]], rows.at[b], sems[b]
        ).wait()
        pltpu.sync_copy(rows.at[b], acc.at[dstv.at[j]], add=True)
    for j in range(NFULL + NBUF, NCH):
        b = j % NBUF
        pltpu.async_copy(y_hbm.at[srcv.at[pl.ds(j * CH, CH)]], rows.at[b], sems[b]).wait()
        pltpu.sync_copy(rows.at[b], acc.at[dstv.at[j]], add=True)

    plsc.subcore_barrier()
    pltpu.sync_copy(acc.at[pl.ds(r0, ROWS_PT)], part_hbm.at[cid, pl.ds(r0, ROWS_PT)])


def _scatter_call(y, edge_index):
    f = pl.kernel(
        _scatter_body,
        out_type=jax.ShapeDtypeStruct((NC, N, H), jnp.float32),
        mesh=_mesh(),
        scratch_types=[
            pltpu.VMEM((EPT,), jnp.int32),
            pltpu.VMEM((NCH, CH), jnp.int32),
            pltpu.VMEM((NBUF, CH, H), jnp.float32),
        ]
        + [pltpu.SemaphoreType.DMA] * (NBUF + 2)
        + [pltpu.VMEM_SHARED((N, H), jnp.float32)],
        compiler_params=_SC_PARAMS,
    )
    return f(y, edge_index)


def _nrm_body(hist_ref, nrm_ref):
    ones_w = jnp.ones((NC, 1), jnp.float32)
    dn = (((0,), (0,)), ((), ()))
    od = lax.dot_general(hist_ref[0], ones_w, dn, preferred_element_type=jnp.float32)
    idg = lax.dot_general(hist_ref[1], ones_w, dn, preferred_element_type=jnp.float32)
    onrm = lax.rsqrt(jnp.maximum(od, 1.0))
    inrm = lax.rsqrt(jnp.maximum(idg, 1.0))
    nrm_ref[...] = jnp.concatenate([onrm, inrm], axis=1)


def _nrm_call(hist):
    return pl.pallas_call(
        _nrm_body,
        grid=(1,),
        in_specs=[pl.BlockSpec((2, NC, N), lambda i: (0, 0, 0))],
        out_specs=pl.BlockSpec((N, 2), lambda i: (0, 0)),
        out_shape=jax.ShapeDtypeStruct((N, 2), jnp.float32),
    )(hist)


def _tc1_body(x_ref, w_ref, nrm_ref, y_ref):
    z = jnp.dot(x_ref[...], w_ref[...], preferred_element_type=jnp.float32)
    y_ref[...] = nrm_ref[:, 0:1] * z


def _tc1_call(x, w1, nrm):
    return pl.pallas_call(
        _tc1_body,
        grid=(N // BLK,),
        in_specs=[
            pl.BlockSpec((BLK, D), lambda i: (i, 0)),
            pl.BlockSpec((D, H), lambda i: (0, 0)),
            pl.BlockSpec((BLK, 2), lambda i: (i, 0)),
        ],
        out_specs=pl.BlockSpec((BLK, H), lambda i: (i, 0)),
        out_shape=jax.ShapeDtypeStruct((N, H), jnp.float32),
    )(x, w1, nrm)


def _tc2_body(part_ref, nrm_ref, b_ref, w_ref, y_ref):
    agg = part_ref[0] + part_ref[1]
    inrm = nrm_ref[:, 1:2]
    onrm = nrm_ref[:, 0:1]
    h = jnp.maximum(agg * inrm + b_ref[...], 0.0)
    y_ref[...] = onrm * jnp.dot(h, w_ref[...], preferred_element_type=jnp.float32)


def _tc2_call(part, nrm, b1, w2):
    return pl.pallas_call(
        _tc2_body,
        grid=(N // BLK,),
        in_specs=[
            pl.BlockSpec((NC, BLK, H), lambda i: (0, i, 0)),
            pl.BlockSpec((BLK, 2), lambda i: (i, 0)),
            pl.BlockSpec((1, H), lambda i: (0, 0)),
            pl.BlockSpec((H, H), lambda i: (0, 0)),
        ],
        out_specs=pl.BlockSpec((BLK, H), lambda i: (i, 0)),
        out_shape=jax.ShapeDtypeStruct((N, H), jnp.float32),
    )(part, nrm, b1, w2)


def _tc3_body(part_ref, nrm_ref, b_ref, o_ref):
    agg = part_ref[0] + part_ref[1]
    inrm = nrm_ref[:, 1:2]
    o_ref[...] = jnp.maximum(agg * inrm + b_ref[...], 0.0)


def _tc3_call(part, nrm, b2):
    return pl.pallas_call(
        _tc3_body,
        grid=(N // BLK,),
        in_specs=[
            pl.BlockSpec((NC, BLK, H), lambda i: (0, i, 0)),
            pl.BlockSpec((BLK, 2), lambda i: (i, 0)),
            pl.BlockSpec((1, H), lambda i: (0, 0)),
        ],
        out_specs=pl.BlockSpec((BLK, H), lambda i: (i, 0)),
        out_shape=jax.ShapeDtypeStruct((N, H), jnp.float32),
    )(part, nrm, b2)


def kernel(features, edge_index, W1, b1, W2, b2):
    aux = jnp.zeros((16,), jnp.int32).at[8].set(1)
    hist = _hist_call(edge_index, aux)
    nrm = _nrm_call(hist)
    y1 = _tc1_call(features, W1, nrm)
    part1 = _scatter_call(y1, edge_index)
    y2 = _tc2_call(part1, nrm, b1.reshape(1, H), W2)
    part2 = _scatter_call(y2, edge_index)
    out = _tc3_call(part2, nrm, b2.reshape(1, H))
    return out

# --- scband reference (transcript-rebuilt; emitter-appended) ---
"""Pipeline reference for scband-gcn-for-emb-20710332301824 (READ-ONLY COPY).

The authoritative reference and input builder live on the scoring server;
editing this copy changes nothing except your own understanding.
"""

import jax, jax.numpy as jnp
import numpy as np

N = 10000
E = 320000
D = 128
H = 128


def setup_inputs(seed: int = 0) -> dict:
    key = jax.random.key(seed)
    k1, k2, k3, k4, k5, k6 = jax.random.split(key, 6)
    features = jax.random.normal(k1, (N, D), dtype=jnp.float32)
    edge_index = jax.random.randint(k2, (2, E), 0, N, dtype=jnp.int32)
    # GraphConv layer 1: in_feats -> n_hidden (glorot-ish init)
    W1 = jax.random.normal(k3, (D, H), dtype=jnp.float32) * (1.0 / np.sqrt(D))
    b1 = jnp.zeros((H,), dtype=jnp.float32)
    # GraphConv layer 2: n_hidden -> n_hidden
    W2 = jax.random.normal(k4, (H, H), dtype=jnp.float32) * (1.0 / np.sqrt(H))
    b2 = jnp.zeros((H,), dtype=jnp.float32)
    return {"features": features, "edge_index": edge_index, "W1": W1, "b1": b1, "W2": W2, "b2": b2}


def _graph_conv(x, src, dst, W, b, out_norm, in_norm, activation=True):
    # DGL GraphConv with norm='both': h = D_in^{-1/2} A D_out^{-1/2} X W + b
    h = x * out_norm[:, None]
    m = jnp.take(h, src, axis=0)                 # gather messages from src nodes
    agg = jnp.zeros((N, h.shape[1]), dtype=h.dtype).at[dst].add(m)  # scatter-add to dst
    agg = agg * in_norm[:, None]
    out = agg @ W + b
    if activation:
        out = jax.nn.relu(out)
    return out


def reference(features, edge_index, W1, b1, W2, b2):
    src = edge_index[0]
    dst = edge_index[1]
    ones = jnp.ones((E,), dtype=jnp.float32)
    out_deg = jnp.zeros((N,), dtype=jnp.float32).at[src].add(ones)
    in_deg = jnp.zeros((N,), dtype=jnp.float32).at[dst].add(ones)
    out_norm = 1.0 / jnp.sqrt(jnp.clip(out_deg, 1.0))
    in_norm = 1.0 / jnp.sqrt(jnp.clip(in_deg, 1.0))
    # layer 1 (dropout is identity in eval mode)
    h = _graph_conv(features, src, dst, W1, b1, out_norm, in_norm, activation=True)
    # layer 2
    h = _graph_conv(h, src, dst, W2, b2, out_norm, in_norm, activation=True)
    return h

if __name__ == "__main__":
    import jax
    _d = setup_inputs()
    print(jax.jit(kernel)(*tuple(_d.values())))

</pallas_src>

<mosaic_0001>
#map = affine_map<(d0, d1) -> (0, 0)>
#map1 = affine_map<(d0, d1) -> (0)>
#map2 = affine_map<(d0, d1) -> (0, 0, 0)>
module attributes {stable_mosaic.version = 14 : i64} {
  func.func @_hist_body(%arg0: i32, %arg1: i32, %arg2: memref<2x320000xi32, #tpu.memory_space<hbm>>, %arg3: memref<16xi32, #tpu.memory_space<hbm>>, %arg4: memref<2x2x10000xf32, #tpu.memory_space<hbm>>, %arg5: memref<10000xi32, #tpu.memory_space<vmem>>, %arg6: memref<10000xi32, #tpu.memory_space<vmem>>, %arg7: memref<1x10000xf32, #tpu.memory_space<vmem>>, %arg8: memref<1x10000xf32, #tpu.memory_space<vmem>>, %arg9: memref<16xi32, #tpu.memory_space<vmem>>, %arg10: memref<2x10000xf32, #tpu.memory_space<vmem_shared>>) attributes {dimension_semantics = [#tpu.dimension_semantics<core_parallel>, #tpu.dimension_semantics<subcore_parallel>], iteration_bounds = array<i64: 2, 16>, scalar_prefetch = 0 : i64, scratch_operands = 6 : i64, tpu.core_type = #tpu.core_type<sc_vector_subcore>, window_params = [{transform_indices = #map}, {transform_indices = #map1}, {transform_indices = #map2}]} {
    %mul3A = arith.constant 16 : i32
    %mul3A_0 = arith.muli %arg0, %mul3A : i32
    %add3A = arith.addi %mul3A_0, %arg1 : i32
    %mul3A_1 = arith.constant 10000 : i32
    %mul3A_2 = arith.muli %add3A, %mul3A_1 : i32
    %run_scoped3A = arith.constant 0 : i32
    "tpu.region"() ({
      %run_scoped3A_27 = tpu.sem_alloc : memref<!tpu.dma_semaphore, #tpu.memory_space<semaphore_mem>>
      %dma_start3A = tpu.memref_slice %arg2[%run_scoped3A, %mul3A_2] : memref<2x320000xi32, #tpu.memory_space<hbm>> -> memref<1x10000xi32, #tpu.memory_space<hbm>>
      %dma_start3A_28 = tpu.memref_squeeze %dma_start3A : memref<1x10000xi32, #tpu.memory_space<hbm>> -> memref<10000xi32, #tpu.memory_space<hbm>>
      %dma_start3A_29 = tpu.memref_slice %arg2[%run_scoped3A, %mul3A_2] : memref<2x320000xi32, #tpu.memory_space<hbm>> -> memref<1x10000xi32, #tpu.memory_space<hbm>>
      %dma_start3A_30 = tpu.memref_squeeze %dma_start3A_29 : memref<1x10000xi32, #tpu.memory_space<hbm>> -> memref<10000xi32, #tpu.memory_space<hbm>>
      tpu.enqueue_dma source(%dma_start3A_30 : memref<10000xi32, #tpu.memory_space<hbm>>) target(%arg5 : memref<10000xi32, #tpu.memory_space<vmem>>) target_semaphore(%run_scoped3A_27 : memref<!tpu.dma_semaphore, #tpu.memory_space<semaphore_mem>>)
      %dma_wait3A = tpu.memref_slice %arg2[%run_scoped3A, %mul3A_2] : memref<2x320000xi32, #tpu.memory_space<hbm>> -> memref<1x10000xi32, #tpu.memory_space<hbm>>
      %dma_wait3A_31 = tpu.memref_squeeze %dma_wait3A : memref<1x10000xi32, #tpu.memory_space<hbm>> -> memref<10000xi32, #tpu.memory_space<hbm>>
      %dma_wait3A_32 = tpu.memref_slice %arg2[%run_scoped3A, %mul3A_2] : memref<2x320000xi32, #tpu.memory_space<hbm>> -> memref<1x10000xi32, #tpu.memory_space<hbm>>
      %dma_wait3A_33 = tpu.memref_squeeze %dma_wait3A_32 : memref<1x10000xi32, #tpu.memory_space<hbm>> -> memref<10000xi32, #tpu.memory_space<hbm>>
      tpu.wait_dma2 semaphore(%run_scoped3A_27 : memref<!tpu.dma_semaphore, #tpu.memory_space<semaphore_mem>>) src(%dma_wait3A_33 : memref<10000xi32, #tpu.memory_space<hbm>>) dst(%arg5 : memref<10000xi32, #tpu.memory_space<vmem>>)
      tpu.yield
    }) : () -> ()
    %run_scoped3A_3 = arith.constant 1 : i32
    "tpu.region"() ({
      %run_scoped3A_27 = tpu.sem_alloc : memref<!tpu.dma_semaphore, #tpu.memory_space<semaphore_mem>>
      %dma_start3A = tpu.memref_slice %arg2[%run_scoped3A_3, %mul3A_2] : memref<2x320000xi32, #tpu.memory_space<hbm>> -> memref<1x10000xi32, #tpu.memory_space<hbm>>
      %dma_start3A_28 = tpu.memref_squeeze %dma_start3A : memref<1x10000xi32, #tpu.memory_space<hbm>> -> memref<10000xi32, #tpu.memory_space<hbm>>
      %dma_start3A_29 = tpu.memref_slice %arg2[%run_scoped3A_3, %mul3A_2] : memref<2x320000xi32, #tpu.memory_space<hbm>> -> memref<1x10000xi32, #tpu.memory_space<hbm>>
      %dma_start3A_30 = tpu.memref_squeeze %dma_start3A_29 : memref<1x10000xi32, #tpu.memory_space<hbm>> -> memref<10000xi32, #tpu.memory_space<hbm>>
      tpu.enqueue_dma source(%dma_start3A_30 : memref<10000xi32, #tpu.memory_space<hbm>>) target(%arg6 : memref<10000xi32, #tpu.memory_space<vmem>>) target_semaphore(%run_scoped3A_27 : memref<!tpu.dma_semaphore, #tpu.memory_space<semaphore_mem>>)
      %dma_wait3A = tpu.memref_slice %arg2[%run_scoped3A_3, %mul3A_2] : memref<2x320000xi32, #tpu.memory_space<hbm>> -> memref<1x10000xi32, #tpu.memory_space<hbm>>
      %dma_wait3A_31 = tpu.memref_squeeze %dma_wait3A : memref<1x10000xi32, #tpu.memory_space<hbm>> -> memref<10000xi32, #tpu.memory_space<hbm>>
      %dma_wait3A_32 = tpu.memref_slice %arg2[%run_scoped3A_3, %mul3A_2] : memref<2x320000xi32, #tpu.memory_space<hbm>> -> memref<1x10000xi32, #tpu.memory_space<hbm>>
      %dma_wait3A_33 = tpu.memref_squeeze %dma_wait3A_32 : memref<1x10000xi32, #tpu.memory_space<hbm>> -> memref<10000xi32, #tpu.memory_space<hbm>>
      tpu.wait_dma2 semaphore(%run_scoped3A_27 : memref<!tpu.dma_semaphore, #tpu.memory_space<semaphore_mem>>) src(%dma_wait3A_33 : memref<10000xi32, #tpu.memory_space<hbm>>) dst(%arg6 : memref<10000xi32, #tpu.memory_space<vmem>>)
      tpu.yield
    }) : () -> ()
    "tpu.region"() ({
      %run_scoped3A_27 = tpu.sem_alloc : memref<!tpu.dma_semaphore, #tpu.memory_space<semaphore_mem>>
      tpu.enqueue_dma source(%arg3 : memref<16xi32, #tpu.memory_space<hbm>>) target(%arg9 : memref<16xi32, #tpu.memory_space<vmem>>) target_semaphore(%run_scoped3A_27 : memref<!tpu.dma_semaphore, #tpu.memory_space<semaphore_mem>>)
      tpu.wait_dma2 semaphore(%run_scoped3A_27 : memref<!tpu.dma_semaphore, #tpu.memory_space<semaphore_mem>>) src(%arg3 : memref<16xi32, #tpu.memory_space<hbm>>) dst(%arg9 : memref<16xi32, #tpu.memory_space<vmem>>)
      tpu.yield
    }) : () -> ()
    %broadcast_in_dim3A = arith.constant 0.000000e+00 : f32
    %broadcast_in_dim3A_4 = vector.broadcast %broadcast_in_dim3A : f32 to vector<16xf32>
    %scan3A = arith.constant 0 : i32
    %scan3A_5 = arith.constant 0 : i32
    %scan3A_6 = arith.constant 125 : i32
    %scan3A_7 = arith.addi %scan3A_5, %scan3A_6 : i32
    %scan3A_8 = arith.constant 1 : i32
    scf.for %scan3A_27 = %scan3A_5 to %scan3A_7 step %scan3A_8  : i32 {
      %mul3A_28 = arith.constant 5 : i32
      %mul3A_29 = arith.muli %scan3A_27, %mul3A_28 : i32
      %add3A_30 = arith.constant 0 : i32
      %add3A_31 = arith.addi %mul3A_29, %add3A_30 : i32
      %mul3A_32 = arith.constant 16 : i32
      %mul3A_33 = arith.muli %add3A_31, %mul3A_32 : i32
      %swap3A = arith.constant 0 : i32
      %swap3A_34 = arith.index_cast %swap3A : i32 to index
      %swap3A_35 = arith.index_cast %mul3A_33 : i32 to index
      %swap3A_36 = tpu.vector_load %arg7[%swap3A_34, %swap3A_35] {strides = array<i32>} : memref<1x10000xf32, #tpu.memory_space<vmem>>, vector<16xf32>,
      tpu.vector_store %arg7[%swap3A_34, %swap3A_35], %broadcast_in_dim3A_4 {strides = array<i32>} : memref<1x10000xf32, #tpu.memory_space<vmem>>, vector<16xf32>,
      %swap3A_37 = arith.constant 0 : i32
      %swap3A_38 = arith.index_cast %swap3A_37 : i32 to index
      %swap3A_39 = arith.index_cast %mul3A_33 : i32 to index
      %swap3A_40 = tpu.vector_load %arg8[%swap3A_38, %swap3A_39] {strides = array<i32>} : memref<1x10000xf32, #tpu.memory_space<vmem>>, vector<16xf32>,
      tpu.vector_store %arg8[%swap3A_38, %swap3A_39], %broadcast_in_dim3A_4 {strides = array<i32>} : memref<1x10000xf32, #tpu.memory_space<vmem>>, vector<16xf32>,
      %mul3A_41 = arith.constant 5 : i32
      %mul3A_42 = arith.muli %scan3A_27, %mul3A_41 : i32
      %add3A_43 = arith.constant 1 : i32
      %add3A_44 = arith.addi %mul3A_42, %add3A_43 : i32
      %mul3A_45 = arith.constant 16 : i32
      %mul3A_46 = arith.muli %add3A_44, %mul3A_45 : i32
      %swap3A_47 = arith.constant 0 : i32
      %swap3A_48 = arith.index_cast %swap3A_47 : i32 to index
      %swap3A_49 = arith.index_cast %mul3A_46 : i32 to index
      %swap3A_50 = tpu.vector_load %arg7[%swap3A_48, %swap3A_49] {strides = array<i32>} : memref<1x10000xf32, #tpu.memory_space<vmem>>, vector<16xf32>,
      tpu.vector_store %arg7[%swap3A_48, %swap3A_49], %broadcast_in_dim3A_4 {strides = array<i32>} : memref<1x10000xf32, #tpu.memory_space<vmem>>, vector<16xf32>,
      %swap3A_51 = arith.constant 0 : i32
      %swap3A_52 = arith.index_cast %swap3A_51 : i32 to index
      %swap3A_53 = arith.index_cast %mul3A_46 : i32 to index
      %swap3A_54 = tpu.vector_load %arg8[%swap3A_52, %swap3A_53] {strides = array<i32>} : memref<1x10000xf32, #tpu.memory_space<vmem>>, vector<16xf32>,
      tpu.vector_store %arg8[%swap3A_52, %swap3A_53], %broadcast_in_dim3A_4 {strides = array<i32>} : memref<1x10000xf32, #tpu.memory_space<vmem>>, vector<16xf32>,
      %mul3A_55 = arith.constant 5 : i32
      %mul3A_56 = arith.muli %scan3A_27, %mul3A_55 : i32
      %add3A_57 = arith.constant 2 : i32
      %add3A_58 = arith.addi %mul3A_56, %add3A_57 : i32
      %mul3A_59 = arith.constant 16 : i32
      %mul3A_60 = arith.muli %add3A_58, %mul3A_59 : i32
      %swap3A_61 = arith.constant 0 : i32
      %swap3A_62 = arith.index_cast %swap3A_61 : i32 to index
      %swap3A_63 = arith.index_cast %mul3A_60 : i32 to index
      %swap3A_64 = tpu.vector_load %arg7[%swap3A_62, %swap3A_63] {strides = array<i32>} : memref<1x10000xf32, #tpu.memory_space<vmem>>, vector<16xf32>,
      tpu.vector_store %arg7[%swap3A_62, %swap3A_63], %broadcast_in_dim3A_4 {strides = array<i32>} : memref<1x10000xf32, #tpu.memory_space<vmem>>, vector<16xf32>,
      %swap3A_65 = arith.constant 0 : i32
      %swap3A_66 = arith.index_cast %swap3A_65 : i32 to index
      %swap3A_67 = arith.index_cast %mul3A_60 : i32 to index
      %swap3A_68 = tpu.vector_load %arg8[%swap3A_66, %swap3A_67] {strides = array<i32>} : memref<1x10000xf32, #tpu.memory_space<vmem>>, vector<16xf32>,
      tpu.vector_store %arg8[%swap3A_66, %swap3A_67], %broadcast_in_dim3A_4 {strides = array<i32>} : memref<1x10000xf32, #tpu.memory_space<vmem>>, vector<16xf32>,
      %mul3A_69 = arith.constant 5 : i32
      %mul3A_70 = arith.muli %scan3A_27, %mul3A_69 : i32
      %add3A_71 = arith.constant 3 : i32
      %add3A_72 = arith.addi %mul3A_70, %add3A_71 : i32
      %mul3A_73 = arith.constant 16 : i32
      %mul3A_74 = arith.muli %add3A_72, %mul3A_73 : i32
      %swap3A_75 = arith.constant 0 : i32
      %swap3A_76 = arith.index_cast %swap3A_75 : i32 to index
      %swap3A_77 = arith.index_cast %mul3A_74 : i32 to index
      %swap3A_78 = tpu.vector_load %arg7[%swap3A_76, %swap3A_77] {strides = array<i32>} : memref<1x10000xf32, #tpu.memory_space<vmem>>, vector<16xf32>,
      tpu.vector_store %arg7[%swap3A_76, %swap3A_77], %broadcast_in_dim3A_4 {strides = array<i32>} : memref<1x10000xf32, #tpu.memory_space<vmem>>, vector<16xf32>,
      %swap3A_79 = arith.constant 0 : i32
      %swap3A_80 = arith.index_cast %swap3A_79 : i32 to index
      %swap3A_81 = arith.index_cast %mul3A_74 : i32 to index
      %swap3A_82 = tpu.vector_load %arg8[%swap3A_80, %swap3A_81] {strides = array<i32>} : memref<1x10000xf32, #tpu.memory_space<vmem>>, vector<16xf32>,
      tpu.vector_store %arg8[%swap3A_80, %swap3A_81], %broadcast_in_dim3A_4 {strides = array<i32>} : memref<1x10000xf32, #tpu.memory_space<vmem>>, vector<16xf32>,
      %mul3A_83 = arith.constant 5 : i32
      %mul3A_84 = arith.muli %scan3A_27, %mul3A_83 : i32
      %add3A_85 = arith.constant 4 : i32
      %add3A_86 = arith.addi %mul3A_84, %add3A_85 : i32
      %mul3A_87 = arith.constant 16 : i32
      %mul3A_88 = arith.muli %add3A_86, %mul3A_87 : i32
      %swap3A_89 = arith.constant 0 : i32
      %swap3A_90 = arith.index_cast %swap3A_89 : i32 to index
      %swap3A_91 = arith.index_cast %mul3A_88 : i32 to index
      %swap3A_92 = tpu.vector_load %arg7[%swap3A_90, %swap3A_91] {strides = array<i32>} : memref<1x10000xf32, #tpu.memory_space<vmem>>, vector<16xf32>,
      tpu.vector_store %arg7[%swap3A_90, %swap3A_91], %broadcast_in_dim3A_4 {strides = array<i32>} : memref<1x10000xf32, #tpu.memory_space<vmem>>, vector<16xf32>,
      %swap3A_93 = arith.constant 0 : i32
      %swap3A_94 = arith.index_cast %swap3A_93 : i32 to index
      %swap3A_95 = arith.index_cast %mul3A_88 : i32 to index
      %swap3A_96 = tpu.vector_load %arg8[%swap3A_94, %swap3A_95] {strides = array<i32>} : memref<1x10000xf32, #tpu.memory_space<vmem>>, vector<16xf32>,
      tpu.vector_store %arg8[%swap3A_94, %swap3A_95], %broadcast_in_dim3A_4 {strides = array<i32>} : memref<1x10000xf32, #tpu.memory_space<vmem>>, vector<16xf32>,
    }
    %scan3A_9 = arith.constant 125 : i32
    %lt3A = arith.constant 10 : i32
    %lt3A_10 = arith.cmpi slt, %arg1, %lt3A : i32
    %convert_element_type3A = arith.extui %lt3A_10 : i1 to i32
    %cond3A = arith.constant 0 : i32
    %cond3A_11 = arith.cmpi ne, %convert_element_type3A, %cond3A : i32
    scf.if %cond3A_11 {
      %jit3A = arith.constant 5 : i32
      %div3A = arith.divsi %arg1, %jit3A : i32
      %sign3A = arith.constant 0 : i32
      %sign3A_27 = arith.cmpi sgt, %arg1, %sign3A : i32
      %sign3A_28 = arith.extui %sign3A_27 : i1 to i32
      %sign3A_29 = arith.constant 0 : i32
      %sign3A_30 = arith.cmpi slt, %arg1, %sign3A_29 : i32
      %sign3A_31 = arith.extui %sign3A_30 : i1 to i32
      %sign3A_32 = arith.subi %sign3A_28, %sign3A_31 : i32
      %sign3A_33 = arith.constant 0 : i32
      %sign3A_34 = arith.cmpi sgt, %jit3A, %sign3A_33 : i32
      %sign3A_35 = arith.extui %sign3A_34 : i1 to i32
      %sign3A_36 = arith.constant 0 : i32
      %sign3A_37 = arith.cmpi slt, %jit3A, %sign3A_36 : i32
      %sign3A_38 = arith.extui %sign3A_37 : i1 to i32
      %sign3A_39 = arith.subi %sign3A_35, %sign3A_38 : i32
      %ne3A = arith.cmpi ne, %sign3A_32, %sign3A_39 : i32
      %rem3A = arith.remsi %arg1, %jit3A : i32
      %ne3A_40 = arith.constant 0 : i32
      %ne3A_41 = arith.cmpi ne, %rem3A, %ne3A_40 : i32
      %and3A = arith.andi %ne3A, %ne3A_41 : i1
      %sub3A = arith.constant 1 : i32
      %sub3A_42 = arith.subi %div3A, %sub3A : i32
      %select_n3A = arith.select %and3A, %sub3A_42, %div3A : i32
      %jit3A_43 = arith.constant 5 : i32
      %eq3A_44 = arith.constant 0 : i32
      %eq3A_45 = arith.cmpi eq, %jit3A_43, %eq3A_44 : i32
      %jit3A_46 = arith.constant 1 : i32
      %select_n3A_47 = arith.select %eq3A_45, %jit3A_46, %jit3A_43 : i32
      %rem3A_48 = arith.remsi %arg1, %select_n3A_47 : i32
      %ne3A_49 = arith.constant 0 : i32
      %ne3A_50 = arith.cmpi ne, %rem3A_48, %ne3A_49 : i32
      %lt3A_51 = arith.constant 0 : i32
      %lt3A_52 = arith.cmpi slt, %rem3A_48, %lt3A_51 : i32
      %lt3A_53 = arith.constant 0 : i32
      %lt3A_54 = arith.cmpi slt, %select_n3A_47, %lt3A_53 : i32
      %ne3A_55 = arith.xori %lt3A_52, %lt3A_54 : i1
      %and3A_56 = arith.andi %ne3A_55, %ne3A_50 : i1
      %add3A_57 = arith.addi %rem3A_48, %select_n3A_47 : i32
      %select_n3A_58 = arith.select %and3A_56, %add3A_57, %rem3A_48 : i32
      %mul3A_59 = arith.constant 2000 : i32
      %mul3A_60 = arith.muli %select_n3A_58, %mul3A_59 : i32
      %run_scoped3A_61 = arith.constant 0 : i32
      "tpu.region"() ({
        %run_scoped3A_83 = tpu.sem_alloc : memref<!tpu.dma_semaphore, #tpu.memory_space<semaphore_mem>>
        %dma_start3A = arith.constant 0 : i32
        %dma_start3A_84 = tpu.memref_slice %arg7[%run_scoped3A_61, %dma_start3A] : memref<1x10000xf32, #tpu.memory_space<vmem>> -> memref<1x1000xf32, #tpu.memory_space<vmem>>
        %dma_start3A_85 = tpu.memref_squeeze %dma_start3A_84 : memref<1x1000xf32, #tpu.memory_space<vmem>> -> memref<1000xf32, #tpu.memory_space<vmem>>
        %dma_start3A_86 = tpu.memref_slice %arg10[%select_n3A, %mul3A_60] : memref<2x10000xf32, #tpu.memory_space<vmem_shared>> -> memref<1x1000xf32, #tpu.memory_space<vmem_shared>>
        %dma_start3A_87 = tpu.memref_squeeze %dma_start3A_86 : memref<1x1000xf32, #tpu.memory_space<vmem_shared>> -> memref<1000xf32, #tpu.memory_space<vmem_shared>>
        %dma_start3A_88 = tpu.memref_slice %arg10[%select_n3A, %mul3A_60] : memref<2x10000xf32, #tpu.memory_space<vmem_shared>> -> memref<1x1000xf32, #tpu.memory_space<vmem_shared>>
        %dma_start3A_89 = tpu.memref_squeeze %dma_start3A_88 : memref<1x1000xf32, #tpu.memory_space<vmem_shared>> -> memref<1000xf32, #tpu.memory_space<vmem_shared>>
        %dma_start3A_90 = arith.constant 0 : i32
        %dma_start3A_91 = tpu.memref_slice %arg7[%run_scoped3A_61, %dma_start3A_90] : memref<1x10000xf32, #tpu.memory_space<vmem>> -> memref<1x1000xf32, #tpu.memory_space<vmem>>
        %dma_start3A_92 = tpu.memref_squeeze %dma_start3A_91 : memref<1x1000xf32, #tpu.memory_space<vmem>> -> memref<1000xf32, #tpu.memory_space<vmem>>
        tpu.enqueue_dma source(%dma_start3A_92 : memref<1000xf32, #tpu.memory_space<vmem>>) target(%dma_start3A_89 : memref<1000xf32, #tpu.memory_space<vmem_shared>>) target_semaphore(%run_scoped3A_83 : memref<!tpu.dma_semaphore, #tpu.memory_space<semaphore_mem>>)
        %dma_wait3A = arith.constant 0 : i32
        %dma_wait3A_93 = tpu.memref_slice %arg7[%run_scoped3A_61, %dma_wait3A] : memref<1x10000xf32, #tpu.memory_space<vmem>> -> memref<1x1000xf32, #tpu.memory_space<vmem>>
        %dma_wait3A_94 = tpu.memref_squeeze %dma_wait3A_93 : memref<1x1000xf32, #tpu.memory_space<vmem>> -> memref<1000xf32, #tpu.memory_space<vmem>>
        %dma_wait3A_95 = tpu.memref_slice %arg10[%select_n3A, %mul3A_60] : memref<2x10000xf32, #tpu.memory_space<vmem_shared>> -> memref<1x1000xf32, #tpu.memory_space<vmem_shared>>
        %dma_wait3A_96 = tpu.memref_squeeze %dma_wait3A_95 : memref<1x1000xf32, #tpu.memory_space<vmem_shared>> -> memref<1000xf32, #tpu.memory_space<vmem_shared>>
        %dma_wait3A_97 = tpu.memref_slice %arg10[%select_n3A, %mul3A_60] : memref<2x10000xf32, #tpu.memory_space<vmem_shared>> -> memref<1x1000xf32, #tpu.memory_space<vmem_shared>>
        %dma_wait3A_98 = tpu.memref_squeeze %dma_wait3A_97 : memref<1x1000xf32, #tpu.memory_space<vmem_shared>> -> memref<1000xf32, #tpu.memory_space<vmem_shared>>
        %dma_wait3A_99 = arith.constant 0 : i32
        %dma_wait3A_100 = tpu.memref_slice %arg7[%run_scoped3A_61, %dma_wait3A_99] : memref<1x10000xf32, #tpu.memory_space<vmem>> -> memref<1x1000xf32, #tpu.memory_space<vmem>>
        %dma_wait3A_101 = tpu.memref_squeeze %dma_wait3A_100 : memref<1x1000xf32, #tpu.memory_space<vmem>> -> memref<1000xf32, #tpu.memory_space<vmem>>
        tpu.wait_dma2 semaphore(%run_scoped3A_83 : memref<!tpu.dma_semaphore, #tpu.memory_space<semaphore_mem>>) src(%dma_wait3A_101 : memref<1000xf32, #tpu.memory_space<vmem>>) dst(%dma_wait3A_98 : memref<1000xf32, #tpu.memory_space<vmem_shared>>)
        tpu.yield
      }) : () -> ()
      %jit3A_62 = arith.constant 5 : i32
      %eq3A_63 = arith.constant 0 : i32
      %eq3A_64 = arith.cmpi eq, %jit3A_62, %eq3A_63 : i32
      %jit3A_65 = arith.constant 1 : i32
      %select_n3A_66 = arith.select %eq3A_64, %jit3A_65, %jit3A_62 : i32
      %rem3A_67 = arith.remsi %arg1, %select_n3A_66 : i32
      %ne3A_68 = arith.constant 0 : i32
      %ne3A_69 = arith.cmpi ne, %rem3A_67, %ne3A_68 : i32
      %lt3A_70 = arith.constant 0 : i32
      %lt3A_71 = arith.cmpi slt, %rem3A_67, %lt3A_70 : i32
      %lt3A_72 = arith.constant 0 : i32
      %lt3A_73 = arith.cmpi slt, %select_n3A_66, %lt3A_72 : i32
      %ne3A_74 = arith.xori %lt3A_71, %lt3A_73 : i1
      %and3A_75 = arith.andi %ne3A_74, %ne3A_69 : i1
      %add3A_76 = arith.addi %rem3A_67, %select_n3A_66 : i32
      %select_n3A_77 = arith.select %and3A_75, %add3A_76, %rem3A_67 : i32
      %mul3A_78 = arith.constant 2000 : i32
      %mul3A_79 = arith.muli %select_n3A_77, %mul3A_78 : i32
      %add3A_80 = arith.constant 1000 : i32
      %add3A_81 = arith.addi %mul3A_79, %add3A_80 : i32
      %run_scoped3A_82 = arith.constant 0 : i32
      "tpu.region"() ({
        %run_scoped3A_83 = tpu.sem_alloc : memref<!tpu.dma_semaphore, #tpu.memory_space<semaphore_mem>>
        %dma_start3A = arith.constant 0 : i32
        %dma_start3A_84 = tpu.memref_slice %arg8[%run_scoped3A_82, %dma_start3A] : memref<1x10000xf32, #tpu.memory_space<vmem>> -> memref<1x1000xf32, #tpu.memory_space<vmem>>
        %dma_start3A_85 = tpu.memref_squeeze %dma_start3A_84 : memref<1x1000xf32, #tpu.memory_space<vmem>> -> memref<1000xf32, #tpu.memory_space<vmem>>
        %dma_start3A_86 = tpu.memref_slice %arg10[%select_n3A, %add3A_81] : memref<2x10000xf32, #tpu.memory_space<vmem_shared>> -> memref<1x1000xf32, #tpu.memory_space<vmem_shared>>
        %dma_start3A_87 = tpu.memref_squeeze %dma_start3A_86 : memref<1x1000xf32, #tpu.memory_space<vmem_shared>> -> memref<1000xf32, #tpu.memory_space<vmem_shared>>
        %dma_start3A_88 = tpu.memref_slice %arg10[%select_n3A, %add3A_81] : memref<2x10000xf32, #tpu.memory_space<vmem_shared>> -> memref<1x1000xf32, #tpu.memory_space<vmem_shared>>
        %dma_start3A_89 = tpu.memref_squeeze %dma_start3A_88 : memref<1x1000xf32, #tpu.memory_space<vmem_shared>> -> memref<1000xf32, #tpu.memory_space<vmem_shared>>
        %dma_start3A_90 = arith.constant 0 : i32
        %dma_start3A_91 = tpu.memref_slice %arg8[%run_scoped3A_82, %dma_start3A_90] : memref<1x10000xf32, #tpu.memory_space<vmem>> -> memref<1x1000xf32, #tpu.memory_space<vmem>>
        %dma_start3A_92 = tpu.memref_squeeze %dma_start3A_91 : memref<1x1000xf32, #tpu.memory_space<vmem>> -> memref<1000xf32, #tpu.memory_space<vmem>>
        tpu.enqueue_dma source(%dma_start3A_92 : memref<1000xf32, #tpu.memory_space<vmem>>) target(%dma_start3A_89 : memref<1000xf32, #tpu.memory_space<vmem_shared>>) target_semaphore(%run_scoped3A_83 : memref<!tpu.dma_semaphore, #tpu.memory_space<semaphore_mem>>)
        %dma_wait3A = arith.constant 0 : i32
        %dma_wait3A_93 = tpu.memref_slice %arg8[%run_scoped3A_82, %dma_wait3A] : memref<1x10000xf32, #tpu.memory_space<vmem>> -> memref<1x1000xf32, #tpu.memory_space<vmem>>
        %dma_wait3A_94 = tpu.memref_squeeze %dma_wait3A_93 : memref<1x1000xf32, #tpu.memory_space<vmem>> -> memref<1000xf32, #tpu.memory_space<vmem>>
        %dma_wait3A_95 = tpu.memref_slice %arg10[%select_n3A, %add3A_81] : memref<2x10000xf32, #tpu.memory_space<vmem_shared>> -> memref<1x1000xf32, #tpu.memory_space<vmem_shared>>
        %dma_wait3A_96 = tpu.memref_squeeze %dma_wait3A_95 : memref<1x1000xf32, #tpu.memory_space<vmem_shared>> -> memref<1000xf32, #tpu.memory_space<vmem_shared>>
        %dma_wait3A_97 = tpu.memref_slice %arg10[%select_n3A, %add3A_81] : memref<2x10000xf32, #tpu.memory_space<vmem_shared>> -> memref<1x1000xf32, #tpu.memory_space<vmem_shared>>
        %dma_wait3A_98 = tpu.memref_squeeze %dma_wait3A_97 : memref<1x1000xf32, #tpu.memory_space<vmem_shared>> -> memref<1000xf32, #tpu.memory_space<vmem_shared>>
        %dma_wait3A_99 = arith.constant 0 : i32
        %dma_wait3A_100 = tpu.memref_slice %arg8[%run_scoped3A_82, %dma_wait3A_99] : memref<1x10000xf32, #tpu.memory_space<vmem>> -> memref<1x1000xf32, #tpu.memory_space<vmem>>
        %dma_wait3A_101 = tpu.memref_squeeze %dma_wait3A_100 : memref<1x1000xf32, #tpu.memory_space<vmem>> -> memref<1000xf32, #tpu.memory_space<vmem>>
        tpu.wait_dma2 semaphore(%run_scoped3A_83 : memref<!tpu.dma_semaphore, #tpu.memory_space<semaphore_mem>>) src(%dma_wait3A_101 : memref<1000xf32, #tpu.memory_space<vmem>>) dst(%dma_wait3A_98 : memref<1000xf32, #tpu.memory_space<vmem_shared>>)
        tpu.yield
      }) : () -> ()
    } else {
    }
    %barrier3A = arith.constant 0 : index
    tpu.barrier barrier_id(%barrier3A)
    %broadcast_in_dim3A_12 = arith.constant 1.000000e+00 : f32
    %broadcast_in_dim3A_13 = vector.broadcast %broadcast_in_dim3A_12 : f32 to vector<16xf32>
    %broadcast_in_dim3A_14 = arith.constant 0 : i32
    %broadcast_in_dim3A_15 = vector.broadcast %broadcast_in_dim3A_14 : i32 to vector<16xi32>
    %scan3A_16 = arith.constant 0 : i32
    %scan3A_17 = arith.constant 0 : i32
    %scan3A_18 = arith.constant 125 : i32
    %scan3A_19 = arith.addi %scan3A_17, %scan3A_18 : i32
    %scan3A_20 = arith.constant 1 : i32
    scf.for %scan3A_27 = %scan3A_17 to %scan3A_19 step %scan3A_20  : i32 {
      %mul3A_28 = arith.constant 5 : i32
      %mul3A_29 = arith.muli %scan3A_27, %mul3A_28 : i32
      %add3A_30 = arith.constant 0 : i32
      %add3A_31 = arith.addi %mul3A_29, %add3A_30 : i32
      %mul3A_32 = arith.constant 16 : i32
      %mul3A_33 = arith.muli %add3A_31, %mul3A_32 : i32
      %get3A = arith.index_cast %mul3A_33 : i32 to index
      %get3A_34 = tpu.vector_load %arg5[%get3A] {strides = array<i32>} : memref<10000xi32, #tpu.memory_space<vmem>>, vector<16xi32>,
      tpu.vector_store_idx %arg7[%broadcast_in_dim3A_15, %get3A_34], %broadcast_in_dim3A_13 {add = true} : memref<1x10000xf32, #tpu.memory_space<vmem>>[vector<16xi32>, vector<16xi32>], vector<16xf32>,
      %get3A_35 = arith.index_cast %mul3A_33 : i32 to index
      %get3A_36 = tpu.vector_load %arg6[%get3A_35] {strides = array<i32>} : memref<10000xi32, #tpu.memory_space<vmem>>, vector<16xi32>,
      tpu.vector_store_idx %arg8[%broadcast_in_dim3A_15, %get3A_36], %broadcast_in_dim3A_13 {add = true} : memref<1x10000xf32, #tpu.memory_space<vmem>>[vector<16xi32>, vector<16xi32>], vector<16xf32>,
      %mul3A_37 = arith.constant 5 : i32
      %mul3A_38 = arith.muli %scan3A_27, %mul3A_37 : i32
      %add3A_39 = arith.constant 1 : i32
      %add3A_40 = arith.addi %mul3A_38, %add3A_39 : i32
      %mul3A_41 = arith.constant 16 : i32
      %mul3A_42 = arith.muli %add3A_40, %mul3A_41 : i32
      %get3A_43 = arith.index_cast %mul3A_42 : i32 to index
      %get3A_44 = tpu.vector_load %arg5[%get3A_43] {strides = array<i32>} : memref<10000xi32, #tpu.memory_space<vmem>>, vector<16xi32>,
      tpu.vector_store_idx %arg7[%broadcast_in_dim3A_15, %get3A_44], %broadcast_in_dim3A_13 {add = true} : memref<1x10000xf32, #tpu.memory_space<vmem>>[vector<16xi32>, vector<16xi32>], vector<16xf32>,
      %get3A_45 = arith.index_cast %mul3A_42 : i32 to index
      %get3A_46 = tpu.vector_load %arg6[%get3A_45] {strides = array<i32>} : memref<10000xi32, #tpu.memory_space<vmem>>, vector<16xi32>,
      tpu.vector_store_idx %arg8[%broadcast_in_dim3A_15, %get3A_46], %broadcast_in_dim3A_13 {add = true} : memref<1x10000xf32, #tpu.memory_space<vmem>>[vector<16xi32>, vector<16xi32>], vector<16xf32>,
      %mul3A_47 = arith.constant 5 : i32
      %mul3A_48 = arith.muli %scan3A_27, %mul3A_47 : i32
      %add3A_49 = arith.constant 2 : i32
      %add3A_50 = arith.addi %mul3A_48, %add3A_49 : i32
      %mul3A_51 = arith.constant 16 : i32
      %mul3A_52 = arith.muli %add3A_50, %mul3A_51 : i32
      %get3A_53 = arith.index_cast %mul3A_52 : i32 to index
      %get3A_54 = tpu.vector_load %arg5[%get3A_53] {strides = array<i32>} : memref<10000xi32, #tpu.memory_space<vmem>>, vector<16xi32>,
      tpu.vector_store_idx %arg7[%broadcast_in_dim3A_15, %get3A_54], %broadcast_in_dim3A_13 {add = true} : memref<1x10000xf32, #tpu.memory_space<vmem>>[vector<16xi32>, vector<16xi32>], vector<16xf32>,
      %get3A_55 = arith.index_cast %mul3A_52 : i32 to index
      %get3A_56 = tpu.vector_load %arg6[%get3A_55] {strides = array<i32>} : memref<10000xi32, #tpu.memory_space<vmem>>, vector<16xi32>,
      tpu.vector_store_idx %arg8[%broadcast_in_dim3A_15, %get3A_56], %broadcast_in_dim3A_13 {add = true} : memref<1x10000xf32, #tpu.memory_space<vmem>>[vector<16xi32>, vector<16xi32>], vector<16xf32>,
      %mul3A_57 = arith.constant 5 : i32
      %mul3A_58 = arith.muli %scan3A_27, %mul3A_57 : i32
      %add3A_59 = arith.constant 3 : i32
      %add3A_60 = arith.addi %mul3A_58, %add3A_59 : i32
      %mul3A_61 = arith.constant 16 : i32
      %mul3A_62 = arith.muli %add3A_60, %mul3A_61 : i32
      %get3A_63 = arith.index_cast %mul3A_62 : i32 to index
      %get3A_64 = tpu.vector_load %arg5[%get3A_63] {strides = array<i32>} : memref<10000xi32, #tpu.memory_space<vmem>>, vector<16xi32>,
      tpu.vector_store_idx %arg7[%broadcast_in_dim3A_15, %get3A_64], %broadcast_in_dim3A_13 {add = true} : memref<1x10000xf32, #tpu.memory_space<vmem>>[vector<16xi32>, vector<16xi32>], vector<16xf32>,
      %get3A_65 = arith.index_cast %mul3A_62 : i32 to index
      %get3A_66 = tpu.vector_load %arg6[%get3A_65] {strides = array<i32>} : memref<10000xi32, #tpu.memory_space<vmem>>, vector<16xi32>,
      tpu.vector_store_idx %arg8[%broadcast_in_dim3A_15, %get3A_66], %broadcast_in_dim3A_13 {add = true} : memref<1x10000xf32, #tpu.memory_space<vmem>>[vector<16xi32>, vector<16xi32>], vector<16xf32>,
      %mul3A_67 = arith.constant 5 : i32
      %mul3A_68 = arith.muli %scan3A_27, %mul3A_67 : i32
      %add3A_69 = arith.constant 4 : i32
      %add3A_70 = arith.addi %mul3A_68, %add3A_69 : i32
      %mul3A_71 = arith.constant 16 : i32
      %mul3A_72 = arith.muli %add3A_70, %mul3A_71 : i32
      %get3A_73 = arith.index_cast %mul3A_72 : i32 to index
      %get3A_74 = tpu.vector_load %arg5[%get3A_73] {strides = array<i32>} : memref<10000xi32, #tpu.memory_space<vmem>>, vector<16xi32>,
      tpu.vector_store_idx %arg7[%broadcast_in_dim3A_15, %get3A_74], %broadcast_in_dim3A_13 {add = true} : memref<1x10000xf32, #tpu.memory_space<vmem>>[vector<16xi32>, vector<16xi32>], vector<16xf32>,
      %get3A_75 = arith.index_cast %mul3A_72 : i32 to index
      %get3A_76 = tpu.vector_load %arg6[%get3A_75] {strides = array<i32>} : memref<10000xi32, #tpu.memory_space<vmem>>, vector<16xi32>,
      tpu.vector_store_idx %arg8[%broadcast_in_dim3A_15, %get3A_76], %broadcast_in_dim3A_13 {add = true} : memref<1x10000xf32, #tpu.memory_space<vmem>>[vector<16xi32>, vector<16xi32>], vector<16xf32>,
    }
    %scan3A_21 = arith.constant 125 : i32
    "tpu.region"() ({
      %run_scoped3A_27 = tpu.sem_alloc : memref<!tpu.dma_semaphore, #tpu.memory_space<semaphore_mem>>
      %dma_start3A = arith.constant 0 : i32
      %dma_start3A_28 = tpu.memref_slice %arg9[%dma_start3A] : memref<16xi32, #tpu.memory_space<vmem>> -> memref<1xi32, #tpu.memory_space<vmem>>
      %dma_start3A_29 = arith.constant 0 : i32
      %dma_start3A_30 = arith.constant 0 : i32
      %dma_start3A_31 = tpu.memref_slice %arg10[%dma_start3A_29, %dma_start3A_30] : memref<2x10000xf32, #tpu.memory_space<vmem_shared>> -> memref<2x10000xf32, #tpu.memory_space<vmem_shared>>
      tpu.enqueue_indirect_dma source(%arg7 : memref<1x10000xf32, #tpu.memory_space<vmem>>) target(%dma_start3A_31 : memref<2x10000xf32, #tpu.memory_space<vmem_shared>>) offsets(%dma_start3A_28 : memref<1xi32, #tpu.memory_space<vmem>>) semaphore(%run_scoped3A_27 : memref<!tpu.dma_semaphore, #tpu.memory_space<semaphore_mem>>) {add = true}
      %dma_wait3A = arith.constant 0 : i32
      %dma_wait3A_32 = tpu.memref_slice %arg9[%dma_wait3A] : memref<16xi32, #tpu.memory_space<vmem>> -> memref<1xi32, #tpu.memory_space<vmem>>
      %dma_wait3A_33 = arith.constant 0 : i32
      %dma_wait3A_34 = arith.constant 0 : i32
      %dma_wait3A_35 = tpu.memref_slice %arg10[%dma_wait3A_33, %dma_wait3A_34] : memref<2x10000xf32, #tpu.memory_space<vmem_shared>> -> memref<2x10000xf32, #tpu.memory_space<vmem_shared>>
      tpu.wait_indirect_dma semaphore(%run_scoped3A_27 : memref<!tpu.dma_semaphore, #tpu.memory_space<semaphore_mem>>) src(%arg7 : memref<1x10000xf32, #tpu.memory_space<vmem>>) dst(%dma_wait3A_35 : memref<2x10000xf32, #tpu.memory_space<vmem_shared>>)
      tpu.yield
    }) : () -> ()
    "tpu.region"() ({
      %run_scoped3A_27 = tpu.sem_alloc : memref<!tpu.dma_semaphore, #tpu.memory_space<semaphore_mem>>
      %dma_start3A = arith.constant 8 : i32
      %dma_start3A_28 = tpu.memref_slice %arg9[%dma_start3A] : memref<16xi32, #tpu.memory_space<vmem>> -> memref<1xi32, #tpu.memory_space<vmem>>
      %dma_start3A_29 = arith.constant 0 : i32
      %dma_start3A_30 = arith.constant 0 : i32
      %dma_start3A_31 = tpu.memref_slice %arg10[%dma_start3A_29, %dma_start3A_30] : memref<2x10000xf32, #tpu.memory_space<vmem_shared>> -> memref<2x10000xf32, #tpu.memory_space<vmem_shared>>
      tpu.enqueue_indirect_dma source(%arg8 : memref<1x10000xf32, #tpu.memory_space<vmem>>) target(%dma_start3A_31 : memref<2x10000xf32, #tpu.memory_space<vmem_shared>>) offsets(%dma_start3A_28 : memref<1xi32, #tpu.memory_space<vmem>>) semaphore(%run_scoped3A_27 : memref<!tpu.dma_semaphore, #tpu.memory_space<semaphore_mem>>) {add = true}
      %dma_wait3A = arith.constant 8 : i32
      %dma_wait3A_32 = tpu.memref_slice %arg9[%dma_wait3A] : memref<16xi32, #tpu.memory_space<vmem>> -> memref<1xi32, #tpu.memory_space<vmem>>
      %dma_wait3A_33 = arith.constant 0 : i32
      %dma_wait3A_34 = arith.constant 0 : i32
      %dma_wait3A_35 = tpu.memref_slice %arg10[%dma_wait3A_33, %dma_wait3A_34] : memref<2x10000xf32, #tpu.memory_space<vmem_shared>> -> memref<2x10000xf32, #tpu.memory_space<vmem_shared>>
      tpu.wait_indirect_dma semaphore(%run_scoped3A_27 : memref<!tpu.dma_semaphore, #tpu.memory_space<semaphore_mem>>) src(%arg8 : memref<1x10000xf32, #tpu.memory_space<vmem>>) dst(%dma_wait3A_35 : memref<2x10000xf32, #tpu.memory_space<vmem_shared>>)
      tpu.yield
    }) : () -> ()
    %barrier3A_22 = arith.constant 0 : index
    tpu.barrier barrier_id(%barrier3A_22)
    %eq3A = arith.constant 0 : i32
    %eq3A_23 = arith.cmpi eq, %arg1, %eq3A : i32
    %convert_element_type3A_24 = arith.extui %eq3A_23 : i1 to i32
    %cond3A_25 = arith.constant 0 : i32
    %cond3A_26 = arith.cmpi ne, %convert_element_type3A_24, %cond3A_25 : i32
    scf.if %cond3A_26 {
      %run_scoped3A_27 = arith.constant 0 : i32
      %run_scoped3A_28 = arith.constant 0 : i32
      "tpu.region"() ({
        %run_scoped3A_31 = tpu.sem_alloc : memref<!tpu.dma_semaphore, #tpu.memory_space<semaphore_mem>>
        %dma_start3A = arith.constant 0 : i32
        %dma_start3A_32 = tpu.memref_slice %arg4[%run_scoped3A_28, %arg0, %dma_start3A] : memref<2x2x10000xf32, #tpu.memory_space<hbm>> -> memref<1x1x10000xf32, #tpu.memory_space<hbm>>
        %dma_start3A_33 = tpu.memref_squeeze %dma_start3A_32 : memref<1x1x10000xf32, #tpu.memory_space<hbm>> -> memref<10000xf32, #tpu.memory_space<hbm>>
        %dma_start3A_34 = arith.constant 0 : i32
        %dma_start3A_35 = tpu.memref_slice %arg10[%run_scoped3A_27, %dma_start3A_34] : memref<2x10000xf32, #tpu.memory_space<vmem_shared>> -> memref<1x10000xf32, #tpu.memory_space<vmem_shared>>
        %dma_start3A_36 = tpu.memref_squeeze %dma_start3A_35 : memref<1x10000xf32, #tpu.memory_space<vmem_shared>> -> memref<10000xf32, #tpu.memory_space<vmem_shared>>
        tpu.enqueue_dma source(%dma_start3A_36 : memref<10000xf32, #tpu.memory_space<vmem_shared>>) target(%dma_start3A_33 : memref<10000xf32, #tpu.memory_space<hbm>>) target_semaphore(%run_scoped3A_31 : memref<!tpu.dma_semaphore, #tpu.memory_space<semaphore_mem>>)
        %dma_wait3A = arith.constant 0 : i32
        %dma_wait3A_37 = tpu.memref_slice %arg4[%run_scoped3A_28, %arg0, %dma_wait3A] : memref<2x2x10000xf32, #tpu.memory_space<hbm>> -> memref<1x1x10000xf32, #tpu.memory_space<hbm>>
        %dma_wait3A_38 = tpu.memref_squeeze %dma_wait3A_37 : memref<1x1x10000xf32, #tpu.memory_space<hbm>> -> memref<10000xf32, #tpu.memory_space<hbm>>
        %dma_wait3A_39 = arith.constant 0 : i32
        %dma_wait3A_40 = tpu.memref_slice %arg10[%run_scoped3A_27, %dma_wait3A_39] : memref<2x10000xf32, #tpu.memory_space<vmem_shared>> -> memref<1x10000xf32, #tpu.memory_space<vmem_shared>>
        %dma_wait3A_41 = tpu.memref_squeeze %dma_wait3A_40 : memref<1x10000xf32, #tpu.memory_space<vmem_shared>> -> memref<10000xf32, #tpu.memory_space<vmem_shared>>
        tpu.wait_dma2 semaphore(%run_scoped3A_31 : memref<!tpu.dma_semaphore, #tpu.memory_space<semaphore_mem>>) src(%dma_wait3A_41 : memref<10000xf32, #tpu.memory_space<vmem_shared>>) dst(%dma_wait3A_38 : memref<10000xf32, #tpu.memory_space<hbm>>)
        tpu.yield
      }) : () -> ()
      %run_scoped3A_29 = arith.constant 1 : i32
      %run_scoped3A_30 = arith.constant 1 : i32
      "tpu.region"() ({
        %run_scoped3A_31 = tpu.sem_alloc : memref<!tpu.dma_semaphore, #tpu.memory_space<semaphore_mem>>
        %dma_start3A = arith.constant 0 : i32
        %dma_start3A_32 = tpu.memref_slice %arg4[%run_scoped3A_30, %arg0, %dma_start3A] : memref<2x2x10000xf32, #tpu.memory_space<hbm>> -> memref<1x1x10000xf32, #tpu.memory_space<hbm>>
        %dma_start3A_33 = tpu.memref_squeeze %dma_start3A_32 : memref<1x1x10000xf32, #tpu.memory_space<hbm>> -> memref<10000xf32, #tpu.memory_space<hbm>>
        %dma_start3A_34 = arith.constant 0 : i32
        %dma_start3A_35 = tpu.memref_slice %arg10[%run_scoped3A_29, %dma_start3A_34] : memref<2x10000xf32, #tpu.memory_space<vmem_shared>> -> memref<1x10000xf32, #tpu.memory_space<vmem_shared>>
        %dma_start3A_36 = tpu.memref_squeeze %dma_start3A_35 : memref<1x10000xf32, #tpu.memory_space<vmem_shared>> -> memref<10000xf32, #tpu.memory_space<vmem_shared>>
        tpu.enqueue_dma source(%dma_start3A_36 : memref<10000xf32, #tpu.memory_space<vmem_shared>>) target(%dma_start3A_33 : memref<10000xf32, #tpu.memory_space<hbm>>) target_semaphore(%run_scoped3A_31 : memref<!tpu.dma_semaphore, #tpu.memory_space<semaphore_mem>>)
        %dma_wait3A = arith.constant 0 : i32
        %dma_wait3A_37 = tpu.memref_slice %arg4[%run_scoped3A_30, %arg0, %dma_wait3A] : memref<2x2x10000xf32, #tpu.memory_space<hbm>> -> memref<1x1x10000xf32, #tpu.memory_space<hbm>>
        %dma_wait3A_38 = tpu.memref_squeeze %dma_wait3A_37 : memref<1x1x10000xf32, #tpu.memory_space<hbm>> -> memref<10000xf32, #tpu.memory_space<hbm>>
        %dma_wait3A_39 = arith.constant 0 : i32
        %dma_wait3A_40 = tpu.memref_slice %arg10[%run_scoped3A_29, %dma_wait3A_39] : memref<2x10000xf32, #tpu.memory_space<vmem_shared>> -> memref<1x10000xf32, #tpu.memory_space<vmem_shared>>
        %dma_wait3A_41 = tpu.memref_squeeze %dma_wait3A_40 : memref<1x10000xf32, #tpu.memory_space<vmem_shared>> -> memref<10000xf32, #tpu.memory_space<vmem_shared>>
        tpu.wait_dma2 semaphore(%run_scoped3A_31 : memref<!tpu.dma_semaphore, #tpu.memory_space<semaphore_mem>>) src(%dma_wait3A_41 : memref<10000xf32, #tpu.memory_space<vmem_shared>>) dst(%dma_wait3A_38 : memref<10000xf32, #tpu.memory_space<hbm>>)
        tpu.yield
      }) : () -> ()
    } else {
    }
    return
  }
}

#map = affine_map<(d0, d1) -> (0, 0)>
#map1 = affine_map<(d0, d1) -> (0, 0, 0)>
module attributes {stable_mosaic.version = 14 : i64} {
  func.func @_scatter_body(%arg0: i32, %arg1: i32, %arg2: memref<10000x128xf32, #tpu.memory_space<hbm>>, %arg3: memref<2x320000xi32, #tpu.memory_space<hbm>>, %arg4: memref<2x10000x128xf32, #tpu.memory_space<hbm>>, %arg5: memref<10000xi32, #tpu.memory_space<vmem>>, %arg6: memref<250x40xi32, #tpu.memory_space<vmem>>, %arg7: memref<5x40x128xf32, #tpu.memory_space<vmem>>, %arg8: memref<!tpu.dma_semaphore, #tpu.memory_space<semaphore_mem>>, %arg9: memref<!tpu.dma_semaphore, #tpu.memory_space<semaphore_mem>>, %arg10: memref<!tpu.dma_semaphore, #tpu.memory_space<semaphore_mem>>, %arg11: memref<!tpu.dma_semaphore, #tpu.memory_space<semaphore_mem>>, %arg12: memref<!tpu.dma_semaphore, #tpu.memory_space<semaphore_mem>>, %arg13: memref<!tpu.dma_semaphore, #tpu.memory_space<semaphore_mem>>, %arg14: memref<!tpu.dma_semaphore, #tpu.memory_space<semaphore_mem>>, %arg15: memref<10000x128xf32, #tpu.memory_space<vmem_shared>>) attributes {dimension_semantics = [#tpu.dimension_semantics<core_parallel>, #tpu.dimension_semantics<subcore_parallel>], iteration_bounds = array<i64: 2, 16>, scalar_prefetch = 0 : i64, scratch_operands = 11 : i64, tpu.core_type = #tpu.core_type<sc_vector_subcore>, window_params = [{transform_indices = #map}, {transform_indices = #map}, {transform_indices = #map1}]} {
    %mul3A = arith.constant 16 : i32
    %mul3A_0 = arith.muli %arg0, %mul3A : i32
    %add3A = arith.addi %mul3A_0, %arg1 : i32
    %mul3A_1 = arith.constant 10000 : i32
    %mul3A_2 = arith.muli %add3A, %mul3A_1 : i32
    %mul3A_3 = arith.constant 625 : i32
    %mul3A_4 = arith.muli %arg1, %mul3A_3 : i32
    %run_scoped3A = arith.constant 0 : i32
    "tpu.region"() ({
      %run_scoped3A_618 = tpu.sem_alloc : memref<!tpu.dma_semaphore, #tpu.memory_space<semaphore_mem>>
      %dma_start3A_619 = tpu.memref_slice %arg3[%run_scoped3A, %mul3A_2] : memref<2x320000xi32, #tpu.memory_space<hbm>> -> memref<1x10000xi32, #tpu.memory_space<hbm>>
      %dma_start3A_620 = tpu.memref_squeeze %dma_start3A_619 : memref<1x10000xi32, #tpu.memory_space<hbm>> -> memref<10000xi32, #tpu.memory_space<hbm>>
      %dma_start3A_621 = tpu.memref_slice %arg3[%run_scoped3A, %mul3A_2] : memref<2x320000xi32, #tpu.memory_space<hbm>> -> memref<1x10000xi32, #tpu.memory_space<hbm>>
      %dma_start3A_622 = tpu.memref_squeeze %dma_start3A_621 : memref<1x10000xi32, #tpu.memory_space<hbm>> -> memref<10000xi32, #tpu.memory_space<hbm>>
      tpu.enqueue_dma source(%dma_start3A_622 : memref<10000xi32, #tpu.memory_space<hbm>>) target(%arg5 : memref<10000xi32, #tpu.memory_space<vmem>>) target_semaphore(%run_scoped3A_618 : memref<!tpu.dma_semaphore, #tpu.memory_space<semaphore_mem>>)
      %dma_wait3A_623 = tpu.memref_slice %arg3[%run_scoped3A, %mul3A_2] : memref<2x320000xi32, #tpu.memory_space<hbm>> -> memref<1x10000xi32, #tpu.memory_space<hbm>>
      %dma_wait3A_624 = tpu.memref_squeeze %dma_wait3A_623 : memref<1x10000xi32, #tpu.memory_space<hbm>> -> memref<10000xi32, #tpu.memory_space<hbm>>
      %dma_wait3A_625 = tpu.memref_slice %arg3[%run_scoped3A, %mul3A_2] : memref<2x320000xi32, #tpu.memory_space<hbm>> -> memref<1x10000xi32, #tpu.memory_space<hbm>>
      %dma_wait3A_626 = tpu.memref_squeeze %dma_wait3A_625 : memref<1x10000xi32, #tpu.memory_space<hbm>> -> memref<10000xi32, #tpu.memory_space<hbm>>
      tpu.wait_dma2 semaphore(%run_scoped3A_618 : memref<!tpu.dma_semaphore, #tpu.memory_space<semaphore_mem>>) src(%dma_wait3A_626 : memref<10000xi32, #tpu.memory_space<hbm>>) dst(%arg5 : memref<10000xi32, #tpu.memory_space<vmem>>)
      tpu.yield
    }) : () -> ()
    %scan3A = arith.constant 0 : i32
    %scan3A_5 = arith.constant 0 : i32
    %scan3A_6 = arith.constant 250 : i32
    %scan3A_7 = arith.addi %scan3A_5, %scan3A_6 : i32
    %scan3A_8 = arith.constant 1 : i32
    scf.for %scan3A_618 = %scan3A_5 to %scan3A_7 step %scan3A_8  : i32 {
      %mul3A_619 = arith.constant 40 : i32
      %mul3A_620 = arith.muli %scan3A_618, %mul3A_619 : i32
      %add3A_621 = arith.addi %mul3A_2, %mul3A_620 : i32
      %dma_start3A_622 = arith.constant 1 : i32
      %dma_start3A_623 = arith.constant 0 : i32
      %dma_start3A_624 = tpu.memref_slice %arg6[%scan3A_618, %dma_start3A_623] : memref<250x40xi32, #tpu.memory_space<vmem>> -> memref<1x40xi32, #tpu.memory_space<vmem>>
      %dma_start3A_625 = tpu.memref_squeeze %dma_start3A_624 : memref<1x40xi32, #tpu.memory_space<vmem>> -> memref<40xi32, #tpu.memory_space<vmem>>
      %dma_start3A_626 = tpu.memref_slice %arg3[%dma_start3A_622, %add3A_621] : memref<2x320000xi32, #tpu.memory_space<hbm>> -> memref<1x40xi32, #tpu.memory_space<hbm>>
      %dma_start3A_627 = tpu.memref_squeeze %dma_start3A_626 : memref<1x40xi32, #tpu.memory_space<hbm>> -> memref<40xi32, #tpu.memory_space<hbm>>
      %dma_start3A_628 = arith.constant 0 : i32
      %dma_start3A_629 = tpu.memref_slice %arg6[%scan3A_618, %dma_start3A_628] : memref<250x40xi32, #tpu.memory_space<vmem>> -> memref<1x40xi32, #tpu.memory_space<vmem>>
      %dma_start3A_630 = tpu.memref_squeeze %dma_start3A_629 : memref<1x40xi32, #tpu.memory_space<vmem>> -> memref<40xi32, #tpu.memory_space<vmem>>
      %dma_start3A_631 = tpu.memref_slice %arg3[%dma_start3A_622, %add3A_621] : memref<2x320000xi32, #tpu.memory_space<hbm>> -> memref<1x40xi32, #tpu.memory_space<hbm>>
      %dma_start3A_632 = tpu.memref_squeeze %dma_start3A_631 : memref<1x40xi32, #tpu.memory_space<hbm>> -> memref<40xi32, #tpu.memory_space<hbm>>
      tpu.enqueue_dma source(%dma_start3A_632 : memref<40xi32, #tpu.memory_space<hbm>>) target(%dma_start3A_630 : memref<40xi32, #tpu.memory_space<vmem>>) target_semaphore(%arg13 : memref<!tpu.dma_semaphore, #tpu.memory_space<semaphore_mem>>)
    }
    %scan3A_9 = arith.constant 250 : i32
    %broadcast_in_dim3A = arith.constant 0.000000e+00 : f32
    %broadcast_in_dim3A_10 = vector.broadcast %broadcast_in_dim3A : f32 to vector<16xf32>
    %scan3A_11 = arith.constant 0 : i32
    %scan3A_12 = arith.constant 0 : i32
    %scan3A_13 = arith.constant 40 : i32
    %scan3A_14 = arith.addi %scan3A_12, %scan3A_13 : i32
    %scan3A_15 = arith.constant 1 : i32
    scf.for %scan3A_618 = %scan3A_12 to %scan3A_14 step %scan3A_15  : i32 {
      %swap3A = arith.constant 0 : i32
      %swap3A_619 = arith.index_cast %swap3A : i32 to index
      %swap3A_620 = arith.index_cast %scan3A_618 : i32 to index
      %swap3A_621 = arith.constant 0 : index
      %swap3A_622 = tpu.vector_load %arg7[%swap3A_619, %swap3A_620, %swap3A_621] {strides = array<i32>} : memref<5x40x128xf32, #tpu.memory_space<vmem>>, vector<16xf32>,
      tpu.vector_store %arg7[%swap3A_619, %swap3A_620, %swap3A_621], %broadcast_in_dim3A_10 {strides = array<i32>} : memref<5x40x128xf32, #tpu.memory_space<vmem>>, vector<16xf32>,
      %swap3A_623 = arith.constant 0 : i32
      %swap3A_624 = arith.index_cast %swap3A_623 : i32 to index
      %swap3A_625 = arith.index_cast %scan3A_618 : i32 to index
      %swap3A_626 = arith.constant 16 : index
      %swap3A_627 = tpu.vector_load %arg7[%swap3A_624, %swap3A_625, %swap3A_626] {strides = array<i32>} : memref<5x40x128xf32, #tpu.memory_space<vmem>>, vector<16xf32>,
      tpu.vector_store %arg7[%swap3A_624, %swap3A_625, %swap3A_626], %broadcast_in_dim3A_10 {strides = array<i32>} : memref<5x40x128xf32, #tpu.memory_space<vmem>>, vector<16xf32>,
      %swap3A_628 = arith.constant 0 : i32
      %swap3A_629 = arith.index_cast %swap3A_628 : i32 to index
      %swap3A_630 = arith.index_cast %scan3A_618 : i32 to index
      %swap3A_631 = arith.constant 32 : index
      %swap3A_632 = tpu.vector_load %arg7[%swap3A_629, %swap3A_630, %swap3A_631] {strides = array<i32>} : memref<5x40x128xf32, #tpu.memory_space<vmem>>, vector<16xf32>,
      tpu.vector_store %arg7[%swap3A_629, %swap3A_630, %swap3A_631], %broadcast_in_dim3A_10 {strides = array<i32>} : memref<5x40x128xf32, #tpu.memory_space<vmem>>, vector<16xf32>,
      %swap3A_633 = arith.constant 0 : i32
      %swap3A_634 = arith.index_cast %swap3A_633 : i32 to index
      %swap3A_635 = arith.index_cast %scan3A_618 : i32 to index
      %swap3A_636 = arith.constant 48 : index
      %swap3A_637 = tpu.vector_load %arg7[%swap3A_634, %swap3A_635, %swap3A_636] {strides = array<i32>} : memref<5x40x128xf32, #tpu.memory_space<vmem>>, vector<16xf32>,
      tpu.vector_store %arg7[%swap3A_634, %swap3A_635, %swap3A_636], %broadcast_in_dim3A_10 {strides = array<i32>} : memref<5x40x128xf32, #tpu.memory_space<vmem>>, vector<16xf32>,
      %swap3A_638 = arith.constant 0 : i32
      %swap3A_639 = arith.index_cast %swap3A_638 : i32 to index
      %swap3A_640 = arith.index_cast %scan3A_618 : i32 to index
      %swap3A_641 = arith.constant 64 : index
      %swap3A_642 = tpu.vector_load %arg7[%swap3A_639, %swap3A_640, %swap3A_641] {strides = array<i32>} : memref<5x40x128xf32, #tpu.memory_space<vmem>>, vector<16xf32>,
      tpu.vector_store %arg7[%swap3A_639, %swap3A_640, %swap3A_641], %broadcast_in_dim3A_10 {strides = array<i32>} : memref<5x40x128xf32, #tpu.memory_space<vmem>>, vector<16xf32>,
      %swap3A_643 = arith.constant 0 : i32
      %swap3A_644 = arith.index_cast %swap3A_643 : i32 to index
      %swap3A_645 = arith.index_cast %scan3A_618 : i32 to index
      %swap3A_646 = arith.constant 80 : index
      %swap3A_647 = tpu.vector_load %arg7[%swap3A_644, %swap3A_645, %swap3A_646] {strides = array<i32>} : memref<5x40x128xf32, #tpu.memory_space<vmem>>, vector<16xf32>,
      tpu.vector_store %arg7[%swap3A_644, %swap3A_645, %swap3A_646], %broadcast_in_dim3A_10 {strides = array<i32>} : memref<5x40x128xf32, #tpu.memory_space<vmem>>, vector<16xf32>,
      %swap3A_648 = arith.constant 0 : i32
      %swap3A_649 = arith.index_cast %swap3A_648 : i32 to index
      %swap3A_650 = arith.index_cast %scan3A_618 : i32 to index
      %swap3A_651 = arith.constant 96 : index
      %swap3A_652 = tpu.vector_load %arg7[%swap3A_649, %swap3A_650, %swap3A_651] {strides = array<i32>} : memref<5x40x128xf32, #tpu.memory_space<vmem>>, vector<16xf32>,
      tpu.vector_store %arg7[%swap3A_649, %swap3A_650, %swap3A_651], %broadcast_in_dim3A_10 {strides = array<i32>} : memref<5x40x128xf32, #tpu.memory_space<vmem>>, vector<16xf32>,
      %swap3A_653 = arith.constant 0 : i32
      %swap3A_654 = arith.index_cast %swap3A_653 : i32 to index
      %swap3A_655 = arith.index_cast %scan3A_618 : i32 to index
      %swap3A_656 = arith.constant 112 : index
      %swap3A_657 = tpu.vector_load %arg7[%swap3A_654, %swap3A_655, %swap3A_656] {strides = array<i32>} : memref<5x40x128xf32, #tpu.memory_space<vmem>>, vector<16xf32>,
      tpu.vector_store %arg7[%swap3A_654, %swap3A_655, %swap3A_656], %broadcast_in_dim3A_10 {strides = array<i32>} : memref<5x40x128xf32, #tpu.memory_space<vmem>>, vector<16xf32>,
    }
    %scan3A_16 = arith.constant 40 : i32
    %add3A_17 = arith.constant 0 : i32
    %add3A_18 = arith.addi %mul3A_4, %add3A_17 : i32
    %dma_start3A = arith.constant 0 : i32
    %dma_start3A_19 = arith.constant 0 : i32
    %dma_start3A_20 = arith.constant 0 : i32
    %dma_start3A_21 = tpu.memref_slice %arg7[%dma_start3A, %dma_start3A_19, %dma_start3A_20] : memref<5x40x128xf32, #tpu.memory_space<vmem>> -> memref<1x40x128xf32, #tpu.memory_space<vmem>>
    %dma_start3A_22 = tpu.memref_squeeze %dma_start3A_21 : memref<1x40x128xf32, #tpu.memory_space<vmem>> -> memref<40x128xf32, #tpu.memory_space<vmem>>
    %dma_start3A_23 = arith.constant 0 : i32
    %dma_start3A_24 = tpu.memref_slice %arg15[%add3A_18, %dma_start3A_23] : memref<10000x128xf32, #tpu.memory_space<vmem_shared>> -> memref<40x128xf32, #tpu.memory_space<vmem_shared>>
    %dma_start3A_25 = arith.constant 0 : i32
    %dma_start3A_26 = tpu.memref_slice %arg15[%add3A_18, %dma_start3A_25] : memref<10000x128xf32, #tpu.memory_space<vmem_shared>> -> memref<40x128xf32, #tpu.memory_space<vmem_shared>>
    %dma_start3A_27 = arith.constant 0 : i32
    %dma_start3A_28 = arith.constant 0 : i32
    %dma_start3A_29 = tpu.memref_slice %arg7[%dma_start3A, %dma_start3A_27, %dma_start3A_28] : memref<5x40x128xf32, #tpu.memory_space<vmem>> -> memref<1x40x128xf32, #tpu.memory_space<vmem>>
    %dma_start3A_30 = tpu.memref_squeeze %dma_start3A_29 : memref<1x40x128xf32, #tpu.memory_space<vmem>> -> memref<40x128xf32, #tpu.memory_space<vmem>>
    tpu.enqueue_dma source(%dma_start3A_30 : memref<40x128xf32, #tpu.memory_space<vmem>>) target(%dma_start3A_26 : memref<40x128xf32, #tpu.memory_space<vmem_shared>>) target_semaphore(%arg14 : memref<!tpu.dma_semaphore, #tpu.memory_space<semaphore_mem>>)
    %add3A_31 = arith.constant 40 : i32
    %add3A_32 = arith.addi %mul3A_4, %add3A_31 : i32
    %dma_start3A_33 = arith.constant 0 : i32
    %dma_start3A_34 = arith.constant 0 : i32
    %dma_start3A_35 = arith.constant 0 : i32
    %dma_start3A_36 = tpu.memref_slice %arg7[%dma_start3A_33, %dma_start3A_34, %dma_start3A_35] : memref<5x40x128xf32, #tpu.memory_space<vmem>> -> memref<1x40x128xf32, #tpu.memory_space<vmem>>
    %dma_start3A_37 = tpu.memref_squeeze %dma_start3A_36 : memref<1x40x128xf32, #tpu.memory_space<vmem>> -> memref<40x128xf32, #tpu.memory_space<vmem>>
    %dma_start3A_38 = arith.constant 0 : i32
    %dma_start3A_39 = tpu.memref_slice %arg15[%add3A_32, %dma_start3A_38] : memref<10000x128xf32, #tpu.memory_space<vmem_shared>> -> memref<40x128xf32, #tpu.memory_space<vmem_shared>>
    %dma_start3A_40 = arith.constant 0 : i32
    %dma_start3A_41 = tpu.memref_slice %arg15[%add3A_32, %dma_start3A_40] : memref<10000x128xf32, #tpu.memory_space<vmem_shared>> -> memref<40x128xf32, #tpu.memory_space<vmem_shared>>
    %dma_start3A_42 = arith.constant 0 : i32
    %dma_start3A_43 = arith.constant 0 : i32
    %dma_start3A_44 = tpu.memref_slice %arg7[%dma_start3A_33, %dma_start3A_42, %dma_start3A_43] : memref<5x40x128xf32, #tpu.memory_space<vmem>> -> memref<1x40x128xf32, #tpu.memory_space<vmem>>
    %dma_start3A_45 = tpu.memref_squeeze %dma_start3A_44 : memref<1x40x128xf32, #tpu.memory_space<vmem>> -> memref<40x128xf32, #tpu.memory_space<vmem>>
    tpu.enqueue_dma source(%dma_start3A_45 : memref<40x128xf32, #tpu.memory_space<vmem>>) target(%dma_start3A_41 : memref<40x128xf32, #tpu.memory_space<vmem_shared>>) target_semaphore(%arg14 : memref<!tpu.dma_semaphore, #tpu.memory_space<semaphore_mem>>)
    %add3A_46 = arith.constant 80 : i32
    %add3A_47 = arith.addi %mul3A_4, %add3A_46 : i32
    %dma_start3A_48 = arith.constant 0 : i32
    %dma_start3A_49 = arith.constant 0 : i32
    %dma_start3A_50 = arith.constant 0 : i32
    %dma_start3A_51 = tpu.memref_slice %arg7[%dma_start3A_48, %dma_start3A_49, %dma_start3A_50] : memref<5x40x128xf32, #tpu.memory_space<vmem>> -> memref<1x40x128xf32, #tpu.memory_space<vmem>>
    %dma_start3A_52 = tpu.memref_squeeze %dma_start3A_51 : memref<1x40x128xf32, #tpu.memory_space<vmem>> -> memref<40x128xf32, #tpu.memory_space<vmem>>
    %dma_start3A_53 = arith.constant 0 : i32
    %dma_start3A_54 = tpu.memref_slice %arg15[%add3A_47, %dma_start3A_53] : memref<10000x128xf32, #tpu.memory_space<vmem_shared>> -> memref<40x128xf32, #tpu.memory_space<vmem_shared>>
    %dma_start3A_55 = arith.constant 0 : i32
    %dma_start3A_56 = tpu.memref_slice %arg15[%add3A_47, %dma_start3A_55] : memref<10000x128xf32, #tpu.memory_space<vmem_shared>> -> memref<40x128xf32, #tpu.memory_space<vmem_shared>>
    %dma_start3A_57 = arith.constant 0 : i32
    %dma_start3A_58 = arith.constant 0 : i32
    %dma_start3A_59 = tpu.memref_slice %arg7[%dma_start3A_48, %dma_start3A_57, %dma_start3A_58] : memref<5x40x128xf32, #tpu.memory_space<vmem>> -> memref<1x40x128xf32, #tpu.memory_space<vmem>>
    %dma_start3A_60 = tpu.memref_squeeze %dma_start3A_59 : memref<1x40x128xf32, #tpu.memory_space<vmem>> -> memref<40x128xf32, #tpu.memory_space<vmem>>
    tpu.enqueue_dma source(%dma_start3A_60 : memref<40x128xf32, #tpu.memory_space<vmem>>) target(%dma_start3A_56 : memref<40x128xf32, #tpu.memory_space<vmem_shared>>) target_semaphore(%arg14 : memref<!tpu.dma_semaphore, #tpu.memory_space<semaphore_mem>>)
    %add3A_61 = arith.constant 120 : i32
    %add3A_62 = arith.addi %mul3A_4, %add3A_61 : i32
    %dma_start3A_63 = arith.constant 0 : i32
    %dma_start3A_64 = arith.constant 0 : i32
    %dma_start3A_65 = arith.constant 0 : i32
    %dma_start3A_66 = tpu.memref_slice %arg7[%dma_start3A_63, %dma_start3A_64, %dma_start3A_65] : memref<5x40x128xf32, #tpu.memory_space<vmem>> -> memref<1x40x128xf32, #tpu.memory_space<vmem>>
    %dma_start3A_67 = tpu.memref_squeeze %dma_start3A_66 : memref<1x40x128xf32, #tpu.memory_space<vmem>> -> memref<40x128xf32, #tpu.memory_space<vmem>>
    %dma_start3A_68 = arith.constant 0 : i32
    %dma_start3A_69 = tpu.memref_slice %arg15[%add3A_62, %dma_start3A_68] : memref<10000x128xf32, #tpu.memory_space<vmem_shared>> -> memref<40x128xf32, #tpu.memory_space<vmem_shared>>
    %dma_start3A_70 = arith.constant 0 : i32
    %dma_start3A_71 = tpu.memref_slice %arg15[%add3A_62, %dma_start3A_70] : memref<10000x128xf32, #tpu.memory_space<vmem_shared>> -> memref<40x128xf32, #tpu.memory_space<vmem_shared>>
    %dma_start3A_72 = arith.constant 0 : i32
    %dma_start3A_73 = arith.constant 0 : i32
    %dma_start3A_74 = tpu.memref_slice %arg7[%dma_start3A_63, %dma_start3A_72, %dma_start3A_73] : memref<5x40x128xf32, #tpu.memory_space<vmem>> -> memref<1x40x128xf32, #tpu.memory_space<vmem>>
    %dma_start3A_75 = tpu.memref_squeeze %dma_start3A_74 : memref<1x40x128xf32, #tpu.memory_space<vmem>> -> memref<40x128xf32, #tpu.memory_space<vmem>>
    tpu.enqueue_dma source(%dma_start3A_75 : memref<40x128xf32, #tpu.memory_space<vmem>>) target(%dma_start3A_71 : memref<40x128xf32, #tpu.memory_space<vmem_shared>>) target_semaphore(%arg14 : memref<!tpu.dma_semaphore, #tpu.memory_space<semaphore_mem>>)
    %add3A_76 = arith.constant 160 : i32
    %add3A_77 = arith.addi %mul3A_4, %add3A_76 : i32
    %dma_start3A_78 = arith.constant 0 : i32
    %dma_start3A_79 = arith.constant 0 : i32
    %dma_start3A_80 = arith.constant 0 : i32
    %dma_start3A_81 = tpu.memref_slice %arg7[%dma_start3A_78, %dma_start3A_79, %dma_start3A_80] : memref<5x40x128xf32, #tpu.memory_space<vmem>> -> memref<1x40x128xf32, #tpu.memory_space<vmem>>
    %dma_start3A_82 = tpu.memref_squeeze %dma_start3A_81 : memref<1x40x128xf32, #tpu.memory_space<vmem>> -> memref<40x128xf32, #tpu.memory_space<vmem>>
    %dma_start3A_83 = arith.constant 0 : i32
    %dma_start3A_84 = tpu.memref_slice %arg15[%add3A_77, %dma_start3A_83] : memref<10000x128xf32, #tpu.memory_space<vmem_shared>> -> memref<40x128xf32, #tpu.memory_space<vmem_shared>>
    %dma_start3A_85 = arith.constant 0 : i32
    %dma_start3A_86 = tpu.memref_slice %arg15[%add3A_77, %dma_start3A_85] : memref<10000x128xf32, #tpu.memory_space<vmem_shared>> -> memref<40x128xf32, #tpu.memory_space<vmem_shared>>
    %dma_start3A_87 = arith.constant 0 : i32
    %dma_start3A_88 = arith.constant 0 : i32
    %dma_start3A_89 = tpu.memref_slice %arg7[%dma_start3A_78, %dma_start3A_87, %dma_start3A_88] : memref<5x40x128xf32, #tpu.memory_space<vmem>> -> memref<1x40x128xf32, #tpu.memory_space<vmem>>
    %dma_start3A_90 = tpu.memref_squeeze %dma_start3A_89 : memref<1x40x128xf32, #tpu.memory_space<vmem>> -> memref<40x128xf32, #tpu.memory_space<vmem>>
    tpu.enqueue_dma source(%dma_start3A_90 : memref<40x128xf32, #tpu.memory_space<vmem>>) target(%dma_start3A_86 : memref<40x128xf32, #tpu.memory_space<vmem_shared>>) target_semaphore(%arg14 : memref<!tpu.dma_semaphore, #tpu.memory_space<semaphore_mem>>)
    %add3A_91 = arith.constant 200 : i32
    %add3A_92 = arith.addi %mul3A_4, %add3A_91 : i32
    %dma_start3A_93 = arith.constant 0 : i32
    %dma_start3A_94 = arith.constant 0 : i32
    %dma_start3A_95 = arith.constant 0 : i32
    %dma_start3A_96 = tpu.memref_slice %arg7[%dma_start3A_93, %dma_start3A_94, %dma_start3A_95] : memref<5x40x128xf32, #tpu.memory_space<vmem>> -> memref<1x40x128xf32, #tpu.memory_space<vmem>>
    %dma_start3A_97 = tpu.memref_squeeze %dma_start3A_96 : memref<1x40x128xf32, #tpu.memory_space<vmem>> -> memref<40x128xf32, #tpu.memory_space<vmem>>
    %dma_start3A_98 = arith.constant 0 : i32
    %dma_start3A_99 = tpu.memref_slice %arg15[%add3A_92, %dma_start3A_98] : memref<10000x128xf32, #tpu.memory_space<vmem_shared>> -> memref<40x128xf32, #tpu.memory_space<vmem_shared>>
    %dma_start3A_100 = arith.constant 0 : i32
    %dma_start3A_101 = tpu.memref_slice %arg15[%add3A_92, %dma_start3A_100] : memref<10000x128xf32, #tpu.memory_space<vmem_shared>> -> memref<40x128xf32, #tpu.memory_space<vmem_shared>>
    %dma_start3A_102 = arith.constant 0 : i32
    %dma_start3A_103 = arith.constant 0 : i32
    %dma_start3A_104 = tpu.memref_slice %arg7[%dma_start3A_93, %dma_start3A_102, %dma_start3A_103] : memref<5x40x128xf32, #tpu.memory_space<vmem>> -> memref<1x40x128xf32, #tpu.memory_space<vmem>>
    %dma_start3A_105 = tpu.memref_squeeze %dma_start3A_104 : memref<1x40x128xf32, #tpu.memory_space<vmem>> -> memref<40x128xf32, #tpu.memory_space<vmem>>
    tpu.enqueue_dma source(%dma_start3A_105 : memref<40x128xf32, #tpu.memory_space<vmem>>) target(%dma_start3A_101 : memref<40x128xf32, #tpu.memory_space<vmem_shared>>) target_semaphore(%arg14 : memref<!tpu.dma_semaphore, #tpu.memory_space<semaphore_mem>>)
    %add3A_106 = arith.constant 240 : i32
    %add3A_107 = arith.addi %mul3A_4, %add3A_106 : i32
    %dma_start3A_108 = arith.constant 0 : i32
    %dma_start3A_109 = arith.constant 0 : i32
    %dma_start3A_110 = arith.constant 0 : i32
    %dma_start3A_111 = tpu.memref_slice %arg7[%dma_start3A_108, %dma_start3A_109, %dma_start3A_110] : memref<5x40x128xf32, #tpu.memory_space<vmem>> -> memref<1x40x128xf32, #tpu.memory_space<vmem>>
    %dma_start3A_112 = tpu.memref_squeeze %dma_start3A_111 : memref<1x40x128xf32, #tpu.memory_space<vmem>> -> memref<40x128xf32, #tpu.memory_space<vmem>>
    %dma_start3A_113 = arith.constant 0 : i32
    %dma_start3A_114 = tpu.memref_slice %arg15[%add3A_107, %dma_start3A_113] : memref<10000x128xf32, #tpu.memory_space<vmem_shared>> -> memref<40x128xf32, #tpu.memory_space<vmem_shared>>
    %dma_start3A_115 = arith.constant 0 : i32
    %dma_start3A_116 = tpu.memref_slice %arg15[%add3A_107, %dma_start3A_115] : memref<10000x128xf32, #tpu.memory_space<vmem_shared>> -> memref<40x128xf32, #tpu.memory_space<vmem_shared>>
    %dma_start3A_117 = arith.constant 0 : i32
    %dma_start3A_118 = arith.constant 0 : i32
    %dma_start3A_119 = tpu.memref_slice %arg7[%dma_start3A_108, %dma_start3A_117, %dma_start3A_118] : memref<5x40x128xf32, #tpu.memory_space<vmem>> -> memref<1x40x128xf32, #tpu.memory_space<vmem>>
    %dma_start3A_120 = tpu.memref_squeeze %dma_start3A_119 : memref<1x40x128xf32, #tpu.memory_space<vmem>> -> memref<40x128xf32, #tpu.memory_space<vmem>>
    tpu.enqueue_dma source(%dma_start3A_120 : memref<40x128xf32, #tpu.memory_space<vmem>>) target(%dma_start3A_116 : memref<40x128xf32, #tpu.memory_space<vmem_shared>>) target_semaphore(%arg14 : memref<!tpu.dma_semaphore, #tpu.memory_space<semaphore_mem>>)
    %add3A_121 = arith.constant 280 : i32
    %add3A_122 = arith.addi %mul3A_4, %add3A_121 : i32
    %dma_start3A_123 = arith.constant 0 : i32
    %dma_start3A_124 = arith.constant 0 : i32
    %dma_start3A_125 = arith.constant 0 : i32
    %dma_start3A_126 = tpu.memref_slice %arg7[%dma_start3A_123, %dma_start3A_124, %dma_start3A_125] : memref<5x40x128xf32, #tpu.memory_space<vmem>> -> memref<1x40x128xf32, #tpu.memory_space<vmem>>
    %dma_start3A_127 = tpu.memref_squeeze %dma_start3A_126 : memref<1x40x128xf32, #tpu.memory_space<vmem>> -> memref<40x128xf32, #tpu.memory_space<vmem>>
    %dma_start3A_128 = arith.constant 0 : i32
    %dma_start3A_129 = tpu.memref_slice %arg15[%add3A_122, %dma_start3A_128] : memref<10000x128xf32, #tpu.memory_space<vmem_shared>> -> memref<40x128xf32, #tpu.memory_space<vmem_shared>>
    %dma_start3A_130 = arith.constant 0 : i32
    %dma_start3A_131 = tpu.memref_slice %arg15[%add3A_122, %dma_start3A_130] : memref<10000x128xf32, #tpu.memory_space<vmem_shared>> -> memref<40x128xf32, #tpu.memory_space<vmem_shared>>
    %dma_start3A_132 = arith.constant 0 : i32
    %dma_start3A_133 = arith.constant 0 : i32
    %dma_start3A_134 = tpu.memref_slice %arg7[%dma_start3A_123, %dma_start3A_132, %dma_start3A_133] : memref<5x40x128xf32, #tpu.memory_space<vmem>> -> memref<1x40x128xf32, #tpu.memory_space<vmem>>
    %dma_start3A_135 = tpu.memref_squeeze %dma_start3A_134 : memref<1x40x128xf32, #tpu.memory_space<vmem>> -> memref<40x128xf32, #tpu.memory_space<vmem>>
    tpu.enqueue_dma source(%dma_start3A_135 : memref<40x128xf32, #tpu.memory_space<vmem>>) target(%dma_start3A_131 : memref<40x128xf32, #tpu.memory_space<vmem_shared>>) target_semaphore(%arg14 : memref<!tpu.dma_semaphore, #tpu.memory_space<semaphore_mem>>)
    %add3A_136 = arith.constant 320 : i32
    %add3A_137 = arith.addi %mul3A_4, %add3A_136 : i32
    %dma_start3A_138 = arith.constant 0 : i32
    %dma_start3A_139 = arith.constant 0 : i32
    %dma_start3A_140 = arith.constant 0 : i32
    %dma_start3A_141 = tpu.memref_slice %arg7[%dma_start3A_138, %dma_start3A_139, %dma_start3A_140] : memref<5x40x128xf32, #tpu.memory_space<vmem>> -> memref<1x40x128xf32, #tpu.memory_space<vmem>>
    %dma_start3A_142 = tpu.memref_squeeze %dma_start3A_141 : memref<1x40x128xf32, #tpu.memory_space<vmem>> -> memref<40x128xf32, #tpu.memory_space<vmem>>
    %dma_start3A_143 = arith.constant 0 : i32
    %dma_start3A_144 = tpu.memref_slice %arg15[%add3A_137, %dma_start3A_143] : memref<10000x128xf32, #tpu.memory_space<vmem_shared>> -> memref<40x128xf32, #tpu.memory_space<vmem_shared>>
    %dma_start3A_145 = arith.constant 0 : i32
    %dma_start3A_146 = tpu.memref_slice %arg15[%add3A_137, %dma_start3A_145] : memref<10000x128xf32, #tpu.memory_space<vmem_shared>> -> memref<40x128xf32, #tpu.memory_space<vmem_shared>>
    %dma_start3A_147 = arith.constant 0 : i32
    %dma_start3A_148 = arith.constant 0 : i32
    %dma_start3A_149 = tpu.memref_slice %arg7[%dma_start3A_138, %dma_start3A_147, %dma_start3A_148] : memref<5x40x128xf32, #tpu.memory_space<vmem>> -> memref<1x40x128xf32, #tpu.memory_space<vmem>>
    %dma_start3A_150 = tpu.memref_squeeze %dma_start3A_149 : memref<1x40x128xf32, #tpu.memory_space<vmem>> -> memref<40x128xf32, #tpu.memory_space<vmem>>
    tpu.enqueue_dma source(%dma_start3A_150 : memref<40x128xf32, #tpu.memory_space<vmem>>) target(%dma_start3A_146 : memref<40x128xf32, #tpu.memory_space<vmem_shared>>) target_semaphore(%arg14 : memref<!tpu.dma_semaphore, #tpu.memory_space<semaphore_mem>>)
    %add3A_151 = arith.constant 360 : i32
    %add3A_152 = arith.addi %mul3A_4, %add3A_151 : i32
    %dma_start3A_153 = arith.constant 0 : i32
    %dma_start3A_154 = arith.constant 0 : i32
    %dma_start3A_155 = arith.constant 0 : i32
    %dma_start3A_156 = tpu.memref_slice %arg7[%dma_start3A_153, %dma_start3A_154, %dma_start3A_155] : memref<5x40x128xf32, #tpu.memory_space<vmem>> -> memref<1x40x128xf32, #tpu.memory_space<vmem>>
    %dma_start3A_157 = tpu.memref_squeeze %dma_start3A_156 : memref<1x40x128xf32, #tpu.memory_space<vmem>> -> memref<40x128xf32, #tpu.memory_space<vmem>>
    %dma_start3A_158 = arith.constant 0 : i32
    %dma_start3A_159 = tpu.memref_slice %arg15[%add3A_152, %dma_start3A_158] : memref<10000x128xf32, #tpu.memory_space<vmem_shared>> -> memref<40x128xf32, #tpu.memory_space<vmem_shared>>
    %dma_start3A_160 = arith.constant 0 : i32
    %dma_start3A_161 = tpu.memref_slice %arg15[%add3A_152, %dma_start3A_160] : memref<10000x128xf32, #tpu.memory_space<vmem_shared>> -> memref<40x128xf32, #tpu.memory_space<vmem_shared>>
    %dma_start3A_162 = arith.constant 0 : i32
    %dma_start3A_163 = arith.constant 0 : i32
    %dma_start3A_164 = tpu.memref_slice %arg7[%dma_start3A_153, %dma_start3A_162, %dma_start3A_163] : memref<5x40x128xf32, #tpu.memory_space<vmem>> -> memref<1x40x128xf32, #tpu.memory_space<vmem>>
    %dma_start3A_165 = tpu.memref_squeeze %dma_start3A_164 : memref<1x40x128xf32, #tpu.memory_space<vmem>> -> memref<40x128xf32, #tpu.memory_space<vmem>>
    tpu.enqueue_dma source(%dma_start3A_165 : memref<40x128xf32, #tpu.memory_space<vmem>>) target(%dma_start3A_161 : memref<40x128xf32, #tpu.memory_space<vmem_shared>>) target_semaphore(%arg14 : memref<!tpu.dma_semaphore, #tpu.memory_space<semaphore_mem>>)
    %add3A_166 = arith.constant 400 : i32
    %add3A_167 = arith.addi %mul3A_4, %add3A_166 : i32
    %dma_start3A_168 = arith.constant 0 : i32
    %dma_start3A_169 = arith.constant 0 : i32
    %dma_start3A_170 = arith.constant 0 : i32
    %dma_start3A_171 = tpu.memref_slice %arg7[%dma_start3A_168, %dma_start3A_169, %dma_start3A_170] : memref<5x40x128xf32, #tpu.memory_space<vmem>> -> memref<1x40x128xf32, #tpu.memory_space<vmem>>
    %dma_start3A_172 = tpu.memref_squeeze %dma_start3A_171 : memref<1x40x128xf32, #tpu.memory_space<vmem>> -> memref<40x128xf32, #tpu.memory_space<vmem>>
    %dma_start3A_173 = arith.constant 0 : i32
    %dma_start3A_174 = tpu.memref_slice %arg15[%add3A_167, %dma_start3A_173] : memref<10000x128xf32, #tpu.memory_space<vmem_shared>> -> memref<40x128xf32, #tpu.memory_space<vmem_shared>>
    %dma_start3A_175 = arith.constant 0 : i32
    %dma_start3A_176 = tpu.memref_slice %arg15[%add3A_167, %dma_start3A_175] : memref<10000x128xf32, #tpu.memory_space<vmem_shared>> -> memref<40x128xf32, #tpu.memory_space<vmem_shared>>
    %dma_start3A_177 = arith.constant 0 : i32
    %dma_start3A_178 = arith.constant 0 : i32
    %dma_start3A_179 = tpu.memref_slice %arg7[%dma_start3A_168, %dma_start3A_177, %dma_start3A_178] : memref<5x40x128xf32, #tpu.memory_space<vmem>> -> memref<1x40x128xf32, #tpu.memory_space<vmem>>
    %dma_start3A_180 = tpu.memref_squeeze %dma_start3A_179 : memref<1x40x128xf32, #tpu.memory_space<vmem>> -> memref<40x128xf32, #tpu.memory_space<vmem>>
    tpu.enqueue_dma source(%dma_start3A_180 : memref<40x128xf32, #tpu.memory_space<vmem>>) target(%dma_start3A_176 : memref<40x128xf32, #tpu.memory_space<vmem_shared>>) target_semaphore(%arg14 : memref<!tpu.dma_semaphore, #tpu.memory_space<semaphore_mem>>)
    %add3A_181 = arith.constant 440 : i32
    %add3A_182 = arith.addi %mul3A_4, %add3A_181 : i32
    %dma_start3A_183 = arith.constant 0 : i32
    %dma_start3A_184 = arith.constant 0 : i32
    %dma_start3A_185 = arith.constant 0 : i32
    %dma_start3A_186 = tpu.memref_slice %arg7[%dma_start3A_183, %dma_start3A_184, %dma_start3A_185] : memref<5x40x128xf32, #tpu.memory_space<vmem>> -> memref<1x40x128xf32, #tpu.memory_space<vmem>>
    %dma_start3A_187 = tpu.memref_squeeze %dma_start3A_186 : memref<1x40x128xf32, #tpu.memory_space<vmem>> -> memref<40x128xf32, #tpu.memory_space<vmem>>
    %dma_start3A_188 = arith.constant 0 : i32
    %dma_start3A_189 = tpu.memref_slice %arg15[%add3A_182, %dma_start3A_188] : memref<10000x128xf32, #tpu.memory_space<vmem_shared>> -> memref<40x128xf32, #tpu.memory_space<vmem_shared>>
    %dma_start3A_190 = arith.constant 0 : i32
    %dma_start3A_191 = tpu.memref_slice %arg15[%add3A_182, %dma_start3A_190] : memref<10000x128xf32, #tpu.memory_space<vmem_shared>> -> memref<40x128xf32, #tpu.memory_space<vmem_shared>>
    %dma_start3A_192 = arith.constant 0 : i32
    %dma_start3A_193 = arith.constant 0 : i32
    %dma_start3A_194 = tpu.memref_slice %arg7[%dma_start3A_183, %dma_start3A_192, %dma_start3A_193] : memref<5x40x128xf32, #tpu.memory_space<vmem>> -> memref<1x40x128xf32, #tpu.memory_space<vmem>>
    %dma_start3A_195 = tpu.memref_squeeze %dma_start3A_194 : memref<1x40x128xf32, #tpu.memory_space<vmem>> -> memref<40x128xf32, #tpu.memory_space<vmem>>
    tpu.enqueue_dma source(%dma_start3A_195 : memref<40x128xf32, #tpu.memory_space<vmem>>) target(%dma_start3A_191 : memref<40x128xf32, #tpu.memory_space<vmem_shared>>) target_semaphore(%arg14 : memref<!tpu.dma_semaphore, #tpu.memory_space<semaphore_mem>>)
    %add3A_196 = arith.constant 480 : i32
    %add3A_197 = arith.addi %mul3A_4, %add3A_196 : i32
    %dma_start3A_198 = arith.constant 0 : i32
    %dma_start3A_199 = arith.constant 0 : i32
    %dma_start3A_200 = arith.constant 0 : i32
    %dma_start3A_201 = tpu.memref_slice %arg7[%dma_start3A_198, %dma_start3A_199, %dma_start3A_200] : memref<5x40x128xf32, #tpu.memory_space<vmem>> -> memref<1x40x128xf32, #tpu.memory_space<vmem>>
    %dma_start3A_202 = tpu.memref_squeeze %dma_start3A_201 : memref<1x40x128xf32, #tpu.memory_space<vmem>> -> memref<40x128xf32, #tpu.memory_space<vmem>>
    %dma_start3A_203 = arith.constant 0 : i32
    %dma_start3A_204 = tpu.memref_slice %arg15[%add3A_197, %dma_start3A_203] : memref<10000x128xf32, #tpu.memory_space<vmem_shared>> -> memref<40x128xf32, #tpu.memory_space<vmem_shared>>
    %dma_start3A_205 = arith.constant 0 : i32
    %dma_start3A_206 = tpu.memref_slice %arg15[%add3A_197, %dma_start3A_205] : memref<10000x128xf32, #tpu.memory_space<vmem_shared>> -> memref<40x128xf32, #tpu.memory_space<vmem_shared>>
    %dma_start3A_207 = arith.constant 0 : i32
    %dma_start3A_208 = arith.constant 0 : i32
    %dma_start3A_209 = tpu.memref_slice %arg7[%dma_start3A_198, %dma_start3A_207, %dma_start3A_208] : memref<5x40x128xf32, #tpu.memory_space<vmem>> -> memref<1x40x128xf32, #tpu.memory_space<vmem>>
    %dma_start3A_210 = tpu.memref_squeeze %dma_start3A_209 : memref<1x40x128xf32, #tpu.memory_space<vmem>> -> memref<40x128xf32, #tpu.memory_space<vmem>>
    tpu.enqueue_dma source(%dma_start3A_210 : memref<40x128xf32, #tpu.memory_space<vmem>>) target(%dma_start3A_206 : memref<40x128xf32, #tpu.memory_space<vmem_shared>>) target_semaphore(%arg14 : memref<!tpu.dma_semaphore, #tpu.memory_space<semaphore_mem>>)
    %add3A_211 = arith.constant 520 : i32
    %add3A_212 = arith.addi %mul3A_4, %add3A_211 : i32
    %dma_start3A_213 = arith.constant 0 : i32
    %dma_start3A_214 = arith.constant 0 : i32
    %dma_start3A_215 = arith.constant 0 : i32
    %dma_start3A_216 = tpu.memref_slice %arg7[%dma_start3A_213, %dma_start3A_214, %dma_start3A_215] : memref<5x40x128xf32, #tpu.memory_space<vmem>> -> memref<1x40x128xf32, #tpu.memory_space<vmem>>
    %dma_start3A_217 = tpu.memref_squeeze %dma_start3A_216 : memref<1x40x128xf32, #tpu.memory_space<vmem>> -> memref<40x128xf32, #tpu.memory_space<vmem>>
    %dma_start3A_218 = arith.constant 0 : i32
    %dma_start3A_219 = tpu.memref_slice %arg15[%add3A_212, %dma_start3A_218] : memref<10000x128xf32, #tpu.memory_space<vmem_shared>> -> memref<40x128xf32, #tpu.memory_space<vmem_shared>>
    %dma_start3A_220 = arith.constant 0 : i32
    %dma_start3A_221 = tpu.memref_slice %arg15[%add3A_212, %dma_start3A_220] : memref<10000x128xf32, #tpu.memory_space<vmem_shared>> -> memref<40x128xf32, #tpu.memory_space<vmem_shared>>
    %dma_start3A_222 = arith.constant 0 : i32
    %dma_start3A_223 = arith.constant 0 : i32
    %dma_start3A_224 = tpu.memref_slice %arg7[%dma_start3A_213, %dma_start3A_222, %dma_start3A_223] : memref<5x40x128xf32, #tpu.memory_space<vmem>> -> memref<1x40x128xf32, #tpu.memory_space<vmem>>
    %dma_start3A_225 = tpu.memref_squeeze %dma_start3A_224 : memref<1x40x128xf32, #tpu.memory_space<vmem>> -> memref<40x128xf32, #tpu.memory_space<vmem>>
    tpu.enqueue_dma source(%dma_start3A_225 : memref<40x128xf32, #tpu.memory_space<vmem>>) target(%dma_start3A_221 : memref<40x128xf32, #tpu.memory_space<vmem_shared>>) target_semaphore(%arg14 : memref<!tpu.dma_semaphore, #tpu.memory_space<semaphore_mem>>)
    %add3A_226 = arith.constant 560 : i32
    %add3A_227 = arith.addi %mul3A_4, %add3A_226 : i32
    %dma_start3A_228 = arith.constant 0 : i32
    %dma_start3A_229 = arith.constant 0 : i32
    %dma_start3A_230 = arith.constant 0 : i32
    %dma_start3A_231 = tpu.memref_slice %arg7[%dma_start3A_228, %dma_start3A_229, %dma_start3A_230] : memref<5x40x128xf32, #tpu.memory_space<vmem>> -> memref<1x40x128xf32, #tpu.memory_space<vmem>>
    %dma_start3A_232 = tpu.memref_squeeze %dma_start3A_231 : memref<1x40x128xf32, #tpu.memory_space<vmem>> -> memref<40x128xf32, #tpu.memory_space<vmem>>
    %dma_start3A_233 = arith.constant 0 : i32
    %dma_start3A_234 = tpu.memref_slice %arg15[%add3A_227, %dma_start3A_233] : memref<10000x128xf32, #tpu.memory_space<vmem_shared>> -> memref<40x128xf32, #tpu.memory_space<vmem_shared>>
    %dma_start3A_235 = arith.constant 0 : i32
    %dma_start3A_236 = tpu.memref_slice %arg15[%add3A_227, %dma_start3A_235] : memref<10000x128xf32, #tpu.memory_space<vmem_shared>> -> memref<40x128xf32, #tpu.memory_space<vmem_shared>>
    %dma_start3A_237 = arith.constant 0 : i32
    %dma_start3A_238 = arith.constant 0 : i32
    %dma_start3A_239 = tpu.memref_slice %arg7[%dma_start3A_228, %dma_start3A_237, %dma_start3A_238] : memref<5x40x128xf32, #tpu.memory_space<vmem>> -> memref<1x40x128xf32, #tpu.memory_space<vmem>>
    %dma_start3A_240 = tpu.memref_squeeze %dma_start3A_239 : memref<1x40x128xf32, #tpu.memory_space<vmem>> -> memref<40x128xf32, #tpu.memory_space<vmem>>
    tpu.enqueue_dma source(%dma_start3A_240 : memref<40x128xf32, #tpu.memory_space<vmem>>) target(%dma_start3A_236 : memref<40x128xf32, #tpu.memory_space<vmem_shared>>) target_semaphore(%arg14 : memref<!tpu.dma_semaphore, #tpu.memory_space<semaphore_mem>>)
    %add3A_241 = arith.constant 600 : i32
    %add3A_242 = arith.addi %mul3A_4, %add3A_241 : i32
    %dma_start3A_243 = arith.constant 0 : i32
    %dma_start3A_244 = arith.constant 0 : i32
    %dma_start3A_245 = arith.constant 0 : i32
    %dma_start3A_246 = tpu.memref_slice %arg7[%dma_start3A_243, %dma_start3A_244, %dma_start3A_245] : memref<5x40x128xf32, #tpu.memory_space<vmem>> -> memref<1x25x128xf32, #tpu.memory_space<vmem>>
    %dma_start3A_247 = tpu.memref_squeeze %dma_start3A_246 : memref<1x25x128xf32, #tpu.memory_space<vmem>> -> memref<25x128xf32, #tpu.memory_space<vmem>>
    %dma_start3A_248 = arith.constant 0 : i32
    %dma_start3A_249 = tpu.memref_slice %arg15[%add3A_242, %dma_start3A_248] : memref<10000x128xf32, #tpu.memory_space<vmem_shared>> -> memref<25x128xf32, #tpu.memory_space<vmem_shared>>
    %dma_start3A_250 = arith.constant 0 : i32
    %dma_start3A_251 = tpu.memref_slice %arg15[%add3A_242, %dma_start3A_250] : memref<10000x128xf32, #tpu.memory_space<vmem_shared>> -> memref<25x128xf32, #tpu.memory_space<vmem_shared>>
    %dma_start3A_252 = arith.constant 0 : i32
    %dma_start3A_253 = arith.constant 0 : i32
    %dma_start3A_254 = tpu.memref_slice %arg7[%dma_start3A_243, %dma_start3A_252, %dma_start3A_253] : memref<5x40x128xf32, #tpu.memory_space<vmem>> -> memref<1x25x128xf32, #tpu.memory_space<vmem>>
    %dma_start3A_255 = tpu.memref_squeeze %dma_start3A_254 : memref<1x25x128xf32, #tpu.memory_space<vmem>> -> memref<25x128xf32, #tpu.memory_space<vmem>>
    tpu.enqueue_dma source(%dma_start3A_255 : memref<25x128xf32, #tpu.memory_space<vmem>>) target(%dma_start3A_251 : memref<25x128xf32, #tpu.memory_space<vmem_shared>>) target_semaphore(%arg14 : memref<!tpu.dma_semaphore, #tpu.memory_space<semaphore_mem>>)
    %add3A_256 = arith.constant 0 : i32
    %add3A_257 = arith.addi %mul3A_4, %add3A_256 : i32
    %dma_wait3A = arith.constant 0 : i32
    %dma_wait3A_258 = arith.constant 0 : i32
    %dma_wait3A_259 = arith.constant 0 : i32
    %dma_wait3A_260 = tpu.memref_slice %arg7[%dma_wait3A, %dma_wait3A_258, %dma_wait3A_259] : memref<5x40x128xf32, #tpu.memory_space<vmem>> -> memref<1x40x128xf32, #tpu.memory_space<vmem>>
    %dma_wait3A_261 = tpu.memref_squeeze %dma_wait3A_260 : memref<1x40x128xf32, #tpu.memory_space<vmem>> -> memref<40x128xf32, #tpu.memory_space<vmem>>
    %dma_wait3A_262 = arith.constant 0 : i32
    %dma_wait3A_263 = tpu.memref_slice %arg15[%add3A_257, %dma_wait3A_262] : memref<10000x128xf32, #tpu.memory_space<vmem_shared>> -> memref<40x128xf32, #tpu.memory_space<vmem_shared>>
    %dma_wait3A_264 = arith.constant 0 : i32
    %dma_wait3A_265 = tpu.memref_slice %arg15[%add3A_257, %dma_wait3A_264] : memref<10000x128xf32, #tpu.memory_space<vmem_shared>> -> memref<40x128xf32, #tpu.memory_space<vmem_shared>>
    %dma_wait3A_266 = arith.constant 0 : i32
    %dma_wait3A_267 = arith.constant 0 : i32
    %dma_wait3A_268 = tpu.memref_slice %arg7[%dma_wait3A, %dma_wait3A_266, %dma_wait3A_267] : memref<5x40x128xf32, #tpu.memory_space<vmem>> -> memref<1x40x128xf32, #tpu.memory_space<vmem>>
    %dma_wait3A_269 = tpu.memref_squeeze %dma_wait3A_268 : memref<1x40x128xf32, #tpu.memory_space<vmem>> -> memref<40x128xf32, #tpu.memory_space<vmem>>
    tpu.wait_dma2 semaphore(%arg14 : memref<!tpu.dma_semaphore, #tpu.memory_space<semaphore_mem>>) src(%dma_wait3A_269 : memref<40x128xf32, #tpu.memory_space<vmem>>) dst(%dma_wait3A_265 : memref<40x128xf32, #tpu.memory_space<vmem_shared>>)
    %add3A_270 = arith.constant 40 : i32
    %add3A_271 = arith.addi %mul3A_4, %add3A_270 : i32
    %dma_wait3A_272 = arith.constant 0 : i32
    %dma_wait3A_273 = arith.constant 0 : i32
    %dma_wait3A_274 = arith.constant 0 : i32
    %dma_wait3A_275 = tpu.memref_slice %arg7[%dma_wait3A_272, %dma_wait3A_273, %dma_wait3A_274] : memref<5x40x128xf32, #tpu.memory_space<vmem>> -> memref<1x40x128xf32, #tpu.memory_space<vmem>>
    %dma_wait3A_276 = tpu.memref_squeeze %dma_wait3A_275 : memref<1x40x128xf32, #tpu.memory_space<vmem>> -> memref<40x128xf32, #tpu.memory_space<vmem>>
    %dma_wait3A_277 = arith.constant 0 : i32
    %dma_wait3A_278 = tpu.memref_slice %arg15[%add3A_271, %dma_wait3A_277] : memref<10000x128xf32, #tpu.memory_space<vmem_shared>> -> memref<40x128xf32, #tpu.memory_space<vmem_shared>>
    %dma_wait3A_279 = arith.constant 0 : i32
    %dma_wait3A_280 = tpu.memref_slice %arg15[%add3A_271, %dma_wait3A_279] : memref<10000x128xf32, #tpu.memory_space<vmem_shared>> -> memref<40x128xf32, #tpu.memory_space<vmem_shared>>
    %dma_wait3A_281 = arith.constant 0 : i32
    %dma_wait3A_282 = arith.constant 0 : i32
    %dma_wait3A_283 = tpu.memref_slice %arg7[%dma_wait3A_272, %dma_wait3A_281, %dma_wait3A_282] : memref<5x40x128xf32, #tpu.memory_space<vmem>> -> memref<1x40x128xf32, #tpu.memory_space<vmem>>
    %dma_wait3A_284 = tpu.memref_squeeze %dma_wait3A_283 : memref<1x40x128xf32, #tpu.memory_space<vmem>> -> memref<40x128xf32, #tpu.memory_space<vmem>>
    tpu.wait_dma2 semaphore(%arg14 : memref<!tpu.dma_semaphore, #tpu.memory_space<semaphore_mem>>) src(%dma_wait3A_284 : memref<40x128xf32, #tpu.memory_space<vmem>>) dst(%dma_wait3A_280 : memref<40x128xf32, #tpu.memory_space<vmem_shared>>)
    %add3A_285 = arith.constant 80 : i32
    %add3A_286 = arith.addi %mul3A_4, %add3A_285 : i32
    %dma_wait3A_287 = arith.constant 0 : i32
    %dma_wait3A_288 = arith.constant 0 : i32
    %dma_wait3A_289 = arith.constant 0 : i32
    %dma_wait3A_290 = tpu.memref_slice %arg7[%dma_wait3A_287, %dma_wait3A_288, %dma_wait3A_289] : memref<5x40x128xf32, #tpu.memory_space<vmem>> -> memref<1x40x128xf32, #tpu.memory_space<vmem>>
    %dma_wait3A_291 = tpu.memref_squeeze %dma_wait3A_290 : memref<1x40x128xf32, #tpu.memory_space<vmem>> -> memref<40x128xf32, #tpu.memory_space<vmem>>
    %dma_wait3A_292 = arith.constant 0 : i32
    %dma_wait3A_293 = tpu.memref_slice %arg15[%add3A_286, %dma_wait3A_292] : memref<10000x128xf32, #tpu.memory_space<vmem_shared>> -> memref<40x128xf32, #tpu.memory_space<vmem_shared>>
    %dma_wait3A_294 = arith.constant 0 : i32
    %dma_wait3A_295 = tpu.memref_slice %arg15[%add3A_286, %dma_wait3A_294] : memref<10000x128xf32, #tpu.memory_space<vmem_shared>> -> memref<40x128xf32, #tpu.memory_space<vmem_shared>>
    %dma_wait3A_296 = arith.constant 0 : i32
    %dma_wait3A_297 = arith.constant 0 : i32
    %dma_wait3A_298 = tpu.memref_slice %arg7[%dma_wait3A_287, %dma_wait3A_296, %dma_wait3A_297] : memref<5x40x128xf32, #tpu.memory_space<vmem>> -> memref<1x40x128xf32, #tpu.memory_space<vmem>>
    %dma_wait3A_299 = tpu.memref_squeeze %dma_wait3A_298 : memref<1x40x128xf32, #tpu.memory_space<vmem>> -> memref<40x128xf32, #tpu.memory_space<vmem>>
    tpu.wait_dma2 semaphore(%arg14 : memref<!tpu.dma_semaphore, #tpu.memory_space<semaphore_mem>>) src(%dma_wait3A_299 : memref<40x128xf32, #tpu.memory_space<vmem>>) dst(%dma_wait3A_295 : memref<40x128xf32, #tpu.memory_space<vmem_shared>>)
    %add3A_300 = arith.constant 120 : i32
    %add3A_301 = arith.addi %mul3A_4, %add3A_300 : i32
    %dma_wait3A_302 = arith.constant 0 : i32
    %dma_wait3A_303 = arith.constant 0 : i32
    %dma_wait3A_304 = arith.constant 0 : i32
    %dma_wait3A_305 = tpu.memref_slice %arg7[%dma_wait3A_302, %dma_wait3A_303, %dma_wait3A_304] : memref<5x40x128xf32, #tpu.memory_space<vmem>> -> memref<1x40x128xf32, #tpu.memory_space<vmem>>
    %dma_wait3A_306 = tpu.memref_squeeze %dma_wait3A_305 : memref<1x40x128xf32, #tpu.memory_space<vmem>> -> memref<40x128xf32, #tpu.memory_space<vmem>>
    %dma_wait3A_307 = arith.constant 0 : i32
    %dma_wait3A_308 = tpu.memref_slice %arg15[%add3A_301, %dma_wait3A_307] : memref<10000x128xf32, #tpu.memory_space<vmem_shared>> -> memref<40x128xf32, #tpu.memory_space<vmem_shared>>
    %dma_wait3A_309 = arith.constant 0 : i32
    %dma_wait3A_310 = tpu.memref_slice %arg15[%add3A_301, %dma_wait3A_309] : memref<10000x128xf32, #tpu.memory_space<vmem_shared>> -> memref<40x128xf32, #tpu.memory_space<vmem_shared>>
    %dma_wait3A_311 = arith.constant 0 : i32
    %dma_wait3A_312 = arith.constant 0 : i32
    %dma_wait3A_313 = tpu.memref_slice %arg7[%dma_wait3A_302, %dma_wait3A_311, %dma_wait3A_312] : memref<5x40x128xf32, #tpu.memory_space<vmem>> -> memref<1x40x128xf32, #tpu.memory_space<vmem>>
    %dma_wait3A_314 = tpu.memref_squeeze %dma_wait3A_313 : memref<1x40x128xf32, #tpu.memory_space<vmem>> -> memref<40x128xf32, #tpu.memory_space<vmem>>
    tpu.wait_dma2 semaphore(%arg14 : memref<!tpu.dma_semaphore, #tpu.memory_space<semaphore_mem>>) src(%dma_wait3A_314 : memref<40x128xf32, #tpu.memory_space<vmem>>) dst(%dma_wait3A_310 : memref<40x128xf32, #tpu.memory_space<vmem_shared>>)
    %add3A_315 = arith.constant 160 : i32
    %add3A_316 = arith.addi %mul3A_4, %add3A_315 : i32
    %dma_wait3A_317 = arith.constant 0 : i32
    %dma_wait3A_318 = arith.constant 0 : i32
    %dma_wait3A_319 = arith.constant 0 : i32
    %dma_wait3A_320 = tpu.memref_slice %arg7[%dma_wait3A_317, %dma_wait3A_318, %dma_wait3A_319] : memref<5x40x128xf32, #tpu.memory_space<vmem>> -> memref<1x40x128xf32, #tpu.memory_space<vmem>>
    %dma_wait3A_321 = tpu.memref_squeeze %dma_wait3A_320 : memref<1x40x128xf32, #tpu.memory_space<vmem>> -> memref<40x128xf32, #tpu.memory_space<vmem>>
    %dma_wait3A_322 = arith.constant 0 : i32
    %dma_wait3A_323 = tpu.memref_slice %arg15[%add3A_316, %dma_wait3A_322] : memref<10000x128xf32, #tpu.memory_space<vmem_shared>> -> memref<40x128xf32, #tpu.memory_space<vmem_shared>>
    %dma_wait3A_324 = arith.constant 0 : i32
    %dma_wait3A_325 = tpu.memref_slice %arg15[%add3A_316, %dma_wait3A_324] : memref<10000x128xf32, #tpu.memory_space<vmem_shared>> -> memref<40x128xf32, #tpu.memory_space<vmem_shared>>
    %dma_wait3A_326 = arith.constant 0 : i32
    %dma_wait3A_327 = arith.constant 0 : i32
    %dma_wait3A_328 = tpu.memref_slice %arg7[%dma_wait3A_317, %dma_wait3A_326, %dma_wait3A_327] : memref<5x40x128xf32, #tpu.memory_space<vmem>> -> memref<1x40x128xf32, #tpu.memory_space<vmem>>
    %dma_wait3A_329 = tpu.memref_squeeze %dma_wait3A_328 : memref<1x40x128xf32, #tpu.memory_space<vmem>> -> memref<40x128xf32, #tpu.memory_space<vmem>>
    tpu.wait_dma2 semaphore(%arg14 : memref<!tpu.dma_semaphore, #tpu.memory_space<semaphore_mem>>) src(%dma_wait3A_329 : memref<40x128xf32, #tpu.memory_space<vmem>>) dst(%dma_wait3A_325 : memref<40x128xf32, #tpu.memory_space<vmem_shared>>)
    %add3A_330 = arith.constant 200 : i32
    %add3A_331 = arith.addi %mul3A_4, %add3A_330 : i32
    %dma_wait3A_332 = arith.constant 0 : i32
    %dma_wait3A_333 = arith.constant 0 : i32
    %dma_wait3A_334 = arith.constant 0 : i32
    %dma_wait3A_335 = tpu.memref_slice %arg7[%dma_wait3A_332, %dma_wait3A_333, %dma_wait3A_334] : memref<5x40x128xf32, #tpu.memory_space<vmem>> -> memref<1x40x128xf32, #tpu.memory_space<vmem>>
    %dma_wait3A_336 = tpu.memref_squeeze %dma_wait3A_335 : memref<1x40x128xf32, #tpu.memory_space<vmem>> -> memref<40x128xf32, #tpu.memory_space<vmem>>
    %dma_wait3A_337 = arith.constant 0 : i32
    %dma_wait3A_338 = tpu.memref_slice %arg15[%add3A_331, %dma_wait3A_337] : memref<10000x128xf32, #tpu.memory_space<vmem_shared>> -> memref<40x128xf32, #tpu.memory_space<vmem_shared>>
    %dma_wait3A_339 = arith.constant 0 : i32
    %dma_wait3A_340 = tpu.memref_slice %arg15[%add3A_331, %dma_wait3A_339] : memref<10000x128xf32, #tpu.memory_space<vmem_shared>> -> memref<40x128xf32, #tpu.memory_space<vmem_shared>>
    %dma_wait3A_341 = arith.constant 0 : i32
    %dma_wait3A_342 = arith.constant 0 : i32
    %dma_wait3A_343 = tpu.memref_slice %arg7[%dma_wait3A_332, %dma_wait3A_341, %dma_wait3A_342] : memref<5x40x128xf32, #tpu.memory_space<vmem>> -> memref<1x40x128xf32, #tpu.memory_space<vmem>>
    %dma_wait3A_344 = tpu.memref_squeeze %dma_wait3A_343 : memref<1x40x128xf32, #tpu.memory_space<vmem>> -> memref<40x128xf32, #tpu.memory_space<vmem>>
    tpu.wait_dma2 semaphore(%arg14 : memref<!tpu.dma_semaphore, #tpu.memory_space<semaphore_mem>>) src(%dma_wait3A_344 : memref<40x128xf32, #tpu.memory_space<vmem>>) dst(%dma_wait3A_340 : memref<40x128xf32, #tpu.memory_space<vmem_shared>>)
    %add3A_345 = arith.constant 240 : i32
    %add3A_346 = arith.addi %mul3A_4, %add3A_345 : i32
    %dma_wait3A_347 = arith.constant 0 : i32
    %dma_wait3A_348 = arith.constant 0 : i32
    %dma_wait3A_349 = arith.constant 0 : i32
    %dma_wait3A_350 = tpu.memref_slice %arg7[%dma_wait3A_347, %dma_wait3A_348, %dma_wait3A_349] : memref<5x40x128xf32, #tpu.memory_space<vmem>> -> memref<1x40x128xf32, #tpu.memory_space<vmem>>
    %dma_wait3A_351 = tpu.memref_squeeze %dma_wait3A_350 : memref<1x40x128xf32, #tpu.memory_space<vmem>> -> memref<40x128xf32, #tpu.memory_space<vmem>>
    %dma_wait3A_352 = arith.constant 0 : i32
    %dma_wait3A_353 = tpu.memref_slice %arg15[%add3A_346, %dma_wait3A_352] : memref<10000x128xf32, #tpu.memory_space<vmem_shared>> -> memref<40x128xf32, #tpu.memory_space<vmem_shared>>
    %dma_wait3A_354 = arith.constant 0 : i32
    %dma_wait3A_355 = tpu.memref_slice %arg15[%add3A_346, %dma_wait3A_354] : memref<10000x128xf32, #tpu.memory_space<vmem_shared>> -> memref<40x128xf32, #tpu.memory_space<vmem_shared>>
    %dma_wait3A_356 = arith.constant 0 : i32
    %dma_wait3A_357 = arith.constant 0 : i32
    %dma_wait3A_358 = tpu.memref_slice %arg7[%dma_wait3A_347, %dma_wait3A_356, %dma_wait3A_357] : memref<5x40x128xf32, #tpu.memory_space<vmem>> -> memref<1x40x128xf32, #tpu.memory_space<vmem>>
    %dma_wait3A_359 = tpu.memref_squeeze %dma_wait3A_358 : memref<1x40x128xf32, #tpu.memory_space<vmem>> -> memref<40x128xf32, #tpu.memory_space<vmem>>
    tpu.wait_dma2 semaphore(%arg14 : memref<!tpu.dma_semaphore, #tpu.memory_space<semaphore_mem>>) src(%dma_wait3A_359 : memref<40x128xf32, #tpu.memory_space<vmem>>) dst(%dma_wait3A_355 : memref<40x128xf32, #tpu.memory_space<vmem_shared>>)
    %add3A_360 = arith.constant 280 : i32
    %add3A_361 = arith.addi %mul3A_4, %add3A_360 : i32
    %dma_wait3A_362 = arith.constant 0 : i32
    %dma_wait3A_363 = arith.constant 0 : i32
    %dma_wait3A_364 = arith.constant 0 : i32
    %dma_wait3A_365 = tpu.memref_slice %arg7[%dma_wait3A_362, %dma_wait3A_363, %dma_wait3A_364] : memref<5x40x128xf32, #tpu.memory_space<vmem>> -> memref<1x40x128xf32, #tpu.memory_space<vmem>>
    %dma_wait3A_366 = tpu.memref_squeeze %dma_wait3A_365 : memref<1x40x128xf32, #tpu.memory_space<vmem>> -> memref<40x128xf32, #tpu.memory_space<vmem>>
    %dma_wait3A_367 = arith.constant 0 : i32
    %dma_wait3A_368 = tpu.memref_slice %arg15[%add3A_361, %dma_wait3A_367] : memref<10000x128xf32, #tpu.memory_space<vmem_shared>> -> memref<40x128xf32, #tpu.memory_space<vmem_shared>>
    %dma_wait3A_369 = arith.constant 0 : i32
    %dma_wait3A_370 = tpu.memref_slice %arg15[%add3A_361, %dma_wait3A_369] : memref<10000x128xf32, #tpu.memory_space<vmem_shared>> -> memref<40x128xf32, #tpu.memory_space<vmem_shared>>
    %dma_wait3A_371 = arith.constant 0 : i32
    %dma_wait3A_372 = arith.constant 0 : i32
    %dma_wait3A_373 = tpu.memref_slice %arg7[%dma_wait3A_362, %dma_wait3A_371, %dma_wait3A_372] : memref<5x40x128xf32, #tpu.memory_space<vmem>> -> memref<1x40x128xf32, #tpu.memory_space<vmem>>
    %dma_wait3A_374 = tpu.memref_squeeze %dma_wait3A_373 : memref<1x40x128xf32, #tpu.memory_space<vmem>> -> memref<40x128xf32, #tpu.memory_space<vmem>>
    tpu.wait_dma2 semaphore(%arg14 : memref<!tpu.dma_semaphore, #tpu.memory_space<semaphore_mem>>) src(%dma_wait3A_374 : memref<40x128xf32, #tpu.memory_space<vmem>>) dst(%dma_wait3A_370 : memref<40x128xf32, #tpu.memory_space<vmem_shared>>)
    %add3A_375 = arith.constant 320 : i32
    %add3A_376 = arith.addi %mul3A_4, %add3A_375 : i32
    %dma_wait3A_377 = arith.constant 0 : i32
    %dma_wait3A_378 = arith.constant 0 : i32
    %dma_wait3A_379 = arith.constant 0 : i32
    %dma_wait3A_380 = tpu.memref_slice %arg7[%dma_wait3A_377, %dma_wait3A_378, %dma_wait3A_379] : memref<5x40x128xf32, #tpu.memory_space<vmem>> -> memref<1x40x128xf32, #tpu.memory_space<vmem>>
    %dma_wait3A_381 = tpu.memref_squeeze %dma_wait3A_380 : memref<1x40x128xf32, #tpu.memory_space<vmem>> -> memref<40x128xf32, #tpu.memory_space<vmem>>
    %dma_wait3A_382 = arith.constant 0 : i32
    %dma_wait3A_383 = tpu.memref_slice %arg15[%add3A_376, %dma_wait3A_382] : memref<10000x128xf32, #tpu.memory_space<vmem_shared>> -> memref<40x128xf32, #tpu.memory_space<vmem_shared>>
    %dma_wait3A_384 = arith.constant 0 : i32
    %dma_wait3A_385 = tpu.memref_slice %arg15[%add3A_376, %dma_wait3A_384] : memref<10000x128xf32, #tpu.memory_space<vmem_shared>> -> memref<40x128xf32, #tpu.memory_space<vmem_shared>>
    %dma_wait3A_386 = arith.constant 0 : i32
    %dma_wait3A_387 = arith.constant 0 : i32
    %dma_wait3A_388 = tpu.memref_slice %arg7[%dma_wait3A_377, %dma_wait3A_386, %dma_wait3A_387] : memref<5x40x128xf32, #tpu.memory_space<vmem>> -> memref<1x40x128xf32, #tpu.memory_space<vmem>>
    %dma_wait3A_389 = tpu.memref_squeeze %dma_wait3A_388 : memref<1x40x128xf32, #tpu.memory_space<vmem>> -> memref<40x128xf32, #tpu.memory_space<vmem>>
    tpu.wait_dma2 semaphore(%arg14 : memref<!tpu.dma_semaphore, #tpu.memory_space<semaphore_mem>>) src(%dma_wait3A_389 : memref<40x128xf32, #tpu.memory_space<vmem>>) dst(%dma_wait3A_385 : memref<40x128xf32, #tpu.memory_space<vmem_shared>>)
    %add3A_390 = arith.constant 360 : i32
    %add3A_391 = arith.addi %mul3A_4, %add3A_390 : i32
    %dma_wait3A_392 = arith.constant 0 : i32
    %dma_wait3A_393 = arith.constant 0 : i32
    %dma_wait3A_394 = arith.constant 0 : i32
    %dma_wait3A_395 = tpu.memref_slice %arg7[%dma_wait3A_392, %dma_wait3A_393, %dma_wait3A_394] : memref<5x40x128xf32, #tpu.memory_space<vmem>> -> memref<1x40x128xf32, #tpu.memory_space<vmem>>
    %dma_wait3A_396 = tpu.memref_squeeze %dma_wait3A_395 : memref<1x40x128xf32, #tpu.memory_space<vmem>> -> memref<40x128xf32, #tpu.memory_space<vmem>>
    %dma_wait3A_397 = arith.constant 0 : i32
    %dma_wait3A_398 = tpu.memref_slice %arg15[%add3A_391, %dma_wait3A_397] : memref<10000x128xf32, #tpu.memory_space<vmem_shared>> -> memref<40x128xf32, #tpu.memory_space<vmem_shared>>
    %dma_wait3A_399 = arith.constant 0 : i32
    %dma_wait3A_400 = tpu.memref_slice %arg15[%add3A_391, %dma_wait3A_399] : memref<10000x128xf32, #tpu.memory_space<vmem_shared>> -> memref<40x128xf32, #tpu.memory_space<vmem_shared>>
    %dma_wait3A_401 = arith.constant 0 : i32
    %dma_wait3A_402 = arith.constant 0 : i32
    %dma_wait3A_403 = tpu.memref_slice %arg7[%dma_wait3A_392, %dma_wait3A_401, %dma_wait3A_402] : memref<5x40x128xf32, #tpu.memory_space<vmem>> -> memref<1x40x128xf32, #tpu.memory_space<vmem>>
    %dma_wait3A_404 = tpu.memref_squeeze %dma_wait3A_403 : memref<1x40x128xf32, #tpu.memory_space<vmem>> -> memref<40x128xf32, #tpu.memory_space<vmem>>
    tpu.wait_dma2 semaphore(%arg14 : memref<!tpu.dma_semaphore, #tpu.memory_space<semaphore_mem>>) src(%dma_wait3A_404 : memref<40x128xf32, #tpu.memory_space<vmem>>) dst(%dma_wait3A_400 : memref<40x128xf32, #tpu.memory_space<vmem_shared>>)
    %add3A_405 = arith.constant 400 : i32
    %add3A_406 = arith.addi %mul3A_4, %add3A_405 : i32
    %dma_wait3A_407 = arith.constant 0 : i32
    %dma_wait3A_408 = arith.constant 0 : i32
    %dma_wait3A_409 = arith.constant 0 : i32
    %dma_wait3A_410 = tpu.memref_slice %arg7[%dma_wait3A_407, %dma_wait3A_408, %dma_wait3A_409] : memref<5x40x128xf32, #tpu.memory_space<vmem>> -> memref<1x40x128xf32, #tpu.memory_space<vmem>>
    %dma_wait3A_411 = tpu.memref_squeeze %dma_wait3A_410 : memref<1x40x128xf32, #tpu.memory_space<vmem>> -> memref<40x128xf32, #tpu.memory_space<vmem>>
    %dma_wait3A_412 = arith.constant 0 : i32
    %dma_wait3A_413 = tpu.memref_slice %arg15[%add3A_406, %dma_wait3A_412] : memref<10000x128xf32, #tpu.memory_space<vmem_shared>> -> memref<40x128xf32, #tpu.memory_space<vmem_shared>>
    %dma_wait3A_414 = arith.constant 0 : i32
    %dma_wait3A_415 = tpu.memref_slice %arg15[%add3A_406, %dma_wait3A_414] : memref<10000x128xf32, #tpu.memory_space<vmem_shared>> -> memref<40x128xf32, #tpu.memory_space<vmem_shared>>
    %dma_wait3A_416 = arith.constant 0 : i32
    %dma_wait3A_417 = arith.constant 0 : i32
    %dma_wait3A_418 = tpu.memref_slice %arg7[%dma_wait3A_407, %dma_wait3A_416, %dma_wait3A_417] : memref<5x40x128xf32, #tpu.memory_space<vmem>> -> memref<1x40x128xf32, #tpu.memory_space<vmem>>
    %dma_wait3A_419 = tpu.memref_squeeze %dma_wait3A_418 : memref<1x40x128xf32, #tpu.memory_space<vmem>> -> memref<40x128xf32, #tpu.memory_space<vmem>>
    tpu.wait_dma2 semaphore(%arg14 : memref<!tpu.dma_semaphore, #tpu.memory_space<semaphore_mem>>) src(%dma_wait3A_419 : memref<40x128xf32, #tpu.memory_space<vmem>>) dst(%dma_wait3A_415 : memref<40x128xf32, #tpu.memory_space<vmem_shared>>)
    %add3A_420 = arith.constant 440 : i32
    %add3A_421 = arith.addi %mul3A_4, %add3A_420 : i32
    %dma_wait3A_422 = arith.constant 0 : i32
    %dma_wait3A_423 = arith.constant 0 : i32
    %dma_wait3A_424 = arith.constant 0 : i32
    %dma_wait3A_425 = tpu.memref_slice %arg7[%dma_wait3A_422, %dma_wait3A_423, %dma_wait3A_424] : memref<5x40x128xf32, #tpu.memory_space<vmem>> -> memref<1x40x128xf32, #tpu.memory_space<vmem>>
    %dma_wait3A_426 = tpu.memref_squeeze %dma_wait3A_425 : memref<1x40x128xf32, #tpu.memory_space<vmem>> -> memref<40x128xf32, #tpu.memory_space<vmem>>
    %dma_wait3A_427 = arith.constant 0 : i32
    %dma_wait3A_428 = tpu.memref_slice %arg15[%add3A_421, %dma_wait3A_427] : memref<10000x128xf32, #tpu.memory_space<vmem_shared>> -> memref<40x128xf32, #tpu.memory_space<vmem_shared>>
    %dma_wait3A_429 = arith.constant 0 : i32
    %dma_wait3A_430 = tpu.memref_slice %arg15[%add3A_421, %dma_wait3A_429] : memref<10000x128xf32, #tpu.memory_space<vmem_shared>> -> memref<40x128xf32, #tpu.memory_space<vmem_shared>>
    %dma_wait3A_431 = arith.constant 0 : i32
    %dma_wait3A_432 = arith.constant 0 : i32
    %dma_wait3A_433 = tpu.memref_slice %arg7[%dma_wait3A_422, %dma_wait3A_431, %dma_wait3A_432] : memref<5x40x128xf32, #tpu.memory_space<vmem>> -> memref<1x40x128xf32, #tpu.memory_space<vmem>>
    %dma_wait3A_434 = tpu.memref_squeeze %dma_wait3A_433 : memref<1x40x128xf32, #tpu.memory_space<vmem>> -> memref<40x128xf32, #tpu.memory_space<vmem>>
    tpu.wait_dma2 semaphore(%arg14 : memref<!tpu.dma_semaphore, #tpu.memory_space<semaphore_mem>>) src(%dma_wait3A_434 : memref<40x128xf32, #tpu.memory_space<vmem>>) dst(%dma_wait3A_430 : memref<40x128xf32, #tpu.memory_space<vmem_shared>>)
    %add3A_435 = arith.constant 480 : i32
    %add3A_436 = arith.addi %mul3A_4, %add3A_435 : i32
    %dma_wait3A_437 = arith.constant 0 : i32
    %dma_wait3A_438 = arith.constant 0 : i32
    %dma_wait3A_439 = arith.constant 0 : i32
    %dma_wait3A_440 = tpu.memref_slice %arg7[%dma_wait3A_437, %dma_wait3A_438, %dma_wait3A_439] : memref<5x40x128xf32, #tpu.memory_space<vmem>> -> memref<1x40x128xf32, #tpu.memory_space<vmem>>
    %dma_wait3A_441 = tpu.memref_squeeze %dma_wait3A_440 : memref<1x40x128xf32, #tpu.memory_space<vmem>> -> memref<40x128xf32, #tpu.memory_space<vmem>>
    %dma_wait3A_442 = arith.constant 0 : i32
    %dma_wait3A_443 = tpu.memref_slice %arg15[%add3A_436, %dma_wait3A_442] : memref<10000x128xf32, #tpu.memory_space<vmem_shared>> -> memref<40x128xf32, #tpu.memory_space<vmem_shared>>
    %dma_wait3A_444 = arith.constant 0 : i32
    %dma_wait3A_445 = tpu.memref_slice %arg15[%add3A_436, %dma_wait3A_444] : memref<10000x128xf32, #tpu.memory_space<vmem_shared>> -> memref<40x128xf32, #tpu.memory_space<vmem_shared>>
    %dma_wait3A_446 = arith.constant 0 : i32
    %dma_wait3A_447 = arith.constant 0 : i32
    %dma_wait3A_448 = tpu.memref_slice %arg7[%dma_wait3A_437, %dma_wait3A_446, %dma_wait3A_447] : memref<5x40x128xf32, #tpu.memory_space<vmem>> -> memref<1x40x128xf32, #tpu.memory_space<vmem>>
    %dma_wait3A_449 = tpu.memref_squeeze %dma_wait3A_448 : memref<1x40x128xf32, #tpu.memory_space<vmem>> -> memref<40x128xf32, #tpu.memory_space<vmem>>
    tpu.wait_dma2 semaphore(%arg14 : memref<!tpu.dma_semaphore, #tpu.memory_space<semaphore_mem>>) src(%dma_wait3A_449 : memref<40x128xf32, #tpu.memory_space<vmem>>) dst(%dma_wait3A_445 : memref<40x128xf32, #tpu.memory_space<vmem_shared>>)
    %add3A_450 = arith.constant 520 : i32
    %add3A_451 = arith.addi %mul3A_4, %add3A_450 : i32
    %dma_wait3A_452 = arith.constant 0 : i32
    %dma_wait3A_453 = arith.constant 0 : i32
    %dma_wait3A_454 = arith.constant 0 : i32
    %dma_wait3A_455 = tpu.memref_slice %arg7[%dma_wait3A_452, %dma_wait3A_453, %dma_wait3A_454] : memref<5x40x128xf32, #tpu.memory_space<vmem>> -> memref<1x40x128xf32, #tpu.memory_space<vmem>>
    %dma_wait3A_456 = tpu.memref_squeeze %dma_wait3A_455 : memref<1x40x128xf32, #tpu.memory_space<vmem>> -> memref<40x128xf32, #tpu.memory_space<vmem>>
    %dma_wait3A_457 = arith.constant 0 : i32
    %dma_wait3A_458 = tpu.memref_slice %arg15[%add3A_451, %dma_wait3A_457] : memref<10000x128xf32, #tpu.memory_space<vmem_shared>> -> memref<40x128xf32, #tpu.memory_space<vmem_shared>>
    %dma_wait3A_459 = arith.constant 0 : i32
    %dma_wait3A_460 = tpu.memref_slice %arg15[%add3A_451, %dma_wait3A_459] : memref<10000x128xf32, #tpu.memory_space<vmem_shared>> -> memref<40x128xf32, #tpu.memory_space<vmem_shared>>
    %dma_wait3A_461 = arith.constant 0 : i32
    %dma_wait3A_462 = arith.constant 0 : i32
    %dma_wait3A_463 = tpu.memref_slice %arg7[%dma_wait3A_452, %dma_wait3A_461, %dma_wait3A_462] : memref<5x40x128xf32, #tpu.memory_space<vmem>> -> memref<1x40x128xf32, #tpu.memory_space<vmem>>
    %dma_wait3A_464 = tpu.memref_squeeze %dma_wait3A_463 : memref<1x40x128xf32, #tpu.memory_space<vmem>> -> memref<40x128xf32, #tpu.memory_space<vmem>>
    tpu.wait_dma2 semaphore(%arg14 : memref<!tpu.dma_semaphore, #tpu.memory_space<semaphore_mem>>) src(%dma_wait3A_464 : memref<40x128xf32, #tpu.memory_space<vmem>>) dst(%dma_wait3A_460 : memref<40x128xf32, #tpu.memory_space<vmem_shared>>)
    %add3A_465 = arith.constant 560 : i32
    %add3A_466 = arith.addi %mul3A_4, %add3A_465 : i32
    %dma_wait3A_467 = arith.constant 0 : i32
    %dma_wait3A_468 = arith.constant 0 : i32
    %dma_wait3A_469 = arith.constant 0 : i32
    %dma_wait3A_470 = tpu.memref_slice %arg7[%dma_wait3A_467, %dma_wait3A_468, %dma_wait3A_469] : memref<5x40x128xf32, #tpu.memory_space<vmem>> -> memref<1x40x128xf32, #tpu.memory_space<vmem>>
    %dma_wait3A_471 = tpu.memref_squeeze %dma_wait3A_470 : memref<1x40x128xf32, #tpu.memory_space<vmem>> -> memref<40x128xf32, #tpu.memory_space<vmem>>
    %dma_wait3A_472 = arith.constant 0 : i32
    %dma_wait3A_473 = tpu.memref_slice %arg15[%add3A_466, %dma_wait3A_472] : memref<10000x128xf32, #tpu.memory_space<vmem_shared>> -> memref<40x128xf32, #tpu.memory_space<vmem_shared>>
    %dma_wait3A_474 = arith.constant 0 : i32
    %dma_wait3A_475 = tpu.memref_slice %arg15[%add3A_466, %dma_wait3A_474] : memref<10000x128xf32, #tpu.memory_space<vmem_shared>> -> memref<40x128xf32, #tpu.memory_space<vmem_shared>>
    %dma_wait3A_476 = arith.constant 0 : i32
    %dma_wait3A_477 = arith.constant 0 : i32
    %dma_wait3A_478 = tpu.memref_slice %arg7[%dma_wait3A_467, %dma_wait3A_476, %dma_wait3A_477] : memref<5x40x128xf32, #tpu.memory_space<vmem>> -> memref<1x40x128xf32, #tpu.memory_space<vmem>>
    %dma_wait3A_479 = tpu.memref_squeeze %dma_wait3A_478 : memref<1x40x128xf32, #tpu.memory_space<vmem>> -> memref<40x128xf32, #tpu.memory_space<vmem>>
    tpu.wait_dma2 semaphore(%arg14 : memref<!tpu.dma_semaphore, #tpu.memory_space<semaphore_mem>>) src(%dma_wait3A_479 : memref<40x128xf32, #tpu.memory_space<vmem>>) dst(%dma_wait3A_475 : memref<40x128xf32, #tpu.memory_space<vmem_shared>>)
    %add3A_480 = arith.constant 600 : i32
    %add3A_481 = arith.addi %mul3A_4, %add3A_480 : i32
    %dma_wait3A_482 = arith.constant 0 : i32
    %dma_wait3A_483 = arith.constant 0 : i32
    %dma_wait3A_484 = arith.constant 0 : i32
    %dma_wait3A_485 = tpu.memref_slice %arg7[%dma_wait3A_482, %dma_wait3A_483, %dma_wait3A_484] : memref<5x40x128xf32, #tpu.memory_space<vmem>> -> memref<1x25x128xf32, #tpu.memory_space<vmem>>
    %dma_wait3A_486 = tpu.memref_squeeze %dma_wait3A_485 : memref<1x25x128xf32, #tpu.memory_space<vmem>> -> memref<25x128xf32, #tpu.memory_space<vmem>>
    %dma_wait3A_487 = arith.constant 0 : i32
    %dma_wait3A_488 = tpu.memref_slice %arg15[%add3A_481, %dma_wait3A_487] : memref<10000x128xf32, #tpu.memory_space<vmem_shared>> -> memref<25x128xf32, #tpu.memory_space<vmem_shared>>
    %dma_wait3A_489 = arith.constant 0 : i32
    %dma_wait3A_490 = tpu.memref_slice %arg15[%add3A_481, %dma_wait3A_489] : memref<10000x128xf32, #tpu.memory_space<vmem_shared>> -> memref<25x128xf32, #tpu.memory_space<vmem_shared>>
    %dma_wait3A_491 = arith.constant 0 : i32
    %dma_wait3A_492 = arith.constant 0 : i32
    %dma_wait3A_493 = tpu.memref_slice %arg7[%dma_wait3A_482, %dma_wait3A_491, %dma_wait3A_492] : memref<5x40x128xf32, #tpu.memory_space<vmem>> -> memref<1x25x128xf32, #tpu.memory_space<vmem>>
    %dma_wait3A_494 = tpu.memref_squeeze %dma_wait3A_493 : memref<1x25x128xf32, #tpu.memory_space<vmem>> -> memref<25x128xf32, #tpu.memory_space<vmem>>
    tpu.wait_dma2 semaphore(%arg14 : memref<!tpu.dma_semaphore, #tpu.memory_space<semaphore_mem>>) src(%dma_wait3A_494 : memref<25x128xf32, #tpu.memory_space<vmem>>) dst(%dma_wait3A_490 : memref<25x128xf32, #tpu.memory_space<vmem_shared>>)
    %scan3A_495 = arith.constant 0 : i32
    %scan3A_496 = arith.constant 0 : i32
    %scan3A_497 = arith.constant 250 : i32
    %scan3A_498 = arith.addi %scan3A_496, %scan3A_497 : i32
    %scan3A_499 = arith.constant 1 : i32
    scf.for %scan3A_618 = %scan3A_496 to %scan3A_498 step %scan3A_499  : i32 {
      %mul3A_619 = arith.constant 40 : i32
      %mul3A_620 = arith.muli %scan3A_618, %mul3A_619 : i32
      %add3A_621 = arith.addi %mul3A_2, %mul3A_620 : i32
      %dma_wait3A_622 = arith.constant 1 : i32
      %dma_wait3A_623 = arith.constant 0 : i32
      %dma_wait3A_624 = tpu.memref_slice %arg6[%scan3A_618, %dma_wait3A_623] : memref<250x40xi32, #tpu.memory_space<vmem>> -> memref<1x40xi32, #tpu.memory_space<vmem>>
      %dma_wait3A_625 = tpu.memref_squeeze %dma_wait3A_624 : memref<1x40xi32, #tpu.memory_space<vmem>> -> memref<40xi32, #tpu.memory_space<vmem>>
      %dma_wait3A_626 = tpu.memref_slice %arg3[%dma_wait3A_622, %add3A_621] : memref<2x320000xi32, #tpu.memory_space<hbm>> -> memref<1x40xi32, #tpu.memory_space<hbm>>
      %dma_wait3A_627 = tpu.memref_squeeze %dma_wait3A_626 : memref<1x40xi32, #tpu.memory_space<hbm>> -> memref<40xi32, #tpu.memory_space<hbm>>
      %dma_wait3A_628 = arith.constant 0 : i32
      %dma_wait3A_629 = tpu.memref_slice %arg6[%scan3A_618, %dma_wait3A_628] : memref<250x40xi32, #tpu.memory_space<vmem>> -> memref<1x40xi32, #tpu.memory_space<vmem>>
      %dma_wait3A_630 = tpu.memref_squeeze %dma_wait3A_629 : memref<1x40xi32, #tpu.memory_space<vmem>> -> memref<40xi32, #tpu.memory_space<vmem>>
      %dma_wait3A_631 = tpu.memref_slice %arg3[%dma_wait3A_622, %add3A_621] : memref<2x320000xi32, #tpu.memory_space<hbm>> -> memref<1x40xi32, #tpu.memory_space<hbm>>
      %dma_wait3A_632 = tpu.memref_squeeze %dma_wait3A_631 : memref<1x40xi32, #tpu.memory_space<hbm>> -> memref<40xi32, #tpu.memory_space<hbm>>
      tpu.wait_dma2 semaphore(%arg13 : memref<!tpu.dma_semaphore, #tpu.memory_space<semaphore_mem>>) src(%dma_wait3A_632 : memref<40xi32, #tpu.memory_space<hbm>>) dst(%dma_wait3A_630 : memref<40xi32, #tpu.memory_space<vmem>>)
    }
    %scan3A_500 = arith.constant 250 : i32
    %barrier3A = arith.constant 0 : index
    tpu.barrier barrier_id(%barrier3A)
    %dma_start3A_501 = arith.constant 0 : i32
    %dma_start3A_502 = arith.constant 0 : i32
    %dma_start3A_503 = arith.constant 0 : i32
    %dma_start3A_504 = tpu.memref_slice %arg7[%dma_start3A_501, %dma_start3A_502, %dma_start3A_503] : memref<5x40x128xf32, #tpu.memory_space<vmem>> -> memref<1x40x128xf32, #tpu.memory_space<vmem>>
    %dma_start3A_505 = tpu.memref_squeeze %dma_start3A_504 : memref<1x40x128xf32, #tpu.memory_space<vmem>> -> memref<40x128xf32, #tpu.memory_space<vmem>>
    %dma_start3A_506 = arith.constant 0 : i32
    %dma_start3A_507 = tpu.memref_slice %arg5[%dma_start3A_506] : memref<10000xi32, #tpu.memory_space<vmem>> -> memref<40xi32, #tpu.memory_space<vmem>>
    %dma_start3A_508 = arith.constant 0 : i32
    %dma_start3A_509 = arith.constant 0 : i32
    %dma_start3A_510 = tpu.memref_slice %arg2[%dma_start3A_508, %dma_start3A_509] : memref<10000x128xf32, #tpu.memory_space<hbm>> -> memref<10000x128xf32, #tpu.memory_space<hbm>>
    tpu.enqueue_indirect_dma source(%dma_start3A_510 : memref<10000x128xf32, #tpu.memory_space<hbm>>) target(%dma_start3A_505 : memref<40x128xf32, #tpu.memory_space<vmem>>) offsets(%dma_start3A_507 : memref<40xi32, #tpu.memory_space<vmem>>) semaphore(%arg8 : memref<!tpu.dma_semaphore, #tpu.memory_space<semaphore_mem>>)
    %dma_start3A_511 = arith.constant 1 : i32
    %dma_start3A_512 = arith.constant 0 : i32
    %dma_start3A_513 = arith.constant 0 : i32
    %dma_start3A_514 = tpu.memref_slice %arg7[%dma_start3A_511, %dma_start3A_512, %dma_start3A_513] : memref<5x40x128xf32, #tpu.memory_space<vmem>> -> memref<1x40x128xf32, #tpu.memory_space<vmem>>
    %dma_start3A_515 = tpu.memref_squeeze %dma_start3A_514 : memref<1x40x128xf32, #tpu.memory_space<vmem>> -> memref<40x128xf32, #tpu.memory_space<vmem>>
    %dma_start3A_516 = arith.constant 40 : i32
    %dma_start3A_517 = tpu.memref_slice %arg5[%dma_start3A_516] : memref<10000xi32, #tpu.memory_space<vmem>> -> memref<40xi32, #tpu.memory_space<vmem>>
    %dma_start3A_518 = arith.constant 0 : i32
    %dma_start3A_519 = arith.constant 0 : i32
    %dma_start3A_520 = tpu.memref_slice %arg2[%dma_start3A_518, %dma_start3A_519] : memref<10000x128xf32, #tpu.memory_space<hbm>> -> memref<10000x128xf32, #tpu.memory_space<hbm>>
    tpu.enqueue_indirect_dma source(%dma_start3A_520 : memref<10000x128xf32, #tpu.memory_space<hbm>>) target(%dma_start3A_515 : memref<40x128xf32, #tpu.memory_space<vmem>>) offsets(%dma_start3A_517 : memref<40xi32, #tpu.memory_space<vmem>>) semaphore(%arg9 : memref<!tpu.dma_semaphore, #tpu.memory_space<semaphore_mem>>)
    %dma_start3A_521 = arith.constant 2 : i32
    %dma_start3A_522 = arith.constant 0 : i32
    %dma_start3A_523 = arith.constant 0 : i32
    %dma_start3A_524 = tpu.memref_slice %arg7[%dma_start3A_521, %dma_start3A_522, %dma_start3A_523] : memref<5x40x128xf32, #tpu.memory_space<vmem>> -> memref<1x40x128xf32, #tpu.memory_space<vmem>>
    %dma_start3A_525 = tpu.memref_squeeze %dma_start3A_524 : memref<1x40x128xf32, #tpu.memory_space<vmem>> -> memref<40x128xf32, #tpu.memory_space<vmem>>
    %dma_start3A_526 = arith.constant 80 : i32
    %dma_start3A_527 = tpu.memref_slice %arg5[%dma_start3A_526] : memref<10000xi32, #tpu.memory_space<vmem>> -> memref<40xi32, #tpu.memory_space<vmem>>
    %dma_start3A_528 = arith.constant 0 : i32
    %dma_start3A_529 = arith.constant 0 : i32
    %dma_start3A_530 = tpu.memref_slice %arg2[%dma_start3A_528, %dma_start3A_529] : memref<10000x128xf32, #tpu.memory_space<hbm>> -> memref<10000x128xf32, #tpu.memory_space<hbm>>
    tpu.enqueue_indirect_dma source(%dma_start3A_530 : memref<10000x128xf32, #tpu.memory_space<hbm>>) target(%dma_start3A_525 : memref<40x128xf32, #tpu.memory_space<vmem>>) offsets(%dma_start3A_527 : memref<40xi32, #tpu.memory_space<vmem>>) semaphore(%arg10 : memref<!tpu.dma_semaphore, #tpu.memory_space<semaphore_mem>>)
    %dma_start3A_531 = arith.constant 3 : i32
    %dma_start3A_532 = arith.constant 0 : i32
    %dma_start3A_533 = arith.constant 0 : i32
    %dma_start3A_534 = tpu.memref_slice %arg7[%dma_start3A_531, %dma_start3A_532, %dma_start3A_533] : memref<5x40x128xf32, #tpu.memory_space<vmem>> -> memref<1x40x128xf32, #tpu.memory_space<vmem>>
    %dma_start3A_535 = tpu.memref_squeeze %dma_start3A_534 : memref<1x40x128xf32, #tpu.memory_space<vmem>> -> memref<40x128xf32, #tpu.memory_space<vmem>>
    %dma_start3A_536 = arith.constant 120 : i32
    %dma_start3A_537 = tpu.memref_slice %arg5[%dma_start3A_536] : memref<10000xi32, #tpu.memory_space<vmem>> -> memref<40xi32, #tpu.memory_space<vmem>>
    %dma_start3A_538 = arith.constant 0 : i32
    %dma_start3A_539 = arith.constant 0 : i32
    %dma_start3A_540 = tpu.memref_slice %arg2[%dma_start3A_538, %dma_start3A_539] : memref<10000x128xf32, #tpu.memory_space<hbm>> -> memref<10000x128xf32, #tpu.memory_space<hbm>>
    tpu.enqueue_indirect_dma source(%dma_start3A_540 : memref<10000x128xf32, #tpu.memory_space<hbm>>) target(%dma_start3A_535 : memref<40x128xf32, #tpu.memory_space<vmem>>) offsets(%dma_start3A_537 : memref<40xi32, #tpu.memory_space<vmem>>) semaphore(%arg11 : memref<!tpu.dma_semaphore, #tpu.memory_space<semaphore_mem>>)
    %dma_start3A_541 = arith.constant 4 : i32
    %dma_start3A_542 = arith.constant 0 : i32
    %dma_start3A_543 = arith.constant 0 : i32
    %dma_start3A_544 = tpu.memref_slice %arg7[%dma_start3A_541, %dma_start3A_542, %dma_start3A_543] : memref<5x40x128xf32, #tpu.memory_space<vmem>> -> memref<1x40x128xf32, #tpu.memory_space<vmem>>
    %dma_start3A_545 = tpu.memref_squeeze %dma_start3A_544 : memref<1x40x128xf32, #tpu.memory_space<vmem>> -> memref<40x128xf32, #tpu.memory_space<vmem>>
    %dma_start3A_546 = arith.constant 160 : i32
    %dma_start3A_547 = tpu.memref_slice %arg5[%dma_start3A_546] : memref<10000xi32, #tpu.memory_space<vmem>> -> memref<40xi32, #tpu.memory_space<vmem>>
    %dma_start3A_548 = arith.constant 0 : i32
    %dma_start3A_549 = arith.constant 0 : i32
    %dma_start3A_550 = tpu.memref_slice %arg2[%dma_start3A_548, %dma_start3A_549] : memref<10000x128xf32, #tpu.memory_space<hbm>> -> memref<10000x128xf32, #tpu.memory_space<hbm>>
    tpu.enqueue_indirect_dma source(%dma_start3A_550 : memref<10000x128xf32, #tpu.memory_space<hbm>>) target(%dma_start3A_545 : memref<40x128xf32, #tpu.memory_space<vmem>>) offsets(%dma_start3A_547 : memref<40xi32, #tpu.memory_space<vmem>>) semaphore(%arg12 : memref<!tpu.dma_semaphore, #tpu.memory_space<semaphore_mem>>)
    %scan3A_551 = arith.constant 0 : i32
    %scan3A_552 = arith.constant 0 : i32
    %scan3A_553 = arith.constant 49 : i32
    %scan3A_554 = arith.addi %scan3A_552, %scan3A_553 : i32
    %scan3A_555 = arith.constant 1 : i32
    scf.for %scan3A_618 = %scan3A_552 to %scan3A_554 step %scan3A_555  : i32 {
      %mul3A_619 = arith.constant 5 : i32
      %mul3A_620 = arith.muli %scan3A_618, %mul3A_619 : i32
      %add3A_621 = arith.constant 0 : i32
      %add3A_622 = arith.addi %mul3A_620, %add3A_621 : i32
      %mul3A_623 = arith.constant 40 : i32
      %mul3A_624 = arith.muli %add3A_622, %mul3A_623 : i32
      %dma_wait3A_625 = arith.constant 0 : i32
      %dma_wait3A_626 = arith.constant 0 : i32
      %dma_wait3A_627 = arith.constant 0 : i32
      %dma_wait3A_628 = tpu.memref_slice %arg7[%dma_wait3A_625, %dma_wait3A_626, %dma_wait3A_627] : memref<5x40x128xf32, #tpu.memory_space<vmem>> -> memref<1x40x128xf32, #tpu.memory_space<vmem>>
      %dma_wait3A_629 = tpu.memref_squeeze %dma_wait3A_628 : memref<1x40x128xf32, #tpu.memory_space<vmem>> -> memref<40x128xf32, #tpu.memory_space<vmem>>
      %dma_wait3A_630 = tpu.memref_slice %arg5[%mul3A_624] : memref<10000xi32, #tpu.memory_space<vmem>> -> memref<40xi32, #tpu.memory_space<vmem>>
      %dma_wait3A_631 = arith.constant 0 : i32
      %dma_wait3A_632 = arith.constant 0 : i32
      %dma_wait3A_633 = tpu.memref_slice %arg2[%dma_wait3A_631, %dma_wait3A_632] : memref<10000x128xf32, #tpu.memory_space<hbm>> -> memref<10000x128xf32, #tpu.memory_space<hbm>>
      tpu.wait_indirect_dma semaphore(%arg8 : memref<!tpu.dma_semaphore, #tpu.memory_space<semaphore_mem>>) src(%dma_wait3A_633 : memref<10000x128xf32, #tpu.memory_space<hbm>>) dst(%dma_wait3A_629 : memref<40x128xf32, #tpu.memory_space<vmem>>)
      %run_scoped3A_634 = arith.constant 0 : i32
      "tpu.region"() ({
        %run_scoped3A_764 = tpu.sem_alloc : memref<!tpu.dma_semaphore, #tpu.memory_space<semaphore_mem>>
        %dma_start3A_765 = arith.constant 0 : i32
        %dma_start3A_766 = arith.constant 0 : i32
        %dma_start3A_767 = tpu.memref_slice %arg7[%run_scoped3A_634, %dma_start3A_765, %dma_start3A_766] : memref<5x40x128xf32, #tpu.memory_space<vmem>> -> memref<1x40x128xf32, #tpu.memory_space<vmem>>
        %dma_start3A_768 = tpu.memref_squeeze %dma_start3A_767 : memref<1x40x128xf32, #tpu.memory_space<vmem>> -> memref<40x128xf32, #tpu.memory_space<vmem>>
        %dma_start3A_769 = arith.constant 0 : i32
        %dma_start3A_770 = tpu.memref_slice %arg6[%add3A_622, %dma_start3A_769] : memref<250x40xi32, #tpu.memory_space<vmem>> -> memref<1x40xi32, #tpu.memory_space<vmem>>
        %dma_start3A_771 = tpu.memref_squeeze %dma_start3A_770 : memref<1x40xi32, #tpu.memory_space<vmem>> -> memref<40xi32, #tpu.memory_space<vmem>>
        %dma_start3A_772 = arith.constant 0 : i32
        %dma_start3A_773 = arith.constant 0 : i32
        %dma_start3A_774 = tpu.memref_slice %arg15[%dma_start3A_772, %dma_start3A_773] : memref<10000x128xf32, #tpu.memory_space<vmem_shared>> -> memref<10000x128xf32, #tpu.memory_space<vmem_shared>>
        tpu.enqueue_indirect_dma source(%dma_start3A_768 : memref<40x128xf32, #tpu.memory_space<vmem>>) target(%dma_start3A_774 : memref<10000x128xf32, #tpu.memory_space<vmem_shared>>) offsets(%dma_start3A_771 : memref<40xi32, #tpu.memory_space<vmem>>) semaphore(%run_scoped3A_764 : memref<!tpu.dma_semaphore, #tpu.memory_space<semaphore_mem>>) {add = true}
        %dma_wait3A_775 = arith.constant 0 : i32
        %dma_wait3A_776 = arith.constant 0 : i32
        %dma_wait3A_777 = tpu.memref_slice %arg7[%run_scoped3A_634, %dma_wait3A_775, %dma_wait3A_776] : memref<5x40x128xf32, #tpu.memory_space<vmem>> -> memref<1x40x128xf32, #tpu.memory_space<vmem>>
        %dma_wait3A_778 = tpu.memref_squeeze %dma_wait3A_777 : memref<1x40x128xf32, #tpu.memory_space<vmem>> -> memref<40x128xf32, #tpu.memory_space<vmem>>
        %dma_wait3A_779 = arith.constant 0 : i32
        %dma_wait3A_780 = tpu.memref_slice %arg6[%add3A_622, %dma_wait3A_779] : memref<250x40xi32, #tpu.memory_space<vmem>> -> memref<1x40xi32, #tpu.memory_space<vmem>>
        %dma_wait3A_781 = tpu.memref_squeeze %dma_wait3A_780 : memref<1x40xi32, #tpu.memory_space<vmem>> -> memref<40xi32, #tpu.memory_space<vmem>>
        %dma_wait3A_782 = arith.constant 0 : i32
        %dma_wait3A_783 = arith.constant 0 : i32
        %dma_wait3A_784 = tpu.memref_slice %arg15[%dma_wait3A_782, %dma_wait3A_783] : memref<10000x128xf32, #tpu.memory_space<vmem_shared>> -> memref<10000x128xf32, #tpu.memory_space<vmem_shared>>
        tpu.wait_indirect_dma semaphore(%run_scoped3A_764 : memref<!tpu.dma_semaphore, #tpu.memory_space<semaphore_mem>>) src(%dma_wait3A_778 : memref<40x128xf32, #tpu.memory_space<vmem>>) dst(%dma_wait3A_784 : memref<10000x128xf32, #tpu.memory_space<vmem_shared>>)
        tpu.yield
      }) : () -> ()
      %add3A_635 = arith.constant 5 : i32
      %add3A_636 = arith.addi %add3A_622, %add3A_635 : i32
      %mul3A_637 = arith.constant 40 : i32
      %mul3A_638 = arith.muli %add3A_636, %mul3A_637 : i32
      %dma_start3A_639 = arith.constant 0 : i32
      %dma_start3A_640 = arith.constant 0 : i32
      %dma_start3A_641 = arith.constant 0 : i32
      %dma_start3A_642 = tpu.memref_slice %arg7[%dma_start3A_639, %dma_start3A_640, %dma_start3A_641] : memref<5x40x128xf32, #tpu.memory_space<vmem>> -> memref<1x40x128xf32, #tpu.memory_space<vmem>>
      %dma_start3A_643 = tpu.memref_squeeze %dma_start3A_642 : memref<1x40x128xf32, #tpu.memory_space<vmem>> -> memref<40x128xf32, #tpu.memory_space<vmem>>
      %dma_start3A_644 = tpu.memref_slice %arg5[%mul3A_638] : memref<10000xi32, #tpu.memory_space<vmem>> -> memref<40xi32, #tpu.memory_space<vmem>>
      %dma_start3A_645 = arith.constant 0 : i32
      %dma_start3A_646 = arith.constant 0 : i32
      %dma_start3A_647 = tpu.memref_slice %arg2[%dma_start3A_645, %dma_start3A_646] : memref<10000x128xf32, #tpu.memory_space<hbm>> -> memref<10000x128xf32, #tpu.memory_space<hbm>>
      tpu.enqueue_indirect_dma source(%dma_start3A_647 : memref<10000x128xf32, #tpu.memory_space<hbm>>) target(%dma_start3A_643 : memref<40x128xf32, #tpu.memory_space<vmem>>) offsets(%dma_start3A_644 : memref<40xi32, #tpu.memory_space<vmem>>) semaphore(%arg8 : memref<!tpu.dma_semaphore, #tpu.memory_space<semaphore_mem>>)
      %mul3A_648 = arith.constant 5 : i32
      %mul3A_649 = arith.muli %scan3A_618, %mul3A_648 : i32
      %add3A_650 = arith.constant 1 : i32
      %add3A_651 = arith.addi %mul3A_649, %add3A_650 : i32
      %mul3A_652 = arith.constant 40 : i32
      %mul3A_653 = arith.muli %add3A_651, %mul3A_652 : i32
      %dma_wait3A_654 = arith.constant 1 : i32
      %dma_wait3A_655 = arith.constant 0 : i32
      %dma_wait3A_656 = arith.constant 0 : i32
      %dma_wait3A_657 = tpu.memref_slice %arg7[%dma_wait3A_654, %dma_wait3A_655, %dma_wait3A_656] : memref<5x40x128xf32, #tpu.memory_space<vmem>> -> memref<1x40x128xf32, #tpu.memory_space<vmem>>
      %dma_wait3A_658 = tpu.memref_squeeze %dma_wait3A_657 : memref<1x40x128xf32, #tpu.memory_space<vmem>> -> memref<40x128xf32, #tpu.memory_space<vmem>>
      %dma_wait3A_659 = tpu.memref_slice %arg5[%mul3A_653] : memref<10000xi32, #tpu.memory_space<vmem>> -> memref<40xi32, #tpu.memory_space<vmem>>
      %dma_wait3A_660 = arith.constant 0 : i32
      %dma_wait3A_661 = arith.constant 0 : i32
      %dma_wait3A_662 = tpu.memref_slice %arg2[%dma_wait3A_660, %dma_wait3A_661] : memref<10000x128xf32, #tpu.memory_space<hbm>> -> memref<10000x128xf32, #tpu.memory_space<hbm>>
      tpu.wait_indirect_dma semaphore(%arg9 : memref<!tpu.dma_semaphore, #tpu.memory_space<semaphore_mem>>) src(%dma_wait3A_662 : memref<10000x128xf32, #tpu.memory_space<hbm>>) dst(%dma_wait3A_658 : memref<40x128xf32, #tpu.memory_space<vmem>>)
      %run_scoped3A_663 = arith.constant 1 : i32
      "tpu.region"() ({
        %run_scoped3A_764 = tpu.sem_alloc : memref<!tpu.dma_semaphore, #tpu.memory_space<semaphore_mem>>
        %dma_start3A_765 = arith.constant 0 : i32
        %dma_start3A_766 = arith.constant 0 : i32
        %dma_start3A_767 = tpu.memref_slice %arg7[%run_scoped3A_663, %dma_start3A_765, %dma_start3A_766] : memref<5x40x128xf32, #tpu.memory_space<vmem>> -> memref<1x40x128xf32, #tpu.memory_space<vmem>>
        %dma_start3A_768 = tpu.memref_squeeze %dma_start3A_767 : memref<1x40x128xf32, #tpu.memory_space<vmem>> -> memref<40x128xf32, #tpu.memory_space<vmem>>
        %dma_start3A_769 = arith.constant 0 : i32
        %dma_start3A_770 = tpu.memref_slice %arg6[%add3A_651, %dma_start3A_769] : memref<250x40xi32, #tpu.memory_space<vmem>> -> memref<1x40xi32, #tpu.memory_space<vmem>>
        %dma_start3A_771 = tpu.memref_squeeze %dma_start3A_770 : memref<1x40xi32, #tpu.memory_space<vmem>> -> memref<40xi32, #tpu.memory_space<vmem>>
        %dma_start3A_772 = arith.constant 0 : i32
        %dma_start3A_773 = arith.constant 0 : i32
        %dma_start3A_774 = tpu.memref_slice %arg15[%dma_start3A_772, %dma_start3A_773] : memref<10000x128xf32, #tpu.memory_space<vmem_shared>> -> memref<10000x128xf32, #tpu.memory_space<vmem_shared>>
        tpu.enqueue_indirect_dma source(%dma_start3A_768 : memref<40x128xf32, #tpu.memory_space<vmem>>) target(%dma_start3A_774 : memref<10000x128xf32, #tpu.memory_space<vmem_shared>>) offsets(%dma_start3A_771 : memref<40xi32, #tpu.memory_space<vmem>>) semaphore(%run_scoped3A_764 : memref<!tpu.dma_semaphore, #tpu.memory_space<semaphore_mem>>) {add = true}
        %dma_wait3A_775 = arith.constant 0 : i32
        %dma_wait3A_776 = arith.constant 0 : i32
        %dma_wait3A_777 = tpu.memref_slice %arg7[%run_scoped3A_663, %dma_wait3A_775, %dma_wait3A_776] : memref<5x40x128xf32, #tpu.memory_space<vmem>> -> memref<1x40x128xf32, #tpu.memory_space<vmem>>
        %dma_wait3A_778 = tpu.memref_squeeze %dma_wait3A_777 : memref<1x40x128xf32, #tpu.memory_space<vmem>> -> memref<40x128xf32, #tpu.memory_space<vmem>>
        %dma_wait3A_779 = arith.constant 0 : i32
        %dma_wait3A_780 = tpu.memref_slice %arg6[%add3A_651, %dma_wait3A_779] : memref<250x40xi32, #tpu.memory_space<vmem>> -> memref<1x40xi32, #tpu.memory_space<vmem>>
        %dma_wait3A_781 = tpu.memref_squeeze %dma_wait3A_780 : memref<1x40xi32, #tpu.memory_space<vmem>> -> memref<40xi32, #tpu.memory_space<vmem>>
        %dma_wait3A_782 = arith.constant 0 : i32
        %dma_wait3A_783 = arith.constant 0 : i32
        %dma_wait3A_784 = tpu.memref_slice %arg15[%dma_wait3A_782, %dma_wait3A_783] : memref<10000x128xf32, #tpu.memory_space<vmem_shared>> -> memref<10000x128xf32, #tpu.memory_space<vmem_shared>>
        tpu.wait_indirect_dma semaphore(%run_scoped3A_764 : memref<!tpu.dma_semaphore, #tpu.memory_space<semaphore_mem>>) src(%dma_wait3A_778 : memref<40x128xf32, #tpu.memory_space<vmem>>) dst(%dma_wait3A_784 : memref<10000x128xf32, #tpu.memory_space<vmem_shared>>)
        tpu.yield
      }) : () -> ()
      %add3A_664 = arith.constant 5 : i32
      %add3A_665 = arith.addi %add3A_651, %add3A_664 : i32
      %mul3A_666 = arith.constant 40 : i32
      %mul3A_667 = arith.muli %add3A_665, %mul3A_666 : i32
      %dma_start3A_668 = arith.constant 1 : i32
      %dma_start3A_669 = arith.constant 0 : i32
      %dma_start3A_670 = arith.constant 0 : i32
      %dma_start3A_671 = tpu.memref_slice %arg7[%dma_start3A_668, %dma_start3A_669, %dma_start3A_670] : memref<5x40x128xf32, #tpu.memory_space<vmem>> -> memref<1x40x128xf32, #tpu.memory_space<vmem>>
      %dma_start3A_672 = tpu.memref_squeeze %dma_start3A_671 : memref<1x40x128xf32, #tpu.memory_space<vmem>> -> memref<40x128xf32, #tpu.memory_space<vmem>>
      %dma_start3A_673 = tpu.memref_slice %arg5[%mul3A_667] : memref<10000xi32, #tpu.memory_space<vmem>> -> memref<40xi32, #tpu.memory_space<vmem>>
      %dma_start3A_674 = arith.constant 0 : i32
      %dma_start3A_675 = arith.constant 0 : i32
      %dma_start3A_676 = tpu.memref_slice %arg2[%dma_start3A_674, %dma_start3A_675] : memref<10000x128xf32, #tpu.memory_space<hbm>> -> memref<10000x128xf32, #tpu.memory_space<hbm>>
      tpu.enqueue_indirect_dma source(%dma_start3A_676 : memref<10000x128xf32, #tpu.memory_space<hbm>>) target(%dma_start3A_672 : memref<40x128xf32, #tpu.memory_space<vmem>>) offsets(%dma_start3A_673 : memref<40xi32, #tpu.memory_space<vmem>>) semaphore(%arg9 : memref<!tpu.dma_semaphore, #tpu.memory_space<semaphore_mem>>)
      %mul3A_677 = arith.constant 5 : i32
      %mul3A_678 = arith.muli %scan3A_618, %mul3A_677 : i32
      %add3A_679 = arith.constant 2 : i32
      %add3A_680 = arith.addi %mul3A_678, %add3A_679 : i32
      %mul3A_681 = arith.constant 40 : i32
      %mul3A_682 = arith.muli %add3A_680, %mul3A_681 : i32
      %dma_wait3A_683 = arith.constant 2 : i32
      %dma_wait3A_684 = arith.constant 0 : i32
      %dma_wait3A_685 = arith.constant 0 : i32
      %dma_wait3A_686 = tpu.memref_slice %arg7[%dma_wait3A_683, %dma_wait3A_684, %dma_wait3A_685] : memref<5x40x128xf32, #tpu.memory_space<vmem>> -> memref<1x40x128xf32, #tpu.memory_space<vmem>>
      %dma_wait3A_687 = tpu.memref_squeeze %dma_wait3A_686 : memref<1x40x128xf32, #tpu.memory_space<vmem>> -> memref<40x128xf32, #tpu.memory_space<vmem>>
      %dma_wait3A_688 = tpu.memref_slice %arg5[%mul3A_682] : memref<10000xi32, #tpu.memory_space<vmem>> -> memref<40xi32, #tpu.memory_space<vmem>>
      %dma_wait3A_689 = arith.constant 0 : i32
      %dma_wait3A_690 = arith.constant 0 : i32
      %dma_wait3A_691 = tpu.memref_slice %arg2[%dma_wait3A_689, %dma_wait3A_690] : memref<10000x128xf32, #tpu.memory_space<hbm>> -> memref<10000x128xf32, #tpu.memory_space<hbm>>
      tpu.wait_indirect_dma semaphore(%arg10 : memref<!tpu.dma_semaphore, #tpu.memory_space<semaphore_mem>>) src(%dma_wait3A_691 : memref<10000x128xf32, #tpu.memory_space<hbm>>) dst(%dma_wait3A_687 : memref<40x128xf32, #tpu.memory_space<vmem>>)
      %run_scoped3A_692 = arith.constant 2 : i32
      "tpu.region"() ({
        %run_scoped3A_764 = tpu.sem_alloc : memref<!tpu.dma_semaphore, #tpu.memory_space<semaphore_mem>>
        %dma_start3A_765 = arith.constant 0 : i32
        %dma_start3A_766 = arith.constant 0 : i32
        %dma_start3A_767 = tpu.memref_slice %arg7[%run_scoped3A_692, %dma_start3A_765, %dma_start3A_766] : memref<5x40x128xf32, #tpu.memory_space<vmem>> -> memref<1x40x128xf32, #tpu.memory_space<vmem>>
        %dma_start3A_768 = tpu.memref_squeeze %dma_start3A_767 : memref<1x40x128xf32, #tpu.memory_space<vmem>> -> memref<40x128xf32, #tpu.memory_space<vmem>>
        %dma_start3A_769 = arith.constant 0 : i32
        %dma_start3A_770 = tpu.memref_slice %arg6[%add3A_680, %dma_start3A_769] : memref<250x40xi32, #tpu.memory_space<vmem>> -> memref<1x40xi32, #tpu.memory_space<vmem>>
        %dma_start3A_771 = tpu.memref_squeeze %dma_start3A_770 : memref<1x40xi32, #tpu.memory_space<vmem>> -> memref<40xi32, #tpu.memory_space<vmem>>
        %dma_start3A_772 = arith.constant 0 : i32
        %dma_start3A_773 = arith.constant 0 : i32
        %dma_start3A_774 = tpu.memref_slice %arg15[%dma_start3A_772, %dma_start3A_773] : memref<10000x128xf32, #tpu.memory_space<vmem_shared>> -> memref<10000x128xf32, #tpu.memory_space<vmem_shared>>
        tpu.enqueue_indirect_dma source(%dma_start3A_768 : memref<40x128xf32, #tpu.memory_space<vmem>>) target(%dma_start3A_774 : memref<10000x128xf32, #tpu.memory_space<vmem_shared>>) offsets(%dma_start3A_771 : memref<40xi32, #tpu.memory_space<vmem>>) semaphore(%run_scoped3A_764 : memref<!tpu.dma_semaphore, #tpu.memory_space<semaphore_mem>>) {add = true}
        %dma_wait3A_775 = arith.constant 0 : i32
        %dma_wait3A_776 = arith.constant 0 : i32
        %dma_wait3A_777 = tpu.memref_slice %arg7[%run_scoped3A_692, %dma_wait3A_775, %dma_wait3A_776] : memref<5x40x128xf32, #tpu.memory_space<vmem>> -> memref<1x40x128xf32, #tpu.memory_space<vmem>>
        %dma_wait3A_778 = tpu.memref_squeeze %dma_wait3A_777 : memref<1x40x128xf32, #tpu.memory_space<vmem>> -> memref<40x128xf32, #tpu.memory_space<vmem>>
        %dma_wait3A_779 = arith.constant 0 : i32
        %dma_wait3A_780 = tpu.memref_slice %arg6[%add3A_680, %dma_wait3A_779] : memref<250x40xi32, #tpu.memory_space<vmem>> -> memref<1x40xi32, #tpu.memory_space<vmem>>
        %dma_wait3A_781 = tpu.memref_squeeze %dma_wait3A_780 : memref<1x40xi32, #tpu.memory_space<vmem>> -> memref<40xi32, #tpu.memory_space<vmem>>
        %dma_wait3A_782 = arith.constant 0 : i32
        %dma_wait3A_783 = arith.constant 0 : i32
        %dma_wait3A_784 = tpu.memref_slice %arg15[%dma_wait3A_782, %dma_wait3A_783] : memref<10000x128xf32, #tpu.memory_space<vmem_shared>> -> memref<10000x128xf32, #tpu.memory_space<vmem_shared>>
        tpu.wait_indirect_dma semaphore(%run_scoped3A_764 : memref<!tpu.dma_semaphore, #tpu.memory_space<semaphore_mem>>) src(%dma_wait3A_778 : memref<40x128xf32, #tpu.memory_space<vmem>>) dst(%dma_wait3A_784 : memref<10000x128xf32, #tpu.memory_space<vmem_shared>>)
        tpu.yield
      }) : () -> ()
      %add3A_693 = arith.constant 5 : i32
      %add3A_694 = arith.addi %add3A_680, %add3A_693 : i32
      %mul3A_695 = arith.constant 40 : i32
      %mul3A_696 = arith.muli %add3A_694, %mul3A_695 : i32
      %dma_start3A_697 = arith.constant 2 : i32
      %dma_start3A_698 = arith.constant 0 : i32
      %dma_start3A_699 = arith.constant 0 : i32
      %dma_start3A_700 = tpu.memref_slice %arg7[%dma_start3A_697, %dma_start3A_698, %dma_start3A_699] : memref<5x40x128xf32, #tpu.memory_space<vmem>> -> memref<1x40x128xf32, #tpu.memory_space<vmem>>
      %dma_start3A_701 = tpu.memref_squeeze %dma_start3A_700 : memref<1x40x128xf32, #tpu.memory_space<vmem>> -> memref<40x128xf32, #tpu.memory_space<vmem>>
      %dma_start3A_702 = tpu.memref_slice %arg5[%mul3A_696] : memref<10000xi32, #tpu.memory_space<vmem>> -> memref<40xi32, #tpu.memory_space<vmem>>
      %dma_start3A_703 = arith.constant 0 : i32
      %dma_start3A_704 = arith.constant 0 : i32
      %dma_start3A_705 = tpu.memref_slice %arg2[%dma_start3A_703, %dma_start3A_704] : memref<10000x128xf32, #tpu.memory_space<hbm>> -> memref<10000x128xf32, #tpu.memory_space<hbm>>
      tpu.enqueue_indirect_dma source(%dma_start3A_705 : memref<10000x128xf32, #tpu.memory_space<hbm>>) target(%dma_start3A_701 : memref<40x128xf32, #tpu.memory_space<vmem>>) offsets(%dma_start3A_702 : memref<40xi32, #tpu.memory_space<vmem>>) semaphore(%arg10 : memref<!tpu.dma_semaphore, #tpu.memory_space<semaphore_mem>>)
      %mul3A_706 = arith.constant 5 : i32
      %mul3A_707 = arith.muli %scan3A_618, %mul3A_706 : i32
      %add3A_708 = arith.constant 3 : i32
      %add3A_709 = arith.addi %mul3A_707, %add3A_708 : i32
      %mul3A_710 = arith.constant 40 : i32
      %mul3A_711 = arith.muli %add3A_709, %mul3A_710 : i32
      %dma_wait3A_712 = arith.constant 3 : i32
      %dma_wait3A_713 = arith.constant 0 : i32
      %dma_wait3A_714 = arith.constant 0 : i32
      %dma_wait3A_715 = tpu.memref_slice %arg7[%dma_wait3A_712, %dma_wait3A_713, %dma_wait3A_714] : memref<5x40x128xf32, #tpu.memory_space<vmem>> -> memref<1x40x128xf32, #tpu.memory_space<vmem>>
      %dma_wait3A_716 = tpu.memref_squeeze %dma_wait3A_715 : memref<1x40x128xf32, #tpu.memory_space<vmem>> -> memref<40x128xf32, #tpu.memory_space<vmem>>
      %dma_wait3A_717 = tpu.memref_slice %arg5[%mul3A_711] : memref<10000xi32, #tpu.memory_space<vmem>> -> memref<40xi32, #tpu.memory_space<vmem>>
      %dma_wait3A_718 = arith.constant 0 : i32
      %dma_wait3A_719 = arith.constant 0 : i32
      %dma_wait3A_720 = tpu.memref_slice %arg2[%dma_wait3A_718, %dma_wait3A_719] : memref<10000x128xf32, #tpu.memory_space<hbm>> -> memref<10000x128xf32, #tpu.memory_space<hbm>>
      tpu.wait_indirect_dma semaphore(%arg11 : memref<!tpu.dma_semaphore, #tpu.memory_space<semaphore_mem>>) src(%dma_wait3A_720 : memref<10000x128xf32, #tpu.memory_space<hbm>>) dst(%dma_wait3A_716 : memref<40x128xf32, #tpu.memory_space<vmem>>)
      %run_scoped3A_721 = arith.constant 3 : i32
      "tpu.region"() ({
        %run_scoped3A_764 = tpu.sem_alloc : memref<!tpu.dma_semaphore, #tpu.memory_space<semaphore_mem>>
        %dma_start3A_765 = arith.constant 0 : i32
        %dma_start3A_766 = arith.constant 0 : i32
        %dma_start3A_767 = tpu.memref_slice %arg7[%run_scoped3A_721, %dma_start3A_765, %dma_start3A_766] : memref<5x40x128xf32, #tpu.memory_space<vmem>> -> memref<1x40x128xf32, #tpu.memory_space<vmem>>
        %dma_start3A_768 = tpu.memref_squeeze %dma_start3A_767 : memref<1x40x128xf32, #tpu.memory_space<vmem>> -> memref<40x128xf32, #tpu.memory_space<vmem>>
        %dma_start3A_769 = arith.constant 0 : i32
        %dma_start3A_770 = tpu.memref_slice %arg6[%add3A_709, %dma_start3A_769] : memref<250x40xi32, #tpu.memory_space<vmem>> -> memref<1x40xi32, #tpu.memory_space<vmem>>
        %dma_start3A_771 = tpu.memref_squeeze %dma_start3A_770 : memref<1x40xi32, #tpu.memory_space<vmem>> -> memref<40xi32, #tpu.memory_space<vmem>>
        %dma_start3A_772 = arith.constant 0 : i32
        %dma_start3A_773 = arith.constant 0 : i32
        %dma_start3A_774 = tpu.memref_slice %arg15[%dma_start3A_772, %dma_start3A_773] : memref<10000x128xf32, #tpu.memory_space<vmem_shared>> -> memref<10000x128xf32, #tpu.memory_space<vmem_shared>>
        tpu.enqueue_indirect_dma source(%dma_start3A_768 : memref<40x128xf32, #tpu.memory_space<vmem>>) target(%dma_start3A_774 : memref<10000x128xf32, #tpu.memory_space<vmem_shared>>) offsets(%dma_start3A_771 : memref<40xi32, #tpu.memory_space<vmem>>) semaphore(%run_scoped3A_764 : memref<!tpu.dma_semaphore, #tpu.memory_space<semaphore_mem>>) {add = true}
        %dma_wait3A_775 = arith.constant 0 : i32
        %dma_wait3A_776 = arith.constant 0 : i32
        %dma_wait3A_777 = tpu.memref_slice %arg7[%run_scoped3A_721, %dma_wait3A_775, %dma_wait3A_776] : memref<5x40x128xf32, #tpu.memory_space<vmem>> -> memref<1x40x128xf32, #tpu.memory_space<vmem>>
        %dma_wait3A_778 = tpu.memref_squeeze %dma_wait3A_777 : memref<1x40x128xf32, #tpu.memory_space<vmem>> -> memref<40x128xf32, #tpu.memory_space<vmem>>
        %dma_wait3A_779 = arith.constant 0 : i32
        %dma_wait3A_780 = tpu.memref_slice %arg6[%add3A_709, %dma_wait3A_779] : memref<250x40xi32, #tpu.memory_space<vmem>> -> memref<1x40xi32, #tpu.memory_space<vmem>>
        %dma_wait3A_781 = tpu.memref_squeeze %dma_wait3A_780 : memref<1x40xi32, #tpu.memory_space<vmem>> -> memref<40xi32, #tpu.memory_space<vmem>>
        %dma_wait3A_782 = arith.constant 0 : i32
        %dma_wait3A_783 = arith.constant 0 : i32
        %dma_wait3A_784 = tpu.memref_slice %arg15[%dma_wait3A_782, %dma_wait3A_783] : memref<10000x128xf32, #tpu.memory_space<vmem_shared>> -> memref<10000x128xf32, #tpu.memory_space<vmem_shared>>
        tpu.wait_indirect_dma semaphore(%run_scoped3A_764 : memref<!tpu.dma_semaphore, #tpu.memory_space<semaphore_mem>>) src(%dma_wait3A_778 : memref<40x128xf32, #tpu.memory_space<vmem>>) dst(%dma_wait3A_784 : memref<10000x128xf32, #tpu.memory_space<vmem_shared>>)
        tpu.yield
      }) : () -> ()
      %add3A_722 = arith.constant 5 : i32
      %add3A_723 = arith.addi %add3A_709, %add3A_722 : i32
      %mul3A_724 = arith.constant 40 : i32
      %mul3A_725 = arith.muli %add3A_723, %mul3A_724 : i32
      %dma_start3A_726 = arith.constant 3 : i32
      %dma_start3A_727 = arith.constant 0 : i32
      %dma_start3A_728 = arith.constant 0 : i32
      %dma_start3A_729 = tpu.memref_slice %arg7[%dma_start3A_726, %dma_start3A_727, %dma_start3A_728] : memref<5x40x128xf32, #tpu.memory_space<vmem>> -> memref<1x40x128xf32, #tpu.memory_space<vmem>>
      %dma_start3A_730 = tpu.memref_squeeze %dma_start3A_729 : memref<1x40x128xf32, #tpu.memory_space<vmem>> -> memref<40x128xf32, #tpu.memory_space<vmem>>
      %dma_start3A_731 = tpu.memref_slice %arg5[%mul3A_725] : memref<10000xi32, #tpu.memory_space<vmem>> -> memref<40xi32, #tpu.memory_space<vmem>>
      %dma_start3A_732 = arith.constant 0 : i32
      %dma_start3A_733 = arith.constant 0 : i32
      %dma_start3A_734 = tpu.memref_slice %arg2[%dma_start3A_732, %dma_start3A_733] : memref<10000x128xf32, #tpu.memory_space<hbm>> -> memref<10000x128xf32, #tpu.memory_space<hbm>>
      tpu.enqueue_indirect_dma source(%dma_start3A_734 : memref<10000x128xf32, #tpu.memory_space<hbm>>) target(%dma_start3A_730 : memref<40x128xf32, #tpu.memory_space<vmem>>) offsets(%dma_start3A_731 : memref<40xi32, #tpu.memory_space<vmem>>) semaphore(%arg11 : memref<!tpu.dma_semaphore, #tpu.memory_space<semaphore_mem>>)
      %mul3A_735 = arith.constant 5 : i32
      %mul3A_736 = arith.muli %scan3A_618, %mul3A_735 : i32
      %add3A_737 = arith.constant 4 : i32
      %add3A_738 = arith.addi %mul3A_736, %add3A_737 : i32
      %mul3A_739 = arith.constant 40 : i32
      %mul3A_740 = arith.muli %add3A_738, %mul3A_739 : i32
      %dma_wait3A_741 = arith.constant 4 : i32
      %dma_wait3A_742 = arith.constant 0 : i32
      %dma_wait3A_743 = arith.constant 0 : i32
      %dma_wait3A_744 = tpu.memref_slice %arg7[%dma_wait3A_741, %dma_wait3A_742, %dma_wait3A_743] : memref<5x40x128xf32, #tpu.memory_space<vmem>> -> memref<1x40x128xf32, #tpu.memory_space<vmem>>
      %dma_wait3A_745 = tpu.memref_squeeze %dma_wait3A_744 : memref<1x40x128xf32, #tpu.memory_space<vmem>> -> memref<40x128xf32, #tpu.memory_space<vmem>>
      %dma_wait3A_746 = tpu.memref_slice %arg5[%mul3A_740] : memref<10000xi32, #tpu.memory_space<vmem>> -> memref<40xi32, #tpu.memory_space<vmem>>
      %dma_wait3A_747 = arith.constant 0 : i32
      %dma_wait3A_748 = arith.constant 0 : i32
      %dma_wait3A_749 = tpu.memref_slice %arg2[%dma_wait3A_747, %dma_wait3A_748] : memref<10000x128xf32, #tpu.memory_space<hbm>> -> memref<10000x128xf32, #tpu.memory_space<hbm>>
      tpu.wait_indirect_dma semaphore(%arg12 : memref<!tpu.dma_semaphore, #tpu.memory_space<semaphore_mem>>) src(%dma_wait3A_749 : memref<10000x128xf32, #tpu.memory_space<hbm>>) dst(%dma_wait3A_745 : memref<40x128xf32, #tpu.memory_space<vmem>>)
      %run_scoped3A_750 = arith.constant 4 : i32
      "tpu.region"() ({
        %run_scoped3A_764 = tpu.sem_alloc : memref<!tpu.dma_semaphore, #tpu.memory_space<semaphore_mem>>
        %dma_start3A_765 = arith.constant 0 : i32
        %dma_start3A_766 = arith.constant 0 : i32
        %dma_start3A_767 = tpu.memref_slice %arg7[%run_scoped3A_750, %dma_start3A_765, %dma_start3A_766] : memref<5x40x128xf32, #tpu.memory_space<vmem>> -> memref<1x40x128xf32, #tpu.memory_space<vmem>>
        %dma_start3A_768 = tpu.memref_squeeze %dma_start3A_767 : memref<1x40x128xf32, #tpu.memory_space<vmem>> -> memref<40x128xf32, #tpu.memory_space<vmem>>
        %dma_start3A_769 = arith.constant 0 : i32
        %dma_start3A_770 = tpu.memref_slice %arg6[%add3A_738, %dma_start3A_769] : memref<250x40xi32, #tpu.memory_space<vmem>> -> memref<1x40xi32, #tpu.memory_space<vmem>>
        %dma_start3A_771 = tpu.memref_squeeze %dma_start3A_770 : memref<1x40xi32, #tpu.memory_space<vmem>> -> memref<40xi32, #tpu.memory_space<vmem>>
        %dma_start3A_772 = arith.constant 0 : i32
        %dma_start3A_773 = arith.constant 0 : i32
        %dma_start3A_774 = tpu.memref_slice %arg15[%dma_start3A_772, %dma_start3A_773] : memref<10000x128xf32, #tpu.memory_space<vmem_shared>> -> memref<10000x128xf32, #tpu.memory_space<vmem_shared>>
        tpu.enqueue_indirect_dma source(%dma_start3A_768 : memref<40x128xf32, #tpu.memory_space<vmem>>) target(%dma_start3A_774 : memref<10000x128xf32, #tpu.memory_space<vmem_shared>>) offsets(%dma_start3A_771 : memref<40xi32, #tpu.memory_space<vmem>>) semaphore(%run_scoped3A_764 : memref<!tpu.dma_semaphore, #tpu.memory_space<semaphore_mem>>) {add = true}
        %dma_wait3A_775 = arith.constant 0 : i32
        %dma_wait3A_776 = arith.constant 0 : i32
        %dma_wait3A_777 = tpu.memref_slice %arg7[%run_scoped3A_750, %dma_wait3A_775, %dma_wait3A_776] : memref<5x40x128xf32, #tpu.memory_space<vmem>> -> memref<1x40x128xf32, #tpu.memory_space<vmem>>
        %dma_wait3A_778 = tpu.memref_squeeze %dma_wait3A_777 : memref<1x40x128xf32, #tpu.memory_space<vmem>> -> memref<40x128xf32, #tpu.memory_space<vmem>>
        %dma_wait3A_779 = arith.constant 0 : i32
        %dma_wait3A_780 = tpu.memref_slice %arg6[%add3A_738, %dma_wait3A_779] : memref<250x40xi32, #tpu.memory_space<vmem>> -> memref<1x40xi32, #tpu.memory_space<vmem>>
        %dma_wait3A_781 = tpu.memref_squeeze %dma_wait3A_780 : memref<1x40xi32, #tpu.memory_space<vmem>> -> memref<40xi32, #tpu.memory_space<vmem>>
        %dma_wait3A_782 = arith.constant 0 : i32
        %dma_wait3A_783 = arith.constant 0 : i32
        %dma_wait3A_784 = tpu.memref_slice %arg15[%dma_wait3A_782, %dma_wait3A_783] : memref<10000x128xf32, #tpu.memory_space<vmem_shared>> -> memref<10000x128xf32, #tpu.memory_space<vmem_shared>>
        tpu.wait_indirect_dma semaphore(%run_scoped3A_764 : memref<!tpu.dma_semaphore, #tpu.memory_space<semaphore_mem>>) src(%dma_wait3A_778 : memref<40x128xf32, #tpu.memory_space<vmem>>) dst(%dma_wait3A_784 : memref<10000x128xf32, #tpu.memory_space<vmem_shared>>)
        tpu.yield
      }) : () -> ()
      %add3A_751 = arith.constant 5 : i32
      %add3A_752 = arith.addi %add3A_738, %add3A_751 : i32
      %mul3A_753 = arith.constant 40 : i32
      %mul3A_754 = arith.muli %add3A_752, %mul3A_753 : i32
      %dma_start3A_755 = arith.constant 4 : i32
      %dma_start3A_756 = arith.constant 0 : i32
      %dma_start3A_757 = arith.constant 0 : i32
      %dma_start3A_758 = tpu.memref_slice %arg7[%dma_start3A_755, %dma_start3A_756, %dma_start3A_757] : memref<5x40x128xf32, #tpu.memory_space<vmem>> -> memref<1x40x128xf32, #tpu.memory_space<vmem>>
      %dma_start3A_759 = tpu.memref_squeeze %dma_start3A_758 : memref<1x40x128xf32, #tpu.memory_space<vmem>> -> memref<40x128xf32, #tpu.memory_space<vmem>>
      %dma_start3A_760 = tpu.memref_slice %arg5[%mul3A_754] : memref<10000xi32, #tpu.memory_space<vmem>> -> memref<40xi32, #tpu.memory_space<vmem>>
      %dma_start3A_761 = arith.constant 0 : i32
      %dma_start3A_762 = arith.constant 0 : i32
      %dma_start3A_763 = tpu.memref_slice %arg2[%dma_start3A_761, %dma_start3A_762] : memref<10000x128xf32, #tpu.memory_space<hbm>> -> memref<10000x128xf32, #tpu.memory_space<hbm>>
      tpu.enqueue_indirect_dma source(%dma_start3A_763 : memref<10000x128xf32, #tpu.memory_space<hbm>>) target(%dma_start3A_759 : memref<40x128xf32, #tpu.memory_space<vmem>>) offsets(%dma_start3A_760 : memref<40xi32, #tpu.memory_space<vmem>>) semaphore(%arg12 : memref<!tpu.dma_semaphore, #tpu.memory_space<semaphore_mem>>)
    }
    %scan3A_556 = arith.constant 49 : i32
    %dma_wait3A_557 = arith.constant 0 : i32
    %dma_wait3A_558 = arith.constant 0 : i32
    %dma_wait3A_559 = arith.constant 0 : i32
    %dma_wait3A_560 = tpu.memref_slice %arg7[%dma_wait3A_557, %dma_wait3A_558, %dma_wait3A_559] : memref<5x40x128xf32, #tpu.memory_space<vmem>> -> memref<1x40x128xf32, #tpu.memory_space<vmem>>
    %dma_wait3A_561 = tpu.memref_squeeze %dma_wait3A_560 : memref<1x40x128xf32, #tpu.memory_space<vmem>> -> memref<40x128xf32, #tpu.memory_space<vmem>>
    %dma_wait3A_562 = arith.constant 9800 : i32
    %dma_wait3A_563 = tpu.memref_slice %arg5[%dma_wait3A_562] : memref<10000xi32, #tpu.memory_space<vmem>> -> memref<40xi32, #tpu.memory_space<vmem>>
    %dma_wait3A_564 = arith.constant 0 : i32
    %dma_wait3A_565 = arith.constant 0 : i32
    %dma_wait3A_566 = tpu.memref_slice %arg2[%dma_wait3A_564, %dma_wait3A_565] : memref<10000x128xf32, #tpu.memory_space<hbm>> -> memref<10000x128xf32, #tpu.memory_space<hbm>>
    tpu.wait_indirect_dma semaphore(%arg8 : memref<!tpu.dma_semaphore, #tpu.memory_space<semaphore_mem>>) src(%dma_wait3A_566 : memref<10000x128xf32, #tpu.memory_space<hbm>>) dst(%dma_wait3A_561 : memref<40x128xf32, #tpu.memory_space<vmem>>)
    %run_scoped3A_567 = arith.constant 0 : i32
    %run_scoped3A_568 = arith.constant 245 : i32
    "tpu.region"() ({
      %run_scoped3A_618 = tpu.sem_alloc : memref<!tpu.dma_semaphore, #tpu.memory_space<semaphore_mem>>
      %dma_start3A_619 = arith.constant 0 : i32
      %dma_start3A_620 = arith.constant 0 : i32
      %dma_start3A_621 = tpu.memref_slice %arg7[%run_scoped3A_567, %dma_start3A_619, %dma_start3A_620] : memref<5x40x128xf32, #tpu.memory_space<vmem>> -> memref<1x40x128xf32, #tpu.memory_space<vmem>>
      %dma_start3A_622 = tpu.memref_squeeze %dma_start3A_621 : memref<1x40x128xf32, #tpu.memory_space<vmem>> -> memref<40x128xf32, #tpu.memory_space<vmem>>
      %dma_start3A_623 = arith.constant 0 : i32
      %dma_start3A_624 = tpu.memref_slice %arg6[%run_scoped3A_568, %dma_start3A_623] : memref<250x40xi32, #tpu.memory_space<vmem>> -> memref<1x40xi32, #tpu.memory_space<vmem>>
      %dma_start3A_625 = tpu.memref_squeeze %dma_start3A_624 : memref<1x40xi32, #tpu.memory_space<vmem>> -> memref<40xi32, #tpu.memory_space<vmem>>
      %dma_start3A_626 = arith.constant 0 : i32
      %dma_start3A_627 = arith.constant 0 : i32
      %dma_start3A_628 = tpu.memref_slice %arg15[%dma_start3A_626, %dma_start3A_627] : memref<10000x128xf32, #tpu.memory_space<vmem_shared>> -> memref<10000x128xf32, #tpu.memory_space<vmem_shared>>
      tpu.enqueue_indirect_dma source(%dma_start3A_622 : memref<40x128xf32, #tpu.memory_space<vmem>>) target(%dma_start3A_628 : memref<10000x128xf32, #tpu.memory_space<vmem_shared>>) offsets(%dma_start3A_625 : memref<40xi32, #tpu.memory_space<vmem>>) semaphore(%run_scoped3A_618 : memref<!tpu.dma_semaphore, #tpu.memory_space<semaphore_mem>>) {add = true}
      %dma_wait3A_629 = arith.constant 0 : i32
      %dma_wait3A_630 = arith.constant 0 : i32
      %dma_wait3A_631 = tpu.memref_slice %arg7[%run_scoped3A_567, %dma_wait3A_629, %dma_wait3A_630] : memref<5x40x128xf32, #tpu.memory_space<vmem>> -> memref<1x40x128xf32, #tpu.memory_space<vmem>>
      %dma_wait3A_632 = tpu.memref_squeeze %dma_wait3A_631 : memref<1x40x128xf32, #tpu.memory_space<vmem>> -> memref<40x128xf32, #tpu.memory_space<vmem>>
      %dma_wait3A_633 = arith.constant 0 : i32
      %dma_wait3A_634 = tpu.memref_slice %arg6[%run_scoped3A_568, %dma_wait3A_633] : memref<250x40xi32, #tpu.memory_space<vmem>> -> memref<1x40xi32, #tpu.memory_space<vmem>>
      %dma_wait3A_635 = tpu.memref_squeeze %dma_wait3A_634 : memref<1x40xi32, #tpu.memory_space<vmem>> -> memref<40xi32, #tpu.memory_space<vmem>>
      %dma_wait3A_636 = arith.constant 0 : i32
      %dma_wait3A_637 = arith.constant 0 : i32
      %dma_wait3A_638 = tpu.memref_slice %arg15[%dma_wait3A_636, %dma_wait3A_637] : memref<10000x128xf32, #tpu.memory_space<vmem_shared>> -> memref<10000x128xf32, #tpu.memory_space<vmem_shared>>
      tpu.wait_indirect_dma semaphore(%run_scoped3A_618 : memref<!tpu.dma_semaphore, #tpu.memory_space<semaphore_mem>>) src(%dma_wait3A_632 : memref<40x128xf32, #tpu.memory_space<vmem>>) dst(%dma_wait3A_638 : memref<10000x128xf32, #tpu.memory_space<vmem_shared>>)
      tpu.yield
    }) : () -> ()
    %dma_wait3A_569 = arith.constant 1 : i32
    %dma_wait3A_570 = arith.constant 0 : i32
    %dma_wait3A_571 = arith.constant 0 : i32
    %dma_wait3A_572 = tpu.memref_slice %arg7[%dma_wait3A_569, %dma_wait3A_570, %dma_wait3A_571] : memref<5x40x128xf32, #tpu.memory_space<vmem>> -> memref<1x40x128xf32, #tpu.memory_space<vmem>>
    %dma_wait3A_573 = tpu.memref_squeeze %dma_wait3A_572 : memref<1x40x128xf32, #tpu.memory_space<vmem>> -> memref<40x128xf32, #tpu.memory_space<vmem>>
    %dma_wait3A_574 = arith.constant 9840 : i32
    %dma_wait3A_575 = tpu.memref_slice %arg5[%dma_wait3A_574] : memref<10000xi32, #tpu.memory_space<vmem>> -> memref<40xi32, #tpu.memory_space<vmem>>
    %dma_wait3A_576 = arith.constant 0 : i32
    %dma_wait3A_577 = arith.constant 0 : i32
    %dma_wait3A_578 = tpu.memref_slice %arg2[%dma_wait3A_576, %dma_wait3A_577] : memref<10000x128xf32, #tpu.memory_space<hbm>> -> memref<10000x128xf32, #tpu.memory_space<hbm>>
    tpu.wait_indirect_dma semaphore(%arg9 : memref<!tpu.dma_semaphore, #tpu.memory_space<semaphore_mem>>) src(%dma_wait3A_578 : memref<10000x128xf32, #tpu.memory_space<hbm>>) dst(%dma_wait3A_573 : memref<40x128xf32, #tpu.memory_space<vmem>>)
    %run_scoped3A_579 = arith.constant 1 : i32
    %run_scoped3A_580 = arith.constant 246 : i32
    "tpu.region"() ({
      %run_scoped3A_618 = tpu.sem_alloc : memref<!tpu.dma_semaphore, #tpu.memory_space<semaphore_mem>>
      %dma_start3A_619 = arith.constant 0 : i32
      %dma_start3A_620 = arith.constant 0 : i32
      %dma_start3A_621 = tpu.memref_slice %arg7[%run_scoped3A_579, %dma_start3A_619, %dma_start3A_620] : memref<5x40x128xf32, #tpu.memory_space<vmem>> -> memref<1x40x128xf32, #tpu.memory_space<vmem>>
      %dma_start3A_622 = tpu.memref_squeeze %dma_start3A_621 : memref<1x40x128xf32, #tpu.memory_space<vmem>> -> memref<40x128xf32, #tpu.memory_space<vmem>>
      %dma_start3A_623 = arith.constant 0 : i32
      %dma_start3A_624 = tpu.memref_slice %arg6[%run_scoped3A_580, %dma_start3A_623] : memref<250x40xi32, #tpu.memory_space<vmem>> -> memref<1x40xi32, #tpu.memory_space<vmem>>
      %dma_start3A_625 = tpu.memref_squeeze %dma_start3A_624 : memref<1x40xi32, #tpu.memory_space<vmem>> -> memref<40xi32, #tpu.memory_space<vmem>>
      %dma_start3A_626 = arith.constant 0 : i32
      %dma_start3A_627 = arith.constant 0 : i32
      %dma_start3A_628 = tpu.memref_slice %arg15[%dma_start3A_626, %dma_start3A_627] : memref<10000x128xf32, #tpu.memory_space<vmem_shared>> -> memref<10000x128xf32, #tpu.memory_space<vmem_shared>>
      tpu.enqueue_indirect_dma source(%dma_start3A_622 : memref<40x128xf32, #tpu.memory_space<vmem>>) target(%dma_start3A_628 : memref<10000x128xf32, #tpu.memory_space<vmem_shared>>) offsets(%dma_start3A_625 : memref<40xi32, #tpu.memory_space<vmem>>) semaphore(%run_scoped3A_618 : memref<!tpu.dma_semaphore, #tpu.memory_space<semaphore_mem>>) {add = true}
      %dma_wait3A_629 = arith.constant 0 : i32
      %dma_wait3A_630 = arith.constant 0 : i32
      %dma_wait3A_631 = tpu.memref_slice %arg7[%run_scoped3A_579, %dma_wait3A_629, %dma_wait3A_630] : memref<5x40x128xf32, #tpu.memory_space<vmem>> -> memref<1x40x128xf32, #tpu.memory_space<vmem>>
      %dma_wait3A_632 = tpu.memref_squeeze %dma_wait3A_631 : memref<1x40x128xf32, #tpu.memory_space<vmem>> -> memref<40x128xf32, #tpu.memory_space<vmem>>
      %dma_wait3A_633 = arith.constant 0 : i32
      %dma_wait3A_634 = tpu.memref_slice %arg6[%run_scoped3A_580, %dma_wait3A_633] : memref<250x40xi32, #tpu.memory_space<vmem>> -> memref<1x40xi32, #tpu.memory_space<vmem>>
      %dma_wait3A_635 = tpu.memref_squeeze %dma_wait3A_634 : memref<1x40xi32, #tpu.memory_space<vmem>> -> memref<40xi32, #tpu.memory_space<vmem>>
      %dma_wait3A_636 = arith.constant 0 : i32
      %dma_wait3A_637 = arith.constant 0 : i32
      %dma_wait3A_638 = tpu.memref_slice %arg15[%dma_wait3A_636, %dma_wait3A_637] : memref<10000x128xf32, #tpu.memory_space<vmem_shared>> -> memref<10000x128xf32, #tpu.memory_space<vmem_shared>>
      tpu.wait_indirect_dma semaphore(%run_scoped3A_618 : memref<!tpu.dma_semaphore, #tpu.memory_space<semaphore_mem>>) src(%dma_wait3A_632 : memref<40x128xf32, #tpu.memory_space<vmem>>) dst(%dma_wait3A_638 : memref<10000x128xf32, #tpu.memory_space<vmem_shared>>)
      tpu.yield
    }) : () -> ()
    %dma_wait3A_581 = arith.constant 2 : i32
    %dma_wait3A_582 = arith.constant 0 : i32
    %dma_wait3A_583 = arith.constant 0 : i32
    %dma_wait3A_584 = tpu.memref_slice %arg7[%dma_wait3A_581, %dma_wait3A_582, %dma_wait3A_583] : memref<5x40x128xf32, #tpu.memory_space<vmem>> -> memref<1x40x128xf32, #tpu.memory_space<vmem>>
    %dma_wait3A_585 = tpu.memref_squeeze %dma_wait3A_584 : memref<1x40x128xf32, #tpu.memory_space<vmem>> -> memref<40x128xf32, #tpu.memory_space<vmem>>
    %dma_wait3A_586 = arith.constant 9880 : i32
    %dma_wait3A_587 = tpu.memref_slice %arg5[%dma_wait3A_586] : memref<10000xi32, #tpu.memory_space<vmem>> -> memref<40xi32, #tpu.memory_space<vmem>>
    %dma_wait3A_588 = arith.constant 0 : i32
    %dma_wait3A_589 = arith.constant 0 : i32
    %dma_wait3A_590 = tpu.memref_slice %arg2[%dma_wait3A_588, %dma_wait3A_589] : memref<10000x128xf32, #tpu.memory_space<hbm>> -> memref<10000x128xf32, #tpu.memory_space<hbm>>
    tpu.wait_indirect_dma semaphore(%arg10 : memref<!tpu.dma_semaphore, #tpu.memory_space<semaphore_mem>>) src(%dma_wait3A_590 : memref<10000x128xf32, #tpu.memory_space<hbm>>) dst(%dma_wait3A_585 : memref<40x128xf32, #tpu.memory_space<vmem>>)
    %run_scoped3A_591 = arith.constant 2 : i32
    %run_scoped3A_592 = arith.constant 247 : i32
    "tpu.region"() ({
      %run_scoped3A_618 = tpu.sem_alloc : memref<!tpu.dma_semaphore, #tpu.memory_space<semaphore_mem>>
      %dma_start3A_619 = arith.constant 0 : i32
      %dma_start3A_620 = arith.constant 0 : i32
      %dma_start3A_621 = tpu.memref_slice %arg7[%run_scoped3A_591, %dma_start3A_619, %dma_start3A_620] : memref<5x40x128xf32, #tpu.memory_space<vmem>> -> memref<1x40x128xf32, #tpu.memory_space<vmem>>
      %dma_start3A_622 = tpu.memref_squeeze %dma_start3A_621 : memref<1x40x128xf32, #tpu.memory_space<vmem>> -> memref<40x128xf32, #tpu.memory_space<vmem>>
      %dma_start3A_623 = arith.constant 0 : i32
      %dma_start3A_624 = tpu.memref_slice %arg6[%run_scoped3A_592, %dma_start3A_623] : memref<250x40xi32, #tpu.memory_space<vmem>> -> memref<1x40xi32, #tpu.memory_space<vmem>>
      %dma_start3A_625 = tpu.memref_squeeze %dma_start3A_624 : memref<1x40xi32, #tpu.memory_space<vmem>> -> memref<40xi32, #tpu.memory_space<vmem>>
      %dma_start3A_626 = arith.constant 0 : i32
      %dma_start3A_627 = arith.constant 0 : i32
      %dma_start3A_628 = tpu.memref_slice %arg15[%dma_start3A_626, %dma_start3A_627] : memref<10000x128xf32, #tpu.memory_space<vmem_shared>> -> memref<10000x128xf32, #tpu.memory_space<vmem_shared>>
      tpu.enqueue_indirect_dma source(%dma_start3A_622 : memref<40x128xf32, #tpu.memory_space<vmem>>) target(%dma_start3A_628 : memref<10000x128xf32, #tpu.memory_space<vmem_shared>>) offsets(%dma_start3A_625 : memref<40xi32, #tpu.memory_space<vmem>>) semaphore(%run_scoped3A_618 : memref<!tpu.dma_semaphore, #tpu.memory_space<semaphore_mem>>) {add = true}
      %dma_wait3A_629 = arith.constant 0 : i32
      %dma_wait3A_630 = arith.constant 0 : i32
      %dma_wait3A_631 = tpu.memref_slice %arg7[%run_scoped3A_591, %dma_wait3A_629, %dma_wait3A_630] : memref<5x40x128xf32, #tpu.memory_space<vmem>> -> memref<1x40x128xf32, #tpu.memory_space<vmem>>
      %dma_wait3A_632 = tpu.memref_squeeze %dma_wait3A_631 : memref<1x40x128xf32, #tpu.memory_space<vmem>> -> memref<40x128xf32, #tpu.memory_space<vmem>>
      %dma_wait3A_633 = arith.constant 0 : i32
      %dma_wait3A_634 = tpu.memref_slice %arg6[%run_scoped3A_592, %dma_wait3A_633] : memref<250x40xi32, #tpu.memory_space<vmem>> -> memref<1x40xi32, #tpu.memory_space<vmem>>
      %dma_wait3A_635 = tpu.memref_squeeze %dma_wait3A_634 : memref<1x40xi32, #tpu.memory_space<vmem>> -> memref<40xi32, #tpu.memory_space<vmem>>
      %dma_wait3A_636 = arith.constant 0 : i32
      %dma_wait3A_637 = arith.constant 0 : i32
      %dma_wait3A_638 = tpu.memref_slice %arg15[%dma_wait3A_636, %dma_wait3A_637] : memref<10000x128xf32, #tpu.memory_space<vmem_shared>> -> memref<10000x128xf32, #tpu.memory_space<vmem_shared>>
      tpu.wait_indirect_dma semaphore(%run_scoped3A_618 : memref<!tpu.dma_semaphore, #tpu.memory_space<semaphore_mem>>) src(%dma_wait3A_632 : memref<40x128xf32, #tpu.memory_space<vmem>>) dst(%dma_wait3A_638 : memref<10000x128xf32, #tpu.memory_space<vmem_shared>>)
      tpu.yield
    }) : () -> ()
    %dma_wait3A_593 = arith.constant 3 : i32
    %dma_wait3A_594 = arith.constant 0 : i32
    %dma_wait3A_595 = arith.constant 0 : i32
    %dma_wait3A_596 = tpu.memref_slice %arg7[%dma_wait3A_593, %dma_wait3A_594, %dma_wait3A_595] : memref<5x40x128xf32, #tpu.memory_space<vmem>> -> memref<1x40x128xf32, #tpu.memory_space<vmem>>
    %dma_wait3A_597 = tpu.memref_squeeze %dma_wait3A_596 : memref<1x40x128xf32, #tpu.memory_space<vmem>> -> memref<40x128xf32, #tpu.memory_space<vmem>>
    %dma_wait3A_598 = arith.constant 9920 : i32
    %dma_wait3A_599 = tpu.memref_slice %arg5[%dma_wait3A_598] : memref<10000xi32, #tpu.memory_space<vmem>> -> memref<40xi32, #tpu.memory_space<vmem>>
    %dma_wait3A_600 = arith.constant 0 : i32
    %dma_wait3A_601 = arith.constant 0 : i32
    %dma_wait3A_602 = tpu.memref_slice %arg2[%dma_wait3A_600, %dma_wait3A_601] : memref<10000x128xf32, #tpu.memory_space<hbm>> -> memref<10000x128xf32, #tpu.memory_space<hbm>>
    tpu.wait_indirect_dma semaphore(%arg11 : memref<!tpu.dma_semaphore, #tpu.memory_space<semaphore_mem>>) src(%dma_wait3A_602 : memref<10000x128xf32, #tpu.memory_space<hbm>>) dst(%dma_wait3A_597 : memref<40x128xf32, #tpu.memory_space<vmem>>)
    %run_scoped3A_603 = arith.constant 3 : i32
    %run_scoped3A_604 = arith.constant 248 : i32
    "tpu.region"() ({
      %run_scoped3A_618 = tpu.sem_alloc : memref<!tpu.dma_semaphore, #tpu.memory_space<semaphore_mem>>
      %dma_start3A_619 = arith.constant 0 : i32
      %dma_start3A_620 = arith.constant 0 : i32
      %dma_start3A_621 = tpu.memref_slice %arg7[%run_scoped3A_603, %dma_start3A_619, %dma_start3A_620] : memref<5x40x128xf32, #tpu.memory_space<vmem>> -> memref<1x40x128xf32, #tpu.memory_space<vmem>>
      %dma_start3A_622 = tpu.memref_squeeze %dma_start3A_621 : memref<1x40x128xf32, #tpu.memory_space<vmem>> -> memref<40x128xf32, #tpu.memory_space<vmem>>
      %dma_start3A_623 = arith.constant 0 : i32
      %dma_start3A_624 = tpu.memref_slice %arg6[%run_scoped3A_604, %dma_start3A_623] : memref<250x40xi32, #tpu.memory_space<vmem>> -> memref<1x40xi32, #tpu.memory_space<vmem>>
      %dma_start3A_625 = tpu.memref_squeeze %dma_start3A_624 : memref<1x40xi32, #tpu.memory_space<vmem>> -> memref<40xi32, #tpu.memory_space<vmem>>
      %dma_start3A_626 = arith.constant 0 : i32
      %dma_start3A_627 = arith.constant 0 : i32
      %dma_start3A_628 = tpu.memref_slice %arg15[%dma_start3A_626, %dma_start3A_627] : memref<10000x128xf32, #tpu.memory_space<vmem_shared>> -> memref<10000x128xf32, #tpu.memory_space<vmem_shared>>
      tpu.enqueue_indirect_dma source(%dma_start3A_622 : memref<40x128xf32, #tpu.memory_space<vmem>>) target(%dma_start3A_628 : memref<10000x128xf32, #tpu.memory_space<vmem_shared>>) offsets(%dma_start3A_625 : memref<40xi32, #tpu.memory_space<vmem>>) semaphore(%run_scoped3A_618 : memref<!tpu.dma_semaphore, #tpu.memory_space<semaphore_mem>>) {add = true}
      %dma_wait3A_629 = arith.constant 0 : i32
      %dma_wait3A_630 = arith.constant 0 : i32
      %dma_wait3A_631 = tpu.memref_slice %arg7[%run_scoped3A_603, %dma_wait3A_629, %dma_wait3A_630] : memref<5x40x128xf32, #tpu.memory_space<vmem>> -> memref<1x40x128xf32, #tpu.memory_space<vmem>>
      %dma_wait3A_632 = tpu.memref_squeeze %dma_wait3A_631 : memref<1x40x128xf32, #tpu.memory_space<vmem>> -> memref<40x128xf32, #tpu.memory_space<vmem>>
      %dma_wait3A_633 = arith.constant 0 : i32
      %dma_wait3A_634 = tpu.memref_slice %arg6[%run_scoped3A_604, %dma_wait3A_633] : memref<250x40xi32, #tpu.memory_space<vmem>> -> memref<1x40xi32, #tpu.memory_space<vmem>>
      %dma_wait3A_635 = tpu.memref_squeeze %dma_wait3A_634 : memref<1x40xi32, #tpu.memory_space<vmem>> -> memref<40xi32, #tpu.memory_space<vmem>>
      %dma_wait3A_636 = arith.constant 0 : i32
      %dma_wait3A_637 = arith.constant 0 : i32
      %dma_wait3A_638 = tpu.memref_slice %arg15[%dma_wait3A_636, %dma_wait3A_637] : memref<10000x128xf32, #tpu.memory_space<vmem_shared>> -> memref<10000x128xf32, #tpu.memory_space<vmem_shared>>
      tpu.wait_indirect_dma semaphore(%run_scoped3A_618 : memref<!tpu.dma_semaphore, #tpu.memory_space<semaphore_mem>>) src(%dma_wait3A_632 : memref<40x128xf32, #tpu.memory_space<vmem>>) dst(%dma_wait3A_638 : memref<10000x128xf32, #tpu.memory_space<vmem_shared>>)
      tpu.yield
    }) : () -> ()
    %dma_wait3A_605 = arith.constant 4 : i32
    %dma_wait3A_606 = arith.constant 0 : i32
    %dma_wait3A_607 = arith.constant 0 : i32
    %dma_wait3A_608 = tpu.memref_slice %arg7[%dma_wait3A_605, %dma_wait3A_606, %dma_wait3A_607] : memref<5x40x128xf32, #tpu.memory_space<vmem>> -> memref<1x40x128xf32, #tpu.memory_space<vmem>>
    %dma_wait3A_609 = tpu.memref_squeeze %dma_wait3A_608 : memref<1x40x128xf32, #tpu.memory_space<vmem>> -> memref<40x128xf32, #tpu.memory_space<vmem>>
    %dma_wait3A_610 = arith.constant 9960 : i32
    %dma_wait3A_611 = tpu.memref_slice %arg5[%dma_wait3A_610] : memref<10000xi32, #tpu.memory_space<vmem>> -> memref<40xi32, #tpu.memory_space<vmem>>
    %dma_wait3A_612 = arith.constant 0 : i32
    %dma_wait3A_613 = arith.constant 0 : i32
    %dma_wait3A_614 = tpu.memref_slice %arg2[%dma_wait3A_612, %dma_wait3A_613] : memref<10000x128xf32, #tpu.memory_space<hbm>> -> memref<10000x128xf32, #tpu.memory_space<hbm>>
    tpu.wait_indirect_dma semaphore(%arg12 : memref<!tpu.dma_semaphore, #tpu.memory_space<semaphore_mem>>) src(%dma_wait3A_614 : memref<10000x128xf32, #tpu.memory_space<hbm>>) dst(%dma_wait3A_609 : memref<40x128xf32, #tpu.memory_space<vmem>>)
    %run_scoped3A_615 = arith.constant 4 : i32
    %run_scoped3A_616 = arith.constant 249 : i32
    "tpu.region"() ({
      %run_scoped3A_618 = tpu.sem_alloc : memref<!tpu.dma_semaphore, #tpu.memory_space<semaphore_mem>>
      %dma_start3A_619 = arith.constant 0 : i32
      %dma_start3A_620 = arith.constant 0 : i32
      %dma_start3A_621 = tpu.memref_slice %arg7[%run_scoped3A_615, %dma_start3A_619, %dma_start3A_620] : memref<5x40x128xf32, #tpu.memory_space<vmem>> -> memref<1x40x128xf32, #tpu.memory_space<vmem>>
      %dma_start3A_622 = tpu.memref_squeeze %dma_start3A_621 : memref<1x40x128xf32, #tpu.memory_space<vmem>> -> memref<40x128xf32, #tpu.memory_space<vmem>>
      %dma_start3A_623 = arith.constant 0 : i32
      %dma_start3A_624 = tpu.memref_slice %arg6[%run_scoped3A_616, %dma_start3A_623] : memref<250x40xi32, #tpu.memory_space<vmem>> -> memref<1x40xi32, #tpu.memory_space<vmem>>
      %dma_start3A_625 = tpu.memref_squeeze %dma_start3A_624 : memref<1x40xi32, #tpu.memory_space<vmem>> -> memref<40xi32, #tpu.memory_space<vmem>>
      %dma_start3A_626 = arith.constant 0 : i32
      %dma_start3A_627 = arith.constant 0 : i32
      %dma_start3A_628 = tpu.memref_slice %arg15[%dma_start3A_626, %dma_start3A_627] : memref<10000x128xf32, #tpu.memory_space<vmem_shared>> -> memref<10000x128xf32, #tpu.memory_space<vmem_shared>>
      tpu.enqueue_indirect_dma source(%dma_start3A_622 : memref<40x128xf32, #tpu.memory_space<vmem>>) target(%dma_start3A_628 : memref<10000x128xf32, #tpu.memory_space<vmem_shared>>) offsets(%dma_start3A_625 : memref<40xi32, #tpu.memory_space<vmem>>) semaphore(%run_scoped3A_618 : memref<!tpu.dma_semaphore, #tpu.memory_space<semaphore_mem>>) {add = true}
      %dma_wait3A_629 = arith.constant 0 : i32
      %dma_wait3A_630 = arith.constant 0 : i32
      %dma_wait3A_631 = tpu.memref_slice %arg7[%run_scoped3A_615, %dma_wait3A_629, %dma_wait3A_630] : memref<5x40x128xf32, #tpu.memory_space<vmem>> -> memref<1x40x128xf32, #tpu.memory_space<vmem>>
      %dma_wait3A_632 = tpu.memref_squeeze %dma_wait3A_631 : memref<1x40x128xf32, #tpu.memory_space<vmem>> -> memref<40x128xf32, #tpu.memory_space<vmem>>
      %dma_wait3A_633 = arith.constant 0 : i32
      %dma_wait3A_634 = tpu.memref_slice %arg6[%run_scoped3A_616, %dma_wait3A_633] : memref<250x40xi32, #tpu.memory_space<vmem>> -> memref<1x40xi32, #tpu.memory_space<vmem>>
      %dma_wait3A_635 = tpu.memref_squeeze %dma_wait3A_634 : memref<1x40xi32, #tpu.memory_space<vmem>> -> memref<40xi32, #tpu.memory_space<vmem>>
      %dma_wait3A_636 = arith.constant 0 : i32
      %dma_wait3A_637 = arith.constant 0 : i32
      %dma_wait3A_638 = tpu.memref_slice %arg15[%dma_wait3A_636, %dma_wait3A_637] : memref<10000x128xf32, #tpu.memory_space<vmem_shared>> -> memref<10000x128xf32, #tpu.memory_space<vmem_shared>>
      tpu.wait_indirect_dma semaphore(%run_scoped3A_618 : memref<!tpu.dma_semaphore, #tpu.memory_space<semaphore_mem>>) src(%dma_wait3A_632 : memref<40x128xf32, #tpu.memory_space<vmem>>) dst(%dma_wait3A_638 : memref<10000x128xf32, #tpu.memory_space<vmem_shared>>)
      tpu.yield
    }) : () -> ()
    %barrier3A_617 = arith.constant 0 : index
    tpu.barrier barrier_id(%barrier3A_617)
    "tpu.region"() ({
      %run_scoped3A_618 = tpu.sem_alloc : memref<!tpu.dma_semaphore, #tpu.memory_space<semaphore_mem>>
      %dma_start3A_619 = arith.constant 0 : i32
      %dma_start3A_620 = tpu.memref_slice %arg4[%arg0, %mul3A_4, %dma_start3A_619] : memref<2x10000x128xf32, #tpu.memory_space<hbm>> -> memref<1x625x128xf32, #tpu.memory_space<hbm>>
      %dma_start3A_621 = tpu.memref_squeeze %dma_start3A_620 : memref<1x625x128xf32, #tpu.memory_space<hbm>> -> memref<625x128xf32, #tpu.memory_space<hbm>>
      %dma_start3A_622 = arith.constant 0 : i32
      %dma_start3A_623 = tpu.memref_slice %arg15[%mul3A_4, %dma_start3A_622] : memref<10000x128xf32, #tpu.memory_space<vmem_shared>> -> memref<625x128xf32, #tpu.memory_space<vmem_shared>>
      tpu.enqueue_dma source(%dma_start3A_623 : memref<625x128xf32, #tpu.memory_space<vmem_shared>>) target(%dma_start3A_621 : memref<625x128xf32, #tpu.memory_space<hbm>>) target_semaphore(%run_scoped3A_618 : memref<!tpu.dma_semaphore, #tpu.memory_space<semaphore_mem>>)
      %dma_wait3A_624 = arith.constant 0 : i32
      %dma_wait3A_625 = tpu.memref_slice %arg4[%arg0, %mul3A_4, %dma_wait3A_624] : memref<2x10000x128xf32, #tpu.memory_space<hbm>> -> memref<1x625x128xf32, #tpu.memory_space<hbm>>
      %dma_wait3A_626 = tpu.memref_squeeze %dma_wait3A_625 : memref<1x625x128xf32, #tpu.memory_space<hbm>> -> memref<625x128xf32, #tpu.memory_space<hbm>>
      %dma_wait3A_627 = arith.constant 0 : i32
      %dma_wait3A_628 = tpu.memref_slice %arg15[%mul3A_4, %dma_wait3A_627] : memref<10000x128xf32, #tpu.memory_space<vmem_shared>> -> memref<625x128xf32, #tpu.memory_space<vmem_shared>>
      tpu.wait_dma2 semaphore(%run_scoped3A_618 : memref<!tpu.dma_semaphore, #tpu.memory_space<semaphore_mem>>) src(%dma_wait3A_628 : memref<625x128xf32, #tpu.memory_space<vmem_shared>>) dst(%dma_wait3A_626 : memref<625x128xf32, #tpu.memory_space<hbm>>)
      tpu.yield
    }) : () -> ()
    return
  }
}

#map = affine_map<(d0, d1) -> (0, 0)>
#map1 = affine_map<(d0, d1) -> (0, 0, 0)>
module attributes {stable_mosaic.version = 14 : i64} {
  func.func @_scatter_body(%arg0: i32, %arg1: i32, %arg2: memref<10000x128xf32, #tpu.memory_space<hbm>>, %arg3: memref<2x320000xi32, #tpu.memory_space<hbm>>, %arg4: memref<2x10000x128xf32, #tpu.memory_space<hbm>>, %arg5: memref<10000xi32, #tpu.memory_space<vmem>>, %arg6: memref<250x40xi32, #tpu.memory_space<vmem>>, %arg7: memref<5x40x128xf32, #tpu.memory_space<vmem>>, %arg8: memref<!tpu.dma_semaphore, #tpu.memory_space<semaphore_mem>>, %arg9: memref<!tpu.dma_semaphore, #tpu.memory_space<semaphore_mem>>, %arg10: memref<!tpu.dma_semaphore, #tpu.memory_space<semaphore_mem>>, %arg11: memref<!tpu.dma_semaphore, #tpu.memory_space<semaphore_mem>>, %arg12: memref<!tpu.dma_semaphore, #tpu.memory_space<semaphore_mem>>, %arg13: memref<!tpu.dma_semaphore, #tpu.memory_space<semaphore_mem>>, %arg14: memref<!tpu.dma_semaphore, #tpu.memory_space<semaphore_mem>>, %arg15: memref<10000x128xf32, #tpu.memory_space<vmem_shared>>) attributes {dimension_semantics = [#tpu.dimension_semantics<core_parallel>, #tpu.dimension_semantics<subcore_parallel>], iteration_bounds = array<i64: 2, 16>, scalar_prefetch = 0 : i64, scratch_operands = 11 : i64, tpu.core_type = #tpu.core_type<sc_vector_subcore>, window_params = [{transform_indices = #map}, {transform_indices = #map}, {transform_indices = #map1}]} {
    %mul3A = arith.constant 16 : i32
    %mul3A_0 = arith.muli %arg0, %mul3A : i32
    %add3A = arith.addi %mul3A_0, %arg1 : i32
    %mul3A_1 = arith.constant 10000 : i32
    %mul3A_2 = arith.muli %add3A, %mul3A_1 : i32
    %mul3A_3 = arith.constant 625 : i32
    %mul3A_4 = arith.muli %arg1, %mul3A_3 : i32
    %run_scoped3A = arith.constant 0 : i32
    "tpu.region"() ({
      %run_scoped3A_618 = tpu.sem_alloc : memref<!tpu.dma_semaphore, #tpu.memory_space<semaphore_mem>>
      %dma_start3A_619 = tpu.memref_slice %arg3[%run_scoped3A, %mul3A_2] : memref<2x320000xi32, #tpu.memory_space<hbm>> -> memref<1x10000xi32, #tpu.memory_space<hbm>>
      %dma_start3A_620 = tpu.memref_squeeze %dma_start3A_619 : memref<1x10000xi32, #tpu.memory_space<hbm>> -> memref<10000xi32, #tpu.memory_space<hbm>>
      %dma_start3A_621 = tpu.memref_slice %arg3[%run_scoped3A, %mul3A_2] : memref<2x320000xi32, #tpu.memory_space<hbm>> -> memref<1x10000xi32, #tpu.memory_space<hbm>>
      %dma_start3A_622 = tpu.memref_squeeze %dma_start3A_621 : memref<1x10000xi32, #tpu.memory_space<hbm>> -> memref<10000xi32, #tpu.memory_space<hbm>>
      tpu.enqueue_dma source(%dma_start3A_622 : memref<10000xi32, #tpu.memory_space<hbm>>) target(%arg5 : memref<10000xi32, #tpu.memory_space<vmem>>) target_semaphore(%run_scoped3A_618 : memref<!tpu.dma_semaphore, #tpu.memory_space<semaphore_mem>>)
      %dma_wait3A_623 = tpu.memref_slice %arg3[%run_scoped3A, %mul3A_2] : memref<2x320000xi32, #tpu.memory_space<hbm>> -> memref<1x10000xi32, #tpu.memory_space<hbm>>
      %dma_wait3A_624 = tpu.memref_squeeze %dma_wait3A_623 : memref<1x10000xi32, #tpu.memory_space<hbm>> -> memref<10000xi32, #tpu.memory_space<hbm>>
      %dma_wait3A_625 = tpu.memref_slice %arg3[%run_scoped3A, %mul3A_2] : memref<2x320000xi32, #tpu.memory_space<hbm>> -> memref<1x10000xi32, #tpu.memory_space<hbm>>
      %dma_wait3A_626 = tpu.memref_squeeze %dma_wait3A_625 : memref<1x10000xi32, #tpu.memory_space<hbm>> -> memref<10000xi32, #tpu.memory_space<hbm>>
      tpu.wait_dma2 semaphore(%run_scoped3A_618 : memref<!tpu.dma_semaphore, #tpu.memory_space<semaphore_mem>>) src(%dma_wait3A_626 : memref<10000xi32, #tpu.memory_space<hbm>>) dst(%arg5 : memref<10000xi32, #tpu.memory_space<vmem>>)
      tpu.yield
    }) : () -> ()
    %scan3A = arith.constant 0 : i32
    %scan3A_5 = arith.constant 0 : i32
    %scan3A_6 = arith.constant 250 : i32
    %scan3A_7 = arith.addi %scan3A_5, %scan3A_6 : i32
    %scan3A_8 = arith.constant 1 : i32
    scf.for %scan3A_618 = %scan3A_5 to %scan3A_7 step %scan3A_8  : i32 {
      %mul3A_619 = arith.constant 40 : i32
      %mul3A_620 = arith.muli %scan3A_618, %mul3A_619 : i32
      %add3A_621 = arith.addi %mul3A_2, %mul3A_620 : i32
      %dma_start3A_622 = arith.constant 1 : i32
      %dma_start3A_623 = arith.constant 0 : i32
      %dma_start3A_624 = tpu.memref_slice %arg6[%scan3A_618, %dma_start3A_623] : memref<250x40xi32, #tpu.memory_space<vmem>> -> memref<1x40xi32, #tpu.memory_space<vmem>>
      %dma_start3A_625 = tpu.memref_squeeze %dma_start3A_624 : memref<1x40xi32, #tpu.memory_space<vmem>> -> memref<40xi32, #tpu.memory_space<vmem>>
      %dma_start3A_626 = tpu.memref_slice %arg3[%dma_start3A_622, %add3A_621] : memref<2x320000xi32, #tpu.memory_space<hbm>> -> memref<1x40xi32, #tpu.memory_space<hbm>>
      %dma_start3A_627 = tpu.memref_squeeze %dma_start3A_626 : memref<1x40xi32, #tpu.memory_space<hbm>> -> memref<40xi32, #tpu.memory_space<hbm>>
      %dma_start3A_628 = arith.constant 0 : i32
      %dma_start3A_629 = tpu.memref_slice %arg6[%scan3A_618, %dma_start3A_628] : memref<250x40xi32, #tpu.memory_space<vmem>> -> memref<1x40xi32, #tpu.memory_space<vmem>>
      %dma_start3A_630 = tpu.memref_squeeze %dma_start3A_629 : memref<1x40xi32, #tpu.memory_space<vmem>> -> memref<40xi32, #tpu.memory_space<vmem>>
      %dma_start3A_631 = tpu.memref_slice %arg3[%dma_start3A_622, %add3A_621] : memref<2x320000xi32, #tpu.memory_space<hbm>> -> memref<1x40xi32, #tpu.memory_space<hbm>>
      %dma_start3A_632 = tpu.memref_squeeze %dma_start3A_631 : memref<1x40xi32, #tpu.memory_space<hbm>> -> memref<40xi32, #tpu.memory_space<hbm>>
      tpu.enqueue_dma source(%dma_start3A_632 : memref<40xi32, #tpu.memory_space<hbm>>) target(%dma_start3A_630 : memref<40xi32, #tpu.memory_space<vmem>>) target_semaphore(%arg13 : memref<!tpu.dma_semaphore, #tpu.memory_space<semaphore_mem>>)
    }
    %scan3A_9 = arith.constant 250 : i32
    %broadcast_in_dim3A = arith.constant 0.000000e+00 : f32
    %broadcast_in_dim3A_10 = vector.broadcast %broadcast_in_dim3A : f32 to vector<16xf32>
    %scan3A_11 = arith.constant 0 : i32
    %scan3A_12 = arith.constant 0 : i32
    %scan3A_13 = arith.constant 40 : i32
    %scan3A_14 = arith.addi %scan3A_12, %scan3A_13 : i32
    %scan3A_15 = arith.constant 1 : i32
    scf.for %scan3A_618 = %scan3A_12 to %scan3A_14 step %scan3A_15  : i32 {
      %swap3A = arith.constant 0 : i32
      %swap3A_619 = arith.index_cast %swap3A : i32 to index
      %swap3A_620 = arith.index_cast %scan3A_618 : i32 to index
      %swap3A_621 = arith.constant 0 : index
      %swap3A_622 = tpu.vector_load %arg7[%swap3A_619, %swap3A_620, %swap3A_621] {strides = array<i32>} : memref<5x40x128xf32, #tpu.memory_space<vmem>>, vector<16xf32>,
      tpu.vector_store %arg7[%swap3A_619, %swap3A_620, %swap3A_621], %broadcast_in_dim3A_10 {strides = array<i32>} : memref<5x40x128xf32, #tpu.memory_space<vmem>>, vector<16xf32>,
      %swap3A_623 = arith.constant 0 : i32
      %swap3A_624 = arith.index_cast %swap3A_623 : i32 to index
      %swap3A_625 = arith.index_cast %scan3A_618 : i32 to index
      %swap3A_626 = arith.constant 16 : index
      %swap3A_627 = tpu.vector_load %arg7[%swap3A_624, %swap3A_625, %swap3A_626] {strides = array<i32>} : memref<5x40x128xf32, #tpu.memory_space<vmem>>, vector<16xf32>,
      tpu.vector_store %arg7[%swap3A_624, %swap3A_625, %swap3A_626], %broadcast_in_dim3A_10 {strides = array<i32>} : memref<5x40x128xf32, #tpu.memory_space<vmem>>, vector<16xf32>,
      %swap3A_628 = arith.constant 0 : i32
      %swap3A_629 = arith.index_cast %swap3A_628 : i32 to index
      %swap3A_630 = arith.index_cast %scan3A_618 : i32 to index
      %swap3A_631 = arith.constant 32 : index
      %swap3A_632 = tpu.vector_load %arg7[%swap3A_629, %swap3A_630, %swap3A_631] {strides = array<i32>} : memref<5x40x128xf32, #tpu.memory_space<vmem>>, vector<16xf32>,
      tpu.vector_store %arg7[%swap3A_629, %swap3A_630, %swap3A_631], %broadcast_in_dim3A_10 {strides = array<i32>} : memref<5x40x128xf32, #tpu.memory_space<vmem>>, vector<16xf32>,
      %swap3A_633 = arith.constant 0 : i32
      %swap3A_634 = arith.index_cast %swap3A_633 : i32 to index
      %swap3A_635 = arith.index_cast %scan3A_618 : i32 to index
      %swap3A_636 = arith.constant 48 : index
      %swap3A_637 = tpu.vector_load %arg7[%swap3A_634, %swap3A_635, %swap3A_636] {strides = array<i32>} : memref<5x40x128xf32, #tpu.memory_space<vmem>>, vector<16xf32>,
      tpu.vector_store %arg7[%swap3A_634, %swap3A_635, %swap3A_636], %broadcast_in_dim3A_10 {strides = array<i32>} : memref<5x40x128xf32, #tpu.memory_space<vmem>>, vector<16xf32>,
      %swap3A_638 = arith.constant 0 : i32
      %swap3A_639 = arith.index_cast %swap3A_638 : i32 to index
      %swap3A_640 = arith.index_cast %scan3A_618 : i32 to index
      %swap3A_641 = arith.constant 64 : index
      %swap3A_642 = tpu.vector_load %arg7[%swap3A_639, %swap3A_640, %swap3A_641] {strides = array<i32>} : memref<5x40x128xf32, #tpu.memory_space<vmem>>, vector<16xf32>,
      tpu.vector_store %arg7[%swap3A_639, %swap3A_640, %swap3A_641], %broadcast_in_dim3A_10 {strides = array<i32>} : memref<5x40x128xf32, #tpu.memory_space<vmem>>, vector<16xf32>,
      %swap3A_643 = arith.constant 0 : i32
      %swap3A_644 = arith.index_cast %swap3A_643 : i32 to index
      %swap3A_645 = arith.index_cast %scan3A_618 : i32 to index
      %swap3A_646 = arith.constant 80 : index
      %swap3A_647 = tpu.vector_load %arg7[%swap3A_644, %swap3A_645, %swap3A_646] {strides = array<i32>} : memref<5x40x128xf32, #tpu.memory_space<vmem>>, vector<16xf32>,
      tpu.vector_store %arg7[%swap3A_644, %swap3A_645, %swap3A_646], %broadcast_in_dim3A_10 {strides = array<i32>} : memref<5x40x128xf32, #tpu.memory_space<vmem>>, vector<16xf32>,
      %swap3A_648 = arith.constant 0 : i32
      %swap3A_649 = arith.index_cast %swap3A_648 : i32 to index
      %swap3A_650 = arith.index_cast %scan3A_618 : i32 to index
      %swap3A_651 = arith.constant 96 : index
      %swap3A_652 = tpu.vector_load %arg7[%swap3A_649, %swap3A_650, %swap3A_651] {strides = array<i32>} : memref<5x40x128xf32, #tpu.memory_space<vmem>>, vector<16xf32>,
      tpu.vector_store %arg7[%swap3A_649, %swap3A_650, %swap3A_651], %broadcast_in_dim3A_10 {strides = array<i32>} : memref<5x40x128xf32, #tpu.memory_space<vmem>>, vector<16xf32>,
      %swap3A_653 = arith.constant 0 : i32
      %swap3A_654 = arith.index_cast %swap3A_653 : i32 to index
      %swap3A_655 = arith.index_cast %scan3A_618 : i32 to index
      %swap3A_656 = arith.constant 112 : index
      %swap3A_657 = tpu.vector_load %arg7[%swap3A_654, %swap3A_655, %swap3A_656] {strides = array<i32>} : memref<5x40x128xf32, #tpu.memory_space<vmem>>, vector<16xf32>,
      tpu.vector_store %arg7[%swap3A_654, %swap3A_655, %swap3A_656], %broadcast_in_dim3A_10 {strides = array<i32>} : memref<5x40x128xf32, #tpu.memory_space<vmem>>, vector<16xf32>,
    }
    %scan3A_16 = arith.constant 40 : i32
    %add3A_17 = arith.constant 0 : i32
    %add3A_18 = arith.addi %mul3A_4, %add3A_17 : i32
    %dma_start3A = arith.constant 0 : i32
    %dma_start3A_19 = arith.constant 0 : i32
    %dma_start3A_20 = arith.constant 0 : i32
    %dma_start3A_21 = tpu.memref_slice %arg7[%dma_start3A, %dma_start3A_19, %dma_start3A_20] : memref<5x40x128xf32, #tpu.memory_space<vmem>> -> memref<1x40x128xf32, #tpu.memory_space<vmem>>
    %dma_start3A_22 = tpu.memref_squeeze %dma_start3A_21 : memref<1x40x128xf32, #tpu.memory_space<vmem>> -> memref<40x128xf32, #tpu.memory_space<vmem>>
    %dma_start3A_23 = arith.constant 0 : i32
    %dma_start3A_24 = tpu.memref_slice %arg15[%add3A_18, %dma_start3A_23] : memref<10000x128xf32, #tpu.memory_space<vmem_shared>> -> memref<40x128xf32, #tpu.memory_space<vmem_shared>>
    %dma_start3A_25 = arith.constant 0 : i32
    %dma_start3A_26 = tpu.memref_slice %arg15[%add3A_18, %dma_start3A_25] : memref<10000x128xf32, #tpu.memory_space<vmem_shared>> -> memref<40x128xf32, #tpu.memory_space<vmem_shared>>
    %dma_start3A_27 = arith.constant 0 : i32
    %dma_start3A_28 = arith.constant 0 : i32
    %dma_start3A_29 = tpu.memref_slice %arg7[%dma_start3A, %dma_start3A_27, %dma_start3A_28] : memref<5x40x128xf32, #tpu.memory_space<vmem>> -> memref<1x40x128xf32, #tpu.memory_space<vmem>>
    %dma_start3A_30 = tpu.memref_squeeze %dma_start3A_29 : memref<1x40x128xf32, #tpu.memory_space<vmem>> -> memref<40x128xf32, #tpu.memory_space<vmem>>
    tpu.enqueue_dma source(%dma_start3A_30 : memref<40x128xf32, #tpu.memory_space<vmem>>) target(%dma_start3A_26 : memref<40x128xf32, #tpu.memory_space<vmem_shared>>) target_semaphore(%arg14 : memref<!tpu.dma_semaphore, #tpu.memory_space<semaphore_mem>>)
    %add3A_31 = arith.constant 40 : i32
    %add3A_32 = arith.addi %mul3A_4, %add3A_31 : i32
    %dma_start3A_33 = arith.constant 0 : i32
    %dma_start3A_34 = arith.constant 0 : i32
    %dma_start3A_35 = arith.constant 0 : i32
    %dma_start3A_36 = tpu.memref_slice %arg7[%dma_start3A_33, %dma_start3A_34, %dma_start3A_35] : memref<5x40x128xf32, #tpu.memory_space<vmem>> -> memref<1x40x128xf32, #tpu.memory_space<vmem>>
    %dma_start3A_37 = tpu.memref_squeeze %dma_start3A_36 : memref<1x40x128xf32, #tpu.memory_space<vmem>> -> memref<40x128xf32, #tpu.memory_space<vmem>>
    %dma_start3A_38 = arith.constant 0 : i32
    %dma_start3A_39 = tpu.memref_slice %arg15[%add3A_32, %dma_start3A_38] : memref<10000x128xf32, #tpu.memory_space<vmem_shared>> -> memref<40x128xf32, #tpu.memory_space<vmem_shared>>
    %dma_start3A_40 = arith.constant 0 : i32
    %dma_start3A_41 = tpu.memref_slice %arg15[%add3A_32, %dma_start3A_40] : memref<10000x128xf32, #tpu.memory_space<vmem_shared>> -> memref<40x128xf32, #tpu.memory_space<vmem_shared>>
    %dma_start3A_42 = arith.constant 0 : i32
    %dma_start3A_43 = arith.constant 0 : i32
    %dma_start3A_44 = tpu.memref_slice %arg7[%dma_start3A_33, %dma_start3A_42, %dma_start3A_43] : memref<5x40x128xf32, #tpu.memory_space<vmem>> -> memref<1x40x128xf32, #tpu.memory_space<vmem>>
    %dma_start3A_45 = tpu.memref_squeeze %dma_start3A_44 : memref<1x40x128xf32, #tpu.memory_space<vmem>> -> memref<40x128xf32, #tpu.memory_space<vmem>>
    tpu.enqueue_dma source(%dma_start3A_45 : memref<40x128xf32, #tpu.memory_space<vmem>>) target(%dma_start3A_41 : memref<40x128xf32, #tpu.memory_space<vmem_shared>>) target_semaphore(%arg14 : memref<!tpu.dma_semaphore, #tpu.memory_space<semaphore_mem>>)
    %add3A_46 = arith.constant 80 : i32
    %add3A_47 = arith.addi %mul3A_4, %add3A_46 : i32
    %dma_start3A_48 = arith.constant 0 : i32
    %dma_start3A_49 = arith.constant 0 : i32
    %dma_start3A_50 = arith.constant 0 : i32
    %dma_start3A_51 = tpu.memref_slice %arg7[%dma_start3A_48, %dma_start3A_49, %dma_start3A_50] : memref<5x40x128xf32, #tpu.memory_space<vmem>> -> memref<1x40x128xf32, #tpu.memory_space<vmem>>
    %dma_start3A_52 = tpu.memref_squeeze %dma_start3A_51 : memref<1x40x128xf32, #tpu.memory_space<vmem>> -> memref<40x128xf32, #tpu.memory_space<vmem>>
    %dma_start3A_53 = arith.constant 0 : i32
    %dma_start3A_54 = tpu.memref_slice %arg15[%add3A_47, %dma_start3A_53] : memref<10000x128xf32, #tpu.memory_space<vmem_shared>> -> memref<40x128xf32, #tpu.memory_space<vmem_shared>>
    %dma_start3A_55 = arith.constant 0 : i32
    %dma_start3A_56 = tpu.memref_slice %arg15[%add3A_47, %dma_start3A_55] : memref<10000x128xf32, #tpu.memory_space<vmem_shared>> -> memref<40x128xf32, #tpu.memory_space<vmem_shared>>
    %dma_start3A_57 = arith.constant 0 : i32
    %dma_start3A_58 = arith.constant 0 : i32
    %dma_start3A_59 = tpu.memref_slice %arg7[%dma_start3A_48, %dma_start3A_57, %dma_start3A_58] : memref<5x40x128xf32, #tpu.memory_space<vmem>> -> memref<1x40x128xf32, #tpu.memory_space<vmem>>
    %dma_start3A_60 = tpu.memref_squeeze %dma_start3A_59 : memref<1x40x128xf32, #tpu.memory_space<vmem>> -> memref<40x128xf32, #tpu.memory_space<vmem>>
    tpu.enqueue_dma source(%dma_start3A_60 : memref<40x128xf32, #tpu.memory_space<vmem>>) target(%dma_start3A_56 : memref<40x128xf32, #tpu.memory_space<vmem_shared>>) target_semaphore(%arg14 : memref<!tpu.dma_semaphore, #tpu.memory_space<semaphore_mem>>)
    %add3A_61 = arith.constant 120 : i32
    %add3A_62 = arith.addi %mul3A_4, %add3A_61 : i32
    %dma_start3A_63 = arith.constant 0 : i32
    %dma_start3A_64 = arith.constant 0 : i32
    %dma_start3A_65 = arith.constant 0 : i32
    %dma_start3A_66 = tpu.memref_slice %arg7[%dma_start3A_63, %dma_start3A_64, %dma_start3A_65] : memref<5x40x128xf32, #tpu.memory_space<vmem>> -> memref<1x40x128xf32, #tpu.memory_space<vmem>>
    %dma_start3A_67 = tpu.memref_squeeze %dma_start3A_66 : memref<1x40x128xf32, #tpu.memory_space<vmem>> -> memref<40x128xf32, #tpu.memory_space<vmem>>
    %dma_start3A_68 = arith.constant 0 : i32
    %dma_start3A_69 = tpu.memref_slice %arg15[%add3A_62, %dma_start3A_68] : memref<10000x128xf32, #tpu.memory_space<vmem_shared>> -> memref<40x128xf32, #tpu.memory_space<vmem_shared>>
    %dma_start3A_70 = arith.constant 0 : i32
    %dma_start3A_71 = tpu.memref_slice %arg15[%add3A_62, %dma_start3A_70] : memref<10000x128xf32, #tpu.memory_space<vmem_shared>> -> memref<40x128xf32, #tpu.memory_space<vmem_shared>>
    %dma_start3A_72 = arith.constant 0 : i32
    %dma_start3A_73 = arith.constant 0 : i32
    %dma_start3A_74 = tpu.memref_slice %arg7[%dma_start3A_63, %dma_start3A_72, %dma_start3A_73] : memref<5x40x128xf32, #tpu.memory_space<vmem>> -> memref<1x40x128xf32, #tpu.memory_space<vmem>>
    %dma_start3A_75 = tpu.memref_squeeze %dma_start3A_74 : memref<1x40x128xf32, #tpu.memory_space<vmem>> -> memref<40x128xf32, #tpu.memory_space<vmem>>
    tpu.enqueue_dma source(%dma_start3A_75 : memref<40x128xf32, #tpu.memory_space<vmem>>) target(%dma_start3A_71 : memref<40x128xf32, #tpu.memory_space<vmem_shared>>) target_semaphore(%arg14 : memref<!tpu.dma_semaphore, #tpu.memory_space<semaphore_mem>>)
    %add3A_76 = arith.constant 160 : i32
    %add3A_77 = arith.addi %mul3A_4, %add3A_76 : i32
    %dma_start3A_78 = arith.constant 0 : i32
    %dma_start3A_79 = arith.constant 0 : i32
    %dma_start3A_80 = arith.constant 0 : i32
    %dma_start3A_81 = tpu.memref_slice %arg7[%dma_start3A_78, %dma_start3A_79, %dma_start3A_80] : memref<5x40x128xf32, #tpu.memory_space<vmem>> -> memref<1x40x128xf32, #tpu.memory_space<vmem>>
    %dma_start3A_82 = tpu.memref_squeeze %dma_start3A_81 : memref<1x40x128xf32, #tpu.memory_space<vmem>> -> memref<40x128xf32, #tpu.memory_space<vmem>>
    %dma_start3A_83 = arith.constant 0 : i32
    %dma_start3A_84 = tpu.memref_slice %arg15[%add3A_77, %dma_start3A_83] : memref<10000x128xf32, #tpu.memory_space<vmem_shared>> -> memref<40x128xf32, #tpu.memory_space<vmem_shared>>
    %dma_start3A_85 = arith.constant 0 : i32
    %dma_start3A_86 = tpu.memref_slice %arg15[%add3A_77, %dma_start3A_85] : memref<10000x128xf32, #tpu.memory_space<vmem_shared>> -> memref<40x128xf32, #tpu.memory_space<vmem_shared>>
    %dma_start3A_87 = arith.constant 0 : i32
    %dma_start3A_88 = arith.constant 0 : i32
    %dma_start3A_89 = tpu.memref_slice %arg7[%dma_start3A_78, %dma_start3A_87, %dma_start3A_88] : memref<5x40x128xf32, #tpu.memory_space<vmem>> -> memref<1x40x128xf32, #tpu.memory_space<vmem>>
    %dma_start3A_90 = tpu.memref_squeeze %dma_start3A_89 : memref<1x40x128xf32, #tpu.memory_space<vmem>> -> memref<40x128xf32, #tpu.memory_space<vmem>>
    tpu.enqueue_dma source(%dma_start3A_90 : memref<40x128xf32, #tpu.memory_space<vmem>>) target(%dma_start3A_86 : memref<40x128xf32, #tpu.memory_space<vmem_shared>>) target_semaphore(%arg14 : memref<!tpu.dma_semaphore, #tpu.memory_space<semaphore_mem>>)
    %add3A_91 = arith.constant 200 : i32
    %add3A_92 = arith.addi %mul3A_4, %add3A_91 : i32
    %dma_start3A_93 = arith.constant 0 : i32
    %dma_start3A_94 = arith.constant 0 : i32
    %dma_start3A_95 = arith.constant 0 : i32
    %dma_start3A_96 = tpu.memref_slice %arg7[%dma_start3A_93, %dma_start3A_94, %dma_start3A_95] : memref<5x40x128xf32, #tpu.memory_space<vmem>> -> memref<1x40x128xf32, #tpu.memory_space<vmem>>
    %dma_start3A_97 = tpu.memref_squeeze %dma_start3A_96 : memref<1x40x128xf32, #tpu.memory_space<vmem>> -> memref<40x128xf32, #tpu.memory_space<vmem>>
    %dma_start3A_98 = arith.constant 0 : i32
    %dma_start3A_99 = tpu.memref_slice %arg15[%add3A_92, %dma_start3A_98] : memref<10000x128xf32, #tpu.memory_space<vmem_shared>> -> memref<40x128xf32, #tpu.memory_space<vmem_shared>>
    %dma_start3A_100 = arith.constant 0 : i32
    %dma_start3A_101 = tpu.memref_slice %arg15[%add3A_92, %dma_start3A_100] : memref<10000x128xf32, #tpu.memory_space<vmem_shared>> -> memref<40x128xf32, #tpu.memory_space<vmem_shared>>
    %dma_start3A_102 = arith.constant 0 : i32
    %dma_start3A_103 = arith.constant 0 : i32
    %dma_start3A_104 = tpu.memref_slice %arg7[%dma_start3A_93, %dma_start3A_102, %dma_start3A_103] : memref<5x40x128xf32, #tpu.memory_space<vmem>> -> memref<1x40x128xf32, #tpu.memory_space<vmem>>
    %dma_start3A_105 = tpu.memref_squeeze %dma_start3A_104 : memref<1x40x128xf32, #tpu.memory_space<vmem>> -> memref<40x128xf32, #tpu.memory_space<vmem>>
    tpu.enqueue_dma source(%dma_start3A_105 : memref<40x128xf32, #tpu.memory_space<vmem>>) target(%dma_start3A_101 : memref<40x128xf32, #tpu.memory_space<vmem_shared>>) target_semaphore(%arg14 : memref<!tpu.dma_semaphore, #tpu.memory_space<semaphore_mem>>)
    %add3A_106 = arith.constant 240 : i32
    %add3A_107 = arith.addi %mul3A_4, %add3A_106 : i32
    %dma_start3A_108 = arith.constant 0 : i32
    %dma_start3A_109 = arith.constant 0 : i32
    %dma_start3A_110 = arith.constant 0 : i32
    %dma_start3A_111 = tpu.memref_slice %arg7[%dma_start3A_108, %dma_start3A_109, %dma_start3A_110] : memref<5x40x128xf32, #tpu.memory_space<vmem>> -> memref<1x40x128xf32, #tpu.memory_space<vmem>>
    %dma_start3A_112 = tpu.memref_squeeze %dma_start3A_111 : memref<1x40x128xf32, #tpu.memory_space<vmem>> -> memref<40x128xf32, #tpu.memory_space<vmem>>
    %dma_start3A_113 = arith.constant 0 : i32
    %dma_start3A_114 = tpu.memref_slice %arg15[%add3A_107, %dma_start3A_113] : memref<10000x128xf32, #tpu.memory_space<vmem_shared>> -> memref<40x128xf32, #tpu.memory_space<vmem_shared>>
    %dma_start3A_115 = arith.constant 0 : i32
    %dma_start3A_116 = tpu.memref_slice %arg15[%add3A_107, %dma_start3A_115] : memref<10000x128xf32, #tpu.memory_space<vmem_shared>> -> memref<40x128xf32, #tpu.memory_space<vmem_shared>>
    %dma_start3A_117 = arith.constant 0 : i32
    %dma_start3A_118 = arith.constant 0 : i32
    %dma_start3A_119 = tpu.memref_slice %arg7[%dma_start3A_108, %dma_start3A_117, %dma_start3A_118] : memref<5x40x128xf32, #tpu.memory_space<vmem>> -> memref<1x40x128xf32, #tpu.memory_space<vmem>>
    %dma_start3A_120 = tpu.memref_squeeze %dma_start3A_119 : memref<1x40x128xf32, #tpu.memory_space<vmem>> -> memref<40x128xf32, #tpu.memory_space<vmem>>
    tpu.enqueue_dma source(%dma_start3A_120 : memref<40x128xf32, #tpu.memory_space<vmem>>) target(%dma_start3A_116 : memref<40x128xf32, #tpu.memory_space<vmem_shared>>) target_semaphore(%arg14 : memref<!tpu.dma_semaphore, #tpu.memory_space<semaphore_mem>>)
    %add3A_121 = arith.constant 280 : i32
    %add3A_122 = arith.addi %mul3A_4, %add3A_121 : i32
    %dma_start3A_123 = arith.constant 0 : i32
    %dma_start3A_124 = arith.constant 0 : i32
    %dma_start3A_125 = arith.constant 0 : i32
    %dma_start3A_126 = tpu.memref_slice %arg7[%dma_start3A_123, %dma_start3A_124, %dma_start3A_125] : memref<5x40x128xf32, #tpu.memory_space<vmem>> -> memref<1x40x128xf32, #tpu.memory_space<vmem>>
    %dma_start3A_127 = tpu.memref_squeeze %dma_start3A_126 : memref<1x40x128xf32, #tpu.memory_space<vmem>> -> memref<40x128xf32, #tpu.memory_space<vmem>>
    %dma_start3A_128 = arith.constant 0 : i32
    %dma_start3A_129 = tpu.memref_slice %arg15[%add3A_122, %dma_start3A_128] : memref<10000x128xf32, #tpu.memory_space<vmem_shared>> -> memref<40x128xf32, #tpu.memory_space<vmem_shared>>
    %dma_start3A_130 = arith.constant 0 : i32
    %dma_start3A_131 = tpu.memref_slice %arg15[%add3A_122, %dma_start3A_130] : memref<10000x128xf32, #tpu.memory_space<vmem_shared>> -> memref<40x128xf32, #tpu.memory_space<vmem_shared>>
    %dma_start3A_132 = arith.constant 0 : i32
    %dma_start3A_133 = arith.constant 0 : i32
    %dma_start3A_134 = tpu.memref_slice %arg7[%dma_start3A_123, %dma_start3A_132, %dma_start3A_133] : memref<5x40x128xf32, #tpu.memory_space<vmem>> -> memref<1x40x128xf32, #tpu.memory_space<vmem>>
    %dma_start3A_135 = tpu.memref_squeeze %dma_start3A_134 : memref<1x40x128xf32, #tpu.memory_space<vmem>> -> memref<40x128xf32, #tpu.memory_space<vmem>>
    tpu.enqueue_dma source(%dma_start3A_135 : memref<40x128xf32, #tpu.memory_space<vmem>>) target(%dma_start3A_131 : memref<40x128xf32, #tpu.memory_space<vmem_shared>>) target_semaphore(%arg14 : memref<!tpu.dma_semaphore, #tpu.memory_space<semaphore_mem>>)
    %add3A_136 = arith.constant 320 : i32
    %add3A_137 = arith.addi %mul3A_4, %add3A_136 : i32
    %dma_start3A_138 = arith.constant 0 : i32
    %dma_start3A_139 = arith.constant 0 : i32
    %dma_start3A_140 = arith.constant 0 : i32
    %dma_start3A_141 = tpu.memref_slice %arg7[%dma_start3A_138, %dma_start3A_139, %dma_start3A_140] : memref<5x40x128xf32, #tpu.memory_space<vmem>> -> memref<1x40x128xf32, #tpu.memory_space<vmem>>
    %dma_start3A_142 = tpu.memref_squeeze %dma_start3A_141 : memref<1x40x128xf32, #tpu.memory_space<vmem>> -> memref<40x128xf32, #tpu.memory_space<vmem>>
    %dma_start3A_143 = arith.constant 0 : i32
    %dma_start3A_144 = tpu.memref_slice %arg15[%add3A_137, %dma_start3A_143] : memref<10000x128xf32, #tpu.memory_space<vmem_shared>> -> memref<40x128xf32, #tpu.memory_space<vmem_shared>>
    %dma_start3A_145 = arith.constant 0 : i32
    %dma_start3A_146 = tpu.memref_slice %arg15[%add3A_137, %dma_start3A_145] : memref<10000x128xf32, #tpu.memory_space<vmem_shared>> -> memref<40x128xf32, #tpu.memory_space<vmem_shared>>
    %dma_start3A_147 = arith.constant 0 : i32
    %dma_start3A_148 = arith.constant 0 : i32
    %dma_start3A_149 = tpu.memref_slice %arg7[%dma_start3A_138, %dma_start3A_147, %dma_start3A_148] : memref<5x40x128xf32, #tpu.memory_space<vmem>> -> memref<1x40x128xf32, #tpu.memory_space<vmem>>
    %dma_start3A_150 = tpu.memref_squeeze %dma_start3A_149 : memref<1x40x128xf32, #tpu.memory_space<vmem>> -> memref<40x128xf32, #tpu.memory_space<vmem>>
    tpu.enqueue_dma source(%dma_start3A_150 : memref<40x128xf32, #tpu.memory_space<vmem>>) target(%dma_start3A_146 : memref<40x128xf32, #tpu.memory_space<vmem_shared>>) target_semaphore(%arg14 : memref<!tpu.dma_semaphore, #tpu.memory_space<semaphore_mem>>)
    %add3A_151 = arith.constant 360 : i32
    %add3A_152 = arith.addi %mul3A_4, %add3A_151 : i32
    %dma_start3A_153 = arith.constant 0 : i32
    %dma_start3A_154 = arith.constant 0 : i32
    %dma_start3A_155 = arith.constant 0 : i32
    %dma_start3A_156 = tpu.memref_slice %arg7[%dma_start3A_153, %dma_start3A_154, %dma_start3A_155] : memref<5x40x128xf32, #tpu.memory_space<vmem>> -> memref<1x40x128xf32, #tpu.memory_space<vmem>>
    %dma_start3A_157 = tpu.memref_squeeze %dma_start3A_156 : memref<1x40x128xf32, #tpu.memory_space<vmem>> -> memref<40x128xf32, #tpu.memory_space<vmem>>
    %dma_start3A_158 = arith.constant 0 : i32
    %dma_start3A_159 = tpu.memref_slice %arg15[%add3A_152, %dma_start3A_158] : memref<10000x128xf32, #tpu.memory_space<vmem_shared>> -> memref<40x128xf32, #tpu.memory_space<vmem_shared>>
    %dma_start3A_160 = arith.constant 0 : i32
    %dma_start3A_161 = tpu.memref_slice %arg15[%add3A_152, %dma_start3A_160] : memref<10000x128xf32, #tpu.memory_space<vmem_shared>> -> memref<40x128xf32, #tpu.memory_space<vmem_shared>>
    %dma_start3A_162 = arith.constant 0 : i32
    %dma_start3A_163 = arith.constant 0 : i32
    %dma_start3A_164 = tpu.memref_slice %arg7[%dma_start3A_153, %dma_start3A_162, %dma_start3A_163] : memref<5x40x128xf32, #tpu.memory_space<vmem>> -> memref<1x40x128xf32, #tpu.memory_space<vmem>>
    %dma_start3A_165 = tpu.memref_squeeze %dma_start3A_164 : memref<1x40x128xf32, #tpu.memory_space<vmem>> -> memref<40x128xf32, #tpu.memory_space<vmem>>
    tpu.enqueue_dma source(%dma_start3A_165 : memref<40x128xf32, #tpu.memory_space<vmem>>) target(%dma_start3A_161 : memref<40x128xf32, #tpu.memory_space<vmem_shared>>) target_semaphore(%arg14 : memref<!tpu.dma_semaphore, #tpu.memory_space<semaphore_mem>>)
    %add3A_166 = arith.constant 400 : i32
    %add3A_167 = arith.addi %mul3A_4, %add3A_166 : i32
    %dma_start3A_168 = arith.constant 0 : i32
    %dma_start3A_169 = arith.constant 0 : i32
    %dma_start3A_170 = arith.constant 0 : i32
    %dma_start3A_171 = tpu.memref_slice %arg7[%dma_start3A_168, %dma_start3A_169, %dma_start3A_170] : memref<5x40x128xf32, #tpu.memory_space<vmem>> -> memref<1x40x128xf32, #tpu.memory_space<vmem>>
    %dma_start3A_172 = tpu.memref_squeeze %dma_start3A_171 : memref<1x40x128xf32, #tpu.memory_space<vmem>> -> memref<40x128xf32, #tpu.memory_space<vmem>>
    %dma_start3A_173 = arith.constant 0 : i32
    %dma_start3A_174 = tpu.memref_slice %arg15[%add3A_167, %dma_start3A_173] : memref<10000x128xf32, #tpu.memory_space<vmem_shared>> -> memref<40x128xf32, #tpu.memory_space<vmem_shared>>
    %dma_start3A_175 = arith.constant 0 : i32
    %dma_start3A_176 = tpu.memref_slice %arg15[%add3A_167, %dma_start3A_175] : memref<10000x128xf32, #tpu.memory_space<vmem_shared>> -> memref<40x128xf32, #tpu.memory_space<vmem_shared>>
    %dma_start3A_177 = arith.constant 0 : i32
    %dma_start3A_178 = arith.constant 0 : i32
    %dma_start3A_179 = tpu.memref_slice %arg7[%dma_start3A_168, %dma_start3A_177, %dma_start3A_178] : memref<5x40x128xf32, #tpu.memory_space<vmem>> -> memref<1x40x128xf32, #tpu.memory_space<vmem>>
    %dma_start3A_180 = tpu.memref_squeeze %dma_start3A_179 : memref<1x40x128xf32, #tpu.memory_space<vmem>> -> memref<40x128xf32, #tpu.memory_space<vmem>>
    tpu.enqueue_dma source(%dma_start3A_180 : memref<40x128xf32, #tpu.memory_space<vmem>>) target(%dma_start3A_176 : memref<40x128xf32, #tpu.memory_space<vmem_shared>>) target_semaphore(%arg14 : memref<!tpu.dma_semaphore, #tpu.memory_space<semaphore_mem>>)
    %add3A_181 = arith.constant 440 : i32
    %add3A_182 = arith.addi %mul3A_4, %add3A_181 : i32
    %dma_start3A_183 = arith.constant 0 : i32
    %dma_start3A_184 = arith.constant 0 : i32
    %dma_start3A_185 = arith.constant 0 : i32
    %dma_start3A_186 = tpu.memref_slice %arg7[%dma_start3A_183, %dma_start3A_184, %dma_start3A_185] : memref<5x40x128xf32, #tpu.memory_space<vmem>> -> memref<1x40x128xf32, #tpu.memory_space<vmem>>
    %dma_start3A_187 = tpu.memref_squeeze %dma_start3A_186 : memref<1x40x128xf32, #tpu.memory_space<vmem>> -> memref<40x128xf32, #tpu.memory_space<vmem>>
    %dma_start3A_188 = arith.constant 0 : i32
    %dma_start3A_189 = tpu.memref_slice %arg15[%add3A_182, %dma_start3A_188] : memref<10000x128xf32, #tpu.memory_space<vmem_shared>> -> memref<40x128xf32, #tpu.memory_space<vmem_shared>>
    %dma_start3A_190 = arith.constant 0 : i32
    %dma_start3A_191 = tpu.memref_slice %arg15[%add3A_182, %dma_start3A_190] : memref<10000x128xf32, #tpu.memory_space<vmem_shared>> -> memref<40x128xf32, #tpu.memory_space<vmem_shared>>
    %dma_start3A_192 = arith.constant 0 : i32
    %dma_start3A_193 = arith.constant 0 : i32
    %dma_start3A_194 = tpu.memref_slice %arg7[%dma_start3A_183, %dma_start3A_192, %dma_start3A_193] : memref<5x40x128xf32, #tpu.memory_space<vmem>> -> memref<1x40x128xf32, #tpu.memory_space<vmem>>
    %dma_start3A_195 = tpu.memref_squeeze %dma_start3A_194 : memref<1x40x128xf32, #tpu.memory_space<vmem>> -> memref<40x128xf32, #tpu.memory_space<vmem>>
    tpu.enqueue_dma source(%dma_start3A_195 : memref<40x128xf32, #tpu.memory_space<vmem>>) target(%dma_start3A_191 : memref<40x128xf32, #tpu.memory_space<vmem_shared>>) target_semaphore(%arg14 : memref<!tpu.dma_semaphore, #tpu.memory_space<semaphore_mem>>)
    %add3A_196 = arith.constant 480 : i32
    %add3A_197 = arith.addi %mul3A_4, %add3A_196 : i32
    %dma_start3A_198 = arith.constant 0 : i32
    %dma_start3A_199 = arith.constant 0 : i32
    %dma_start3A_200 = arith.constant 0 : i32
    %dma_start3A_201 = tpu.memref_slice %arg7[%dma_start3A_198, %dma_start3A_199, %dma_start3A_200] : memref<5x40x128xf32, #tpu.memory_space<vmem>> -> memref<1x40x128xf32, #tpu.memory_space<vmem>>
    %dma_start3A_202 = tpu.memref_squeeze %dma_start3A_201 : memref<1x40x128xf32, #tpu.memory_space<vmem>> -> memref<40x128xf32, #tpu.memory_space<vmem>>
    %dma_start3A_203 = arith.constant 0 : i32
    %dma_start3A_204 = tpu.memref_slice %arg15[%add3A_197, %dma_start3A_203] : memref<10000x128xf32, #tpu.memory_space<vmem_shared>> -> memref<40x128xf32, #tpu.memory_space<vmem_shared>>
    %dma_start3A_205 = arith.constant 0 : i32
    %dma_start3A_206 = tpu.memref_slice %arg15[%add3A_197, %dma_start3A_205] : memref<10000x128xf32, #tpu.memory_space<vmem_shared>> -> memref<40x128xf32, #tpu.memory_space<vmem_shared>>
    %dma_start3A_207 = arith.constant 0 : i32
    %dma_start3A_208 = arith.constant 0 : i32
    %dma_start3A_209 = tpu.memref_slice %arg7[%dma_start3A_198, %dma_start3A_207, %dma_start3A_208] : memref<5x40x128xf32, #tpu.memory_space<vmem>> -> memref<1x40x128xf32, #tpu.memory_space<vmem>>
    %dma_start3A_210 = tpu.memref_squeeze %dma_start3A_209 : memref<1x40x128xf32, #tpu.memory_space<vmem>> -> memref<40x128xf32, #tpu.memory_space<vmem>>
    tpu.enqueue_dma source(%dma_start3A_210 : memref<40x128xf32, #tpu.memory_space<vmem>>) target(%dma_start3A_206 : memref<40x128xf32, #tpu.memory_space<vmem_shared>>) target_semaphore(%arg14 : memref<!tpu.dma_semaphore, #tpu.memory_space<semaphore_mem>>)
    %add3A_211 = arith.constant 520 : i32
    %add3A_212 = arith.addi %mul3A_4, %add3A_211 : i32
    %dma_start3A_213 = arith.constant 0 : i32
    %dma_start3A_214 = arith.constant 0 : i32
    %dma_start3A_215 = arith.constant 0 : i32
    %dma_start3A_216 = tpu.memref_slice %arg7[%dma_start3A_213, %dma_start3A_214, %dma_start3A_215] : memref<5x40x128xf32, #tpu.memory_space<vmem>> -> memref<1x40x128xf32, #tpu.memory_space<vmem>>
    %dma_start3A_217 = tpu.memref_squeeze %dma_start3A_216 : memref<1x40x128xf32, #tpu.memory_space<vmem>> -> memref<40x128xf32, #tpu.memory_space<vmem>>
    %dma_start3A_218 = arith.constant 0 : i32
    %dma_start3A_219 = tpu.memref_slice %arg15[%add3A_212, %dma_start3A_218] : memref<10000x128xf32, #tpu.memory_space<vmem_shared>> -> memref<40x128xf32, #tpu.memory_space<vmem_shared>>
    %dma_start3A_220 = arith.constant 0 : i32
    %dma_start3A_221 = tpu.memref_slice %arg15[%add3A_212, %dma_start3A_220] : memref<10000x128xf32, #tpu.memory_space<vmem_shared>> -> memref<40x128xf32, #tpu.memory_space<vmem_shared>>
    %dma_start3A_222 = arith.constant 0 : i32
    %dma_start3A_223 = arith.constant 0 : i32
    %dma_start3A_224 = tpu.memref_slice %arg7[%dma_start3A_213, %dma_start3A_222, %dma_start3A_223] : memref<5x40x128xf32, #tpu.memory_space<vmem>> -> memref<1x40x128xf32, #tpu.memory_space<vmem>>
    %dma_start3A_225 = tpu.memref_squeeze %dma_start3A_224 : memref<1x40x128xf32, #tpu.memory_space<vmem>> -> memref<40x128xf32, #tpu.memory_space<vmem>>
    tpu.enqueue_dma source(%dma_start3A_225 : memref<40x128xf32, #tpu.memory_space<vmem>>) target(%dma_start3A_221 : memref<40x128xf32, #tpu.memory_space<vmem_shared>>) target_semaphore(%arg14 : memref<!tpu.dma_semaphore, #tpu.memory_space<semaphore_mem>>)
    %add3A_226 = arith.constant 560 : i32
    %add3A_227 = arith.addi %mul3A_4, %add3A_226 : i32
    %dma_start3A_228 = arith.constant 0 : i32
    %dma_start3A_229 = arith.constant 0 : i32
    %dma_start3A_230 = arith.constant 0 : i32
    %dma_start3A_231 = tpu.memref_slice %arg7[%dma_start3A_228, %dma_start3A_229, %dma_start3A_230] : memref<5x40x128xf32, #tpu.memory_space<vmem>> -> memref<1x40x128xf32, #tpu.memory_space<vmem>>
    %dma_start3A_232 = tpu.memref_squeeze %dma_start3A_231 : memref<1x40x128xf32, #tpu.memory_space<vmem>> -> memref<40x128xf32, #tpu.memory_space<vmem>>
    %dma_start3A_233 = arith.constant 0 : i32
    %dma_start3A_234 = tpu.memref_slice %arg15[%add3A_227, %dma_start3A_233] : memref<10000x128xf32, #tpu.memory_space<vmem_shared>> -> memref<40x128xf32, #tpu.memory_space<vmem_shared>>
    %dma_start3A_235 = arith.constant 0 : i32
    %dma_start3A_236 = tpu.memref_slice %arg15[%add3A_227, %dma_start3A_235] : memref<10000x128xf32, #tpu.memory_space<vmem_shared>> -> memref<40x128xf32, #tpu.memory_space<vmem_shared>>
    %dma_start3A_237 = arith.constant 0 : i32
    %dma_start3A_238 = arith.constant 0 : i32
    %dma_start3A_239 = tpu.memref_slice %arg7[%dma_start3A_228, %dma_start3A_237, %dma_start3A_238] : memref<5x40x128xf32, #tpu.memory_space<vmem>> -> memref<1x40x128xf32, #tpu.memory_space<vmem>>
    %dma_start3A_240 = tpu.memref_squeeze %dma_start3A_239 : memref<1x40x128xf32, #tpu.memory_space<vmem>> -> memref<40x128xf32, #tpu.memory_space<vmem>>
    tpu.enqueue_dma source(%dma_start3A_240 : memref<40x128xf32, #tpu.memory_space<vmem>>) target(%dma_start3A_236 : memref<40x128xf32, #tpu.memory_space<vmem_shared>>) target_semaphore(%arg14 : memref<!tpu.dma_semaphore, #tpu.memory_space<semaphore_mem>>)
    %add3A_241 = arith.constant 600 : i32
    %add3A_242 = arith.addi %mul3A_4, %add3A_241 : i32
    %dma_start3A_243 = arith.constant 0 : i32
    %dma_start3A_244 = arith.constant 0 : i32
    %dma_start3A_245 = arith.constant 0 : i32
    %dma_start3A_246 = tpu.memref_slice %arg7[%dma_start3A_243, %dma_start3A_244, %dma_start3A_245] : memref<5x40x128xf32, #tpu.memory_space<vmem>> -> memref<1x25x128xf32, #tpu.memory_space<vmem>>
    %dma_start3A_247 = tpu.memref_squeeze %dma_start3A_246 : memref<1x25x128xf32, #tpu.memory_space<vmem>> -> memref<25x128xf32, #tpu.memory_space<vmem>>
    %dma_start3A_248 = arith.constant 0 : i32
    %dma_start3A_249 = tpu.memref_slice %arg15[%add3A_242, %dma_start3A_248] : memref<10000x128xf32, #tpu.memory_space<vmem_shared>> -> memref<25x128xf32, #tpu.memory_space<vmem_shared>>
    %dma_start3A_250 = arith.constant 0 : i32
    %dma_start3A_251 = tpu.memref_slice %arg15[%add3A_242, %dma_start3A_250] : memref<10000x128xf32, #tpu.memory_space<vmem_shared>> -> memref<25x128xf32, #tpu.memory_space<vmem_shared>>
    %dma_start3A_252 = arith.constant 0 : i32
    %dma_start3A_253 = arith.constant 0 : i32
    %dma_start3A_254 = tpu.memref_slice %arg7[%dma_start3A_243, %dma_start3A_252, %dma_start3A_253] : memref<5x40x128xf32, #tpu.memory_space<vmem>> -> memref<1x25x128xf32, #tpu.memory_space<vmem>>
    %dma_start3A_255 = tpu.memref_squeeze %dma_start3A_254 : memref<1x25x128xf32, #tpu.memory_space<vmem>> -> memref<25x128xf32, #tpu.memory_space<vmem>>
    tpu.enqueue_dma source(%dma_start3A_255 : memref<25x128xf32, #tpu.memory_space<vmem>>) target(%dma_start3A_251 : memref<25x128xf32, #tpu.memory_space<vmem_shared>>) target_semaphore(%arg14 : memref<!tpu.dma_semaphore, #tpu.memory_space<semaphore_mem>>)
    %add3A_256 = arith.constant 0 : i32
    %add3A_257 = arith.addi %mul3A_4, %add3A_256 : i32
    %dma_wait3A = arith.constant 0 : i32
    %dma_wait3A_258 = arith.constant 0 : i32
    %dma_wait3A_259 = arith.constant 0 : i32
    %dma_wait3A_260 = tpu.memref_slice %arg7[%dma_wait3A, %dma_wait3A_258, %dma_wait3A_259] : memref<5x40x128xf32, #tpu.memory_space<vmem>> -> memref<1x40x128xf32, #tpu.memory_space<vmem>>
    %dma_wait3A_261 = tpu.memref_squeeze %dma_wait3A_260 : memref<1x40x128xf32, #tpu.memory_space<vmem>> -> memref<40x128xf32, #tpu.memory_space<vmem>>
    %dma_wait3A_262 = arith.constant 0 : i32
    %dma_wait3A_263 = tpu.memref_slice %arg15[%add3A_257, %dma_wait3A_262] : memref<10000x128xf32, #tpu.memory_space<vmem_shared>> -> memref<40x128xf32, #tpu.memory_space<vmem_shared>>
    %dma_wait3A_264 = arith.constant 0 : i32
    %dma_wait3A_265 = tpu.memref_slice %arg15[%add3A_257, %dma_wait3A_264] : memref<10000x128xf32, #tpu.memory_space<vmem_shared>> -> memref<40x128xf32, #tpu.memory_space<vmem_shared>>
    %dma_wait3A_266 = arith.constant 0 : i32
    %dma_wait3A_267 = arith.constant 0 : i32
    %dma_wait3A_268 = tpu.memref_slice %arg7[%dma_wait3A, %dma_wait3A_266, %dma_wait3A_267] : memref<5x40x128xf32, #tpu.memory_space<vmem>> -> memref<1x40x128xf32, #tpu.memory_space<vmem>>
    %dma_wait3A_269 = tpu.memref_squeeze %dma_wait3A_268 : memref<1x40x128xf32, #tpu.memory_space<vmem>> -> memref<40x128xf32, #tpu.memory_space<vmem>>
    tpu.wait_dma2 semaphore(%arg14 : memref<!tpu.dma_semaphore, #tpu.memory_space<semaphore_mem>>) src(%dma_wait3A_269 : memref<40x128xf32, #tpu.memory_space<vmem>>) dst(%dma_wait3A_265 : memref<40x128xf32, #tpu.memory_space<vmem_shared>>)
    %add3A_270 = arith.constant 40 : i32
    %add3A_271 = arith.addi %mul3A_4, %add3A_270 : i32
    %dma_wait3A_272 = arith.constant 0 : i32
    %dma_wait3A_273 = arith.constant 0 : i32
    %dma_wait3A_274 = arith.constant 0 : i32
    %dma_wait3A_275 = tpu.memref_slice %arg7[%dma_wait3A_272, %dma_wait3A_273, %dma_wait3A_274] : memref<5x40x128xf32, #tpu.memory_space<vmem>> -> memref<1x40x128xf32, #tpu.memory_space<vmem>>
    %dma_wait3A_276 = tpu.memref_squeeze %dma_wait3A_275 : memref<1x40x128xf32, #tpu.memory_space<vmem>> -> memref<40x128xf32, #tpu.memory_space<vmem>>
    %dma_wait3A_277 = arith.constant 0 : i32
    %dma_wait3A_278 = tpu.memref_slice %arg15[%add3A_271, %dma_wait3A_277] : memref<10000x128xf32, #tpu.memory_space<vmem_shared>> -> memref<40x128xf32, #tpu.memory_space<vmem_shared>>
    %dma_wait3A_279 = arith.constant 0 : i32
    %dma_wait3A_280 = tpu.memref_slice %arg15[%add3A_271, %dma_wait3A_279] : memref<10000x128xf32, #tpu.memory_space<vmem_shared>> -> memref<40x128xf32, #tpu.memory_space<vmem_shared>>
    %dma_wait3A_281 = arith.constant 0 : i32
    %dma_wait3A_282 = arith.constant 0 : i32
    %dma_wait3A_283 = tpu.memref_slice %arg7[%dma_wait3A_272, %dma_wait3A_281, %dma_wait3A_282] : memref<5x40x128xf32, #tpu.memory_space<vmem>> -> memref<1x40x128xf32, #tpu.memory_space<vmem>>
    %dma_wait3A_284 = tpu.memref_squeeze %dma_wait3A_283 : memref<1x40x128xf32, #tpu.memory_space<vmem>> -> memref<40x128xf32, #tpu.memory_space<vmem>>
    tpu.wait_dma2 semaphore(%arg14 : memref<!tpu.dma_semaphore, #tpu.memory_space<semaphore_mem>>) src(%dma_wait3A_284 : memref<40x128xf32, #tpu.memory_space<vmem>>) dst(%dma_wait3A_280 : memref<40x128xf32, #tpu.memory_space<vmem_shared>>)
    %add3A_285 = arith.constant 80 : i32
    %add3A_286 = arith.addi %mul3A_4, %add3A_285 : i32
    %dma_wait3A_287 = arith.constant 0 : i32
    %dma_wait3A_288 = arith.constant 0 : i32
    %dma_wait3A_289 = arith.constant 0 : i32
    %dma_wait3A_290 = tpu.memref_slice %arg7[%dma_wait3A_287, %dma_wait3A_288, %dma_wait3A_289] : memref<5x40x128xf32, #tpu.memory_space<vmem>> -> memref<1x40x128xf32, #tpu.memory_space<vmem>>
    %dma_wait3A_291 = tpu.memref_squeeze %dma_wait3A_290 : memref<1x40x128xf32, #tpu.memory_space<vmem>> -> memref<40x128xf32, #tpu.memory_space<vmem>>
    %dma_wait3A_292 = arith.constant 0 : i32
    %dma_wait3A_293 = tpu.memref_slice %arg15[%add3A_286, %dma_wait3A_292] : memref<10000x128xf32, #tpu.memory_space<vmem_shared>> -> memref<40x128xf32, #tpu.memory_space<vmem_shared>>
    %dma_wait3A_294 = arith.constant 0 : i32
    %dma_wait3A_295 = tpu.memref_slice %arg15[%add3A_286, %dma_wait3A_294] : memref<10000x128xf32, #tpu.memory_space<vmem_shared>> -> memref<40x128xf32, #tpu.memory_space<vmem_shared>>
    %dma_wait3A_296 = arith.constant 0 : i32
    %dma_wait3A_297 = arith.constant 0 : i32
    %dma_wait3A_298 = tpu.memref_slice %arg7[%dma_wait3A_287, %dma_wait3A_296, %dma_wait3A_297] : memref<5x40x128xf32, #tpu.memory_space<vmem>> -> memref<1x40x128xf32, #tpu.memory_space<vmem>>
    %dma_wait3A_299 = tpu.memref_squeeze %dma_wait3A_298 : memref<1x40x128xf32, #tpu.memory_space<vmem>> -> memref<40x128xf32, #tpu.memory_space<vmem>>
    tpu.wait_dma2 semaphore(%arg14 : memref<!tpu.dma_semaphore, #tpu.memory_space<semaphore_mem>>) src(%dma_wait3A_299 : memref<40x128xf32, #tpu.memory_space<vmem>>) dst(%dma_wait3A_295 : memref<40x128xf32, #tpu.memory_space<vmem_shared>>)
    %add3A_300 = arith.constant 120 : i32
    %add3A_301 = arith.addi %mul3A_4, %add3A_300 : i32
    %dma_wait3A_302 = arith.constant 0 : i32
    %dma_wait3A_303 = arith.constant 0 : i32
    %dma_wait3A_304 = arith.constant 0 : i32
    %dma_wait3A_305 = tpu.memref_slice %arg7[%dma_wait3A_302, %dma_wait3A_303, %dma_wait3A_304] : memref<5x40x128xf32, #tpu.memory_space<vmem>> -> memref<1x40x128xf32, #tpu.memory_space<vmem>>
    %dma_wait3A_306 = tpu.memref_squeeze %dma_wait3A_305 : memref<1x40x128xf32, #tpu.memory_space<vmem>> -> memref<40x128xf32, #tpu.memory_space<vmem>>
    %dma_wait3A_307 = arith.constant 0 : i32
    %dma_wait3A_308 = tpu.memref_slice %arg15[%add3A_301, %dma_wait3A_307] : memref<10000x128xf32, #tpu.memory_space<vmem_shared>> -> memref<40x128xf32, #tpu.memory_space<vmem_shared>>
    %dma_wait3A_309 = arith.constant 0 : i32
    %dma_wait3A_310 = tpu.memref_slice %arg15[%add3A_301, %dma_wait3A_309] : memref<10000x128xf32, #tpu.memory_space<vmem_shared>> -> memref<40x128xf32, #tpu.memory_space<vmem_shared>>
    %dma_wait3A_311 = arith.constant 0 : i32
    %dma_wait3A_312 = arith.constant 0 : i32
    %dma_wait3A_313 = tpu.memref_slice %arg7[%dma_wait3A_302, %dma_wait3A_311, %dma_wait3A_312] : memref<5x40x128xf32, #tpu.memory_space<vmem>> -> memref<1x40x128xf32, #tpu.memory_space<vmem>>
    %dma_wait3A_314 = tpu.memref_squeeze %dma_wait3A_313 : memref<1x40x128xf32, #tpu.memory_space<vmem>> -> memref<40x128xf32, #tpu.memory_space<vmem>>
    tpu.wait_dma2 semaphore(%arg14 : memref<!tpu.dma_semaphore, #tpu.memory_space<semaphore_mem>>) src(%dma_wait3A_314 : memref<40x128xf32, #tpu.memory_space<vmem>>) dst(%dma_wait3A_310 : memref<40x128xf32, #tpu.memory_space<vmem_shared>>)
    %add3A_315 = arith.constant 160 : i32
    %add3A_316 = arith.addi %mul3A_4, %add3A_315 : i32
    %dma_wait3A_317 = arith.constant 0 : i32
    %dma_wait3A_318 = arith.constant 0 : i32
    %dma_wait3A_319 = arith.constant 0 : i32
    %dma_wait3A_320 = tpu.memref_slice %arg7[%dma_wait3A_317, %dma_wait3A_318, %dma_wait3A_319] : memref<5x40x128xf32, #tpu.memory_space<vmem>> -> memref<1x40x128xf32, #tpu.memory_space<vmem>>
    %dma_wait3A_321 = tpu.memref_squeeze %dma_wait3A_320 : memref<1x40x128xf32, #tpu.memory_space<vmem>> -> memref<40x128xf32, #tpu.memory_space<vmem>>
    %dma_wait3A_322 = arith.constant 0 : i32
    %dma_wait3A_323 = tpu.memref_slice %arg15[%add3A_316, %dma_wait3A_322] : memref<10000x128xf32, #tpu.memory_space<vmem_shared>> -> memref<40x128xf32, #tpu.memory_space<vmem_shared>>
    %dma_wait3A_324 = arith.constant 0 : i32
    %dma_wait3A_325 = tpu.memref_slice %arg15[%add3A_316, %dma_wait3A_324] : memref<10000x128xf32, #tpu.memory_space<vmem_shared>> -> memref<40x128xf32, #tpu.memory_space<vmem_shared>>
    %dma_wait3A_326 = arith.constant 0 : i32
    %dma_wait3A_327 = arith.constant 0 : i32
    %dma_wait3A_328 = tpu.memref_slice %arg7[%dma_wait3A_317, %dma_wait3A_326, %dma_wait3A_327] : memref<5x40x128xf32, #tpu.memory_space<vmem>> -> memref<1x40x128xf32, #tpu.memory_space<vmem>>
    %dma_wait3A_329 = tpu.memref_squeeze %dma_wait3A_328 : memref<1x40x128xf32, #tpu.memory_space<vmem>> -> memref<40x128xf32, #tpu.memory_space<vmem>>
    tpu.wait_dma2 semaphore(%arg14 : memref<!tpu.dma_semaphore, #tpu.memory_space<semaphore_mem>>) src(%dma_wait3A_329 : memref<40x128xf32, #tpu.memory_space<vmem>>) dst(%dma_wait3A_325 : memref<40x128xf32, #tpu.memory_space<vmem_shared>>)
    %add3A_330 = arith.constant 200 : i32
    %add3A_331 = arith.addi %mul3A_4, %add3A_330 : i32
    %dma_wait3A_332 = arith.constant 0 : i32
    %dma_wait3A_333 = arith.constant 0 : i32
    %dma_wait3A_334 = arith.constant 0 : i32
    %dma_wait3A_335 = tpu.memref_slice %arg7[%dma_wait3A_332, %dma_wait3A_333, %dma_wait3A_334] : memref<5x40x128xf32, #tpu.memory_space<vmem>> -> memref<1x40x128xf32, #tpu.memory_space<vmem>>
    %dma_wait3A_336 = tpu.memref_squeeze %dma_wait3A_335 : memref<1x40x128xf32, #tpu.memory_space<vmem>> -> memref<40x128xf32, #tpu.memory_space<vmem>>
    %dma_wait3A_337 = arith.constant 0 : i32
    %dma_wait3A_338 = tpu.memref_slice %arg15[%add3A_331, %dma_wait3A_337] : memref<10000x128xf32, #tpu.memory_space<vmem_shared>> -> memref<40x128xf32, #tpu.memory_space<vmem_shared>>
    %dma_wait3A_339 = arith.constant 0 : i32
    %dma_wait3A_340 = tpu.memref_slice %arg15[%add3A_331, %dma_wait3A_339] : memref<10000x128xf32, #tpu.memory_space<vmem_shared>> -> memref<40x128xf32, #tpu.memory_space<vmem_shared>>
    %dma_wait3A_341 = arith.constant 0 : i32
    %dma_wait3A_342 = arith.constant 0 : i32
    %dma_wait3A_343 = tpu.memref_slice %arg7[%dma_wait3A_332, %dma_wait3A_341, %dma_wait3A_342] : memref<5x40x128xf32, #tpu.memory_space<vmem>> -> memref<1x40x128xf32, #tpu.memory_space<vmem>>
    %dma_wait3A_344 = tpu.memref_squeeze %dma_wait3A_343 : memref<1x40x128xf32, #tpu.memory_space<vmem>> -> memref<40x128xf32, #tpu.memory_space<vmem>>
    tpu.wait_dma2 semaphore(%arg14 : memref<!tpu.dma_semaphore, #tpu.memory_space<semaphore_mem>>) src(%dma_wait3A_344 : memref<40x128xf32, #tpu.memory_space<vmem>>) dst(%dma_wait3A_340 : memref<40x128xf32, #tpu.memory_space<vmem_shared>>)
    %add3A_345 = arith.constant 240 : i32
    %add3A_346 = arith.addi %mul3A_4, %add3A_345 : i32
    %dma_wait3A_347 = arith.constant 0 : i32
    %dma_wait3A_348 = arith.constant 0 : i32
    %dma_wait3A_349 = arith.constant 0 : i32
    %dma_wait3A_350 = tpu.memref_slice %arg7[%dma_wait3A_347, %dma_wait3A_348, %dma_wait3A_349] : memref<5x40x128xf32, #tpu.memory_space<vmem>> -> memref<1x40x128xf32, #tpu.memory_space<vmem>>
    %dma_wait3A_351 = tpu.memref_squeeze %dma_wait3A_350 : memref<1x40x128xf32, #tpu.memory_space<vmem>> -> memref<40x128xf32, #tpu.memory_space<vmem>>
    %dma_wait3A_352 = arith.constant 0 : i32
    %dma_wait3A_353 = tpu.memref_slice %arg15[%add3A_346, %dma_wait3A_352] : memref<10000x128xf32, #tpu.memory_space<vmem_shared>> -> memref<40x128xf32, #tpu.memory_space<vmem_shared>>
    %dma_wait3A_354 = arith.constant 0 : i32
    %dma_wait3A_355 = tpu.memref_slice %arg15[%add3A_346, %dma_wait3A_354] : memref<10000x128xf32, #tpu.memory_space<vmem_shared>> -> memref<40x128xf32, #tpu.memory_space<vmem_shared>>
    %dma_wait3A_356 = arith.constant 0 : i32
    %dma_wait3A_357 = arith.constant 0 : i32
    %dma_wait3A_358 = tpu.memref_slice %arg7[%dma_wait3A_347, %dma_wait3A_356, %dma_wait3A_357] : memref<5x40x128xf32, #tpu.memory_space<vmem>> -> memref<1x40x128xf32, #tpu.memory_space<vmem>>
    %dma_wait3A_359 = tpu.memref_squeeze %dma_wait3A_358 : memref<1x40x128xf32, #tpu.memory_space<vmem>> -> memref<40x128xf32, #tpu.memory_space<vmem>>
    tpu.wait_dma2 semaphore(%arg14 : memref<!tpu.dma_semaphore, #tpu.memory_space<semaphore_mem>>) src(%dma_wait3A_359 : memref<40x128xf32, #tpu.memory_space<vmem>>) dst(%dma_wait3A_355 : memref<40x128xf32, #tpu.memory_space<vmem_shared>>)
    %add3A_360 = arith.constant 280 : i32
    %add3A_361 = arith.addi %mul3A_4, %add3A_360 : i32
    %dma_wait3A_362 = arith.constant 0 : i32
    %dma_wait3A_363 = arith.constant 0 : i32
    %dma_wait3A_364 = arith.constant 0 : i32
    %dma_wait3A_365 = tpu.memref_slice %arg7[%dma_wait3A_362, %dma_wait3A_363, %dma_wait3A_364] : memref<5x40x128xf32, #tpu.memory_space<vmem>> -> memref<1x40x128xf32, #tpu.memory_space<vmem>>
    %dma_wait3A_366 = tpu.memref_squeeze %dma_wait3A_365 : memref<1x40x128xf32, #tpu.memory_space<vmem>> -> memref<40x128xf32, #tpu.memory_space<vmem>>
    %dma_wait3A_367 = arith.constant 0 : i32
    %dma_wait3A_368 = tpu.memref_slice %arg15[%add3A_361, %dma_wait3A_367] : memref<10000x128xf32, #tpu.memory_space<vmem_shared>> -> memref<40x128xf32, #tpu.memory_space<vmem_shared>>
    %dma_wait3A_369 = arith.constant 0 : i32
    %dma_wait3A_370 = tpu.memref_slice %arg15[%add3A_361, %dma_wait3A_369] : memref<10000x128xf32, #tpu.memory_space<vmem_shared>> -> memref<40x128xf32, #tpu.memory_space<vmem_shared>>
    %dma_wait3A_371 = arith.constant 0 : i32
    %dma_wait3A_372 = arith.constant 0 : i32
    %dma_wait3A_373 = tpu.memref_slice %arg7[%dma_wait3A_362, %dma_wait3A_371, %dma_wait3A_372] : memref<5x40x128xf32, #tpu.memory_space<vmem>> -> memref<1x40x128xf32, #tpu.memory_space<vmem>>
    %dma_wait3A_374 = tpu.memref_squeeze %dma_wait3A_373 : memref<1x40x128xf32, #tpu.memory_space<vmem>> -> memref<40x128xf32, #tpu.memory_space<vmem>>
    tpu.wait_dma2 semaphore(%arg14 : memref<!tpu.dma_semaphore, #tpu.memory_space<semaphore_mem>>) src(%dma_wait3A_374 : memref<40x128xf32, #tpu.memory_space<vmem>>) dst(%dma_wait3A_370 : memref<40x128xf32, #tpu.memory_space<vmem_shared>>)
    %add3A_375 = arith.constant 320 : i32
    %add3A_376 = arith.addi %mul3A_4, %add3A_375 : i32
    %dma_wait3A_377 = arith.constant 0 : i32
    %dma_wait3A_378 = arith.constant 0 : i32
    %dma_wait3A_379 = arith.constant 0 : i32
    %dma_wait3A_380 = tpu.memref_slice %arg7[%dma_wait3A_377, %dma_wait3A_378, %dma_wait3A_379] : memref<5x40x128xf32, #tpu.memory_space<vmem>> -> memref<1x40x128xf32, #tpu.memory_space<vmem>>
    %dma_wait3A_381 = tpu.memref_squeeze %dma_wait3A_380 : memref<1x40x128xf32, #tpu.memory_space<vmem>> -> memref<40x128xf32, #tpu.memory_space<vmem>>
    %dma_wait3A_382 = arith.constant 0 : i32
    %dma_wait3A_383 = tpu.memref_slice %arg15[%add3A_376, %dma_wait3A_382] : memref<10000x128xf32, #tpu.memory_space<vmem_shared>> -> memref<40x128xf32, #tpu.memory_space<vmem_shared>>
    %dma_wait3A_384 = arith.constant 0 : i32
    %dma_wait3A_385 = tpu.memref_slice %arg15[%add3A_376, %dma_wait3A_384] : memref<10000x128xf32, #tpu.memory_space<vmem_shared>> -> memref<40x128xf32, #tpu.memory_space<vmem_shared>>
    %dma_wait3A_386 = arith.constant 0 : i32
    %dma_wait3A_387 = arith.constant 0 : i32
    %dma_wait3A_388 = tpu.memref_slice %arg7[%dma_wait3A_377, %dma_wait3A_386, %dma_wait3A_387] : memref<5x40x128xf32, #tpu.memory_space<vmem>> -> memref<1x40x128xf32, #tpu.memory_space<vmem>>
    %dma_wait3A_389 = tpu.memref_squeeze %dma_wait3A_388 : memref<1x40x128xf32, #tpu.memory_space<vmem>> -> memref<40x128xf32, #tpu.memory_space<vmem>>
    tpu.wait_dma2 semaphore(%arg14 : memref<!tpu.dma_semaphore, #tpu.memory_space<semaphore_mem>>) src(%dma_wait3A_389 : memref<40x128xf32, #tpu.memory_space<vmem>>) dst(%dma_wait3A_385 : memref<40x128xf32, #tpu.memory_space<vmem_shared>>)
    %add3A_390 = arith.constant 360 : i32
    %add3A_391 = arith.addi %mul3A_4, %add3A_390 : i32
    %dma_wait3A_392 = arith.constant 0 : i32
    %dma_wait3A_393 = arith.constant 0 : i32
    %dma_wait3A_394 = arith.constant 0 : i32
    %dma_wait3A_395 = tpu.memref_slice %arg7[%dma_wait3A_392, %dma_wait3A_393, %dma_wait3A_394] : memref<5x40x128xf32, #tpu.memory_space<vmem>> -> memref<1x40x128xf32, #tpu.memory_space<vmem>>
    %dma_wait3A_396 = tpu.memref_squeeze %dma_wait3A_395 : memref<1x40x128xf32, #tpu.memory_space<vmem>> -> memref<40x128xf32, #tpu.memory_space<vmem>>
    %dma_wait3A_397 = arith.constant 0 : i32
    %dma_wait3A_398 = tpu.memref_slice %arg15[%add3A_391, %dma_wait3A_397] : memref<10000x128xf32, #tpu.memory_space<vmem_shared>> -> memref<40x128xf32, #tpu.memory_space<vmem_shared>>
    %dma_wait3A_399 = arith.constant 0 : i32
    %dma_wait3A_400 = tpu.memref_slice %arg15[%add3A_391, %dma_wait3A_399] : memref<10000x128xf32, #tpu.memory_space<vmem_shared>> -> memref<40x128xf32, #tpu.memory_space<vmem_shared>>
    %dma_wait3A_401 = arith.constant 0 : i32
    %dma_wait3A_402 = arith.constant 0 : i32
    %dma_wait3A_403 = tpu.memref_slice %arg7[%dma_wait3A_392, %dma_wait3A_401, %dma_wait3A_402] : memref<5x40x128xf32, #tpu.memory_space<vmem>> -> memref<1x40x128xf32, #tpu.memory_space<vmem>>
    %dma_wait3A_404 = tpu.memref_squeeze %dma_wait3A_403 : memref<1x40x128xf32, #tpu.memory_space<vmem>> -> memref<40x128xf32, #tpu.memory_space<vmem>>
    tpu.wait_dma2 semaphore(%arg14 : memref<!tpu.dma_semaphore, #tpu.memory_space<semaphore_mem>>) src(%dma_wait3A_404 : memref<40x128xf32, #tpu.memory_space<vmem>>) dst(%dma_wait3A_400 : memref<40x128xf32, #tpu.memory_space<vmem_shared>>)
    %add3A_405 = arith.constant 400 : i32
    %add3A_406 = arith.addi %mul3A_4, %add3A_405 : i32
    %dma_wait3A_407 = arith.constant 0 : i32
    %dma_wait3A_408 = arith.constant 0 : i32
    %dma_wait3A_409 = arith.constant 0 : i32
    %dma_wait3A_410 = tpu.memref_slice %arg7[%dma_wait3A_407, %dma_wait3A_408, %dma_wait3A_409] : memref<5x40x128xf32, #tpu.memory_space<vmem>> -> memref<1x40x128xf32, #tpu.memory_space<vmem>>
    %dma_wait3A_411 = tpu.memref_squeeze %dma_wait3A_410 : memref<1x40x128xf32, #tpu.memory_space<vmem>> -> memref<40x128xf32, #tpu.memory_space<vmem>>
    %dma_wait3A_412 = arith.constant 0 : i32
    %dma_wait3A_413 = tpu.memref_slice %arg15[%add3A_406, %dma_wait3A_412] : memref<10000x128xf32, #tpu.memory_space<vmem_shared>> -> memref<40x128xf32, #tpu.memory_space<vmem_shared>>
    %dma_wait3A_414 = arith.constant 0 : i32
    %dma_wait3A_415 = tpu.memref_slice %arg15[%add3A_406, %dma_wait3A_414] : memref<10000x128xf32, #tpu.memory_space<vmem_shared>> -> memref<40x128xf32, #tpu.memory_space<vmem_shared>>
    %dma_wait3A_416 = arith.constant 0 : i32
    %dma_wait3A_417 = arith.constant 0 : i32
    %dma_wait3A_418 = tpu.memref_slice %arg7[%dma_wait3A_407, %dma_wait3A_416, %dma_wait3A_417] : memref<5x40x128xf32, #tpu.memory_space<vmem>> -> memref<1x40x128xf32, #tpu.memory_space<vmem>>
    %dma_wait3A_419 = tpu.memref_squeeze %dma_wait3A_418 : memref<1x40x128xf32, #tpu.memory_space<vmem>> -> memref<40x128xf32, #tpu.memory_space<vmem>>
    tpu.wait_dma2 semaphore(%arg14 : memref<!tpu.dma_semaphore, #tpu.memory_space<semaphore_mem>>) src(%dma_wait3A_419 : memref<40x128xf32, #tpu.memory_space<vmem>>) dst(%dma_wait3A_415 : memref<40x128xf32, #tpu.memory_space<vmem_shared>>)
    %add3A_420 = arith.constant 440 : i32
    %add3A_421 = arith.addi %mul3A_4, %add3A_420 : i32
    %dma_wait3A_422 = arith.constant 0 : i32
    %dma_wait3A_423 = arith.constant 0 : i32
    %dma_wait3A_424 = arith.constant 0 : i32
    %dma_wait3A_425 = tpu.memref_slice %arg7[%dma_wait3A_422, %dma_wait3A_423, %dma_wait3A_424] : memref<5x40x128xf32, #tpu.memory_space<vmem>> -> memref<1x40x128xf32, #tpu.memory_space<vmem>>
    %dma_wait3A_426 = tpu.memref_squeeze %dma_wait3A_425 : memref<1x40x128xf32, #tpu.memory_space<vmem>> -> memref<40x128xf32, #tpu.memory_space<vmem>>
    %dma_wait3A_427 = arith.constant 0 : i32
    %dma_wait3A_428 = tpu.memref_slice %arg15[%add3A_421, %dma_wait3A_427] : memref<10000x128xf32, #tpu.memory_space<vmem_shared>> -> memref<40x128xf32, #tpu.memory_space<vmem_shared>>
    %dma_wait3A_429 = arith.constant 0 : i32
    %dma_wait3A_430 = tpu.memref_slice %arg15[%add3A_421, %dma_wait3A_429] : memref<10000x128xf32, #tpu.memory_space<vmem_shared>> -> memref<40x128xf32, #tpu.memory_space<vmem_shared>>
    %dma_wait3A_431 = arith.constant 0 : i32
    %dma_wait3A_432 = arith.constant 0 : i32
    %dma_wait3A_433 = tpu.memref_slice %arg7[%dma_wait3A_422, %dma_wait3A_431, %dma_wait3A_432] : memref<5x40x128xf32, #tpu.memory_space<vmem>> -> memref<1x40x128xf32, #tpu.memory_space<vmem>>
    %dma_wait3A_434 = tpu.memref_squeeze %dma_wait3A_433 : memref<1x40x128xf32, #tpu.memory_space<vmem>> -> memref<40x128xf32, #tpu.memory_space<vmem>>
    tpu.wait_dma2 semaphore(%arg14 : memref<!tpu.dma_semaphore, #tpu.memory_space<semaphore_mem>>) src(%dma_wait3A_434 : memref<40x128xf32, #tpu.memory_space<vmem>>) dst(%dma_wait3A_430 : memref<40x128xf32, #tpu.memory_space<vmem_shared>>)
    %add3A_435 = arith.constant 480 : i32
    %add3A_436 = arith.addi %mul3A_4, %add3A_435 : i32
    %dma_wait3A_437 = arith.constant 0 : i32
    %dma_wait3A_438 = arith.constant 0 : i32
    %dma_wait3A_439 = arith.constant 0 : i32
    %dma_wait3A_440 = tpu.memref_slice %arg7[%dma_wait3A_437, %dma_wait3A_438, %dma_wait3A_439] : memref<5x40x128xf32, #tpu.memory_space<vmem>> -> memref<1x40x128xf32, #tpu.memory_space<vmem>>
    %dma_wait3A_441 = tpu.memref_squeeze %dma_wait3A_440 : memref<1x40x128xf32, #tpu.memory_space<vmem>> -> memref<40x128xf32, #tpu.memory_space<vmem>>
    %dma_wait3A_442 = arith.constant 0 : i32
    %dma_wait3A_443 = tpu.memref_slice %arg15[%add3A_436, %dma_wait3A_442] : memref<10000x128xf32, #tpu.memory_space<vmem_shared>> -> memref<40x128xf32, #tpu.memory_space<vmem_shared>>
    %dma_wait3A_444 = arith.constant 0 : i32
    %dma_wait3A_445 = tpu.memref_slice %arg15[%add3A_436, %dma_wait3A_444] : memref<10000x128xf32, #tpu.memory_space<vmem_shared>> -> memref<40x128xf32, #tpu.memory_space<vmem_shared>>
    %dma_wait3A_446 = arith.constant 0 : i32
    %dma_wait3A_447 = arith.constant 0 : i32
    %dma_wait3A_448 = tpu.memref_slice %arg7[%dma_wait3A_437, %dma_wait3A_446, %dma_wait3A_447] : memref<5x40x128xf32, #tpu.memory_space<vmem>> -> memref<1x40x128xf32, #tpu.memory_space<vmem>>
    %dma_wait3A_449 = tpu.memref_squeeze %dma_wait3A_448 : memref<1x40x128xf32, #tpu.memory_space<vmem>> -> memref<40x128xf32, #tpu.memory_space<vmem>>
    tpu.wait_dma2 semaphore(%arg14 : memref<!tpu.dma_semaphore, #tpu.memory_space<semaphore_mem>>) src(%dma_wait3A_449 : memref<40x128xf32, #tpu.memory_space<vmem>>) dst(%dma_wait3A_445 : memref<40x128xf32, #tpu.memory_space<vmem_shared>>)
    %add3A_450 = arith.constant 520 : i32
    %add3A_451 = arith.addi %mul3A_4, %add3A_450 : i32
    %dma_wait3A_452 = arith.constant 0 : i32
    %dma_wait3A_453 = arith.constant 0 : i32
    %dma_wait3A_454 = arith.constant 0 : i32
    %dma_wait3A_455 = tpu.memref_slice %arg7[%dma_wait3A_452, %dma_wait3A_453, %dma_wait3A_454] : memref<5x40x128xf32, #tpu.memory_space<vmem>> -> memref<1x40x128xf32, #tpu.memory_space<vmem>>
    %dma_wait3A_456 = tpu.memref_squeeze %dma_wait3A_455 : memref<1x40x128xf32, #tpu.memory_space<vmem>> -> memref<40x128xf32, #tpu.memory_space<vmem>>
    %dma_wait3A_457 = arith.constant 0 : i32
    %dma_wait3A_458 = tpu.memref_slice %arg15[%add3A_451, %dma_wait3A_457] : memref<10000x128xf32, #tpu.memory_space<vmem_shared>> -> memref<40x128xf32, #tpu.memory_space<vmem_shared>>
    %dma_wait3A_459 = arith.constant 0 : i32
    %dma_wait3A_460 = tpu.memref_slice %arg15[%add3A_451, %dma_wait3A_459] : memref<10000x128xf32, #tpu.memory_space<vmem_shared>> -> memref<40x128xf32, #tpu.memory_space<vmem_shared>>
    %dma_wait3A_461 = arith.constant 0 : i32
    %dma_wait3A_462 = arith.constant 0 : i32
    %dma_wait3A_463 = tpu.memref_slice %arg7[%dma_wait3A_452, %dma_wait3A_461, %dma_wait3A_462] : memref<5x40x128xf32, #tpu.memory_space<vmem>> -> memref<1x40x128xf32, #tpu.memory_space<vmem>>
    %dma_wait3A_464 = tpu.memref_squeeze %dma_wait3A_463 : memref<1x40x128xf32, #tpu.memory_space<vmem>> -> memref<40x128xf32, #tpu.memory_space<vmem>>
    tpu.wait_dma2 semaphore(%arg14 : memref<!tpu.dma_semaphore, #tpu.memory_space<semaphore_mem>>) src(%dma_wait3A_464 : memref<40x128xf32, #tpu.memory_space<vmem>>) dst(%dma_wait3A_460 : memref<40x128xf32, #tpu.memory_space<vmem_shared>>)
    %add3A_465 = arith.constant 560 : i32
    %add3A_466 = arith.addi %mul3A_4, %add3A_465 : i32
    %dma_wait3A_467 = arith.constant 0 : i32
    %dma_wait3A_468 = arith.constant 0 : i32
    %dma_wait3A_469 = arith.constant 0 : i32
    %dma_wait3A_470 = tpu.memref_slice %arg7[%dma_wait3A_467, %dma_wait3A_468, %dma_wait3A_469] : memref<5x40x128xf32, #tpu.memory_space<vmem>> -> memref<1x40x128xf32, #tpu.memory_space<vmem>>
    %dma_wait3A_471 = tpu.memref_squeeze %dma_wait3A_470 : memref<1x40x128xf32, #tpu.memory_space<vmem>> -> memref<40x128xf32, #tpu.memory_space<vmem>>
    %dma_wait3A_472 = arith.constant 0 : i32
    %dma_wait3A_473 = tpu.memref_slice %arg15[%add3A_466, %dma_wait3A_472] : memref<10000x128xf32, #tpu.memory_space<vmem_shared>> -> memref<40x128xf32, #tpu.memory_space<vmem_shared>>
    %dma_wait3A_474 = arith.constant 0 : i32
    %dma_wait3A_475 = tpu.memref_slice %arg15[%add3A_466, %dma_wait3A_474] : memref<10000x128xf32, #tpu.memory_space<vmem_shared>> -> memref<40x128xf32, #tpu.memory_space<vmem_shared>>
    %dma_wait3A_476 = arith.constant 0 : i32
    %dma_wait3A_477 = arith.constant 0 : i32
    %dma_wait3A_478 = tpu.memref_slice %arg7[%dma_wait3A_467, %dma_wait3A_476, %dma_wait3A_477] : memref<5x40x128xf32, #tpu.memory_space<vmem>> -> memref<1x40x128xf32, #tpu.memory_space<vmem>>
    %dma_wait3A_479 = tpu.memref_squeeze %dma_wait3A_478 : memref<1x40x128xf32, #tpu.memory_space<vmem>> -> memref<40x128xf32, #tpu.memory_space<vmem>>
    tpu.wait_dma2 semaphore(%arg14 : memref<!tpu.dma_semaphore, #tpu.memory_space<semaphore_mem>>) src(%dma_wait3A_479 : memref<40x128xf32, #tpu.memory_space<vmem>>) dst(%dma_wait3A_475 : memref<40x128xf32, #tpu.memory_space<vmem_shared>>)
    %add3A_480 = arith.constant 600 : i32
    %add3A_481 = arith.addi %mul3A_4, %add3A_480 : i32
    %dma_wait3A_482 = arith.constant 0 : i32
    %dma_wait3A_483 = arith.constant 0 : i32
    %dma_wait3A_484 = arith.constant 0 : i32
    %dma_wait3A_485 = tpu.memref_slice %arg7[%dma_wait3A_482, %dma_wait3A_483, %dma_wait3A_484] : memref<5x40x128xf32, #tpu.memory_space<vmem>> -> memref<1x25x128xf32, #tpu.memory_space<vmem>>
    %dma_wait3A_486 = tpu.memref_squeeze %dma_wait3A_485 : memref<1x25x128xf32, #tpu.memory_space<vmem>> -> memref<25x128xf32, #tpu.memory_space<vmem>>
    %dma_wait3A_487 = arith.constant 0 : i32
    %dma_wait3A_488 = tpu.memref_slice %arg15[%add3A_481, %dma_wait3A_487] : memref<10000x128xf32, #tpu.memory_space<vmem_shared>> -> memref<25x128xf32, #tpu.memory_space<vmem_shared>>
    %dma_wait3A_489 = arith.constant 0 : i32
    %dma_wait3A_490 = tpu.memref_slice %arg15[%add3A_481, %dma_wait3A_489] : memref<10000x128xf32, #tpu.memory_space<vmem_shared>> -> memref<25x128xf32, #tpu.memory_space<vmem_shared>>
    %dma_wait3A_491 = arith.constant 0 : i32
    %dma_wait3A_492 = arith.constant 0 : i32
    %dma_wait3A_493 = tpu.memref_slice %arg7[%dma_wait3A_482, %dma_wait3A_491, %dma_wait3A_492] : memref<5x40x128xf32, #tpu.memory_space<vmem>> -> memref<1x25x128xf32, #tpu.memory_space<vmem>>
    %dma_wait3A_494 = tpu.memref_squeeze %dma_wait3A_493 : memref<1x25x128xf32, #tpu.memory_space<vmem>> -> memref<25x128xf32, #tpu.memory_space<vmem>>
    tpu.wait_dma2 semaphore(%arg14 : memref<!tpu.dma_semaphore, #tpu.memory_space<semaphore_mem>>) src(%dma_wait3A_494 : memref<25x128xf32, #tpu.memory_space<vmem>>) dst(%dma_wait3A_490 : memref<25x128xf32, #tpu.memory_space<vmem_shared>>)
    %scan3A_495 = arith.constant 0 : i32
    %scan3A_496 = arith.constant 0 : i32
    %scan3A_497 = arith.constant 250 : i32
    %scan3A_498 = arith.addi %scan3A_496, %scan3A_497 : i32
    %scan3A_499 = arith.constant 1 : i32
    scf.for %scan3A_618 = %scan3A_496 to %scan3A_498 step %scan3A_499  : i32 {
      %mul3A_619 = arith.constant 40 : i32
      %mul3A_620 = arith.muli %scan3A_618, %mul3A_619 : i32
      %add3A_621 = arith.addi %mul3A_2, %mul3A_620 : i32
      %dma_wait3A_622 = arith.constant 1 : i32
      %dma_wait3A_623 = arith.constant 0 : i32
      %dma_wait3A_624 = tpu.memref_slice %arg6[%scan3A_618, %dma_wait3A_623] : memref<250x40xi32, #tpu.memory_space<vmem>> -> memref<1x40xi32, #tpu.memory_space<vmem>>
      %dma_wait3A_625 = tpu.memref_squeeze %dma_wait3A_624 : memref<1x40xi32, #tpu.memory_space<vmem>> -> memref<40xi32, #tpu.memory_space<vmem>>
      %dma_wait3A_626 = tpu.memref_slice %arg3[%dma_wait3A_622, %add3A_621] : memref<2x320000xi32, #tpu.memory_space<hbm>> -> memref<1x40xi32, #tpu.memory_space<hbm>>
      %dma_wait3A_627 = tpu.memref_squeeze %dma_wait3A_626 : memref<1x40xi32, #tpu.memory_space<hbm>> -> memref<40xi32, #tpu.memory_space<hbm>>
      %dma_wait3A_628 = arith.constant 0 : i32
      %dma_wait3A_629 = tpu.memref_slice %arg6[%scan3A_618, %dma_wait3A_628] : memref<250x40xi32, #tpu.memory_space<vmem>> -> memref<1x40xi32, #tpu.memory_space<vmem>>
      %dma_wait3A_630 = tpu.memref_squeeze %dma_wait3A_629 : memref<1x40xi32, #tpu.memory_space<vmem>> -> memref<40xi32, #tpu.memory_space<vmem>>
      %dma_wait3A_631 = tpu.memref_slice %arg3[%dma_wait3A_622, %add3A_621] : memref<2x320000xi32, #tpu.memory_space<hbm>> -> memref<1x40xi32, #tpu.memory_space<hbm>>
      %dma_wait3A_632 = tpu.memref_squeeze %dma_wait3A_631 : memref<1x40xi32, #tpu.memory_space<hbm>> -> memref<40xi32, #tpu.memory_space<hbm>>
      tpu.wait_dma2 semaphore(%arg13 : memref<!tpu.dma_semaphore, #tpu.memory_space<semaphore_mem>>) src(%dma_wait3A_632 : memref<40xi32, #tpu.memory_space<hbm>>) dst(%dma_wait3A_630 : memref<40xi32, #tpu.memory_space<vmem>>)
    }
    %scan3A_500 = arith.constant 250 : i32
    %barrier3A = arith.constant 0 : index
    tpu.barrier barrier_id(%barrier3A)
    %dma_start3A_501 = arith.constant 0 : i32
    %dma_start3A_502 = arith.constant 0 : i32
    %dma_start3A_503 = arith.constant 0 : i32
    %dma_start3A_504 = tpu.memref_slice %arg7[%dma_start3A_501, %dma_start3A_502, %dma_start3A_503] : memref<5x40x128xf32, #tpu.memory_space<vmem>> -> memref<1x40x128xf32, #tpu.memory_space<vmem>>
    %dma_start3A_505 = tpu.memref_squeeze %dma_start3A_504 : memref<1x40x128xf32, #tpu.memory_space<vmem>> -> memref<40x128xf32, #tpu.memory_space<vmem>>
    %dma_start3A_506 = arith.constant 0 : i32
    %dma_start3A_507 = tpu.memref_slice %arg5[%dma_start3A_506] : memref<10000xi32, #tpu.memory_space<vmem>> -> memref<40xi32, #tpu.memory_space<vmem>>
    %dma_start3A_508 = arith.constant 0 : i32
    %dma_start3A_509 = arith.constant 0 : i32
    %dma_start3A_510 = tpu.memref_slice %arg2[%dma_start3A_508, %dma_start3A_509] : memref<10000x128xf32, #tpu.memory_space<hbm>> -> memref<10000x128xf32, #tpu.memory_space<hbm>>
    tpu.enqueue_indirect_dma source(%dma_start3A_510 : memref<10000x128xf32, #tpu.memory_space<hbm>>) target(%dma_start3A_505 : memref<40x128xf32, #tpu.memory_space<vmem>>) offsets(%dma_start3A_507 : memref<40xi32, #tpu.memory_space<vmem>>) semaphore(%arg8 : memref<!tpu.dma_semaphore, #tpu.memory_space<semaphore_mem>>)
    %dma_start3A_511 = arith.constant 1 : i32
    %dma_start3A_512 = arith.constant 0 : i32
    %dma_start3A_513 = arith.constant 0 : i32
    %dma_start3A_514 = tpu.memref_slice %arg7[%dma_start3A_511, %dma_start3A_512, %dma_start3A_513] : memref<5x40x128xf32, #tpu.memory_space<vmem>> -> memref<1x40x128xf32, #tpu.memory_space<vmem>>
    %dma_start3A_515 = tpu.memref_squeeze %dma_start3A_514 : memref<1x40x128xf32, #tpu.memory_space<vmem>> -> memref<40x128xf32, #tpu.memory_space<vmem>>
    %dma_start3A_516 = arith.constant 40 : i32
    %dma_start3A_517 = tpu.memref_slice %arg5[%dma_start3A_516] : memref<10000xi32, #tpu.memory_space<vmem>> -> memref<40xi32, #tpu.memory_space<vmem>>
    %dma_start3A_518 = arith.constant 0 : i32
    %dma_start3A_519 = arith.constant 0 : i32
    %dma_start3A_520 = tpu.memref_slice %arg2[%dma_start3A_518, %dma_start3A_519] : memref<10000x128xf32, #tpu.memory_space<hbm>> -> memref<10000x128xf32, #tpu.memory_space<hbm>>
    tpu.enqueue_indirect_dma source(%dma_start3A_520 : memref<10000x128xf32, #tpu.memory_space<hbm>>) target(%dma_start3A_515 : memref<40x128xf32, #tpu.memory_space<vmem>>) offsets(%dma_start3A_517 : memref<40xi32, #tpu.memory_space<vmem>>) semaphore(%arg9 : memref<!tpu.dma_semaphore, #tpu.memory_space<semaphore_mem>>)
    %dma_start3A_521 = arith.constant 2 : i32
    %dma_start3A_522 = arith.constant 0 : i32
    %dma_start3A_523 = arith.constant 0 : i32
    %dma_start3A_524 = tpu.memref_slice %arg7[%dma_start3A_521, %dma_start3A_522, %dma_start3A_523] : memref<5x40x128xf32, #tpu.memory_space<vmem>> -> memref<1x40x128xf32, #tpu.memory_space<vmem>>
    %dma_start3A_525 = tpu.memref_squeeze %dma_start3A_524 : memref<1x40x128xf32, #tpu.memory_space<vmem>> -> memref<40x128xf32, #tpu.memory_space<vmem>>
    %dma_start3A_526 = arith.constant 80 : i32
    %dma_start3A_527 = tpu.memref_slice %arg5[%dma_start3A_526] : memref<10000xi32, #tpu.memory_space<vmem>> -> memref<40xi32, #tpu.memory_space<vmem>>
    %dma_start3A_528 = arith.constant 0 : i32
    %dma_start3A_529 = arith.constant 0 : i32
    %dma_start3A_530 = tpu.memref_slice %arg2[%dma_start3A_528, %dma_start3A_529] : memref<10000x128xf32, #tpu.memory_space<hbm>> -> memref<10000x128xf32, #tpu.memory_space<hbm>>
    tpu.enqueue_indirect_dma source(%dma_start3A_530 : memref<10000x128xf32, #tpu.memory_space<hbm>>) target(%dma_start3A_525 : memref<40x128xf32, #tpu.memory_space<vmem>>) offsets(%dma_start3A_527 : memref<40xi32, #tpu.memory_space<vmem>>) semaphore(%arg10 : memref<!tpu.dma_semaphore, #tpu.memory_space<semaphore_mem>>)
    %dma_start3A_531 = arith.constant 3 : i32
    %dma_start3A_532 = arith.constant 0 : i32
    %dma_start3A_533 = arith.constant 0 : i32
    %dma_start3A_534 = tpu.memref_slice %arg7[%dma_start3A_531, %dma_start3A_532, %dma_start3A_533] : memref<5x40x128xf32, #tpu.memory_space<vmem>> -> memref<1x40x128xf32, #tpu.memory_space<vmem>>
    %dma_start3A_535 = tpu.memref_squeeze %dma_start3A_534 : memref<1x40x128xf32, #tpu.memory_space<vmem>> -> memref<40x128xf32, #tpu.memory_space<vmem>>
    %dma_start3A_536 = arith.constant 120 : i32
    %dma_start3A_537 = tpu.memref_slice %arg5[%dma_start3A_536] : memref<10000xi32, #tpu.memory_space<vmem>> -> memref<40xi32, #tpu.memory_space<vmem>>
    %dma_start3A_538 = arith.constant 0 : i32
    %dma_start3A_539 = arith.constant 0 : i32
    %dma_start3A_540 = tpu.memref_slice %arg2[%dma_start3A_538, %dma_start3A_539] : memref<10000x128xf32, #tpu.memory_space<hbm>> -> memref<10000x128xf32, #tpu.memory_space<hbm>>
    tpu.enqueue_indirect_dma source(%dma_start3A_540 : memref<10000x128xf32, #tpu.memory_space<hbm>>) target(%dma_start3A_535 : memref<40x128xf32, #tpu.memory_space<vmem>>) offsets(%dma_start3A_537 : memref<40xi32, #tpu.memory_space<vmem>>) semaphore(%arg11 : memref<!tpu.dma_semaphore, #tpu.memory_space<semaphore_mem>>)
    %dma_start3A_541 = arith.constant 4 : i32
    %dma_start3A_542 = arith.constant 0 : i32
    %dma_start3A_543 = arith.constant 0 : i32
    %dma_start3A_544 = tpu.memref_slice %arg7[%dma_start3A_541, %dma_start3A_542, %dma_start3A_543] : memref<5x40x128xf32, #tpu.memory_space<vmem>> -> memref<1x40x128xf32, #tpu.memory_space<vmem>>
    %dma_start3A_545 = tpu.memref_squeeze %dma_start3A_544 : memref<1x40x128xf32, #tpu.memory_space<vmem>> -> memref<40x128xf32, #tpu.memory_space<vmem>>
    %dma_start3A_546 = arith.constant 160 : i32
    %dma_start3A_547 = tpu.memref_slice %arg5[%dma_start3A_546] : memref<10000xi32, #tpu.memory_space<vmem>> -> memref<40xi32, #tpu.memory_space<vmem>>
    %dma_start3A_548 = arith.constant 0 : i32
    %dma_start3A_549 = arith.constant 0 : i32
    %dma_start3A_550 = tpu.memref_slice %arg2[%dma_start3A_548, %dma_start3A_549] : memref<10000x128xf32, #tpu.memory_space<hbm>> -> memref<10000x128xf32, #tpu.memory_space<hbm>>
    tpu.enqueue_indirect_dma source(%dma_start3A_550 : memref<10000x128xf32, #tpu.memory_space<hbm>>) target(%dma_start3A_545 : memref<40x128xf32, #tpu.memory_space<vmem>>) offsets(%dma_start3A_547 : memref<40xi32, #tpu.memory_space<vmem>>) semaphore(%arg12 : memref<!tpu.dma_semaphore, #tpu.memory_space<semaphore_mem>>)
    %scan3A_551 = arith.constant 0 : i32
    %scan3A_552 = arith.constant 0 : i32
    %scan3A_553 = arith.constant 49 : i32
    %scan3A_554 = arith.addi %scan3A_552, %scan3A_553 : i32
    %scan3A_555 = arith.constant 1 : i32
    scf.for %scan3A_618 = %scan3A_552 to %scan3A_554 step %scan3A_555  : i32 {
      %mul3A_619 = arith.constant 5 : i32
      %mul3A_620 = arith.muli %scan3A_618, %mul3A_619 : i32
      %add3A_621 = arith.constant 0 : i32
      %add3A_622 = arith.addi %mul3A_620, %add3A_621 : i32
      %mul3A_623 = arith.constant 40 : i32
      %mul3A_624 = arith.muli %add3A_622, %mul3A_623 : i32
      %dma_wait3A_625 = arith.constant 0 : i32
      %dma_wait3A_626 = arith.constant 0 : i32
      %dma_wait3A_627 = arith.constant 0 : i32
      %dma_wait3A_628 = tpu.memref_slice %arg7[%dma_wait3A_625, %dma_wait3A_626, %dma_wait3A_627] : memref<5x40x128xf32, #tpu.memory_space<vmem>> -> memref<1x40x128xf32, #tpu.memory_space<vmem>>
      %dma_wait3A_629 = tpu.memref_squeeze %dma_wait3A_628 : memref<1x40x128xf32, #tpu.memory_space<vmem>> -> memref<40x128xf32, #tpu.memory_space<vmem>>
      %dma_wait3A_630 = tpu.memref_slice %arg5[%mul3A_624] : memref<10000xi32, #tpu.memory_space<vmem>> -> memref<40xi32, #tpu.memory_space<vmem>>
      %dma_wait3A_631 = arith.constant 0 : i32
      %dma_wait3A_632 = arith.constant 0 : i32
      %dma_wait3A_633 = tpu.memref_slice %arg2[%dma_wait3A_631, %dma_wait3A_632] : memref<10000x128xf32, #tpu.memory_space<hbm>> -> memref<10000x128xf32, #tpu.memory_space<hbm>>
      tpu.wait_indirect_dma semaphore(%arg8 : memref<!tpu.dma_semaphore, #tpu.memory_space<semaphore_mem>>) src(%dma_wait3A_633 : memref<10000x128xf32, #tpu.memory_space<hbm>>) dst(%dma_wait3A_629 : memref<40x128xf32, #tpu.memory_space<vmem>>)
      %run_scoped3A_634 = arith.constant 0 : i32
      "tpu.region"() ({
        %run_scoped3A_764 = tpu.sem_alloc : memref<!tpu.dma_semaphore, #tpu.memory_space<semaphore_mem>>
        %dma_start3A_765 = arith.constant 0 : i32
        %dma_start3A_766 = arith.constant 0 : i32
        %dma_start3A_767 = tpu.memref_slice %arg7[%run_scoped3A_634, %dma_start3A_765, %dma_start3A_766] : memref<5x40x128xf32, #tpu.memory_space<vmem>> -> memref<1x40x128xf32, #tpu.memory_space<vmem>>
        %dma_start3A_768 = tpu.memref_squeeze %dma_start3A_767 : memref<1x40x128xf32, #tpu.memory_space<vmem>> -> memref<40x128xf32, #tpu.memory_space<vmem>>
        %dma_start3A_769 = arith.constant 0 : i32
        %dma_start3A_770 = tpu.memref_slice %arg6[%add3A_622, %dma_start3A_769] : memref<250x40xi32, #tpu.memory_space<vmem>> -> memref<1x40xi32, #tpu.memory_space<vmem>>
        %dma_start3A_771 = tpu.memref_squeeze %dma_start3A_770 : memref<1x40xi32, #tpu.memory_space<vmem>> -> memref<40xi32, #tpu.memory_space<vmem>>
        %dma_start3A_772 = arith.constant 0 : i32
        %dma_start3A_773 = arith.constant 0 : i32
        %dma_start3A_774 = tpu.memref_slice %arg15[%dma_start3A_772, %dma_start3A_773] : memref<10000x128xf32, #tpu.memory_space<vmem_shared>> -> memref<10000x128xf32, #tpu.memory_space<vmem_shared>>
        tpu.enqueue_indirect_dma source(%dma_start3A_768 : memref<40x128xf32, #tpu.memory_space<vmem>>) target(%dma_start3A_774 : memref<10000x128xf32, #tpu.memory_space<vmem_shared>>) offsets(%dma_start3A_771 : memref<40xi32, #tpu.memory_space<vmem>>) semaphore(%run_scoped3A_764 : memref<!tpu.dma_semaphore, #tpu.memory_space<semaphore_mem>>) {add = true}
        %dma_wait3A_775 = arith.constant 0 : i32
        %dma_wait3A_776 = arith.constant 0 : i32
        %dma_wait3A_777 = tpu.memref_slice %arg7[%run_scoped3A_634, %dma_wait3A_775, %dma_wait3A_776] : memref<5x40x128xf32, #tpu.memory_space<vmem>> -> memref<1x40x128xf32, #tpu.memory_space<vmem>>
        %dma_wait3A_778 = tpu.memref_squeeze %dma_wait3A_777 : memref<1x40x128xf32, #tpu.memory_space<vmem>> -> memref<40x128xf32, #tpu.memory_space<vmem>>
        %dma_wait3A_779 = arith.constant 0 : i32
        %dma_wait3A_780 = tpu.memref_slice %arg6[%add3A_622, %dma_wait3A_779] : memref<250x40xi32, #tpu.memory_space<vmem>> -> memref<1x40xi32, #tpu.memory_space<vmem>>
        %dma_wait3A_781 = tpu.memref_squeeze %dma_wait3A_780 : memref<1x40xi32, #tpu.memory_space<vmem>> -> memref<40xi32, #tpu.memory_space<vmem>>
        %dma_wait3A_782 = arith.constant 0 : i32
        %dma_wait3A_783 = arith.constant 0 : i32
        %dma_wait3A_784 = tpu.memref_slice %arg15[%dma_wait3A_782, %dma_wait3A_783] : memref<10000x128xf32, #tpu.memory_space<vmem_shared>> -> memref<10000x128xf32, #tpu.memory_space<vmem_shared>>
        tpu.wait_indirect_dma semaphore(%run_scoped3A_764 : memref<!tpu.dma_semaphore, #tpu.memory_space<semaphore_mem>>) src(%dma_wait3A_778 : memref<40x128xf32, #tpu.memory_space<vmem>>) dst(%dma_wait3A_784 : memref<10000x128xf32, #tpu.memory_space<vmem_shared>>)
        tpu.yield
      }) : () -> ()
      %add3A_635 = arith.constant 5 : i32
      %add3A_636 = arith.addi %add3A_622, %add3A_635 : i32
      %mul3A_637 = arith.constant 40 : i32
      %mul3A_638 = arith.muli %add3A_636, %mul3A_637 : i32
      %dma_start3A_639 = arith.constant 0 : i32
      %dma_start3A_640 = arith.constant 0 : i32
      %dma_start3A_641 = arith.constant 0 : i32
      %dma_start3A_642 = tpu.memref_slice %arg7[%dma_start3A_639, %dma_start3A_640, %dma_start3A_641] : memref<5x40x128xf32, #tpu.memory_space<vmem>> -> memref<1x40x128xf32, #tpu.memory_space<vmem>>
      %dma_start3A_643 = tpu.memref_squeeze %dma_start3A_642 : memref<1x40x128xf32, #tpu.memory_space<vmem>> -> memref<40x128xf32, #tpu.memory_space<vmem>>
      %dma_start3A_644 = tpu.memref_slice %arg5[%mul3A_638] : memref<10000xi32, #tpu.memory_space<vmem>> -> memref<40xi32, #tpu.memory_space<vmem>>
      %dma_start3A_645 = arith.constant 0 : i32
      %dma_start3A_646 = arith.constant 0 : i32
      %dma_start3A_647 = tpu.memref_slice %arg2[%dma_start3A_645, %dma_start3A_646] : memref<10000x128xf32, #tpu.memory_space<hbm>> -> memref<10000x128xf32, #tpu.memory_space<hbm>>
      tpu.enqueue_indirect_dma source(%dma_start3A_647 : memref<10000x128xf32, #tpu.memory_space<hbm>>) target(%dma_start3A_643 : memref<40x128xf32, #tpu.memory_space<vmem>>) offsets(%dma_start3A_644 : memref<40xi32, #tpu.memory_space<vmem>>) semaphore(%arg8 : memref<!tpu.dma_semaphore, #tpu.memory_space<semaphore_mem>>)
      %mul3A_648 = arith.constant 5 : i32
      %mul3A_649 = arith.muli %scan3A_618, %mul3A_648 : i32
      %add3A_650 = arith.constant 1 : i32
      %add3A_651 = arith.addi %mul3A_649, %add3A_650 : i32
      %mul3A_652 = arith.constant 40 : i32
      %mul3A_653 = arith.muli %add3A_651, %mul3A_652 : i32
      %dma_wait3A_654 = arith.constant 1 : i32
      %dma_wait3A_655 = arith.constant 0 : i32
      %dma_wait3A_656 = arith.constant 0 : i32
      %dma_wait3A_657 = tpu.memref_slice %arg7[%dma_wait3A_654, %dma_wait3A_655, %dma_wait3A_656] : memref<5x40x128xf32, #tpu.memory_space<vmem>> -> memref<1x40x128xf32, #tpu.memory_space<vmem>>
      %dma_wait3A_658 = tpu.memref_squeeze %dma_wait3A_657 : memref<1x40x128xf32, #tpu.memory_space<vmem>> -> memref<40x128xf32, #tpu.memory_space<vmem>>
      %dma_wait3A_659 = tpu.memref_slice %arg5[%mul3A_653] : memref<10000xi32, #tpu.memory_space<vmem>> -> memref<40xi32, #tpu.memory_space<vmem>>
      %dma_wait3A_660 = arith.constant 0 : i32
      %dma_wait3A_661 = arith.constant 0 : i32
      %dma_wait3A_662 = tpu.memref_slice %arg2[%dma_wait3A_660, %dma_wait3A_661] : memref<10000x128xf32, #tpu.memory_space<hbm>> -> memref<10000x128xf32, #tpu.memory_space<hbm>>
      tpu.wait_indirect_dma semaphore(%arg9 : memref<!tpu.dma_semaphore, #tpu.memory_space<semaphore_mem>>) src(%dma_wait3A_662 : memref<10000x128xf32, #tpu.memory_space<hbm>>) dst(%dma_wait3A_658 : memref<40x128xf32, #tpu.memory_space<vmem>>)
      %run_scoped3A_663 = arith.constant 1 : i32
      "tpu.region"() ({
        %run_scoped3A_764 = tpu.sem_alloc : memref<!tpu.dma_semaphore, #tpu.memory_space<semaphore_mem>>
        %dma_start3A_765 = arith.constant 0 : i32
        %dma_start3A_766 = arith.constant 0 : i32
        %dma_start3A_767 = tpu.memref_slice %arg7[%run_scoped3A_663, %dma_start3A_765, %dma_start3A_766] : memref<5x40x128xf32, #tpu.memory_space<vmem>> -> memref<1x40x128xf32, #tpu.memory_space<vmem>>
        %dma_start3A_768 = tpu.memref_squeeze %dma_start3A_767 : memref<1x40x128xf32, #tpu.memory_space<vmem>> -> memref<40x128xf32, #tpu.memory_space<vmem>>
        %dma_start3A_769 = arith.constant 0 : i32
        %dma_start3A_770 = tpu.memref_slice %arg6[%add3A_651, %dma_start3A_769] : memref<250x40xi32, #tpu.memory_space<vmem>> -> memref<1x40xi32, #tpu.memory_space<vmem>>
        %dma_start3A_771 = tpu.memref_squeeze %dma_start3A_770 : memref<1x40xi32, #tpu.memory_space<vmem>> -> memref<40xi32, #tpu.memory_space<vmem>>
        %dma_start3A_772 = arith.constant 0 : i32
        %dma_start3A_773 = arith.constant 0 : i32
        %dma_start3A_774 = tpu.memref_slice %arg15[%dma_start3A_772, %dma_start3A_773] : memref<10000x128xf32, #tpu.memory_space<vmem_shared>> -> memref<10000x128xf32, #tpu.memory_space<vmem_shared>>
        tpu.enqueue_indirect_dma source(%dma_start3A_768 : memref<40x128xf32, #tpu.memory_space<vmem>>) target(%dma_start3A_774 : memref<10000x128xf32, #tpu.memory_space<vmem_shared>>) offsets(%dma_start3A_771 : memref<40xi32, #tpu.memory_space<vmem>>) semaphore(%run_scoped3A_764 : memref<!tpu.dma_semaphore, #tpu.memory_space<semaphore_mem>>) {add = true}
        %dma_wait3A_775 = arith.constant 0 : i32
        %dma_wait3A_776 = arith.constant 0 : i32
        %dma_wait3A_777 = tpu.memref_slice %arg7[%run_scoped3A_663, %dma_wait3A_775, %dma_wait3A_776] : memref<5x40x128xf32, #tpu.memory_space<vmem>> -> memref<1x40x128xf32, #tpu.memory_space<vmem>>
        %dma_wait3A_778 = tpu.memref_squeeze %dma_wait3A_777 : memref<1x40x128xf32, #tpu.memory_space<vmem>> -> memref<40x128xf32, #tpu.memory_space<vmem>>
        %dma_wait3A_779 = arith.constant 0 : i32
        %dma_wait3A_780 = tpu.memref_slice %arg6[%add3A_651, %dma_wait3A_779] : memref<250x40xi32, #tpu.memory_space<vmem>> -> memref<1x40xi32, #tpu.memory_space<vmem>>
        %dma_wait3A_781 = tpu.memref_squeeze %dma_wait3A_780 : memref<1x40xi32, #tpu.memory_space<vmem>> -> memref<40xi32, #tpu.memory_space<vmem>>
        %dma_wait3A_782 = arith.constant 0 : i32
        %dma_wait3A_783 = arith.constant 0 : i32
        %dma_wait3A_784 = tpu.memref_slice %arg15[%dma_wait3A_782, %dma_wait3A_783] : memref<10000x128xf32, #tpu.memory_space<vmem_shared>> -> memref<10000x128xf32, #tpu.memory_space<vmem_shared>>
        tpu.wait_indirect_dma semaphore(%run_scoped3A_764 : memref<!tpu.dma_semaphore, #tpu.memory_space<semaphore_mem>>) src(%dma_wait3A_778 : memref<40x128xf32, #tpu.memory_space<vmem>>) dst(%dma_wait3A_784 : memref<10000x128xf32, #tpu.memory_space<vmem_shared>>)
        tpu.yield
      }) : () -> ()
      %add3A_664 = arith.constant 5 : i32
      %add3A_665 = arith.addi %add3A_651, %add3A_664 : i32
      %mul3A_666 = arith.constant 40 : i32
      %mul3A_667 = arith.muli %add3A_665, %mul3A_666 : i32
      %dma_start3A_668 = arith.constant 1 : i32
      %dma_start3A_669 = arith.constant 0 : i32
      %dma_start3A_670 = arith.constant 0 : i32
      %dma_start3A_671 = tpu.memref_slice %arg7[%dma_start3A_668, %dma_start3A_669, %dma_start3A_670] : memref<5x40x128xf32, #tpu.memory_space<vmem>> -> memref<1x40x128xf32, #tpu.memory_space<vmem>>
      %dma_start3A_672 = tpu.memref_squeeze %dma_start3A_671 : memref<1x40x128xf32, #tpu.memory_space<vmem>> -> memref<40x128xf32, #tpu.memory_space<vmem>>
      %dma_start3A_673 = tpu.memref_slice %arg5[%mul3A_667] : memref<10000xi32, #tpu.memory_space<vmem>> -> memref<40xi32, #tpu.memory_space<vmem>>
      %dma_start3A_674 = arith.constant 0 : i32
      %dma_start3A_675 = arith.constant 0 : i32
      %dma_start3A_676 = tpu.memref_slice %arg2[%dma_start3A_674, %dma_start3A_675] : memref<10000x128xf32, #tpu.memory_space<hbm>> -> memref<10000x128xf32, #tpu.memory_space<hbm>>
      tpu.enqueue_indirect_dma source(%dma_start3A_676 : memref<10000x128xf32, #tpu.memory_space<hbm>>) target(%dma_start3A_672 : memref<40x128xf32, #tpu.memory_space<vmem>>) offsets(%dma_start3A_673 : memref<40xi32, #tpu.memory_space<vmem>>) semaphore(%arg9 : memref<!tpu.dma_semaphore, #tpu.memory_space<semaphore_mem>>)
      %mul3A_677 = arith.constant 5 : i32
      %mul3A_678 = arith.muli %scan3A_618, %mul3A_677 : i32
      %add3A_679 = arith.constant 2 : i32
      %add3A_680 = arith.addi %mul3A_678, %add3A_679 : i32
      %mul3A_681 = arith.constant 40 : i32
      %mul3A_682 = arith.muli %add3A_680, %mul3A_681 : i32
      %dma_wait3A_683 = arith.constant 2 : i32
      %dma_wait3A_684 = arith.constant 0 : i32
      %dma_wait3A_685 = arith.constant 0 : i32
      %dma_wait3A_686 = tpu.memref_slice %arg7[%dma_wait3A_683, %dma_wait3A_684, %dma_wait3A_685] : memref<5x40x128xf32, #tpu.memory_space<vmem>> -> memref<1x40x128xf32, #tpu.memory_space<vmem>>
      %dma_wait3A_687 = tpu.memref_squeeze %dma_wait3A_686 : memref<1x40x128xf32, #tpu.memory_space<vmem>> -> memref<40x128xf32, #tpu.memory_space<vmem>>
      %dma_wait3A_688 = tpu.memref_slice %arg5[%mul3A_682] : memref<10000xi32, #tpu.memory_space<vmem>> -> memref<40xi32, #tpu.memory_space<vmem>>
      %dma_wait3A_689 = arith.constant 0 : i32
      %dma_wait3A_690 = arith.constant 0 : i32
      %dma_wait3A_691 = tpu.memref_slice %arg2[%dma_wait3A_689, %dma_wait3A_690] : memref<10000x128xf32, #tpu.memory_space<hbm>> -> memref<10000x128xf32, #tpu.memory_space<hbm>>
      tpu.wait_indirect_dma semaphore(%arg10 : memref<!tpu.dma_semaphore, #tpu.memory_space<semaphore_mem>>) src(%dma_wait3A_691 : memref<10000x128xf32, #tpu.memory_space<hbm>>) dst(%dma_wait3A_687 : memref<40x128xf32, #tpu.memory_space<vmem>>)
      %run_scoped3A_692 = arith.constant 2 : i32
      "tpu.region"() ({
        %run_scoped3A_764 = tpu.sem_alloc : memref<!tpu.dma_semaphore, #tpu.memory_space<semaphore_mem>>
        %dma_start3A_765 = arith.constant 0 : i32
        %dma_start3A_766 = arith.constant 0 : i32
        %dma_start3A_767 = tpu.memref_slice %arg7[%run_scoped3A_692, %dma_start3A_765, %dma_start3A_766] : memref<5x40x128xf32, #tpu.memory_space<vmem>> -> memref<1x40x128xf32, #tpu.memory_space<vmem>>
        %dma_start3A_768 = tpu.memref_squeeze %dma_start3A_767 : memref<1x40x128xf32, #tpu.memory_space<vmem>> -> memref<40x128xf32, #tpu.memory_space<vmem>>
        %dma_start3A_769 = arith.constant 0 : i32
        %dma_start3A_770 = tpu.memref_slice %arg6[%add3A_680, %dma_start3A_769] : memref<250x40xi32, #tpu.memory_space<vmem>> -> memref<1x40xi32, #tpu.memory_space<vmem>>
        %dma_start3A_771 = tpu.memref_squeeze %dma_start3A_770 : memref<1x40xi32, #tpu.memory_space<vmem>> -> memref<40xi32, #tpu.memory_space<vmem>>
        %dma_start3A_772 = arith.constant 0 : i32
        %dma_start3A_773 = arith.constant 0 : i32
        %dma_start3A_774 = tpu.memref_slice %arg15[%dma_start3A_772, %dma_start3A_773] : memref<10000x128xf32, #tpu.memory_space<vmem_shared>> -> memref<10000x128xf32, #tpu.memory_space<vmem_shared>>
        tpu.enqueue_indirect_dma source(%dma_start3A_768 : memref<40x128xf32, #tpu.memory_space<vmem>>) target(%dma_start3A_774 : memref<10000x128xf32, #tpu.memory_space<vmem_shared>>) offsets(%dma_start3A_771 : memref<40xi32, #tpu.memory_space<vmem>>) semaphore(%run_scoped3A_764 : memref<!tpu.dma_semaphore, #tpu.memory_space<semaphore_mem>>) {add = true}
        %dma_wait3A_775 = arith.constant 0 : i32
        %dma_wait3A_776 = arith.constant 0 : i32
        %dma_wait3A_777 = tpu.memref_slice %arg7[%run_scoped3A_692, %dma_wait3A_775, %dma_wait3A_776] : memref<5x40x128xf32, #tpu.memory_space<vmem>> -> memref<1x40x128xf32, #tpu.memory_space<vmem>>
        %dma_wait3A_778 = tpu.memref_squeeze %dma_wait3A_777 : memref<1x40x128xf32, #tpu.memory_space<vmem>> -> memref<40x128xf32, #tpu.memory_space<vmem>>
        %dma_wait3A_779 = arith.constant 0 : i32
        %dma_wait3A_780 = tpu.memref_slice %arg6[%add3A_680, %dma_wait3A_779] : memref<250x40xi32, #tpu.memory_space<vmem>> -> memref<1x40xi32, #tpu.memory_space<vmem>>
        %dma_wait3A_781 = tpu.memref_squeeze %dma_wait3A_780 : memref<1x40xi32, #tpu.memory_space<vmem>> -> memref<40xi32, #tpu.memory_space<vmem>>
        %dma_wait3A_782 = arith.constant 0 : i32
        %dma_wait3A_783 = arith.constant 0 : i32
        %dma_wait3A_784 = tpu.memref_slice %arg15[%dma_wait3A_782, %dma_wait3A_783] : memref<10000x128xf32, #tpu.memory_space<vmem_shared>> -> memref<10000x128xf32, #tpu.memory_space<vmem_shared>>
        tpu.wait_indirect_dma semaphore(%run_scoped3A_764 : memref<!tpu.dma_semaphore, #tpu.memory_space<semaphore_mem>>) src(%dma_wait3A_778 : memref<40x128xf32, #tpu.memory_space<vmem>>) dst(%dma_wait3A_784 : memref<10000x128xf32, #tpu.memory_space<vmem_shared>>)
        tpu.yield
      }) : () -> ()
      %add3A_693 = arith.constant 5 : i32
      %add3A_694 = arith.addi %add3A_680, %add3A_693 : i32
      %mul3A_695 = arith.constant 40 : i32
      %mul3A_696 = arith.muli %add3A_694, %mul3A_695 : i32
      %dma_start3A_697 = arith.constant 2 : i32
      %dma_start3A_698 = arith.constant 0 : i32
      %dma_start3A_699 = arith.constant 0 : i32
      %dma_start3A_700 = tpu.memref_slice %arg7[%dma_start3A_697, %dma_start3A_698, %dma_start3A_699] : memref<5x40x128xf32, #tpu.memory_space<vmem>> -> memref<1x40x128xf32, #tpu.memory_space<vmem>>
      %dma_start3A_701 = tpu.memref_squeeze %dma_start3A_700 : memref<1x40x128xf32, #tpu.memory_space<vmem>> -> memref<40x128xf32, #tpu.memory_space<vmem>>
      %dma_start3A_702 = tpu.memref_slice %arg5[%mul3A_696] : memref<10000xi32, #tpu.memory_space<vmem>> -> memref<40xi32, #tpu.memory_space<vmem>>
      %dma_start3A_703 = arith.constant 0 : i32
      %dma_start3A_704 = arith.constant 0 : i32
      %dma_start3A_705 = tpu.memref_slice %arg2[%dma_start3A_703, %dma_start3A_704] : memref<10000x128xf32, #tpu.memory_space<hbm>> -> memref<10000x128xf32, #tpu.memory_space<hbm>>
      tpu.enqueue_indirect_dma source(%dma_start3A_705 : memref<10000x128xf32, #tpu.memory_space<hbm>>) target(%dma_start3A_701 : memref<40x128xf32, #tpu.memory_space<vmem>>) offsets(%dma_start3A_702 : memref<40xi32, #tpu.memory_space<vmem>>) semaphore(%arg10 : memref<!tpu.dma_semaphore, #tpu.memory_space<semaphore_mem>>)
      %mul3A_706 = arith.constant 5 : i32
      %mul3A_707 = arith.muli %scan3A_618, %mul3A_706 : i32
      %add3A_708 = arith.constant 3 : i32
      %add3A_709 = arith.addi %mul3A_707, %add3A_708 : i32
      %mul3A_710 = arith.constant 40 : i32
      %mul3A_711 = arith.muli %add3A_709, %mul3A_710 : i32
      %dma_wait3A_712 = arith.constant 3 : i32
      %dma_wait3A_713 = arith.constant 0 : i32
      %dma_wait3A_714 = arith.constant 0 : i32
      %dma_wait3A_715 = tpu.memref_slice %arg7[%dma_wait3A_712, %dma_wait3A_713, %dma_wait3A_714] : memref<5x40x128xf32, #tpu.memory_space<vmem>> -> memref<1x40x128xf32, #tpu.memory_space<vmem>>
      %dma_wait3A_716 = tpu.memref_squeeze %dma_wait3A_715 : memref<1x40x128xf32, #tpu.memory_space<vmem>> -> memref<40x128xf32, #tpu.memory_space<vmem>>
      %dma_wait3A_717 = tpu.memref_slice %arg5[%mul3A_711] : memref<10000xi32, #tpu.memory_space<vmem>> -> memref<40xi32, #tpu.memory_space<vmem>>
      %dma_wait3A_718 = arith.constant 0 : i32
      %dma_wait3A_719 = arith.constant 0 : i32
      %dma_wait3A_720 = tpu.memref_slice %arg2[%dma_wait3A_718, %dma_wait3A_719] : memref<10000x128xf32, #tpu.memory_space<hbm>> -> memref<10000x128xf32, #tpu.memory_space<hbm>>
      tpu.wait_indirect_dma semaphore(%arg11 : memref<!tpu.dma_semaphore, #tpu.memory_space<semaphore_mem>>) src(%dma_wait3A_720 : memref<10000x128xf32, #tpu.memory_space<hbm>>) dst(%dma_wait3A_716 : memref<40x128xf32, #tpu.memory_space<vmem>>)
      %run_scoped3A_721 = arith.constant 3 : i32
      "tpu.region"() ({
        %run_scoped3A_764 = tpu.sem_alloc : memref<!tpu.dma_semaphore, #tpu.memory_space<semaphore_mem>>
        %dma_start3A_765 = arith.constant 0 : i32
        %dma_start3A_766 = arith.constant 0 : i32
        %dma_start3A_767 = tpu.memref_slice %arg7[%run_scoped3A_721, %dma_start3A_765, %dma_start3A_766] : memref<5x40x128xf32, #tpu.memory_space<vmem>> -> memref<1x40x128xf32, #tpu.memory_space<vmem>>
        %dma_start3A_768 = tpu.memref_squeeze %dma_start3A_767 : memref<1x40x128xf32, #tpu.memory_space<vmem>> -> memref<40x128xf32, #tpu.memory_space<vmem>>
        %dma_start3A_769 = arith.constant 0 : i32
        %dma_start3A_770 = tpu.memref_slice %arg6[%add3A_709, %dma_start3A_769] : memref<250x40xi32, #tpu.memory_space<vmem>> -> memref<1x40xi32, #tpu.memory_space<vmem>>
        %dma_start3A_771 = tpu.memref_squeeze %dma_start3A_770 : memref<1x40xi32, #tpu.memory_space<vmem>> -> memref<40xi32, #tpu.memory_space<vmem>>
        %dma_start3A_772 = arith.constant 0 : i32
        %dma_start3A_773 = arith.constant 0 : i32
        %dma_start3A_774 = tpu.memref_slice %arg15[%dma_start3A_772, %dma_start3A_773] : memref<10000x128xf32, #tpu.memory_space<vmem_shared>> -> memref<10000x128xf32, #tpu.memory_space<vmem_shared>>
        tpu.enqueue_indirect_dma source(%dma_start3A_768 : memref<40x128xf32, #tpu.memory_space<vmem>>) target(%dma_start3A_774 : memref<10000x128xf32, #tpu.memory_space<vmem_shared>>) offsets(%dma_start3A_771 : memref<40xi32, #tpu.memory_space<vmem>>) semaphore(%run_scoped3A_764 : memref<!tpu.dma_semaphore, #tpu.memory_space<semaphore_mem>>) {add = true}
        %dma_wait3A_775 = arith.constant 0 : i32
        %dma_wait3A_776 = arith.constant 0 : i32
        %dma_wait3A_777 = tpu.memref_slice %arg7[%run_scoped3A_721, %dma_wait3A_775, %dma_wait3A_776] : memref<5x40x128xf32, #tpu.memory_space<vmem>> -> memref<1x40x128xf32, #tpu.memory_space<vmem>>
        %dma_wait3A_778 = tpu.memref_squeeze %dma_wait3A_777 : memref<1x40x128xf32, #tpu.memory_space<vmem>> -> memref<40x128xf32, #tpu.memory_space<vmem>>
        %dma_wait3A_779 = arith.constant 0 : i32
        %dma_wait3A_780 = tpu.memref_slice %arg6[%add3A_709, %dma_wait3A_779] : memref<250x40xi32, #tpu.memory_space<vmem>> -> memref<1x40xi32, #tpu.memory_space<vmem>>
        %dma_wait3A_781 = tpu.memref_squeeze %dma_wait3A_780 : memref<1x40xi32, #tpu.memory_space<vmem>> -> memref<40xi32, #tpu.memory_space<vmem>>
        %dma_wait3A_782 = arith.constant 0 : i32
        %dma_wait3A_783 = arith.constant 0 : i32
        %dma_wait3A_784 = tpu.memref_slice %arg15[%dma_wait3A_782, %dma_wait3A_783] : memref<10000x128xf32, #tpu.memory_space<vmem_shared>> -> memref<10000x128xf32, #tpu.memory_space<vmem_shared>>
        tpu.wait_indirect_dma semaphore(%run_scoped3A_764 : memref<!tpu.dma_semaphore, #tpu.memory_space<semaphore_mem>>) src(%dma_wait3A_778 : memref<40x128xf32, #tpu.memory_space<vmem>>) dst(%dma_wait3A_784 : memref<10000x128xf32, #tpu.memory_space<vmem_shared>>)
        tpu.yield
      }) : () -> ()
      %add3A_722 = arith.constant 5 : i32
      %add3A_723 = arith.addi %add3A_709, %add3A_722 : i32
      %mul3A_724 = arith.constant 40 : i32
      %mul3A_725 = arith.muli %add3A_723, %mul3A_724 : i32
      %dma_start3A_726 = arith.constant 3 : i32
      %dma_start3A_727 = arith.constant 0 : i32
      %dma_start3A_728 = arith.constant 0 : i32
      %dma_start3A_729 = tpu.memref_slice %arg7[%dma_start3A_726, %dma_start3A_727, %dma_start3A_728] : memref<5x40x128xf32, #tpu.memory_space<vmem>> -> memref<1x40x128xf32, #tpu.memory_space<vmem>>
      %dma_start3A_730 = tpu.memref_squeeze %dma_start3A_729 : memref<1x40x128xf32, #tpu.memory_space<vmem>> -> memref<40x128xf32, #tpu.memory_space<vmem>>
      %dma_start3A_731 = tpu.memref_slice %arg5[%mul3A_725] : memref<10000xi32, #tpu.memory_space<vmem>> -> memref<40xi32, #tpu.memory_space<vmem>>
      %dma_start3A_732 = arith.constant 0 : i32
      %dma_start3A_733 = arith.constant 0 : i32
      %dma_start3A_734 = tpu.memref_slice %arg2[%dma_start3A_732, %dma_start3A_733] : memref<10000x128xf32, #tpu.memory_space<hbm>> -> memref<10000x128xf32, #tpu.memory_space<hbm>>
      tpu.enqueue_indirect_dma source(%dma_start3A_734 : memref<10000x128xf32, #tpu.memory_space<hbm>>) target(%dma_start3A_730 : memref<40x128xf32, #tpu.memory_space<vmem>>) offsets(%dma_start3A_731 : memref<40xi32, #tpu.memory_space<vmem>>) semaphore(%arg11 : memref<!tpu.dma_semaphore, #tpu.memory_space<semaphore_mem>>)
      %mul3A_735 = arith.constant 5 : i32
      %mul3A_736 = arith.muli %scan3A_618, %mul3A_735 : i32
      %add3A_737 = arith.constant 4 : i32
      %add3A_738 = arith.addi %mul3A_736, %add3A_737 : i32
      %mul3A_739 = arith.constant 40 : i32
      %mul3A_740 = arith.muli %add3A_738, %mul3A_739 : i32
      %dma_wait3A_741 = arith.constant 4 : i32
      %dma_wait3A_742 = arith.constant 0 : i32
      %dma_wait3A_743 = arith.constant 0 : i32
      %dma_wait3A_744 = tpu.memref_slice %arg7[%dma_wait3A_741, %dma_wait3A_742, %dma_wait3A_743] : memref<5x40x128xf32, #tpu.memory_space<vmem>> -> memref<1x40x128xf32, #tpu.memory_space<vmem>>
      %dma_wait3A_745 = tpu.memref_squeeze %dma_wait3A_744 : memref<1x40x128xf32, #tpu.memory_space<vmem>> -> memref<40x128xf32, #tpu.memory_space<vmem>>
      %dma_wait3A_746 = tpu.memref_slice %arg5[%mul3A_740] : memref<10000xi32, #tpu.memory_space<vmem>> -> memref<40xi32, #tpu.memory_space<vmem>>
      %dma_wait3A_747 = arith.constant 0 : i32
      %dma_wait3A_748 = arith.constant 0 : i32
      %dma_wait3A_749 = tpu.memref_slice %arg2[%dma_wait3A_747, %dma_wait3A_748] : memref<10000x128xf32, #tpu.memory_space<hbm>> -> memref<10000x128xf32, #tpu.memory_space<hbm>>
      tpu.wait_indirect_dma semaphore(%arg12 : memref<!tpu.dma_semaphore, #tpu.memory_space<semaphore_mem>>) src(%dma_wait3A_749 : memref<10000x128xf32, #tpu.memory_space<hbm>>) dst(%dma_wait3A_745 : memref<40x128xf32, #tpu.memory_space<vmem>>)
      %run_scoped3A_750 = arith.constant 4 : i32
      "tpu.region"() ({
        %run_scoped3A_764 = tpu.sem_alloc : memref<!tpu.dma_semaphore, #tpu.memory_space<semaphore_mem>>
        %dma_start3A_765 = arith.constant 0 : i32
        %dma_start3A_766 = arith.constant 0 : i32
        %dma_start3A_767 = tpu.memref_slice %arg7[%run_scoped3A_750, %dma_start3A_765, %dma_start3A_766] : memref<5x40x128xf32, #tpu.memory_space<vmem>> -> memref<1x40x128xf32, #tpu.memory_space<vmem>>
        %dma_start3A_768 = tpu.memref_squeeze %dma_start3A_767 : memref<1x40x128xf32, #tpu.memory_space<vmem>> -> memref<40x128xf32, #tpu.memory_space<vmem>>
        %dma_start3A_769 = arith.constant 0 : i32
        %dma_start3A_770 = tpu.memref_slice %arg6[%add3A_738, %dma_start3A_769] : memref<250x40xi32, #tpu.memory_space<vmem>> -> memref<1x40xi32, #tpu.memory_space<vmem>>
        %dma_start3A_771 = tpu.memref_squeeze %dma_start3A_770 : memref<1x40xi32, #tpu.memory_space<vmem>> -> memref<40xi32, #tpu.memory_space<vmem>>
        %dma_start3A_772 = arith.constant 0 : i32
        %dma_start3A_773 = arith.constant 0 : i32
        %dma_start3A_774 = tpu.memref_slice %arg15[%dma_start3A_772, %dma_start3A_773] : memref<10000x128xf32, #tpu.memory_space<vmem_shared>> -> memref<10000x128xf32, #tpu.memory_space<vmem_shared>>
        tpu.enqueue_indirect_dma source(%dma_start3A_768 : memref<40x128xf32, #tpu.memory_space<vmem>>) target(%dma_start3A_774 : memref<10000x128xf32, #tpu.memory_space<vmem_shared>>) offsets(%dma_start3A_771 : memref<40xi32, #tpu.memory_space<vmem>>) semaphore(%run_scoped3A_764 : memref<!tpu.dma_semaphore, #tpu.memory_space<semaphore_mem>>) {add = true}
        %dma_wait3A_775 = arith.constant 0 : i32
        %dma_wait3A_776 = arith.constant 0 : i32
        %dma_wait3A_777 = tpu.memref_slice %arg7[%run_scoped3A_750, %dma_wait3A_775, %dma_wait3A_776] : memref<5x40x128xf32, #tpu.memory_space<vmem>> -> memref<1x40x128xf32, #tpu.memory_space<vmem>>
        %dma_wait3A_778 = tpu.memref_squeeze %dma_wait3A_777 : memref<1x40x128xf32, #tpu.memory_space<vmem>> -> memref<40x128xf32, #tpu.memory_space<vmem>>
        %dma_wait3A_779 = arith.constant 0 : i32
        %dma_wait3A_780 = tpu.memref_slice %arg6[%add3A_738, %dma_wait3A_779] : memref<250x40xi32, #tpu.memory_space<vmem>> -> memref<1x40xi32, #tpu.memory_space<vmem>>
        %dma_wait3A_781 = tpu.memref_squeeze %dma_wait3A_780 : memref<1x40xi32, #tpu.memory_space<vmem>> -> memref<40xi32, #tpu.memory_space<vmem>>
        %dma_wait3A_782 = arith.constant 0 : i32
        %dma_wait3A_783 = arith.constant 0 : i32
        %dma_wait3A_784 = tpu.memref_slice %arg15[%dma_wait3A_782, %dma_wait3A_783] : memref<10000x128xf32, #tpu.memory_space<vmem_shared>> -> memref<10000x128xf32, #tpu.memory_space<vmem_shared>>
        tpu.wait_indirect_dma semaphore(%run_scoped3A_764 : memref<!tpu.dma_semaphore, #tpu.memory_space<semaphore_mem>>) src(%dma_wait3A_778 : memref<40x128xf32, #tpu.memory_space<vmem>>) dst(%dma_wait3A_784 : memref<10000x128xf32, #tpu.memory_space<vmem_shared>>)
        tpu.yield
      }) : () -> ()
      %add3A_751 = arith.constant 5 : i32
      %add3A_752 = arith.addi %add3A_738, %add3A_751 : i32
      %mul3A_753 = arith.constant 40 : i32
      %mul3A_754 = arith.muli %add3A_752, %mul3A_753 : i32
      %dma_start3A_755 = arith.constant 4 : i32
      %dma_start3A_756 = arith.constant 0 : i32
      %dma_start3A_757 = arith.constant 0 : i32
      %dma_start3A_758 = tpu.memref_slice %arg7[%dma_start3A_755, %dma_start3A_756, %dma_start3A_757] : memref<5x40x128xf32, #tpu.memory_space<vmem>> -> memref<1x40x128xf32, #tpu.memory_space<vmem>>
      %dma_start3A_759 = tpu.memref_squeeze %dma_start3A_758 : memref<1x40x128xf32, #tpu.memory_space<vmem>> -> memref<40x128xf32, #tpu.memory_space<vmem>>
      %dma_start3A_760 = tpu.memref_slice %arg5[%mul3A_754] : memref<10000xi32, #tpu.memory_space<vmem>> -> memref<40xi32, #tpu.memory_space<vmem>>
      %dma_start3A_761 = arith.constant 0 : i32
      %dma_start3A_762 = arith.constant 0 : i32
      %dma_start3A_763 = tpu.memref_slice %arg2[%dma_start3A_761, %dma_start3A_762] : memref<10000x128xf32, #tpu.memory_space<hbm>> -> memref<10000x128xf32, #tpu.memory_space<hbm>>
      tpu.enqueue_indirect_dma source(%dma_start3A_763 : memref<10000x128xf32, #tpu.memory_space<hbm>>) target(%dma_start3A_759 : memref<40x128xf32, #tpu.memory_space<vmem>>) offsets(%dma_start3A_760 : memref<40xi32, #tpu.memory_space<vmem>>) semaphore(%arg12 : memref<!tpu.dma_semaphore, #tpu.memory_space<semaphore_mem>>)
    }
    %scan3A_556 = arith.constant 49 : i32
    %dma_wait3A_557 = arith.constant 0 : i32
    %dma_wait3A_558 = arith.constant 0 : i32
    %dma_wait3A_559 = arith.constant 0 : i32
    %dma_wait3A_560 = tpu.memref_slice %arg7[%dma_wait3A_557, %dma_wait3A_558, %dma_wait3A_559] : memref<5x40x128xf32, #tpu.memory_space<vmem>> -> memref<1x40x128xf32, #tpu.memory_space<vmem>>
    %dma_wait3A_561 = tpu.memref_squeeze %dma_wait3A_560 : memref<1x40x128xf32, #tpu.memory_space<vmem>> -> memref<40x128xf32, #tpu.memory_space<vmem>>
    %dma_wait3A_562 = arith.constant 9800 : i32
    %dma_wait3A_563 = tpu.memref_slice %arg5[%dma_wait3A_562] : memref<10000xi32, #tpu.memory_space<vmem>> -> memref<40xi32, #tpu.memory_space<vmem>>
    %dma_wait3A_564 = arith.constant 0 : i32
    %dma_wait3A_565 = arith.constant 0 : i32
    %dma_wait3A_566 = tpu.memref_slice %arg2[%dma_wait3A_564, %dma_wait3A_565] : memref<10000x128xf32, #tpu.memory_space<hbm>> -> memref<10000x128xf32, #tpu.memory_space<hbm>>
    tpu.wait_indirect_dma semaphore(%arg8 : memref<!tpu.dma_semaphore, #tpu.memory_space<semaphore_mem>>) src(%dma_wait3A_566 : memref<10000x128xf32, #tpu.memory_space<hbm>>) dst(%dma_wait3A_561 : memref<40x128xf32, #tpu.memory_space<vmem>>)
    %run_scoped3A_567 = arith.constant 0 : i32
    %run_scoped3A_568 = arith.constant 245 : i32
    "tpu.region"() ({
      %run_scoped3A_618 = tpu.sem_alloc : memref<!tpu.dma_semaphore, #tpu.memory_space<semaphore_mem>>
      %dma_start3A_619 = arith.constant 0 : i32
      %dma_start3A_620 = arith.constant 0 : i32
      %dma_start3A_621 = tpu.memref_slice %arg7[%run_scoped3A_567, %dma_start3A_619, %dma_start3A_620] : memref<5x40x128xf32, #tpu.memory_space<vmem>> -> memref<1x40x128xf32, #tpu.memory_space<vmem>>
      %dma_start3A_622 = tpu.memref_squeeze %dma_start3A_621 : memref<1x40x128xf32, #tpu.memory_space<vmem>> -> memref<40x128xf32, #tpu.memory_space<vmem>>
      %dma_start3A_623 = arith.constant 0 : i32
      %dma_start3A_624 = tpu.memref_slice %arg6[%run_scoped3A_568, %dma_start3A_623] : memref<250x40xi32, #tpu.memory_space<vmem>> -> memref<1x40xi32, #tpu.memory_space<vmem>>
      %dma_start3A_625 = tpu.memref_squeeze %dma_start3A_624 : memref<1x40xi32, #tpu.memory_space<vmem>> -> memref<40xi32, #tpu.memory_space<vmem>>
      %dma_start3A_626 = arith.constant 0 : i32
      %dma_start3A_627 = arith.constant 0 : i32
      %dma_start3A_628 = tpu.memref_slice %arg15[%dma_start3A_626, %dma_start3A_627] : memref<10000x128xf32, #tpu.memory_space<vmem_shared>> -> memref<10000x128xf32, #tpu.memory_space<vmem_shared>>
      tpu.enqueue_indirect_dma source(%dma_start3A_622 : memref<40x128xf32, #tpu.memory_space<vmem>>) target(%dma_start3A_628 : memref<10000x128xf32, #tpu.memory_space<vmem_shared>>) offsets(%dma_start3A_625 : memref<40xi32, #tpu.memory_space<vmem>>) semaphore(%run_scoped3A_618 : memref<!tpu.dma_semaphore, #tpu.memory_space<semaphore_mem>>) {add = true}
      %dma_wait3A_629 = arith.constant 0 : i32
      %dma_wait3A_630 = arith.constant 0 : i32
      %dma_wait3A_631 = tpu.memref_slice %arg7[%run_scoped3A_567, %dma_wait3A_629, %dma_wait3A_630] : memref<5x40x128xf32, #tpu.memory_space<vmem>> -> memref<1x40x128xf32, #tpu.memory_space<vmem>>
      %dma_wait3A_632 = tpu.memref_squeeze %dma_wait3A_631 : memref<1x40x128xf32, #tpu.memory_space<vmem>> -> memref<40x128xf32, #tpu.memory_space<vmem>>
      %dma_wait3A_633 = arith.constant 0 : i32
      %dma_wait3A_634 = tpu.memref_slice %arg6[%run_scoped3A_568, %dma_wait3A_633] : memref<250x40xi32, #tpu.memory_space<vmem>> -> memref<1x40xi32, #tpu.memory_space<vmem>>
      %dma_wait3A_635 = tpu.memref_squeeze %dma_wait3A_634 : memref<1x40xi32, #tpu.memory_space<vmem>> -> memref<40xi32, #tpu.memory_space<vmem>>
      %dma_wait3A_636 = arith.constant 0 : i32
      %dma_wait3A_637 = arith.constant 0 : i32
      %dma_wait3A_638 = tpu.memref_slice %arg15[%dma_wait3A_636, %dma_wait3A_637] : memref<10000x128xf32, #tpu.memory_space<vmem_shared>> -> memref<10000x128xf32, #tpu.memory_space<vmem_shared>>
      tpu.wait_indirect_dma semaphore(%run_scoped3A_618 : memref<!tpu.dma_semaphore, #tpu.memory_space<semaphore_mem>>) src(%dma_wait3A_632 : memref<40x128xf32, #tpu.memory_space<vmem>>) dst(%dma_wait3A_638 : memref<10000x128xf32, #tpu.memory_space<vmem_shared>>)
      tpu.yield
    }) : () -> ()
    %dma_wait3A_569 = arith.constant 1 : i32
    %dma_wait3A_570 = arith.constant 0 : i32
    %dma_wait3A_571 = arith.constant 0 : i32
    %dma_wait3A_572 = tpu.memref_slice %arg7[%dma_wait3A_569, %dma_wait3A_570, %dma_wait3A_571] : memref<5x40x128xf32, #tpu.memory_space<vmem>> -> memref<1x40x128xf32, #tpu.memory_space<vmem>>
    %dma_wait3A_573 = tpu.memref_squeeze %dma_wait3A_572 : memref<1x40x128xf32, #tpu.memory_space<vmem>> -> memref<40x128xf32, #tpu.memory_space<vmem>>
    %dma_wait3A_574 = arith.constant 9840 : i32
    %dma_wait3A_575 = tpu.memref_slice %arg5[%dma_wait3A_574] : memref<10000xi32, #tpu.memory_space<vmem>> -> memref<40xi32, #tpu.memory_space<vmem>>
    %dma_wait3A_576 = arith.constant 0 : i32
    %dma_wait3A_577 = arith.constant 0 : i32
    %dma_wait3A_578 = tpu.memref_slice %arg2[%dma_wait3A_576, %dma_wait3A_577] : memref<10000x128xf32, #tpu.memory_space<hbm>> -> memref<10000x128xf32, #tpu.memory_space<hbm>>
    tpu.wait_indirect_dma semaphore(%arg9 : memref<!tpu.dma_semaphore, #tpu.memory_space<semaphore_mem>>) src(%dma_wait3A_578 : memref<10000x128xf32, #tpu.memory_space<hbm>>) dst(%dma_wait3A_573 : memref<40x128xf32, #tpu.memory_space<vmem>>)
    %run_scoped3A_579 = arith.constant 1 : i32
    %run_scoped3A_580 = arith.constant 246 : i32
    "tpu.region"() ({
      %run_scoped3A_618 = tpu.sem_alloc : memref<!tpu.dma_semaphore, #tpu.memory_space<semaphore_mem>>
      %dma_start3A_619 = arith.constant 0 : i32
      %dma_start3A_620 = arith.constant 0 : i32
      %dma_start3A_621 = tpu.memref_slice %arg7[%run_scoped3A_579, %dma_start3A_619, %dma_start3A_620] : memref<5x40x128xf32, #tpu.memory_space<vmem>> -> memref<1x40x128xf32, #tpu.memory_space<vmem>>
      %dma_start3A_622 = tpu.memref_squeeze %dma_start3A_621 : memref<1x40x128xf32, #tpu.memory_space<vmem>> -> memref<40x128xf32, #tpu.memory_space<vmem>>
      %dma_start3A_623 = arith.constant 0 : i32
      %dma_start3A_624 = tpu.memref_slice %arg6[%run_scoped3A_580, %dma_start3A_623] : memref<250x40xi32, #tpu.memory_space<vmem>> -> memref<1x40xi32, #tpu.memory_space<vmem>>
      %dma_start3A_625 = tpu.memref_squeeze %dma_start3A_624 : memref<1x40xi32, #tpu.memory_space<vmem>> -> memref<40xi32, #tpu.memory_space<vmem>>
      %dma_start3A_626 = arith.constant 0 : i32
      %dma_start3A_627 = arith.constant 0 : i32
      %dma_start3A_628 = tpu.memref_slice %arg15[%dma_start3A_626, %dma_start3A_627] : memref<10000x128xf32, #tpu.memory_space<vmem_shared>> -> memref<10000x128xf32, #tpu.memory_space<vmem_shared>>
      tpu.enqueue_indirect_dma source(%dma_start3A_622 : memref<40x128xf32, #tpu.memory_space<vmem>>) target(%dma_start3A_628 : memref<10000x128xf32, #tpu.memory_space<vmem_shared>>) offsets(%dma_start3A_625 : memref<40xi32, #tpu.memory_space<vmem>>) semaphore(%run_scoped3A_618 : memref<!tpu.dma_semaphore, #tpu.memory_space<semaphore_mem>>) {add = true}
      %dma_wait3A_629 = arith.constant 0 : i32
      %dma_wait3A_630 = arith.constant 0 : i32
      %dma_wait3A_631 = tpu.memref_slice %arg7[%run_scoped3A_579, %dma_wait3A_629, %dma_wait3A_630] : memref<5x40x128xf32, #tpu.memory_space<vmem>> -> memref<1x40x128xf32, #tpu.memory_space<vmem>>
      %dma_wait3A_632 = tpu.memref_squeeze %dma_wait3A_631 : memref<1x40x128xf32, #tpu.memory_space<vmem>> -> memref<40x128xf32, #tpu.memory_space<vmem>>
      %dma_wait3A_633 = arith.constant 0 : i32
      %dma_wait3A_634 = tpu.memref_slice %arg6[%run_scoped3A_580, %dma_wait3A_633] : memref<250x40xi32, #tpu.memory_space<vmem>> -> memref<1x40xi32, #tpu.memory_space<vmem>>
      %dma_wait3A_635 = tpu.memref_squeeze %dma_wait3A_634 : memref<1x40xi32, #tpu.memory_space<vmem>> -> memref<40xi32, #tpu.memory_space<vmem>>
      %dma_wait3A_636 = arith.constant 0 : i32
      %dma_wait3A_637 = arith.constant 0 : i32
      %dma_wait3A_638 = tpu.memref_slice %arg15[%dma_wait3A_636, %dma_wait3A_637] : memref<10000x128xf32, #tpu.memory_space<vmem_shared>> -> memref<10000x128xf32, #tpu.memory_space<vmem_shared>>
      tpu.wait_indirect_dma semaphore(%run_scoped3A_618 : memref<!tpu.dma_semaphore, #tpu.memory_space<semaphore_mem>>) src(%dma_wait3A_632 : memref<40x128xf32, #tpu.memory_space<vmem>>) dst(%dma_wait3A_638 : memref<10000x128xf32, #tpu.memory_space<vmem_shared>>)
      tpu.yield
    }) : () -> ()
    %dma_wait3A_581 = arith.constant 2 : i32
    %dma_wait3A_582 = arith.constant 0 : i32
    %dma_wait3A_583 = arith.constant 0 : i32
    %dma_wait3A_584 = tpu.memref_slice %arg7[%dma_wait3A_581, %dma_wait3A_582, %dma_wait3A_583] : memref<5x40x128xf32, #tpu.memory_space<vmem>> -> memref<1x40x128xf32, #tpu.memory_space<vmem>>
    %dma_wait3A_585 = tpu.memref_squeeze %dma_wait3A_584 : memref<1x40x128xf32, #tpu.memory_space<vmem>> -> memref<40x128xf32, #tpu.memory_space<vmem>>
    %dma_wait3A_586 = arith.constant 9880 : i32
    %dma_wait3A_587 = tpu.memref_slice %arg5[%dma_wait3A_586] : memref<10000xi32, #tpu.memory_space<vmem>> -> memref<40xi32, #tpu.memory_space<vmem>>
    %dma_wait3A_588 = arith.constant 0 : i32
    %dma_wait3A_589 = arith.constant 0 : i32
    %dma_wait3A_590 = tpu.memref_slice %arg2[%dma_wait3A_588, %dma_wait3A_589] : memref<10000x128xf32, #tpu.memory_space<hbm>> -> memref<10000x128xf32, #tpu.memory_space<hbm>>
    tpu.wait_indirect_dma semaphore(%arg10 : memref<!tpu.dma_semaphore, #tpu.memory_space<semaphore_mem>>) src(%dma_wait3A_590 : memref<10000x128xf32, #tpu.memory_space<hbm>>) dst(%dma_wait3A_585 : memref<40x128xf32, #tpu.memory_space<vmem>>)
    %run_scoped3A_591 = arith.constant 2 : i32
    %run_scoped3A_592 = arith.constant 247 : i32
    "tpu.region"() ({
      %run_scoped3A_618 = tpu.sem_alloc : memref<!tpu.dma_semaphore, #tpu.memory_space<semaphore_mem>>
      %dma_start3A_619 = arith.constant 0 : i32
      %dma_start3A_620 = arith.constant 0 : i32
      %dma_start3A_621 = tpu.memref_slice %arg7[%run_scoped3A_591, %dma_start3A_619, %dma_start3A_620] : memref<5x40x128xf32, #tpu.memory_space<vmem>> -> memref<1x40x128xf32, #tpu.memory_space<vmem>>
      %dma_start3A_622 = tpu.memref_squeeze %dma_start3A_621 : memref<1x40x128xf32, #tpu.memory_space<vmem>> -> memref<40x128xf32, #tpu.memory_space<vmem>>
      %dma_start3A_623 = arith.constant 0 : i32
      %dma_start3A_624 = tpu.memref_slice %arg6[%run_scoped3A_592, %dma_start3A_623] : memref<250x40xi32, #tpu.memory_space<vmem>> -> memref<1x40xi32, #tpu.memory_space<vmem>>
      %dma_start3A_625 = tpu.memref_squeeze %dma_start3A_624 : memref<1x40xi32, #tpu.memory_space<vmem>> -> memref<40xi32, #tpu.memory_space<vmem>>
      %dma_start3A_626 = arith.constant 0 : i32
      %dma_start3A_627 = arith.constant 0 : i32
      %dma_start3A_628 = tpu.memref_slice %arg15[%dma_start3A_626, %dma_start3A_627] : memref<10000x128xf32, #tpu.memory_space<vmem_shared>> -> memref<10000x128xf32, #tpu.memory_space<vmem_shared>>
      tpu.enqueue_indirect_dma source(%dma_start3A_622 : memref<40x128xf32, #tpu.memory_space<vmem>>) target(%dma_start3A_628 : memref<10000x128xf32, #tpu.memory_space<vmem_shared>>) offsets(%dma_start3A_625 : memref<40xi32, #tpu.memory_space<vmem>>) semaphore(%run_scoped3A_618 : memref<!tpu.dma_semaphore, #tpu.memory_space<semaphore_mem>>) {add = true}
      %dma_wait3A_629 = arith.constant 0 : i32
      %dma_wait3A_630 = arith.constant 0 : i32
      %dma_wait3A_631 = tpu.memref_slice %arg7[%run_scoped3A_591, %dma_wait3A_629, %dma_wait3A_630] : memref<5x40x128xf32, #tpu.memory_space<vmem>> -> memref<1x40x128xf32, #tpu.memory_space<vmem>>
      %dma_wait3A_632 = tpu.memref_squeeze %dma_wait3A_631 : memref<1x40x128xf32, #tpu.memory_space<vmem>> -> memref<40x128xf32, #tpu.memory_space<vmem>>
      %dma_wait3A_633 = arith.constant 0 : i32
      %dma_wait3A_634 = tpu.memref_slice %arg6[%run_scoped3A_592, %dma_wait3A_633] : memref<250x40xi32, #tpu.memory_space<vmem>> -> memref<1x40xi32, #tpu.memory_space<vmem>>
      %dma_wait3A_635 = tpu.memref_squeeze %dma_wait3A_634 : memref<1x40xi32, #tpu.memory_space<vmem>> -> memref<40xi32, #tpu.memory_space<vmem>>
      %dma_wait3A_636 = arith.constant 0 : i32
      %dma_wait3A_637 = arith.constant 0 : i32
      %dma_wait3A_638 = tpu.memref_slice %arg15[%dma_wait3A_636, %dma_wait3A_637] : memref<10000x128xf32, #tpu.memory_space<vmem_shared>> -> memref<10000x128xf32, #tpu.memory_space<vmem_shared>>
      tpu.wait_indirect_dma semaphore(%run_scoped3A_618 : memref<!tpu.dma_semaphore, #tpu.memory_space<semaphore_mem>>) src(%dma_wait3A_632 : memref<40x128xf32, #tpu.memory_space<vmem>>) dst(%dma_wait3A_638 : memref<10000x128xf32, #tpu.memory_space<vmem_shared>>)
      tpu.yield
    }) : () -> ()
    %dma_wait3A_593 = arith.constant 3 : i32
    %dma_wait3A_594 = arith.constant 0 : i32
    %dma_wait3A_595 = arith.constant 0 : i32
    %dma_wait3A_596 = tpu.memref_slice %arg7[%dma_wait3A_593, %dma_wait3A_594, %dma_wait3A_595] : memref<5x40x128xf32, #tpu.memory_space<vmem>> -> memref<1x40x128xf32, #tpu.memory_space<vmem>>
    %dma_wait3A_597 = tpu.memref_squeeze %dma_wait3A_596 : memref<1x40x128xf32, #tpu.memory_space<vmem>> -> memref<40x128xf32, #tpu.memory_space<vmem>>
    %dma_wait3A_598 = arith.constant 9920 : i32
    %dma_wait3A_599 = tpu.memref_slice %arg5[%dma_wait3A_598] : memref<10000xi32, #tpu.memory_space<vmem>> -> memref<40xi32, #tpu.memory_space<vmem>>
    %dma_wait3A_600 = arith.constant 0 : i32
    %dma_wait3A_601 = arith.constant 0 : i32
    %dma_wait3A_602 = tpu.memref_slice %arg2[%dma_wait3A_600, %dma_wait3A_601] : memref<10000x128xf32, #tpu.memory_space<hbm>> -> memref<10000x128xf32, #tpu.memory_space<hbm>>
    tpu.wait_indirect_dma semaphore(%arg11 : memref<!tpu.dma_semaphore, #tpu.memory_space<semaphore_mem>>) src(%dma_wait3A_602 : memref<10000x128xf32, #tpu.memory_space<hbm>>) dst(%dma_wait3A_597 : memref<40x128xf32, #tpu.memory_space<vmem>>)
    %run_scoped3A_603 = arith.constant 3 : i32
    %run_scoped3A_604 = arith.constant 248 : i32
    "tpu.region"() ({
      %run_scoped3A_618 = tpu.sem_alloc : memref<!tpu.dma_semaphore, #tpu.memory_space<semaphore_mem>>
      %dma_start3A_619 = arith.constant 0 : i32
      %dma_start3A_620 = arith.constant 0 : i32
      %dma_start3A_621 = tpu.memref_slice %arg7[%run_scoped3A_603, %dma_start3A_619, %dma_start3A_620] : memref<5x40x128xf32, #tpu.memory_space<vmem>> -> memref<1x40x128xf32, #tpu.memory_space<vmem>>
      %dma_start3A_622 = tpu.memref_squeeze %dma_start3A_621 : memref<1x40x128xf32, #tpu.memory_space<vmem>> -> memref<40x128xf32, #tpu.memory_space<vmem>>
      %dma_start3A_623 = arith.constant 0 : i32
      %dma_start3A_624 = tpu.memref_slice %arg6[%run_scoped3A_604, %dma_start3A_623] : memref<250x40xi32, #tpu.memory_space<vmem>> -> memref<1x40xi32, #tpu.memory_space<vmem>>
      %dma_start3A_625 = tpu.memref_squeeze %dma_start3A_624 : memref<1x40xi32, #tpu.memory_space<vmem>> -> memref<40xi32, #tpu.memory_space<vmem>>
      %dma_start3A_626 = arith.constant 0 : i32
      %dma_start3A_627 = arith.constant 0 : i32
      %dma_start3A_628 = tpu.memref_slice %arg15[%dma_start3A_626, %dma_start3A_627] : memref<10000x128xf32, #tpu.memory_space<vmem_shared>> -> memref<10000x128xf32, #tpu.memory_space<vmem_shared>>
      tpu.enqueue_indirect_dma source(%dma_start3A_622 : memref<40x128xf32, #tpu.memory_space<vmem>>) target(%dma_start3A_628 : memref<10000x128xf32, #tpu.memory_space<vmem_shared>>) offsets(%dma_start3A_625 : memref<40xi32, #tpu.memory_space<vmem>>) semaphore(%run_scoped3A_618 : memref<!tpu.dma_semaphore, #tpu.memory_space<semaphore_mem>>) {add = true}
      %dma_wait3A_629 = arith.constant 0 : i32
      %dma_wait3A_630 = arith.constant 0 : i32
      %dma_wait3A_631 = tpu.memref_slice %arg7[%run_scoped3A_603, %dma_wait3A_629, %dma_wait3A_630] : memref<5x40x128xf32, #tpu.memory_space<vmem>> -> memref<1x40x128xf32, #tpu.memory_space<vmem>>
      %dma_wait3A_632 = tpu.memref_squeeze %dma_wait3A_631 : memref<1x40x128xf32, #tpu.memory_space<vmem>> -> memref<40x128xf32, #tpu.memory_space<vmem>>
      %dma_wait3A_633 = arith.constant 0 : i32
      %dma_wait3A_634 = tpu.memref_slice %arg6[%run_scoped3A_604, %dma_wait3A_633] : memref<250x40xi32, #tpu.memory_space<vmem>> -> memref<1x40xi32, #tpu.memory_space<vmem>>
      %dma_wait3A_635 = tpu.memref_squeeze %dma_wait3A_634 : memref<1x40xi32, #tpu.memory_space<vmem>> -> memref<40xi32, #tpu.memory_space<vmem>>
      %dma_wait3A_636 = arith.constant 0 : i32
      %dma_wait3A_637 = arith.constant 0 : i32
      %dma_wait3A_638 = tpu.memref_slice %arg15[%dma_wait3A_636, %dma_wait3A_637] : memref<10000x128xf32, #tpu.memory_space<vmem_shared>> -> memref<10000x128xf32, #tpu.memory_space<vmem_shared>>
      tpu.wait_indirect_dma semaphore(%run_scoped3A_618 : memref<!tpu.dma_semaphore, #tpu.memory_space<semaphore_mem>>) src(%dma_wait3A_632 : memref<40x128xf32, #tpu.memory_space<vmem>>) dst(%dma_wait3A_638 : memref<10000x128xf32, #tpu.memory_space<vmem_shared>>)
      tpu.yield
    }) : () -> ()
    %dma_wait3A_605 = arith.constant 4 : i32
    %dma_wait3A_606 = arith.constant 0 : i32
    %dma_wait3A_607 = arith.constant 0 : i32
    %dma_wait3A_608 = tpu.memref_slice %arg7[%dma_wait3A_605, %dma_wait3A_606, %dma_wait3A_607] : memref<5x40x128xf32, #tpu.memory_space<vmem>> -> memref<1x40x128xf32, #tpu.memory_space<vmem>>
    %dma_wait3A_609 = tpu.memref_squeeze %dma_wait3A_608 : memref<1x40x128xf32, #tpu.memory_space<vmem>> -> memref<40x128xf32, #tpu.memory_space<vmem>>
    %dma_wait3A_610 = arith.constant 9960 : i32
    %dma_wait3A_611 = tpu.memref_slice %arg5[%dma_wait3A_610] : memref<10000xi32, #tpu.memory_space<vmem>> -> memref<40xi32, #tpu.memory_space<vmem>>
    %dma_wait3A_612 = arith.constant 0 : i32
    %dma_wait3A_613 = arith.constant 0 : i32
    %dma_wait3A_614 = tpu.memref_slice %arg2[%dma_wait3A_612, %dma_wait3A_613] : memref<10000x128xf32, #tpu.memory_space<hbm>> -> memref<10000x128xf32, #tpu.memory_space<hbm>>
    tpu.wait_indirect_dma semaphore(%arg12 : memref<!tpu.dma_semaphore, #tpu.memory_space<semaphore_mem>>) src(%dma_wait3A_614 : memref<10000x128xf32, #tpu.memory_space<hbm>>) dst(%dma_wait3A_609 : memref<40x128xf32, #tpu.memory_space<vmem>>)
    %run_scoped3A_615 = arith.constant 4 : i32
    %run_scoped3A_616 = arith.constant 249 : i32
    "tpu.region"() ({
      %run_scoped3A_618 = tpu.sem_alloc : memref<!tpu.dma_semaphore, #tpu.memory_space<semaphore_mem>>
      %dma_start3A_619 = arith.constant 0 : i32
      %dma_start3A_620 = arith.constant 0 : i32
      %dma_start3A_621 = tpu.memref_slice %arg7[%run_scoped3A_615, %dma_start3A_619, %dma_start3A_620] : memref<5x40x128xf32, #tpu.memory_space<vmem>> -> memref<1x40x128xf32, #tpu.memory_space<vmem>>
      %dma_start3A_622 = tpu.memref_squeeze %dma_start3A_621 : memref<1x40x128xf32, #tpu.memory_space<vmem>> -> memref<40x128xf32, #tpu.memory_space<vmem>>
      %dma_start3A_623 = arith.constant 0 : i32
      %dma_start3A_624 = tpu.memref_slice %arg6[%run_scoped3A_616, %dma_start3A_623] : memref<250x40xi32, #tpu.memory_space<vmem>> -> memref<1x40xi32, #tpu.memory_space<vmem>>
      %dma_start3A_625 = tpu.memref_squeeze %dma_start3A_624 : memref<1x40xi32, #tpu.memory_space<vmem>> -> memref<40xi32, #tpu.memory_space<vmem>>
      %dma_start3A_626 = arith.constant 0 : i32
      %dma_start3A_627 = arith.constant 0 : i32
      %dma_start3A_628 = tpu.memref_slice %arg15[%dma_start3A_626, %dma_start3A_627] : memref<10000x128xf32, #tpu.memory_space<vmem_shared>> -> memref<10000x128xf32, #tpu.memory_space<vmem_shared>>
      tpu.enqueue_indirect_dma source(%dma_start3A_622 : memref<40x128xf32, #tpu.memory_space<vmem>>) target(%dma_start3A_628 : memref<10000x128xf32, #tpu.memory_space<vmem_shared>>) offsets(%dma_start3A_625 : memref<40xi32, #tpu.memory_space<vmem>>) semaphore(%run_scoped3A_618 : memref<!tpu.dma_semaphore, #tpu.memory_space<semaphore_mem>>) {add = true}
      %dma_wait3A_629 = arith.constant 0 : i32
      %dma_wait3A_630 = arith.constant 0 : i32
      %dma_wait3A_631 = tpu.memref_slice %arg7[%run_scoped3A_615, %dma_wait3A_629, %dma_wait3A_630] : memref<5x40x128xf32, #tpu.memory_space<vmem>> -> memref<1x40x128xf32, #tpu.memory_space<vmem>>
      %dma_wait3A_632 = tpu.memref_squeeze %dma_wait3A_631 : memref<1x40x128xf32, #tpu.memory_space<vmem>> -> memref<40x128xf32, #tpu.memory_space<vmem>>
      %dma_wait3A_633 = arith.constant 0 : i32
      %dma_wait3A_634 = tpu.memref_slice %arg6[%run_scoped3A_616, %dma_wait3A_633] : memref<250x40xi32, #tpu.memory_space<vmem>> -> memref<1x40xi32, #tpu.memory_space<vmem>>
      %dma_wait3A_635 = tpu.memref_squeeze %dma_wait3A_634 : memref<1x40xi32, #tpu.memory_space<vmem>> -> memref<40xi32, #tpu.memory_space<vmem>>
      %dma_wait3A_636 = arith.constant 0 : i32
      %dma_wait3A_637 = arith.constant 0 : i32
      %dma_wait3A_638 = tpu.memref_slice %arg15[%dma_wait3A_636, %dma_wait3A_637] : memref<10000x128xf32, #tpu.memory_space<vmem_shared>> -> memref<10000x128xf32, #tpu.memory_space<vmem_shared>>
      tpu.wait_indirect_dma semaphore(%run_scoped3A_618 : memref<!tpu.dma_semaphore, #tpu.memory_space<semaphore_mem>>) src(%dma_wait3A_632 : memref<40x128xf32, #tpu.memory_space<vmem>>) dst(%dma_wait3A_638 : memref<10000x128xf32, #tpu.memory_space<vmem_shared>>)
      tpu.yield
    }) : () -> ()
    %barrier3A_617 = arith.constant 0 : index
    tpu.barrier barrier_id(%barrier3A_617)
    "tpu.region"() ({
      %run_scoped3A_618 = tpu.sem_alloc : memref<!tpu.dma_semaphore, #tpu.memory_space<semaphore_mem>>
      %dma_start3A_619 = arith.constant 0 : i32
      %dma_start3A_620 = tpu.memref_slice %arg4[%arg0, %mul3A_4, %dma_start3A_619] : memref<2x10000x128xf32, #tpu.memory_space<hbm>> -> memref<1x625x128xf32, #tpu.memory_space<hbm>>
      %dma_start3A_621 = tpu.memref_squeeze %dma_start3A_620 : memref<1x625x128xf32, #tpu.memory_space<hbm>> -> memref<625x128xf32, #tpu.memory_space<hbm>>
      %dma_start3A_622 = arith.constant 0 : i32
      %dma_start3A_623 = tpu.memref_slice %arg15[%mul3A_4, %dma_start3A_622] : memref<10000x128xf32, #tpu.memory_space<vmem_shared>> -> memref<625x128xf32, #tpu.memory_space<vmem_shared>>
      tpu.enqueue_dma source(%dma_start3A_623 : memref<625x128xf32, #tpu.memory_space<vmem_shared>>) target(%dma_start3A_621 : memref<625x128xf32, #tpu.memory_space<hbm>>) target_semaphore(%run_scoped3A_618 : memref<!tpu.dma_semaphore, #tpu.memory_space<semaphore_mem>>)
      %dma_wait3A_624 = arith.constant 0 : i32
      %dma_wait3A_625 = tpu.memref_slice %arg4[%arg0, %mul3A_4, %dma_wait3A_624] : memref<2x10000x128xf32, #tpu.memory_space<hbm>> -> memref<1x625x128xf32, #tpu.memory_space<hbm>>
      %dma_wait3A_626 = tpu.memref_squeeze %dma_wait3A_625 : memref<1x625x128xf32, #tpu.memory_space<hbm>> -> memref<625x128xf32, #tpu.memory_space<hbm>>
      %dma_wait3A_627 = arith.constant 0 : i32
      %dma_wait3A_628 = tpu.memref_slice %arg15[%mul3A_4, %dma_wait3A_627] : memref<10000x128xf32, #tpu.memory_space<vmem_shared>> -> memref<625x128xf32, #tpu.memory_space<vmem_shared>>
      tpu.wait_dma2 semaphore(%run_scoped3A_618 : memref<!tpu.dma_semaphore, #tpu.memory_space<semaphore_mem>>) src(%dma_wait3A_628 : memref<625x128xf32, #tpu.memory_space<vmem_shared>>) dst(%dma_wait3A_626 : memref<625x128xf32, #tpu.memory_space<hbm>>)
      tpu.yield
    }) : () -> ()
    return
  }
}

module attributes {stable_mosaic.version = 14 : i64} {
  func.func @_tc1_body(%arg0: i32, %arg1: memref<2000x128xf32, #tpu.memory_space<vmem>>, %arg2: memref<128x128xf32, #tpu.memory_space<vmem>>, %arg3: memref<2000x2xf32, #tpu.memory_space<vmem>>, %arg4: memref<2000x128xf32, #tpu.memory_space<vmem>>) attributes {dimension_semantics = [#tpu.dimension_semantics<arbitrary>], iteration_bounds = array<i64: 5>, scalar_prefetch = 0 : i64, scratch_operands = 0 : i64, tpu.core_type = #tpu.core_type<tc>, window_params = [{transform_indices = @transform_0, window_bounds = array<i64: 2000, 128>}, {pipeline_mode = #tpu.pipeline_mode<synchronous>, transform_indices = @transform_1, window_bounds = array<i64: 128, 128>}, {transform_indices = @transform_2, window_bounds = array<i64: 2000, 2>}, {transform_indices = @transform_3, window_bounds = array<i64: 2000, 128>}]} {
    %get3A = arith.constant 0 : index
    %get3A_0 = arith.constant 0 : index
    %get3A_1 = vector.load %arg1[%get3A, %get3A_0] : memref<2000x128xf32, #tpu.memory_space<vmem>>, vector<2000x128xf32>
    %get3A_2 = arith.constant 0 : index
    %get3A_3 = arith.constant 0 : index
    %get3A_4 = vector.load %arg2[%get3A_2, %get3A_3] : memref<128x128xf32, #tpu.memory_space<vmem>>, vector<128x128xf32>
    %dot_general3A = arith.constant dense<0.000000e+00> : vector<2000x128xf32>
    %dot_general3A_5 = tpu.matmul %get3A_1, %get3A_4, %dot_general3A {dimension_numbers = #tpu.dot_dimension_numbers<[1], [0], [0], [1], [0, 0, 1, 1], [], []>, transpose_lhs_hint = false} : vector<2000x128xf32>, vector<128x128xf32>, vector<2000x128xf32> -> vector<2000x128xf32>
    %get3A_6 = arith.constant 0 : index
    %get3A_7 = arith.constant 0 : index
    %get3A_8 = vector.load %arg3[%get3A_6, %get3A_7] : memref<2000x2xf32, #tpu.memory_space<vmem>>, vector<2000x1xf32>
    %mul3A = vector.broadcast %get3A_8 : vector<2000x1xf32> to vector<2000x128xf32>
    %mul3A_9 = arith.mulf %mul3A, %dot_general3A_5 : vector<2000x128xf32>
    %swap3A = arith.constant 0 : index
    %swap3A_10 = arith.constant 0 : index
    %swap3A_11 = vector.load %arg4[%swap3A, %swap3A_10] : memref<2000x128xf32, #tpu.memory_space<vmem>>, vector<2000x128xf32>
    tpu.vector_store %arg4[%swap3A, %swap3A_10], %mul3A_9 {strides = array<i32>} : memref<2000x128xf32, #tpu.memory_space<vmem>>, vector<2000x128xf32>,
    return
  }
  func.func @transform_0(%arg0: i32) -> (i32, i32) {
    %c0_i32 = arith.constant 0 : i32
    %c0_i32_0 = arith.constant 0 : i32
    return %arg0, %c0_i32 : i32, i32
  }
  func.func @transform_1(%arg0: i32) -> (i32, i32) {
    %c0_i32 = arith.constant 0 : i32
    %c0_i32_0 = arith.constant 0 : i32
    %c0_i32_1 = arith.constant 0 : i32
    return %c0_i32, %c0_i32_0 : i32, i32
  }
  func.func @transform_2(%arg0: i32) -> (i32, i32) {
    %c0_i32 = arith.constant 0 : i32
    %c0_i32_0 = arith.constant 0 : i32
    return %arg0, %c0_i32 : i32, i32
  }
  func.func @transform_3(%arg0: i32) -> (i32, i32) {
    %c0_i32 = arith.constant 0 : i32
    %c0_i32_0 = arith.constant 0 : i32
    return %arg0, %c0_i32 : i32, i32
  }
}

module attributes {stable_mosaic.version = 14 : i64} {
  func.func @_nrm_body(%arg0: i32, %arg1: memref<2x2x10000xf32, #tpu.memory_space<vmem>>, %arg2: memref<10000x2xf32, #tpu.memory_space<vmem>>) attributes {dimension_semantics = [#tpu.dimension_semantics<arbitrary>], iteration_bounds = array<i64: 1>, scalar_prefetch = 0 : i64, scratch_operands = 0 : i64, tpu.core_type = #tpu.core_type<tc>, window_params = [{pipeline_mode = #tpu.pipeline_mode<synchronous>, transform_indices = @transform_0, window_bounds = array<i64: 2, 2, 10000>}, {pipeline_mode = #tpu.pipeline_mode<synchronous>, transform_indices = @transform_1, window_bounds = array<i64: 10000, 2>}]} {
    %broadcast_in_dim3A = arith.constant 1.000000e+00 : f32
    %broadcast_in_dim3A_0 = vector.broadcast %broadcast_in_dim3A : f32 to vector<2x1xf32>
    %get3A = arith.constant 0 : index
    %get3A_1 = arith.constant 0 : index
    %get3A_2 = arith.constant 0 : index
    %get3A_3 = vector.load %arg1[%get3A, %get3A_1, %get3A_2] : memref<2x2x10000xf32, #tpu.memory_space<vmem>>, vector<1x2x10000xf32>
    %get3A_4 = vector.shape_cast %get3A_3 : vector<1x2x10000xf32> to vector<2x10000xf32>
    %dot_general3A = arith.constant dense<0.000000e+00> : vector<10000x1xf32>
    %dot_general3A_5 = tpu.matmul %get3A_4, %broadcast_in_dim3A_0, %dot_general3A {dimension_numbers = #tpu.dot_dimension_numbers<[0], [0], [1], [1], [0, 1, 1, 1], [], []>, transpose_lhs_hint = false} : vector<2x10000xf32>, vector<2x1xf32>, vector<10000x1xf32> -> vector<10000x1xf32>
    %get3A_6 = arith.constant 1 : index
    %get3A_7 = arith.constant 0 : index
    %get3A_8 = arith.constant 0 : index
    %get3A_9 = vector.load %arg1[%get3A_6, %get3A_7, %get3A_8] : memref<2x2x10000xf32, #tpu.memory_space<vmem>>, vector<1x2x10000xf32>
    %get3A_10 = vector.shape_cast %get3A_9 : vector<1x2x10000xf32> to vector<2x10000xf32>
    %dot_general3A_11 = arith.constant dense<0.000000e+00> : vector<10000x1xf32>
    %dot_general3A_12 = tpu.matmul %get3A_10, %broadcast_in_dim3A_0, %dot_general3A_11 {dimension_numbers = #tpu.dot_dimension_numbers<[0], [0], [1], [1], [0, 1, 1, 1], [], []>, transpose_lhs_hint = false} : vector<2x10000xf32>, vector<2x1xf32>, vector<10000x1xf32> -> vector<10000x1xf32>
    %max3A = arith.constant 1.000000e+00 : f32
    %max3A_13 = vector.broadcast %max3A : f32 to vector<10000x1xf32>
    %max3A_14 = arith.maximumf %dot_general3A_5, %max3A_13 : vector<10000x1xf32>
    %rsqrt3A = math.rsqrt %max3A_14 : vector<10000x1xf32>
    %max3A_15 = arith.constant 1.000000e+00 : f32
    %max3A_16 = vector.broadcast %max3A_15 : f32 to vector<10000x1xf32>
    %max3A_17 = arith.maximumf %dot_general3A_12, %max3A_16 : vector<10000x1xf32>
    %rsqrt3A_18 = math.rsqrt %max3A_17 : vector<10000x1xf32>
    %concatenate3A = tpu.concatenate %rsqrt3A, %rsqrt3A_18 in 1 : vector<10000x1xf32>, vector<10000x1xf32> -> vector<10000x2xf32>
    %swap3A = arith.constant 0 : index
    %swap3A_19 = arith.constant 0 : index
    %swap3A_20 = vector.load %arg2[%swap3A, %swap3A_19] : memref<10000x2xf32, #tpu.memory_space<vmem>>, vector<10000x2xf32>
    tpu.vector_store %arg2[%swap3A, %swap3A_19], %concatenate3A {strides = array<i32>} : memref<10000x2xf32, #tpu.memory_space<vmem>>, vector<10000x2xf32>,
    return
  }
  func.func @transform_0(%arg0: i32) -> (i32, i32, i32) {
    %c0_i32 = arith.constant 0 : i32
    %c0_i32_0 = arith.constant 0 : i32
    %c0_i32_1 = arith.constant 0 : i32
    %c0_i32_2 = arith.constant 0 : i32
    return %c0_i32, %c0_i32_0, %c0_i32_1 : i32, i32, i32
  }
  func.func @transform_1(%arg0: i32) -> (i32, i32) {
    %c0_i32 = arith.constant 0 : i32
    %c0_i32_0 = arith.constant 0 : i32
    %c0_i32_1 = arith.constant 0 : i32
    return %c0_i32, %c0_i32_0 : i32, i32
  }
}

module attributes {stable_mosaic.version = 14 : i64} {
  func.func @_tc2_body(%arg0: i32, %arg1: memref<2x2000x128xf32, #tpu.memory_space<vmem>>, %arg2: memref<2000x2xf32, #tpu.memory_space<vmem>>, %arg3: memref<1x128xf32, #tpu.memory_space<vmem>>, %arg4: memref<128x128xf32, #tpu.memory_space<vmem>>, %arg5: memref<2000x128xf32, #tpu.memory_space<vmem>>) attributes {dimension_semantics = [#tpu.dimension_semantics<arbitrary>], iteration_bounds = array<i64: 5>, scalar_prefetch = 0 : i64, scratch_operands = 0 : i64, tpu.core_type = #tpu.core_type<tc>, window_params = [{transform_indices = @transform_0, window_bounds = array<i64: 2, 2000, 128>}, {transform_indices = @transform_1, window_bounds = array<i64: 2000, 2>}, {pipeline_mode = #tpu.pipeline_mode<synchronous>, transform_indices = @transform_2, window_bounds = array<i64: 1, 128>}, {pipeline_mode = #tpu.pipeline_mode<synchronous>, transform_indices = @transform_3, window_bounds = array<i64: 128, 128>}, {transform_indices = @transform_4, window_bounds = array<i64: 2000, 128>}]} {
    %get3A = arith.constant 0 : index
    %get3A_0 = arith.constant 0 : index
    %get3A_1 = arith.constant 0 : index
    %get3A_2 = vector.load %arg1[%get3A, %get3A_0, %get3A_1] : memref<2x2000x128xf32, #tpu.memory_space<vmem>>, vector<1x2000x128xf32>
    %get3A_3 = vector.shape_cast %get3A_2 : vector<1x2000x128xf32> to vector<2000x128xf32>
    %get3A_4 = arith.constant 1 : index
    %get3A_5 = arith.constant 0 : index
    %get3A_6 = arith.constant 0 : index
    %get3A_7 = vector.load %arg1[%get3A_4, %get3A_5, %get3A_6] : memref<2x2000x128xf32, #tpu.memory_space<vmem>>, vector<1x2000x128xf32>
    %get3A_8 = vector.shape_cast %get3A_7 : vector<1x2000x128xf32> to vector<2000x128xf32>
    %add3A = arith.addf %get3A_3, %get3A_8 : vector<2000x128xf32>
    %get3A_9 = arith.constant 0 : index
    %get3A_10 = arith.constant 1 : index
    %get3A_11 = vector.load %arg2[%get3A_9, %get3A_10] : memref<2000x2xf32, #tpu.memory_space<vmem>>, vector<2000x1xf32>
    %get3A_12 = arith.constant 0 : index
    %get3A_13 = arith.constant 0 : index
    %get3A_14 = vector.load %arg2[%get3A_12, %get3A_13] : memref<2000x2xf32, #tpu.memory_space<vmem>>, vector<2000x1xf32>
    %mul3A = vector.broadcast %get3A_11 : vector<2000x1xf32> to vector<2000x128xf32>
    %mul3A_15 = arith.mulf %add3A, %mul3A : vector<2000x128xf32>
    %get3A_16 = arith.constant 0 : index
    %get3A_17 = arith.constant 0 : index
    %get3A_18 = vector.load %arg3[%get3A_16, %get3A_17] : memref<1x128xf32, #tpu.memory_space<vmem>>, vector<1x128xf32>
    %add3A_19 = vector.broadcast %get3A_18 : vector<1x128xf32> to vector<2000x128xf32>
    %add3A_20 = arith.addf %mul3A_15, %add3A_19 : vector<2000x128xf32>
    %max3A = arith.constant 0.000000e+00 : f32
    %max3A_21 = vector.broadcast %max3A : f32 to vector<2000x128xf32>
    %max3A_22 = arith.maximumf %add3A_20, %max3A_21 : vector<2000x128xf32>
    %get3A_23 = arith.constant 0 : index
    %get3A_24 = arith.constant 0 : index
    %get3A_25 = vector.load %arg4[%get3A_23, %get3A_24] : memref<128x128xf32, #tpu.memory_space<vmem>>, vector<128x128xf32>
    %dot_general3A = arith.constant dense<0.000000e+00> : vector<2000x128xf32>
    %dot_general3A_26 = tpu.matmul %max3A_22, %get3A_25, %dot_general3A {dimension_numbers = #tpu.dot_dimension_numbers<[1], [0], [0], [1], [0, 0, 1, 1], [], []>, transpose_lhs_hint = false} : vector<2000x128xf32>, vector<128x128xf32>, vector<2000x128xf32> -> vector<2000x128xf32>
    %mul3A_27 = vector.broadcast %get3A_14 : vector<2000x1xf32> to vector<2000x128xf32>
    %mul3A_28 = arith.mulf %mul3A_27, %dot_general3A_26 : vector<2000x128xf32>
    %swap3A = arith.constant 0 : index
    %swap3A_29 = arith.constant 0 : index
    %swap3A_30 = vector.load %arg5[%swap3A, %swap3A_29] : memref<2000x128xf32, #tpu.memory_space<vmem>>, vector<2000x128xf32>
    tpu.vector_store %arg5[%swap3A, %swap3A_29], %mul3A_28 {strides = array<i32>} : memref<2000x128xf32, #tpu.memory_space<vmem>>, vector<2000x128xf32>,
    return
  }
  func.func @transform_0(%arg0: i32) -> (i32, i32, i32) {
    %c0_i32 = arith.constant 0 : i32
    %c0_i32_0 = arith.constant 0 : i32
    %c0_i32_1 = arith.constant 0 : i32
    return %c0_i32, %arg0, %c0_i32_0 : i32, i32, i32
  }
  func.func @transform_1(%arg0: i32) -> (i32, i32) {
    %c0_i32 = arith.constant 0 : i32
    %c0_i32_0 = arith.constant 0 : i32
    return %arg0, %c0_i32 : i32, i32
  }
  func.func @transform_2(%arg0: i32) -> (i32, i32) {
    %c0_i32 = arith.constant 0 : i32
    %c0_i32_0 = arith.constant 0 : i32
    %c0_i32_1 = arith.constant 0 : i32
    return %c0_i32, %c0_i32_0 : i32, i32
  }
  func.func @transform_3(%arg0: i32) -> (i32, i32) {
    %c0_i32 = arith.constant 0 : i32
    %c0_i32_0 = arith.constant 0 : i32
    %c0_i32_1 = arith.constant 0 : i32
    return %c0_i32, %c0_i32_0 : i32, i32
  }
  func.func @transform_4(%arg0: i32) -> (i32, i32) {
    %c0_i32 = arith.constant 0 : i32
    %c0_i32_0 = arith.constant 0 : i32
    return %arg0, %c0_i32 : i32, i32
  }
}

module attributes {stable_mosaic.version = 14 : i64} {
  func.func @_tc3_body(%arg0: i32, %arg1: memref<2x2000x128xf32, #tpu.memory_space<vmem>>, %arg2: memref<2000x2xf32, #tpu.memory_space<vmem>>, %arg3: memref<1x128xf32, #tpu.memory_space<vmem>>, %arg4: memref<2000x128xf32, #tpu.memory_space<vmem>>) attributes {dimension_semantics = [#tpu.dimension_semantics<arbitrary>], iteration_bounds = array<i64: 5>, scalar_prefetch = 0 : i64, scratch_operands = 0 : i64, tpu.core_type = #tpu.core_type<tc>, window_params = [{transform_indices = @transform_0, window_bounds = array<i64: 2, 2000, 128>}, {transform_indices = @transform_1, window_bounds = array<i64: 2000, 2>}, {pipeline_mode = #tpu.pipeline_mode<synchronous>, transform_indices = @transform_2, window_bounds = array<i64: 1, 128>}, {transform_indices = @transform_3, window_bounds = array<i64: 2000, 128>}]} {
    %get3A = arith.constant 0 : index
    %get3A_0 = arith.constant 0 : index
    %get3A_1 = arith.constant 0 : index
    %get3A_2 = vector.load %arg1[%get3A, %get3A_0, %get3A_1] : memref<2x2000x128xf32, #tpu.memory_space<vmem>>, vector<1x2000x128xf32>
    %get3A_3 = vector.shape_cast %get3A_2 : vector<1x2000x128xf32> to vector<2000x128xf32>
    %get3A_4 = arith.constant 1 : index
    %get3A_5 = arith.constant 0 : index
    %get3A_6 = arith.constant 0 : index
    %get3A_7 = vector.load %arg1[%get3A_4, %get3A_5, %get3A_6] : memref<2x2000x128xf32, #tpu.memory_space<vmem>>, vector<1x2000x128xf32>
    %get3A_8 = vector.shape_cast %get3A_7 : vector<1x2000x128xf32> to vector<2000x128xf32>
    %add3A = arith.addf %get3A_3, %get3A_8 : vector<2000x128xf32>
    %get3A_9 = arith.constant 0 : index
    %get3A_10 = arith.constant 1 : index
    %get3A_11 = vector.load %arg2[%get3A_9, %get3A_10] : memref<2000x2xf32, #tpu.memory_space<vmem>>, vector<2000x1xf32>
    %mul3A = vector.broadcast %get3A_11 : vector<2000x1xf32> to vector<2000x128xf32>
    %mul3A_12 = arith.mulf %add3A, %mul3A : vector<2000x128xf32>
    %get3A_13 = arith.constant 0 : index
    %get3A_14 = arith.constant 0 : index
    %get3A_15 = vector.load %arg3[%get3A_13, %get3A_14] : memref<1x128xf32, #tpu.memory_space<vmem>>, vector<1x128xf32>
    %add3A_16 = vector.broadcast %get3A_15 : vector<1x128xf32> to vector<2000x128xf32>
    %add3A_17 = arith.addf %mul3A_12, %add3A_16 : vector<2000x128xf32>
    %max3A = arith.constant 0.000000e+00 : f32
    %max3A_18 = vector.broadcast %max3A : f32 to vector<2000x128xf32>
    %max3A_19 = arith.maximumf %add3A_17, %max3A_18 : vector<2000x128xf32>
    %swap3A = arith.constant 0 : index
    %swap3A_20 = arith.constant 0 : index
    %swap3A_21 = vector.load %arg4[%swap3A, %swap3A_20] : memref<2000x128xf32, #tpu.memory_space<vmem>>, vector<2000x128xf32>
    tpu.vector_store %arg4[%swap3A, %swap3A_20], %max3A_19 {strides = array<i32>} : memref<2000x128xf32, #tpu.memory_space<vmem>>, vector<2000x128xf32>,
    return
  }
  func.func @transform_0(%arg0: i32) -> (i32, i32, i32) {
    %c0_i32 = arith.constant 0 : i32
    %c0_i32_0 = arith.constant 0 : i32
    %c0_i32_1 = arith.constant 0 : i32
    return %c0_i32, %arg0, %c0_i32_0 : i32, i32, i32
  }
  func.func @transform_1(%arg0: i32) -> (i32, i32) {
    %c0_i32 = arith.constant 0 : i32
    %c0_i32_0 = arith.constant 0 : i32
    return %arg0, %c0_i32 : i32, i32
  }
  func.func @transform_2(%arg0: i32) -> (i32, i32) {
    %c0_i32 = arith.constant 0 : i32
    %c0_i32_0 = arith.constant 0 : i32
    %c0_i32_1 = arith.constant 0 : i32
    return %c0_i32, %c0_i32_0 : i32, i32
  }
  func.func @transform_3(%arg0: i32) -> (i32, i32) {
    %c0_i32 = arith.constant 0 : i32
    %c0_i32_0 = arith.constant 0 : i32
    return %arg0, %c0_i32 : i32, i32
  }
}

</mosaic_0001>

<sc_bundles>
// kernel: kernel.12.cloned.1.call-start
scs
__scs_entry_jumppad:
0x0: {  	(pc) =	sbr.rel $0x88, $3  }
0x1: {  	(tag) =	ssettag $0x0;
	lr =	simm.s32 $0x1  }
0x2: {  	[smem:$0x3F9B] =	sst lr;
	_ =	strace $0xD0000000  }
0x3: {  	_ = 	snop  }
0x4: {  	_ = 	snop  }
0x5: {  	_ = 	snop  }
0x6: {  	_ = 	snop  }
0x7: {  	_ = 	snop  }
__scs_overlays_trampoline_lowered:
0x8: {  	[smem:$0x3FAA] =	sst s0  }
0x9: {  	[smem:$0x3FAB] =	sst s1  }
0xa: {  	[smem:$0x3FAC] =	sst s2  }
0xb: {  	[smem:$0x3FAD] =	sst s3  }
0xc: {  	[smem:$0x3FAE] =	sst s4  }
0xd: {  	[smem:$0x3FAF] =	sst s5  }
0xe: {  	[smem:$0x3FB0] =	sst s6  }
0xf: {  	[smem:$0x3FB1] =	sst s7  }
0x10: {  	[smem:$0x3FB2] =	sst s8  }
0x11: {  	[smem:$0x3FB3] =	sst s9;
	s0 =	simm.s32 @!p0 $0x0  }
0x12: {  	s1 =	sld [smem:$0x3F99];
	s0 =	simm.s32 @p0 $0x1  }
0x13: {  	[smem:$0x3FB4] =	sst s0;
	s0 =	simm.s32 @!p1 $0x0  }
0x14: {  	s2 =	sld [smem:$0x3F98];
	s0 =	simm.s32 @p1 $0x1  }
0x15: {  	[smem:$0x3FB5] =	sst s0;
	s0 =	simm.s32 @!p2 $0x0  }
0x16: {  	s3 =	sld [smem:$0x3FDB];
	s0 =	simm.s32 @p2 $0x1  }
0x17: {  	s4 =	simm.s32 $0x1BF5;
	[smem:$0x3FB7] =	sst s0  }
0x18: {  	s0 =	sld [smem:$0x3F9A];
	_ =	swait.ge [sflag:s4], $0x0  }
0x19: {  	s7 =	sld [smem:$0x3F9B]  }
0x1a: {  	s8 =	sadd.s32 $0xFFFFE003, lr  }
0x1b: {  	s9 =	sadd.s32 $0xFFFFFEF7, lr;
	s5 =	simm.s32 $0xFFFFFFFF;
	p2 =	slt.u32 s8, $0xFFFFF086  }
0x1c: {  	p1 =	slt.u32 s9, $0xF7A;
	s5 =	simm.s32 @!p2 $0x0  }
0x1d: {  	s5 =	simm.s32 @p1 $0x1;
	p0 =	seq.s32 s7, s2  }
0x1e: {  	s7 =	smul.u32 @!p0 $0xF7A, s2;
	p2 =	seq.s32 @!p0 s5, $0x0  }
0x1f: {  	s9 =	smul.u32 $0xF7A, s1;
	s8 =	simm.s32 @!p0 $0x1BF5;
	p2 =	por !p2, p0  }
0x20: {  	[sflag:s8] =	ssyncset.s32 @!p0 $0xFFFFF086;
	s6 =	sadd.s32 @!p0 s3, s7;
	s7 =	simm.s32 @!p0 $0x108  }
0x21: {  	s3 =	sadd.s32 s3, s9;
	s6 =	sadd.s32 @!p0 $0x88, s6;
	s7 =	simm.s32 @p2 $0x1082  }
0x22: {  	[simem:s7], [sflag:s8] =	dma.local @!p0 [hbm:s6], $0xF7A  }
0x23: {  	s9 =	sor.u32 $0xD0000000, s2;
	s6 =	simm.s32 $0x108;
	_ =	swait.ge @!p0 [sflag:s8], $0x0  }
0x24: {  	s3 =	sadd.s32 $0x88, s3;
	s6 =	simm.s32 @!p1 $0x1082;
	[sflag:s4] =	ssyncset.s32 $0xFFFFF086  }
0x25: {  	[simem:s6], [sflag:s4] =	dma.local [hbm:s3], $0xF7A  }
0x26: {  	[smem:$0x3F9B] =	sst s1;
	(tag) =	ssettag s2;
	_ =	strace s9  }
0x27: {  	s1 =	sld [smem:$0x3FAB]  }
0x28: {  	s2 =	sld [smem:$0x3FAC]  }
0x29: {  	s4 =	sld [smem:$0x3FAE]  }
0x2a: {  	p0 =	seq.s32 s5, $0x0;
	s5 =	sld [smem:$0x3FAF]  }
0x2b: {  	s6 =	sld [smem:$0x3FB0]  }
0x2c: {  	s7 =	sld [smem:$0x3FB1]  }
0x2d: {  	s3 =	simm.s32 $0x108;
	s8 =	sld [smem:$0x3FB2]  }
0x2e: {  	s3 =	simm.s32 @!p0 $0x1082;
	s9 =	sld [smem:$0x3FB3]  }
0x2f: {  	lr =	sadd.s32 s0, s3;
	s0 =	sld [smem:$0x3FAA]  }
0x30: {  	s3 =	sld [smem:$0x3FAD]  }
0x31: {  	[smem:$0x3FB6] =	sst s10  }
0x32: {  	s10 =	sld [smem:$0x3FB4];
	_ =	sdelay $0x3  }
0x33: {  	p0 =	seq.s32 s10, $0x1;
	s10 =	sld [smem:$0x3FB6];
	_ =	sdelay $0x3  }
0x34: {  	[smem:$0x3FB6] =	sst s10  }
0x35: {  	s10 =	sld [smem:$0x3FB5];
	_ =	sdelay $0x3  }
0x36: {  	p1 =	seq.s32 s10, $0x1;
	s10 =	sld [smem:$0x3FB6];
	_ =	sdelay $0x3  }
0x37: {  	[smem:$0x3FB6] =	sst s10  }
0x38: {  	s10 =	sld [smem:$0x3FB7]  }
0x39: {  	_ = 	snop;
	(pc) =	sbr.ind lr, $3  }
0x3a: {  	_ = 	snop  }
0x3b: {  	_ = 	snop  }
0x3c: {  	p2 =	seq.s32 s10, $0x1;
	s10 =	sld [smem:$0x3FB6]  }
0x3d: {  	_ =	shalt  }
0x3e: {  	_ =	shalt  }
0x3f: {  	_ =	shalt  }
0x40: {  	_ =	shalt  }
0x41: {  	_ =	shalt  }
0x42: {  	_ =	shalt  }
0x43: {  	_ =	shalt  }
0x44: {  	_ =	shalt  }
0x45: {  	_ =	shalt  }
0x46: {  	_ =	shalt  }
0x47: {  	_ =	shalt  }
0x48: {  	_ =	shalt  }
0x49: {  	_ =	shalt  }
0x4a: {  	_ =	shalt  }
0x4b: {  	_ =	shalt  }
0x4c: {  	_ =	shalt  }
0x4d: {  	_ =	shalt  }
0x4e: {  	_ =	shalt  }
0x4f: {  	_ =	shalt  }
0x50: {  	_ =	shalt  }
0x51: {  	_ =	shalt  }
0x52: {  	_ =	shalt  }
0x53: {  	_ =	shalt  }
0x54: {  	_ =	shalt  }
0x55: {  	_ =	shalt  }
0x56: {  	_ =	shalt  }
0x57: {  	_ =	shalt  }
0x58: {  	_ =	shalt  }
0x59: {  	_ =	shalt  }
0x5a: {  	_ =	shalt  }
0x5b: {  	_ =	shalt  }
0x5c: {  	_ =	shalt  }
0x5d: {  	_ =	shalt  }
0x5e: {  	_ =	shalt  }
0x5f: {  	_ =	shalt  }
0x60: {  	_ =	shalt  }
0x61: {  	_ =	shalt  }
0x62: {  	_ =	shalt  }
0x63: {  	_ =	shalt  }
0x64: {  	_ =	shalt  }
0x65: {  	_ =	shalt  }
0x66: {  	_ =	shalt  }
0x67: {  	_ =	shalt  }
0x68: {  	_ =	shalt  }
0x69: {  	_ =	shalt  }
0x6a: {  	_ =	shalt  }
0x6b: {  	_ =	shalt  }
0x6c: {  	_ =	shalt  }
0x6d: {  	_ =	shalt  }
0x6e: {  	_ =	shalt  }
0x6f: {  	_ =	shalt  }
0x70: {  	_ =	shalt  }
0x71: {  	_ =	shalt  }
0x72: {  	_ =	shalt  }
0x73: {  	_ =	shalt  }
0x74: {  	_ =	shalt  }
0x75: {  	_ =	shalt  }
0x76: {  	_ =	shalt  }
0x77: {  	_ =	shalt  }
0x78: {  	_ =	shalt  }
0x79: {  	_ =	shalt  }
0x7a: {  	_ =	shalt  }
0x7b: {  	_ =	shalt  }
0x7c: {  	_ =	shalt  }
0x7d: {  	_ =	shalt  }
0x7e: {  	_ =	shalt  }
0x7f: {  	_ =	shalt  }
0x80: {  	_ =	shalt  }
0x81: {  	_ =	shalt  }
0x82: {  	_ =	shalt  }
0x83: {  	_ =	shalt  }
0x84: {  	_ =	shalt  }
0x85: {  	_ =	shalt  }
0x86: {  	_ =	shalt  }
0x87: {  	_ =	shalt  }
.Lfunc_end0:
.L_simem_size_0:
called_computation.1_lowered:
.L_overlay_start_0:
0x88: {  	s2 =	sld [smem:$0x3FD9]  }
0x89: {  	s3 =	sld [smem:$0x3FFE];
	_ =	sdelay $0x1  }
0x8a: {  	s1 =	srdreg.scid  }
0x8b: {  	s0 =	sand.u32 $0x1, s1  }
0x8c: {  	s17 =	sshll.u32 s0, $0xA;
	s2 =	sadd.s32 s3, s2  }
0x8d: {  	s2 =	sadd.s32 s2, s17  }
0x8e: {  	[smem:$0x3FC2] =	sst s2  }
0x8f: {  	_ = 	snop  }
0x90: {  	s2 =	sld [smem:$0x3FD0];
	(tm) =	ssettm $0x1  }
0x91: {  	s18 =	sld [smem:$0x3FFB];
	_ =	sdelay $0x3  }
0x92: {  	_ =	strace s18  }
0x93: {  	s3 =	sld [smem:$0x3FFC];
	_ =	sdelay $0x3  }
0x94: {  	_ =	strace s3  }
0x95: {  	s3 =	sld [smem:$0x3FFD];
	_ =	sdelay $0x3  }
0x96: {  	_ =	strace s3  }
0x97: {  	_ =	strace $0x8FFFFFFF  }
0x98: {  	s19 =	sld [smem:$0x3FDB];
	_ =	sdelay $0x1  }
0x99: {  	s4 =	simm.s32 $_scs_section_size  }
0x9a: {  	s5 =	simm.s32 $_size__tile_overlayer_lowered;
	s6 =	simm.s32 $_tile_overlayer_lowered  }
0x9b: {  	s22 =	simm.s32 $0x1BFF;
	s21 =	sshll.u32 s6, $0x1;
	s3 =	sadd.s32 s4, s19  }
0x9c: {  	s7 =	simm.s32 $0x0;
	s20 =	sshll.u32 s5, $0x1;
	s5 =	sadd.s32 s21, s3  }
0x9d: {  	[timem:s7], [sflag:s22] =	dma.local [hbm:s5], s20  }
0x9e: {  	_ =	swait.ge [sflag:s22], s20  }
0x9f: {  	s4 =	ssub.s32 $0x0, s20;
	[sflag:s22] =	ssyncset.done $0x0  }
0xa0: {  	[sflag:s22] =	ssyncadd.s32 s4;
	_ =	sdelay $0x1  }
0xa1: {  	s23 =	simm.s32 $0x1B8B  }
0xa2: {  	_ =	swait.ge [sflag:s23], $0x1  }
0xa3: {  	[sflag:s23] =	ssyncset.done $0x0  }
0xa4: {  	s25 =	simm.s32 $0x1B8E;
	s24 =	sld [smem:$0x3FFE];
	[sflag:s23] =	ssyncadd.s32 $0xFFFFFFFF  }
0xa5: {  	s26 =	simm.s32 $execute0_lowered;
	[smem:$0x3FD2] =	sst s25  }
0xa6: {  	s5 =	sshll.u32 s26, $0x1;
	_ =	strace $0x80000049;
	[dreg:$0x1] =	wrdreg $0xFFFFFFFF  }
0xa7: {  	s28 =	simm.s32 $_size_execute0_lowered;
	s3 =	sadd.s32 s3, s5;
	[dreg:$0x0] =	wrdreg $0x0  }
0xa8: {  	s5 =	sshll.u32 s28, $0x1;
	[dreg:$0x2] =	wrdreg s3  }
0xa9: {  	[dreg:$0x3] =	wrdreg s5  }
0xaa: {  	[dreg:$0x4] =	wrdreg $0xC0  }
0xab: {  	_ =	task [dreg:s7], $0x5FFFF  }
0xac: {  	[dreg:$0x1] =	wrdreg $0xFFFFFFFF  }
0xad: {  	[dreg:$0x0] =	wrdreg $0x60  }
0xae: {  	[dreg:$0x2] =	wrdreg s2  }
0xaf: {  	[dreg:$0x3] =	wrdreg s24  }
0xb0: {  	[dreg:$0x4] =	wrdreg $0xB2200  }
0xb1: {  	[dreg:$0x5] =	wrdreg $0x9  }
0xb2: {  	_ =	task.clear_ibuf [dreg:s7], $0x6FFFF;
	_ =	strace $0x90000049  }
0xb3: {  	s29 =	simm.s32 $0x9;
	_ =	strace $0x8000004B  }
0xb4: {  	_ =	swait.ge [sflag:s29], $0x1  }
0xb5: {  	[sflag:s29] =	ssyncadd.s32 $0xFFFFFFFF  }
0xb6: {  	_ =	strace $0x9000004B  }
0xb7: {  	_ =	sfence  }
0xb8: {  	s30 =	sld [smem:$0x0];
	_ =	sdelay $0x2  }
0xb9: {  	s31 =	sshll.u32 s1, $0xD;
	s1 =	sshrl.u32 s1, $0x2  }
0xba: {  	s3 =	sand.u32 $0x4000, s31;
	s1 =	sadd.s32 s1, s30  }
0xbb: {  	s0 =	sor.u32 s3, s0;
	s1 =	sshll.u32 s1, $0x11  }
0xbc: {  	s0 =	sor.u32 s1, s0  }
0xbd: {  	s0 =	sadd.s32 $0x8F2B, s0  }
0xbe: {  	[sflag:s0] =	ssyncadd.remote.s32 $0x1  }
0xbf: {  	_ =	sfence.sel $0xFFFF  }
0xc0: {  	[dreg:$0x0] =	wrdreg $0xFFFFFFFF;
	(pc) =	sbr.abs _section_cstart, $3  }
0xc1: {  	[dreg:$0x1] =	wrdreg $0xFFFFFFFF  }
0xc2: {  	_ =	task.clear_ibuf [dreg:s7], $0x2FFFF;
	_ =	strace $0x9FFFFFFF  }
0xc3: {  	(tm) =	ssettm $0x7FFFFFFF  }
tec
execute0_lowered:
.L_overlay_start_1:
0x0: {  	(tag) =	ssettag $0x1  }
0x1: {  	s1 =	rddreg [dreg:$0x0]  }
0x2: {  	s0 =	rddreg [dreg:$0x1]  }
0x3: {  	s3 =	rddreg [dreg:$0x2];
	s2 =	srdreg.scid  }
0x4: {  	s10 =	stileid.u32;
	s5 =	simm.s32 $0x0;
	s28 =	simm.s32 $0x7  }
0x5: {  	s29 =	simm.s32 $0x6;
	s30 =	simm.s32 $0x28;
	s4 =	smul.u32 $0x13880, s10  }
0x6: {  	s31 =	simm.s32 $0x6220;
	s2 =	sand.u32 $0x1, s2;
	s8 =	smul.u32 $0x4E200, s10  }
0x7: {  	[smem:$0x7FF] =	sst s5;
	s7 =	sadd.s32 $0x2600, s0;
	s24 =	smul.u32 $0x2710, s10  }
0x8: {  	s11 =	simm.s32 $0x0;
	s14 =	smul.u32 $0x138800, s2;
	_ =	strace $0x8000004A  }
0x9: {  	s6 =	sshll.u32 s2, $0x4;
	s9 =	ssub.s32 $0x2, s2;
	s8 =	sshrl.u32 s8, $0x2  }
0xa: {  	s2 =	smul.u32 $0x27100, s2;
	s6 =	sor.u32 s10, s6;
	s8 =	sadd.s32 s8, s3  }
0xb: {  	s15 =	sshrl.u32 s9, $0x1;
	s10 =	simm.s32 $0x5;
	s16 =	sadd.s32 $0x1400, s8  }
0xc: {  	s5 =	sadd.s32 s4, s14;
	s17 =	sadd.s32 $0x2800, s8;
	[dreg:$0x5] =	wrdreg s16  }
0xd: {  	s6 =	smul.u32 $0x2710, s6;
	s18 =	sadd.s32 $0x3C00, s8;
	[dreg:$0x6] =	wrdreg s17  }
0xe: {  	s2 =	sadd.s32 s24, s2;
	s19 =	sadd.s32 $0x5000, s8;
	[dreg:$0x7] =	wrdreg s18  }
0xf: {  	s5 =	sshrl.u32 s5, $0x3;
	s20 =	sadd.s32 $0x6400, s8;
	[dreg:$0x8] =	wrdreg s19  }
0x10: {  	s21 =	sadd.s32 $0x7800, s8;
	s22 =	sadd.s32 $0x8C00, s8;
	[dreg:$0x9] =	wrdreg s20  }
0x11: {  	s23 =	sadd.s32 $0xA000, s8;
	s25 =	sadd.s32 $0xB400, s8;
	[dreg:$0xa] =	wrdreg s21  }
0x12: {  	s2 =	sadd.s32 $0x4E200, s2;
	s0 =	sadd.s32 s5, s0;
	[dreg:$0xb] =	wrdreg s22  }
0x13: {  	s5 =	ssub.s32 s9, s15;
	s6 =	sshrl.u32 s6, $0x3;
	[dreg:$0xc] =	wrdreg s23  }
0x14: {  	[dreg:$0xd] =	wrdreg s25;
	s16 =	sadd.s32 $0xC800, s8;
	s17 =	sadd.s32 $0xDC00, s8  }
0x15: {  	s18 =	sadd.s32 $0xF000, s8;
	s19 =	sadd.s32 $0x10400, s8;
	s20 =	sadd.s32 $0x11800, s8  }
0x16: {  	s21 =	sadd.s32 $0x12C00, s8;
	s26 =	sshrl.u32 s2, $0x3;
	s25 =	simm.s32 $0x8  }
0x17: {  	s2 =	simm.s32 $0x8A20;
	s8 =	simm.s32 $0x3;
	s9 =	simm.s32 $0x4  }
0x18: {  	s15 =	simm.s32 $0x0;
	s6 =	sadd.s32 s7, s6;
	s22 =	sadd.s32 $0x16000, s0  }
0x19: {  	s23 =	smax.u32 s5, $0x1;
	s24 =	sadd.s32 s26, s7;
	s26 =	simm.s32 $0x4E20  }
0x1a: {  	s0 =	simm.s32 $0x7620;
	s5 =	simm.s32 $0x1;
	s7 =	simm.s32 $0x2  }
0x1b: {  	v0 =	vimm.f32 $0.0e+00;
	[dreg:$0x4] =	wrdreg s6;
	s6 =	sadd.s32 s4, s3;
	s4 =	simm.s32 $0x9E20  }
.LBB2_1:
0x1c: {  	s14 =	simm.s32 $0x0;
	s12 =	rddreg [dreg:$0x4]  }
0x1d: {  	[tilespmem:s14], [sflag:$0x8] =	stream.linear.gather [hbm4b:s12+s14], $0x2710, $0x38;
	[tilespmem:$0x1EAA0] =	vst v63  }
0x1e: {  	_ =	swait.ge [sflag:s25], $0x2710  }
0x1f: {  	[sflag:s25] =	ssyncset.done $0x0  }
0x20: {  	s13 =	sadd.s32 $0x0, s24;
	s12 =	simm.s32 $0x2710;
	[sflag:s25] =	ssyncadd.s32 $0xFFFFD8F0  }
0x21: {  	[tilespmem:s12], [sflag:$0x6] =	stream.linear.gather [hbm4b:s13+s14], $0x28, $0x38;
	[tilespmem:$0x1EAA0] =	vst v63  }
0x22: {  	s13 =	simm.s32 $0x5  }
.LBB2_2:
0x23: {  	p0 =	sne.s32 s13, $0x4DD  }
.Ltmp0:
0x24: {  	_ = 	snop;
	(pc) =	sbr.rel @p0 .LBB2_2-.Ltmp0, $4  }
0x25: {  	_ = 	snop  }
0x26: {  	s14 =	sadd.s32 s13, s24;
	s12 =	sadd.s32 $0x28, s12  }
0x27: {  	s13 =	sadd.s32 $0x5, s13  }
0x28: {  	[tilespmem:s12], [sflag:$0x6] =	stream.linear.gather [hbm4b:s14+s15], $0x28, $0x38;
	[tilespmem:$0x1EAA0] =	vst v63  }
0x29: {  	s12 =	simm.s32 $0x0;
	s13 =	simm.s32 $0x200  }
.LBB2_4:
0x2a: {  	p0 =	sne.s32 s13, $0x4E00;
	[tilespmem:s12+$0x4E90] =	vst v0  }
0x2b: {  	[tilespmem:s12+$0x4E20] =	vst v0  }
0x2c: {  	[tilespmem:s12+$0x4E30] =	vst v0  }
.Ltmp1:
0x2d: {  	[tilespmem:s12+$0x4E40] =	vst v0;
	(pc) =	sbr.rel @p0 .LBB2_4-.Ltmp1, $4  }
0x2e: {  	[tilespmem:s12+$0x4E50] =	vst v0  }
0x2f: {  	[tilespmem:s12+$0x4E60] =	vst v0  }
0x30: {  	[tilespmem:s12+$0x4E70] =	vst v0  }
0x31: {  	[tilespmem:s12+$0x4E80] =	vst v0;
	s12 =	sshra.s32 s13, $0x2;
	s13 =	sadd.s32 $0x200, s13  }
0x32: {  	[tilespmem:s12+$0x4E90] =	vst v0  }
0x33: {  	[tilespmem:s12+$0x4E20] =	vst v0  }
0x34: {  	[tilespmem:s12+$0x4E30] =	vst v0  }
0x35: {  	[tilespmem:s12+$0x4E40] =	vst v0  }
0x36: {  	[tilespmem:s12+$0x4E50] =	vst v0  }
0x37: {  	[tilespmem:s12+$0x4E60] =	vst v0  }
0x38: {  	[tilespmem:s12+$0x4E70] =	vst v0  }
0x39: {  	[tilespmem:s12+$0x4E80] =	vst v0  }
0x3a: {  	[spmem:s6] =	stream.linear.scatter [tilespmem:s26], [sflag:$0x7], $0x1400, $0x38;
	[tilespmem:$0x1EAA0] =	vst v63  }
0x3b: {  	s14 =	rddreg [dreg:$0x5]  }
0x3c: {  	[spmem:s14] =	stream.linear.scatter [tilespmem:s26], [sflag:$0x7], $0x1400, $0x38;
	[tilespmem:$0x1EAA0] =	vst v63  }
0x3d: {  	s13 =	rddreg [dreg:$0x6]  }
0x3e: {  	[spmem:s13] =	stream.linear.scatter [tilespmem:s26], [sflag:$0x7], $0x1400, $0x38;
	[tilespmem:$0x1EAA0] =	vst v63  }
0x3f: {  	s14 =	rddreg [dreg:$0x7]  }
0x40: {  	[spmem:s14] =	stream.linear.scatter [tilespmem:s26], [sflag:$0x7], $0x1400, $0x38;
	[tilespmem:$0x1EAA0] =	vst v63  }
0x41: {  	s13 =	rddreg [dreg:$0x8]  }
0x42: {  	[spmem:s13] =	stream.linear.scatter [tilespmem:s26], [sflag:$0x7], $0x1400, $0x38;
	[tilespmem:$0x1EAA0] =	vst v63  }
0x43: {  	s14 =	rddreg [dreg:$0x9]  }
0x44: {  	[spmem:s14] =	stream.linear.scatter [tilespmem:s26], [sflag:$0x7], $0x1400, $0x38;
	[tilespmem:$0x1EAA0] =	vst v63  }
0x45: {  	s13 =	rddreg [dreg:$0xa]  }
0x46: {  	[spmem:s13] =	stream.linear.scatter [tilespmem:s26], [sflag:$0x7], $0x1400, $0x38;
	[tilespmem:$0x1EAA0] =	vst v63  }
0x47: {  	s14 =	rddreg [dreg:$0xb]  }
0x48: {  	[spmem:s14] =	stream.linear.scatter [tilespmem:s26], [sflag:$0x7], $0x1400, $0x38;
	[tilespmem:$0x1EAA0] =	vst v63  }
0x49: {  	s13 =	rddreg [dreg:$0xc]  }
0x4a: {  	[spmem:s13] =	stream.linear.scatter [tilespmem:s26], [sflag:$0x7], $0x1400, $0x38;
	[tilespmem:$0x1EAA0] =	vst v63  }
0x4b: {  	s14 =	rddreg [dreg:$0xd]  }
0x4c: {  	[spmem:s14] =	stream.linear.scatter [tilespmem:s26], [sflag:$0x7], $0x1400, $0x38;
	[tilespmem:$0x1EAA0] =	vst v63  }
0x4d: {  	_ = 	snop  }
0x4e: {  	[spmem:s16] =	stream.linear.scatter [tilespmem:s26], [sflag:$0x7], $0x1400, $0x38;
	[tilespmem:$0x1EAA0] =	vst v63  }
0x4f: {  	_ = 	snop  }
0x50: {  	[spmem:s17] =	stream.linear.scatter [tilespmem:s26], [sflag:$0x7], $0x1400, $0x38;
	[tilespmem:$0x1EAA0] =	vst v63  }
0x51: {  	_ = 	snop  }
0x52: {  	[spmem:s18] =	stream.linear.scatter [tilespmem:s26], [sflag:$0x7], $0x1400, $0x38;
	[tilespmem:$0x1EAA0] =	vst v63  }
0x53: {  	_ = 	snop  }
0x54: {  	[spmem:s19] =	stream.linear.scatter [tilespmem:s26], [sflag:$0x7], $0x1400, $0x38;
	[tilespmem:$0x1EAA0] =	vst v63  }
0x55: {  	_ = 	snop  }
0x56: {  	[spmem:s20] =	stream.linear.scatter [tilespmem:s26], [sflag:$0x7], $0x1400, $0x38;
	[tilespmem:$0x1EAA0] =	vst v63  }
0x57: {  	_ = 	snop  }
0x58: {  	[spmem:s21] =	stream.linear.scatter [tilespmem:s26], [sflag:$0x7], $0xC80, $0x38;
	[tilespmem:$0x1EAA0] =	vst v63  }
0x59: {  	_ =	swait.ge [sflag:s28], $0x1400  }
0x5a: {  	[sflag:s28] =	ssyncset.done $0x0  }
0x5b: {  	[sflag:s28] =	ssyncadd.s32 $0xFFFFEC00  }
0x5c: {  	_ =	swait.ge [sflag:s28], $0x1400  }
0x5d: {  	[sflag:s28] =	ssyncset.done $0x0  }
0x5e: {  	[sflag:s28] =	ssyncadd.s32 $0xFFFFEC00  }
0x5f: {  	_ =	swait.ge [sflag:s28], $0x1400  }
0x60: {  	[sflag:s28] =	ssyncset.done $0x0  }
0x61: {  	[sflag:s28] =	ssyncadd.s32 $0xFFFFEC00  }
0x62: {  	_ =	swait.ge [sflag:s28], $0x1400  }
0x63: {  	[sflag:s28] =	ssyncset.done $0x0  }
0x64: {  	[sflag:s28] =	ssyncadd.s32 $0xFFFFEC00  }
0x65: {  	_ =	swait.ge [sflag:s28], $0x1400  }
0x66: {  	[sflag:s28] =	ssyncset.done $0x0  }
0x67: {  	[sflag:s28] =	ssyncadd.s32 $0xFFFFEC00  }
0x68: {  	_ =	swait.ge [sflag:s28], $0x1400  }
0x69: {  	[sflag:s28] =	ssyncset.done $0x0  }
0x6a: {  	[sflag:s28] =	ssyncadd.s32 $0xFFFFEC00  }
0x6b: {  	_ =	swait.ge [sflag:s28], $0x1400  }
0x6c: {  	[sflag:s28] =	ssyncset.done $0x0  }
0x6d: {  	[sflag:s28] =	ssyncadd.s32 $0xFFFFEC00  }
0x6e: {  	_ =	swait.ge [sflag:s28], $0x1400  }
0x6f: {  	[sflag:s28] =	ssyncset.done $0x0  }
0x70: {  	[sflag:s28] =	ssyncadd.s32 $0xFFFFEC00  }
0x71: {  	_ =	swait.ge [sflag:s28], $0x1400  }
0x72: {  	[sflag:s28] =	ssyncset.done $0x0  }
0x73: {  	[sflag:s28] =	ssyncadd.s32 $0xFFFFEC00  }
0x74: {  	_ =	swait.ge [sflag:s28], $0x1400  }
0x75: {  	[sflag:s28] =	ssyncset.done $0x0  }
0x76: {  	[sflag:s28] =	ssyncadd.s32 $0xFFFFEC00  }
0x77: {  	_ =	swait.ge [sflag:s28], $0x1400  }
0x78: {  	[sflag:s28] =	ssyncset.done $0x0  }
0x79: {  	[sflag:s28] =	ssyncadd.s32 $0xFFFFEC00  }
0x7a: {  	_ =	swait.ge [sflag:s28], $0x1400  }
0x7b: {  	[sflag:s28] =	ssyncset.done $0x0  }
0x7c: {  	[sflag:s28] =	ssyncadd.s32 $0xFFFFEC00  }
0x7d: {  	_ =	swait.ge [sflag:s28], $0x1400  }
0x7e: {  	[sflag:s28] =	ssyncset.done $0x0  }
0x7f: {  	[sflag:s28] =	ssyncadd.s32 $0xFFFFEC00  }
0x80: {  	_ =	swait.ge [sflag:s28], $0x1400  }
0x81: {  	[sflag:s28] =	ssyncset.done $0x0  }
0x82: {  	[sflag:s28] =	ssyncadd.s32 $0xFFFFEC00  }
0x83: {  	_ =	swait.ge [sflag:s28], $0x1400  }
0x84: {  	[sflag:s28] =	ssyncset.done $0x0  }
0x85: {  	[sflag:s28] =	ssyncadd.s32 $0xFFFFEC00  }
0x86: {  	_ =	swait.ge [sflag:s28], $0xC80  }
0x87: {  	[sflag:s28] =	ssyncset.done $0x0  }
0x88: {  	[sflag:s28] =	ssyncadd.s32 $0xFFFFF380  }
0x89: {  	_ =	swait.ge [sflag:s29], $0x28  }
0x8a: {  	s12 =	simm.s32 $0xF9;
	[sflag:s29] =	ssyncset.done $0x0  }
.LBB2_6:
0x8b: {  	p0 =	sne.s32 s12, $0x1;
	s12 =	sadd.s32 $0xFFFFFFFF, s12;
	[sflag:s29] =	ssyncadd.s32 $0xFFFFFFD8  }
.Ltmp2:
0x8c: {  	(pc) =	sbr.rel @p0 .LBB2_6-.Ltmp2, $3  }
0x8d: {  	_ =	sdelay $0x1  }
0x8e: {  	_ =	swait.ge [sflag:s29], $0x28  }
0x8f: {  	[sflag:s29] =	ssyncset.done $0x0  }
0x90: {  	[sflag:s29] =	ssyncadd.s32 $0xFFFFFFD8  }
0x91: {  	s12 =	simm.s32 $0x0;
	[bflag:$0x0] =	sbarrier.arrive $0xFFFF  }
0x92: {  	[tilespmem:s26], [sflag:$0x1] =	stream.indirect.gather [hbm4b:s1+s30], $0x80, s12, s30, $0xb8;
	[tilespmem:$0x1EAA0] =	vst v63  }
0x93: {  	_ = 	snop  }
0x94: {  	[tilespmem:s31], [sflag:$0x2] =	stream.indirect.gather [hbm4b:s1+s30], $0x80, s30, s30, $0xb8;
	[tilespmem:$0x1EAA0] =	vst v63  }
0x95: {  	s13 =	simm.s32 $0x50  }
0x96: {  	[tilespmem:s0], [sflag:$0x3] =	stream.indirect.gather [hbm4b:s1+s30], $0x80, s13, s30, $0xb8;
	[tilespmem:$0x1EAA0] =	vst v63  }
0x97: {  	s14 =	simm.s32 $0x78  }
0x98: {  	[tilespmem:s2], [sflag:$0x4] =	stream.indirect.gather [hbm4b:s1+s30], $0x80, s14, s30, $0xb8;
	[tilespmem:$0x1EAA0] =	vst v63  }
0x99: {  	s13 =	simm.s32 $0xA0  }
0x9a: {  	[tilespmem:s4], [sflag:$0x5] =	stream.indirect.gather [hbm4b:s1+s30], $0x80, s13, s30, $0xb8;
	[tilespmem:$0x1EAA0] =	vst v63  }
0x9b: {  	_ =	swait.ge [sflag:s5], $0x1400  }
0x9c: {  	[sflag:s5] =	ssyncset.done $0x0  }
0x9d: {  	s14 =	simm.s32 $0x2710;
	[sflag:s5] =	ssyncadd.s32 $0xFFFFEC00  }
0x9e: {  	[spmem:s3] =	stream.indirect.scatter.add.f32 [tilespmem:s26], [sflag:$0x8], $0x80, s14, s30, $0xb8;
	[tilespmem:$0x1EAA0] =	vst v63  }
0x9f: {  	_ =	swait.ge [sflag:s25], $0x1400  }
0xa0: {  	[sflag:s25] =	ssyncset.done $0x0  }
0xa1: {  	s13 =	simm.s32 $0xC8;
	[sflag:s25] =	ssyncadd.s32 $0xFFFFEC00  }
0xa2: {  	[tilespmem:s26], [sflag:$0x1] =	stream.indirect.gather [hbm4b:s1+s30], $0x80, s13, s30, $0xb8;
	[tilespmem:$0x1EAA0] =	vst v63  }
0xa3: {  	_ =	swait.ge [sflag:s7], $0x1400  }
0xa4: {  	[sflag:s7] =	ssyncset.done $0x0  }
0xa5: {  	s14 =	simm.s32 $0x2738;
	[sflag:s7] =	ssyncadd.s32 $0xFFFFEC00  }
0xa6: {  	[spmem:s3] =	stream.indirect.scatter.add.f32 [tilespmem:s31], [sflag:$0x8], $0x80, s14, s30, $0xb8;
	[tilespmem:$0x1EAA0] =	vst v63  }
0xa7: {  	_ =	swait.ge [sflag:s25], $0x1400  }
0xa8: {  	[sflag:s25] =	ssyncset.done $0x0  }
0xa9: {  	s13 =	simm.s32 $0xF0;
	[sflag:s25] =	ssyncadd.s32 $0xFFFFEC00  }
0xaa: {  	[tilespmem:s31], [sflag:$0x2] =	stream.indirect.gather [hbm4b:s1+s30], $0x80, s13, s30, $0xb8;
	[tilespmem:$0x1EAA0] =	vst v63  }
0xab: {  	_ =	swait.ge [sflag:s8], $0x1400  }
0xac: {  	[sflag:s8] =	ssyncset.done $0x0  }
0xad: {  	s14 =	simm.s32 $0x2760;
	[sflag:s8] =	ssyncadd.s32 $0xFFFFEC00  }
0xae: {  	[spmem:s3] =	stream.indirect.scatter.add.f32 [tilespmem:s0], [sflag:$0x8], $0x80, s14, s30, $0xb8;
	[tilespmem:$0x1EAA0] =	vst v63  }
0xaf: {  	_ =	swait.ge [sflag:s25], $0x1400  }
0xb0: {  	[sflag:s25] =	ssyncset.done $0x0  }
0xb1: {  	s13 =	simm.s32 $0x118;
	[sflag:s25] =	ssyncadd.s32 $0xFFFFEC00  }
0xb2: {  	[tilespmem:s0], [sflag:$0x3] =	stream.indirect.gather [hbm4b:s1+s30], $0x80, s13, s30, $0xb8;
	[tilespmem:$0x1EAA0] =	vst v63  }
0xb3: {  	_ =	swait.ge [sflag:s9], $0x1400  }
0xb4: {  	[sflag:s9] =	ssyncset.done $0x0  }
0xb5: {  	s14 =	simm.s32 $0x2788;
	[sflag:s9] =	ssyncadd.s32 $0xFFFFEC00  }
0xb6: {  	[spmem:s3] =	stream.indirect.scatter.add.f32 [tilespmem:s2], [sflag:$0x8], $0x80, s14, s30, $0xb8;
	[tilespmem:$0x1EAA0] =	vst v63  }
0xb7: {  	_ =	swait.ge [sflag:s25], $0x1400  }
0xb8: {  	[sflag:s25] =	ssyncset.done $0x0  }
0xb9: {  	s13 =	simm.s32 $0x140;
	[sflag:s25] =	ssyncadd.s32 $0xFFFFEC00  }
0xba: {  	[tilespmem:s2], [sflag:$0x4] =	stream.indirect.gather [hbm4b:s1+s30], $0x80, s13, s30, $0xb8;
	[tilespmem:$0x1EAA0] =	vst v63  }
0xbb: {  	_ =	swait.ge [sflag:s10], $0x1400  }
0xbc: {  	[sflag:s10] =	ssyncset.done $0x0  }
0xbd: {  	s14 =	simm.s32 $0x27B0;
	[sflag:s10] =	ssyncadd.s32 $0xFFFFEC00  }
0xbe: {  	[spmem:s3] =	stream.indirect.scatter.add.f32 [tilespmem:s4], [sflag:$0x8], $0x80, s14, s30, $0xb8;
	[tilespmem:$0x1EAA0] =	vst v63  }
0xbf: {  	_ =	swait.ge [sflag:s25], $0x1400  }
0xc0: {  	[sflag:s25] =	ssyncset.done $0x0  }
0xc1: {  	s12 =	simm.s32 $0x320;
	s13 =	simm.s32 $0x168;
	[sflag:s25] =	ssyncadd.s32 $0xFFFFEC00  }
.LBB2_8:
0xc2: {  	[tilespmem:s4], [sflag:$0x5] =	stream.indirect.gather [hbm4b:s1+s30], $0x80, s13, s30, $0xb8;
	[tilespmem:$0x1EAA0] =	vst v63  }
0xc3: {  	s13 =	smov.u32 s12  }
0xc4: {  	p0 =	sne.s32 s12, $0x9600;
	s12 =	sadd.s32 $0x320, s12;
	_ =	swait.ge [sflag:s5], $0x1400  }
0xc5: {  	s13 =	sshra.s32 s13, $0x2;
	[sflag:s5] =	ssyncset.done $0x0  }
0xc6: {  	s14 =	sadd.s32 $0x2710, s13;
	[sflag:s5] =	ssyncadd.s32 $0xFFFFEC00  }
0xc7: {  	[spmem:s3] =	stream.indirect.scatter.add.f32 [tilespmem:s26], [sflag:$0x8], $0x80, s14, s30, $0xb8;
	[tilespmem:$0x1EAA0] =	vst v63  }
0xc8: {  	_ =	swait.ge [sflag:s25], $0x1400  }
0xc9: {  	[sflag:s25] =	ssyncset.done $0x0  }
0xca: {  	s14 =	sadd.s32 $0xC8, s13;
	[sflag:s25] =	ssyncadd.s32 $0xFFFFEC00  }
0xcb: {  	[tilespmem:s26], [sflag:$0x1] =	stream.indirect.gather [hbm4b:s1+s30], $0x80, s14, s30, $0xb8;
	[tilespmem:$0x1EAA0] =	vst v63  }
0xcc: {  	_ =	swait.ge [sflag:s7], $0x1400  }
0xcd: {  	[sflag:s7] =	ssyncset.done $0x0  }
0xce: {  	s14 =	sadd.s32 $0x2738, s13;
	[sflag:s7] =	ssyncadd.s32 $0xFFFFEC00  }
0xcf: {  	[spmem:s3] =	stream.indirect.scatter.add.f32 [tilespmem:s31], [sflag:$0x8], $0x80, s14, s30, $0xb8;
	[tilespmem:$0x1EAA0] =	vst v63  }
0xd0: {  	_ =	swait.ge [sflag:s25], $0x1400  }
0xd1: {  	[sflag:s25] =	ssyncset.done $0x0  }
0xd2: {  	s14 =	sadd.s32 $0xF0, s13;
	[sflag:s25] =	ssyncadd.s32 $0xFFFFEC00  }
0xd3: {  	[tilespmem:s31], [sflag:$0x2] =	stream.indirect.gather [hbm4b:s1+s30], $0x80, s14, s30, $0xb8;
	[tilespmem:$0x1EAA0] =	vst v63  }
0xd4: {  	_ =	swait.ge [sflag:s8], $0x1400  }
0xd5: {  	[sflag:s8] =	ssyncset.done $0x0  }
0xd6: {  	s14 =	sadd.s32 $0x2760, s13;
	[sflag:s8] =	ssyncadd.s32 $0xFFFFEC00  }
0xd7: {  	[spmem:s3] =	stream.indirect.scatter.add.f32 [tilespmem:s0], [sflag:$0x8], $0x80, s14, s30, $0xb8;
	[tilespmem:$0x1EAA0] =	vst v63  }
0xd8: {  	_ =	swait.ge [sflag:s25], $0x1400  }
0xd9: {  	[sflag:s25] =	ssyncset.done $0x0  }
0xda: {  	s14 =	sadd.s32 $0x118, s13;
	[sflag:s25] =	ssyncadd.s32 $0xFFFFEC00  }
0xdb: {  	[tilespmem:s0], [sflag:$0x3] =	stream.indirect.gather [hbm4b:s1+s30], $0x80, s14, s30, $0xb8;
	[tilespmem:$0x1EAA0] =	vst v63  }
0xdc: {  	_ =	swait.ge [sflag:s9], $0x1400  }
0xdd: {  	[sflag:s9] =	ssyncset.done $0x0  }
0xde: {  	s14 =	sadd.s32 $0x2788, s13;
	[sflag:s9] =	ssyncadd.s32 $0xFFFFEC00  }
0xdf: {  	[spmem:s3] =	stream.indirect.scatter.add.f32 [tilespmem:s2], [sflag:$0x8], $0x80, s14, s30, $0xb8;
	[tilespmem:$0x1EAA0] =	vst v63  }
0xe0: {  	_ =	swait.ge [sflag:s25], $0x1400  }
0xe1: {  	[sflag:s25] =	ssyncset.done $0x0  }
0xe2: {  	s14 =	sadd.s32 $0x140, s13;
	[sflag:s25] =	ssyncadd.s32 $0xFFFFEC00  }
0xe3: {  	[tilespmem:s2], [sflag:$0x4] =	stream.indirect.gather [hbm4b:s1+s30], $0x80, s14, s30, $0xb8;
	[tilespmem:$0x1EAA0] =	vst v63  }
0xe4: {  	_ =	swait.ge [sflag:s10], $0x1400  }
0xe5: {  	[sflag:s10] =	ssyncset.done $0x0  }
.Ltmp3:
0xe6: {  	s14 =	sadd.s32 $0x27B0, s13;
	[sflag:s10] =	ssyncadd.s32 $0xFFFFEC00;
	(pc) =	sbr.rel @p0 .LBB2_8-.Ltmp3, $4  }
0xe7: {  	[spmem:s3] =	stream.indirect.scatter.add.f32 [tilespmem:s4], [sflag:$0x8], $0x80, s14, s30, $0xb8;
	[tilespmem:$0x1EAA0] =	vst v63  }
0xe8: {  	_ =	swait.ge [sflag:s25], $0x1400  }
0xe9: {  	[sflag:s25] =	ssyncset.done $0x0  }
0xea: {  	s13 =	sadd.s32 $0x168, s13;
	[sflag:s25] =	ssyncadd.s32 $0xFFFFEC00  }
0xeb: {  	[tilespmem:s4], [sflag:$0x5] =	stream.indirect.gather [hbm4b:s1+s30], $0x80, s13, s30, $0xb8;
	[tilespmem:$0x1EAA0] =	vst v63  }
0xec: {  	_ =	swait.ge [sflag:s5], $0x1400  }
0xed: {  	[sflag:s5] =	ssyncset.done $0x0  }
0xee: {  	s12 =	simm.s32 $0x4D58;
	[sflag:s5] =	ssyncadd.s32 $0xFFFFEC00  }
0xef: {  	[spmem:s3] =	stream.indirect.scatter.add.f32 [tilespmem:s26], [sflag:$0x8], $0x80, s12, s30, $0xb8;
	[tilespmem:$0x1EAA0] =	vst v63  }
0xf0: {  	_ =	swait.ge [sflag:s25], $0x1400  }
0xf1: {  	[sflag:s25] =	ssyncset.done $0x0  }
0xf2: {  	[sflag:s25] =	ssyncadd.s32 $0xFFFFEC00  }
0xf3: {  	_ =	swait.ge [sflag:s7], $0x1400  }
0xf4: {  	[sflag:s7] =	ssyncset.done $0x0  }
0xf5: {  	s13 =	simm.s32 $0x4D80;
	[sflag:s7] =	ssyncadd.s32 $0xFFFFEC00  }
0xf6: {  	[spmem:s3] =	stream.indirect.scatter.add.f32 [tilespmem:s31], [sflag:$0x8], $0x80, s13, s30, $0xb8;
	[tilespmem:$0x1EAA0] =	vst v63  }
0xf7: {  	_ =	swait.ge [sflag:s25], $0x1400  }
0xf8: {  	[sflag:s25] =	ssyncset.done $0x0  }
0xf9: {  	[sflag:s25] =	ssyncadd.s32 $0xFFFFEC00  }
0xfa: {  	_ =	swait.ge [sflag:s8], $0x1400  }
0xfb: {  	[sflag:s8] =	ssyncset.done $0x0  }
0xfc: {  	s14 =	simm.s32 $0x4DA8;
	[sflag:s8] =	ssyncadd.s32 $0xFFFFEC00  }
0xfd: {  	[spmem:s3] =	stream.indirect.scatter.add.f32 [tilespmem:s0], [sflag:$0x8], $0x80, s14, s30, $0xb8;
	[tilespmem:$0x1EAA0] =	vst v63  }
0xfe: {  	_ =	swait.ge [sflag:s25], $0x1400  }
0xff: {  	[sflag:s25] =	ssyncset.done $0x0  }
0x100: {  	[sflag:s25] =	ssyncadd.s32 $0xFFFFEC00  }
0x101: {  	_ =	swait.ge [sflag:s9], $0x1400  }
0x102: {  	[sflag:s9] =	ssyncset.done $0x0  }
0x103: {  	s13 =	simm.s32 $0x4DD0;
	[sflag:s9] =	ssyncadd.s32 $0xFFFFEC00  }
0x104: {  	[spmem:s3] =	stream.indirect.scatter.add.f32 [tilespmem:s2], [sflag:$0x8], $0x80, s13, s30, $0xb8;
	[tilespmem:$0x1EAA0] =	vst v63  }
0x105: {  	_ =	swait.ge [sflag:s25], $0x1400  }
0x106: {  	[sflag:s25] =	ssyncset.done $0x0  }
0x107: {  	[sflag:s25] =	ssyncadd.s32 $0xFFFFEC00  }
0x108: {  	_ =	swait.ge [sflag:s10], $0x1400  }
0x109: {  	[sflag:s10] =	ssyncset.done $0x0  }
0x10a: {  	s14 =	simm.s32 $0x4DF8;
	[sflag:s10] =	ssyncadd.s32 $0xFFFFEC00  }
0x10b: {  	[spmem:s3] =	stream.indirect.scatter.add.f32 [tilespmem:s4], [sflag:$0x8], $0x80, s14, s30, $0xb8;
	[tilespmem:$0x1EAA0] =	vst v63  }
0x10c: {  	s13 =	stileid.u32;
	_ =	swait.ge [sflag:s25], $0x1400  }
0x10d: {  	s11 =	sadd.s32 $0x1, s11;
	s12 =	sshll.u32 s13, $0x6;
	[sflag:s25] =	ssyncset.done $0x0  }
0x10e: {  	p0 =	sne.s32 s11, s23;
	s12 =	sor.u32 $0x1C08, s12;
	[sflag:s25] =	ssyncadd.s32 $0xFFFFEC00  }
.Ltmp4:
0x10f: {  	s14 =	sshrl.u32 s6, $0x3;
	[bflag:$0x0] =	sbarrier.arrive $0xFFFF;
	(pc) =	sbr.rel @p0 .LBB2_1-.Ltmp4, $4  }
0x110: {  	[hbm:s22], [sflag:s12] =	dma.local [spmem:s14], $0x2710  }
0x111: {  	_ =	swait.ge [sflag:s25], $0x2710  }
0x112: {  	[sflag:s25] =	ssyncset.done $0x0  }
0x113: {  	[sflag:s25] =	ssyncadd.s32 $0xFFFFD8F0  }
0x114: {  	_ =	sfence.sel $0x180000  }
0x115: {  	[bflag:$0x0] =	sbarrier.arrive $0xFFFF  }
0x116: {  	_ =	strace $0x9000004A  }
0x117: {  	s0 =	stileid.u32;
	[bflag:$0x2] =	sbarrier.arrive $0xFFFF  }
0x118: {  	p0 =	sne.s32 s0, $0x0;
	s0 =	rddreg [dreg:$0x3]  }
0x119: {  	s0 =	sadd.s32 @!p0 $0x100000, s0  }
0x11a: {  	[sflag:s0] =	ssyncadd.tile.s32 @!p0 $0x1;
	_ =	shalt  }
.Lfunc_end2:
_tile_overlayer_lowered:
.L_overlay_start_2:
0x11b: {  	(tag) =	ssettag $0x2  }
0x11c: {  	s0 =	rddreg [dreg:$0x0];
	s2 =	stileid.u32  }
0x11d: {  	s1 =	rddreg [dreg:$0x1];
	p0 =	sne.s32 s2, $0x0  }
0x11e: {  	s3 =	rddreg [dreg:$0x2];
	[bflag:$0x3] =	sbarrier.arrive $0xFFFF;
	s2 =	simm.s32 @!p0 $0x1C08  }
0x11f: {  	[timem:s3], [sflag:s2] =	dma.local @!p0 [hbm:s0], s1  }
0x120: {  	s0 =	simm.s32 @!p0 $0x8  }
0x121: {  	_ =	swait.ge @!p0 [sflag:s0], s1  }
0x122: {  	s1 =	ssub.s32 @!p0 $0x0, s1;
	[sflag:s0] =	ssyncset.done @!p0 $0x0  }
0x123: {  	[sflag:s0] =	ssyncadd.s32 @!p0 s1  }
0x124: {  	[bflag:$0x3] =	sbarrier.arrive $0xFFFF  }
0x125: {  	_ =	shalt  }

// kernel: kernel.15.cloned.1.call-start
scs
__scs_entry_jumppad:
0x0: {  	(pc) =	sbr.rel $0x88, $3  }
0x1: {  	(tag) =	ssettag $0x0;
	lr =	simm.s32 $0x1  }
0x2: {  	[smem:$0x3F9B] =	sst lr;
	_ =	strace $0xD0000000  }
0x3: {  	_ = 	snop  }
0x4: {  	_ = 	snop  }
0x5: {  	_ = 	snop  }
0x6: {  	_ = 	snop  }
0x7: {  	_ = 	snop  }
__scs_overlays_trampoline_lowered:
0x8: {  	[smem:$0x3FAA] =	sst s0  }
0x9: {  	[smem:$0x3FAB] =	sst s1  }
0xa: {  	[smem:$0x3FAC] =	sst s2  }
0xb: {  	[smem:$0x3FAD] =	sst s3  }
0xc: {  	[smem:$0x3FAE] =	sst s4  }
0xd: {  	[smem:$0x3FAF] =	sst s5  }
0xe: {  	[smem:$0x3FB0] =	sst s6  }
0xf: {  	[smem:$0x3FB1] =	sst s7  }
0x10: {  	[smem:$0x3FB2] =	sst s8  }
0x11: {  	[smem:$0x3FB3] =	sst s9;
	s0 =	simm.s32 @!p0 $0x0  }
0x12: {  	s1 =	sld [smem:$0x3F99];
	s0 =	simm.s32 @p0 $0x1  }
0x13: {  	[smem:$0x3FB4] =	sst s0;
	s0 =	simm.s32 @!p1 $0x0  }
0x14: {  	s2 =	sld [smem:$0x3F98];
	s0 =	simm.s32 @p1 $0x1  }
0x15: {  	[smem:$0x3FB5] =	sst s0;
	s0 =	simm.s32 @!p2 $0x0  }
0x16: {  	s3 =	sld [smem:$0x3FDB];
	s0 =	simm.s32 @p2 $0x1  }
0x17: {  	s4 =	simm.s32 $0x1BF5;
	[smem:$0x3FB7] =	sst s0  }
0x18: {  	s0 =	sld [smem:$0x3F9A];
	_ =	swait.ge [sflag:s4], $0x0  }
0x19: {  	s7 =	sld [smem:$0x3F9B]  }
0x1a: {  	s8 =	sadd.s32 $0xFFFFE003, lr  }
0x1b: {  	s9 =	sadd.s32 $0xFFFFFEF7, lr;
	s5 =	simm.s32 $0xFFFFFFFF;
	p2 =	slt.u32 s8, $0xFFFFF086  }
0x1c: {  	p1 =	slt.u32 s9, $0xF7A;
	s5 =	simm.s32 @!p2 $0x0  }
0x1d: {  	s5 =	simm.s32 @p1 $0x1;
	p0 =	seq.s32 s7, s2  }
0x1e: {  	s7 =	smul.u32 @!p0 $0xF7A, s2;
	p2 =	seq.s32 @!p0 s5, $0x0  }
0x1f: {  	s9 =	smul.u32 $0xF7A, s1;
	s8 =	simm.s32 @!p0 $0x1BF5;
	p2 =	por !p2, p0  }
0x20: {  	[sflag:s8] =	ssyncset.s32 @!p0 $0xFFFFF086;
	s6 =	sadd.s32 @!p0 s3, s7;
	s7 =	simm.s32 @!p0 $0x108  }
0x21: {  	s3 =	sadd.s32 s3, s9;
	s6 =	sadd.s32 @!p0 $0x88, s6;
	s7 =	simm.s32 @p2 $0x1082  }
0x22: {  	[simem:s7], [sflag:s8] =	dma.local @!p0 [hbm:s6], $0xF7A  }
0x23: {  	s9 =	sor.u32 $0xD0000000, s2;
	s6 =	simm.s32 $0x108;
	_ =	swait.ge @!p0 [sflag:s8], $0x0  }
0x24: {  	s3 =	sadd.s32 $0x88, s3;
	s6 =	simm.s32 @!p1 $0x1082;
	[sflag:s4] =	ssyncset.s32 $0xFFFFF086  }
0x25: {  	[simem:s6], [sflag:s4] =	dma.local [hbm:s3], $0xF7A  }
0x26: {  	[smem:$0x3F9B] =	sst s1;
	(tag) =	ssettag s2;
	_ =	strace s9  }
0x27: {  	s1 =	sld [smem:$0x3FAB]  }
0x28: {  	s2 =	sld [smem:$0x3FAC]  }
0x29: {  	s4 =	sld [smem:$0x3FAE]  }
0x2a: {  	p0 =	seq.s32 s5, $0x0;
	s5 =	sld [smem:$0x3FAF]  }
0x2b: {  	s6 =	sld [smem:$0x3FB0]  }
0x2c: {  	s7 =	sld [smem:$0x3FB1]  }
0x2d: {  	s3 =	simm.s32 $0x108;
	s8 =	sld [smem:$0x3FB2]  }
0x2e: {  	s3 =	simm.s32 @!p0 $0x1082;
	s9 =	sld [smem:$0x3FB3]  }
0x2f: {  	lr =	sadd.s32 s0, s3;
	s0 =	sld [smem:$0x3FAA]  }
0x30: {  	s3 =	sld [smem:$0x3FAD]  }
0x31: {  	[smem:$0x3FB6] =	sst s10  }
0x32: {  	s10 =	sld [smem:$0x3FB4];
	_ =	sdelay $0x3  }
0x33: {  	p0 =	seq.s32 s10, $0x1;
	s10 =	sld [smem:$0x3FB6];
	_ =	sdelay $0x3  }
0x34: {  	[smem:$0x3FB6] =	sst s10  }
0x35: {  	s10 =	sld [smem:$0x3FB5];
	_ =	sdelay $0x3  }
0x36: {  	p1 =	seq.s32 s10, $0x1;
	s10 =	sld [smem:$0x3FB6];
	_ =	sdelay $0x3  }
0x37: {  	[smem:$0x3FB6] =	sst s10  }
0x38: {  	s10 =	sld [smem:$0x3FB7]  }
0x39: {  	_ = 	snop;
	(pc) =	sbr.ind lr, $3  }
0x3a: {  	_ = 	snop  }
0x3b: {  	_ = 	snop  }
0x3c: {  	p2 =	seq.s32 s10, $0x1;
	s10 =	sld [smem:$0x3FB6]  }
0x3d: {  	_ =	shalt  }
0x3e: {  	_ =	shalt  }
0x3f: {  	_ =	shalt  }
0x40: {  	_ =	shalt  }
0x41: {  	_ =	shalt  }
0x42: {  	_ =	shalt  }
0x43: {  	_ =	shalt  }
0x44: {  	_ =	shalt  }
0x45: {  	_ =	shalt  }
0x46: {  	_ =	shalt  }
0x47: {  	_ =	shalt  }
0x48: {  	_ =	shalt  }
0x49: {  	_ =	shalt  }
0x4a: {  	_ =	shalt  }
0x4b: {  	_ =	shalt  }
0x4c: {  	_ =	shalt  }
0x4d: {  	_ =	shalt  }
0x4e: {  	_ =	shalt  }
0x4f: {  	_ =	shalt  }
0x50: {  	_ =	shalt  }
0x51: {  	_ =	shalt  }
0x52: {  	_ =	shalt  }
0x53: {  	_ =	shalt  }
0x54: {  	_ =	shalt  }
0x55: {  	_ =	shalt  }
0x56: {  	_ =	shalt  }
0x57: {  	_ =	shalt  }
0x58: {  	_ =	shalt  }
0x59: {  	_ =	shalt  }
0x5a: {  	_ =	shalt  }
0x5b: {  	_ =	shalt  }
0x5c: {  	_ =	shalt  }
0x5d: {  	_ =	shalt  }
0x5e: {  	_ =	shalt  }
0x5f: {  	_ =	shalt  }
0x60: {  	_ =	shalt  }
0x61: {  	_ =	shalt  }
0x62: {  	_ =	shalt  }
0x63: {  	_ =	shalt  }
0x64: {  	_ =	shalt  }
0x65: {  	_ =	shalt  }
0x66: {  	_ =	shalt  }
0x67: {  	_ =	shalt  }
0x68: {  	_ =	shalt  }
0x69: {  	_ =	shalt  }
0x6a: {  	_ =	shalt  }
0x6b: {  	_ =	shalt  }
0x6c: {  	_ =	shalt  }
0x6d: {  	_ =	shalt  }
0x6e: {  	_ =	shalt  }
0x6f: {  	_ =	shalt  }
0x70: {  	_ =	shalt  }
0x71: {  	_ =	shalt  }
0x72: {  	_ =	shalt  }
0x73: {  	_ =	shalt  }
0x74: {  	_ =	shalt  }
0x75: {  	_ =	shalt  }
0x76: {  	_ =	shalt  }
0x77: {  	_ =	shalt  }
0x78: {  	_ =	shalt  }
0x79: {  	_ =	shalt  }
0x7a: {  	_ =	shalt  }
0x7b: {  	_ =	shalt  }
0x7c: {  	_ =	shalt  }
0x7d: {  	_ =	shalt  }
0x7e: {  	_ =	shalt  }
0x7f: {  	_ =	shalt  }
0x80: {  	_ =	shalt  }
0x81: {  	_ =	shalt  }
0x82: {  	_ =	shalt  }
0x83: {  	_ =	shalt  }
0x84: {  	_ =	shalt  }
0x85: {  	_ =	shalt  }
0x86: {  	_ =	shalt  }
0x87: {  	_ =	shalt  }
.Lfunc_end0:
.L_simem_size_0:
called_computation.2_lowered:
.L_overlay_start_0:
0x88: {  	s2 =	sld [smem:$0x3FD9]  }
0x89: {  	s3 =	sld [smem:$0x3FFE];
	_ =	sdelay $0x1  }
0x8a: {  	s1 =	srdreg.scid  }
0x8b: {  	s0 =	sand.u32 $0x1, s1  }
0x8c: {  	s17 =	sshll.u32 s0, $0xA;
	s2 =	sadd.s32 s3, s2  }
0x8d: {  	s2 =	sadd.s32 s2, s17  }
0x8e: {  	[smem:$0x3FC2] =	sst s2  }
0x8f: {  	_ = 	snop  }
0x90: {  	s2 =	sld [smem:$0x3FD0];
	(tm) =	ssettm $0x1  }
0x91: {  	s18 =	sld [smem:$0x3FFB];
	_ =	sdelay $0x3  }
0x92: {  	_ =	strace s18  }
0x93: {  	s3 =	sld [smem:$0x3FFC];
	_ =	sdelay $0x3  }
0x94: {  	_ =	strace s3  }
0x95: {  	s3 =	sld [smem:$0x3FFD];
	_ =	sdelay $0x3  }
0x96: {  	_ =	strace s3  }
0x97: {  	_ =	strace $0x8FFFFFFF  }
0x98: {  	s19 =	sld [smem:$0x3FDB];
	_ =	sdelay $0x1  }
0x99: {  	s4 =	simm.s32 $_scs_section_size  }
0x9a: {  	s5 =	simm.s32 $_size__tile_overlayer_lowered;
	s6 =	simm.s32 $_tile_overlayer_lowered  }
0x9b: {  	s22 =	simm.s32 $0x1BFF;
	s21 =	sshll.u32 s6, $0x1;
	s3 =	sadd.s32 s4, s19  }
0x9c: {  	s7 =	simm.s32 $0x0;
	s20 =	sshll.u32 s5, $0x1;
	s5 =	sadd.s32 s21, s3  }
0x9d: {  	[timem:s7], [sflag:s22] =	dma.local [hbm:s5], s20  }
0x9e: {  	_ =	swait.ge [sflag:s22], s20  }
0x9f: {  	s4 =	ssub.s32 $0x0, s20;
	[sflag:s22] =	ssyncset.done $0x0  }
0xa0: {  	[sflag:s22] =	ssyncadd.s32 s4;
	_ =	sdelay $0x1  }
0xa1: {  	s23 =	simm.s32 $0x1B8B  }
0xa2: {  	_ =	swait.ge [sflag:s23], $0x1  }
0xa3: {  	[sflag:s23] =	ssyncset.done $0x0  }
0xa4: {  	s25 =	simm.s32 $0x1B8E;
	s24 =	sld [smem:$0x3FFE];
	[sflag:s23] =	ssyncadd.s32 $0xFFFFFFFF  }
0xa5: {  	s26 =	simm.s32 $execute0_lowered;
	[smem:$0x3FD2] =	sst s25  }
0xa6: {  	s5 =	sshll.u32 s26, $0x1;
	_ =	strace $0x8000004C;
	[dreg:$0x1] =	wrdreg $0xFFFFFFFF  }
0xa7: {  	s28 =	simm.s32 $_size_execute0_lowered;
	s3 =	sadd.s32 s3, s5;
	[dreg:$0x0] =	wrdreg $0x0  }
0xa8: {  	s5 =	sshll.u32 s28, $0x1;
	[dreg:$0x2] =	wrdreg s3  }
0xa9: {  	[dreg:$0x3] =	wrdreg s5  }
0xaa: {  	[dreg:$0x4] =	wrdreg $0xC0  }
0xab: {  	_ =	task [dreg:s7], $0x5FFFF  }
0xac: {  	[dreg:$0x1] =	wrdreg $0xFFFFFFFF  }
0xad: {  	[dreg:$0x0] =	wrdreg $0x60  }
0xae: {  	[dreg:$0x2] =	wrdreg s2  }
0xaf: {  	[dreg:$0x3] =	wrdreg s24  }
0xb0: {  	[dreg:$0x4] =	wrdreg $0xB2200  }
0xb1: {  	[dreg:$0x5] =	wrdreg $0x9  }
0xb2: {  	_ =	task.clear_ibuf [dreg:s7], $0x6FFFF;
	_ =	strace $0x9000004C  }
0xb3: {  	s29 =	simm.s32 $0x9;
	_ =	strace $0x8000004E  }
0xb4: {  	_ =	swait.ge [sflag:s29], $0x1  }
0xb5: {  	[sflag:s29] =	ssyncadd.s32 $0xFFFFFFFF  }
0xb6: {  	_ =	strace $0x9000004E  }
0xb7: {  	_ =	sfence  }
0xb8: {  	s30 =	sld [smem:$0x0];
	_ =	sdelay $0x2  }
0xb9: {  	s31 =	sshll.u32 s1, $0xD;
	s1 =	sshrl.u32 s1, $0x2  }
0xba: {  	s3 =	sand.u32 $0x4000, s31;
	s1 =	sadd.s32 s1, s30  }
0xbb: {  	s0 =	sor.u32 s3, s0;
	s1 =	sshll.u32 s1, $0x11  }
0xbc: {  	s0 =	sor.u32 s1, s0  }
0xbd: {  	s0 =	sadd.s32 $0x8F2B, s0  }
0xbe: {  	[sflag:s0] =	ssyncadd.remote.s32 $0x1  }
0xbf: {  	_ =	sfence.sel $0xFFFF  }
0xc0: {  	[dreg:$0x0] =	wrdreg $0xFFFFFFFF;
	(pc) =	sbr.abs _section_cstart, $3  }
0xc1: {  	[dreg:$0x1] =	wrdreg $0xFFFFFFFF  }
0xc2: {  	_ =	task.clear_ibuf [dreg:s7], $0x2FFFF;
	_ =	strace $0x9FFFFFFF  }
0xc3: {  	(tm) =	ssettm $0x7FFFFFFF  }
tec
execute0_lowered:
.L_overlay_start_1:
0x0: {  	(tag) =	ssettag $0x1  }
0x1: {  	s1 =	rddreg [dreg:$0x0]  }
0x2: {  	s0 =	rddreg [dreg:$0x1]  }
0x3: {  	s3 =	rddreg [dreg:$0x2];
	s2 =	srdreg.scid  }
0x4: {  	s10 =	stileid.u32;
	s5 =	simm.s32 $0x0;
	s28 =	simm.s32 $0x7  }
0x5: {  	s29 =	simm.s32 $0x6;
	s30 =	simm.s32 $0x28;
	s4 =	smul.u32 $0x13880, s10  }
0x6: {  	s31 =	simm.s32 $0x6220;
	s2 =	sand.u32 $0x1, s2;
	s8 =	smul.u32 $0x4E200, s10  }
0x7: {  	[smem:$0x7FF] =	sst s5;
	s7 =	sadd.s32 $0x2600, s0;
	s24 =	smul.u32 $0x2710, s10  }
0x8: {  	s11 =	simm.s32 $0x0;
	s14 =	smul.u32 $0x138800, s2;
	_ =	strace $0x8000004D  }
0x9: {  	s6 =	sshll.u32 s2, $0x4;
	s9 =	ssub.s32 $0x2, s2;
	s8 =	sshrl.u32 s8, $0x2  }
0xa: {  	s2 =	smul.u32 $0x27100, s2;
	s6 =	sor.u32 s10, s6;
	s8 =	sadd.s32 s8, s3  }
0xb: {  	s15 =	sshrl.u32 s9, $0x1;
	s10 =	simm.s32 $0x5;
	s16 =	sadd.s32 $0x1400, s8  }
0xc: {  	s5 =	sadd.s32 s4, s14;
	s17 =	sadd.s32 $0x2800, s8;
	[dreg:$0x5] =	wrdreg s16  }
0xd: {  	s6 =	smul.u32 $0x2710, s6;
	s18 =	sadd.s32 $0x3C00, s8;
	[dreg:$0x6] =	wrdreg s17  }
0xe: {  	s2 =	sadd.s32 s24, s2;
	s19 =	sadd.s32 $0x5000, s8;
	[dreg:$0x7] =	wrdreg s18  }
0xf: {  	s5 =	sshrl.u32 s5, $0x3;
	s20 =	sadd.s32 $0x6400, s8;
	[dreg:$0x8] =	wrdreg s19  }
0x10: {  	s21 =	sadd.s32 $0x7800, s8;
	s22 =	sadd.s32 $0x8C00, s8;
	[dreg:$0x9] =	wrdreg s20  }
0x11: {  	s23 =	sadd.s32 $0xA000, s8;
	s25 =	sadd.s32 $0xB400, s8;
	[dreg:$0xa] =	wrdreg s21  }
0x12: {  	s2 =	sadd.s32 $0x4E200, s2;
	s0 =	sadd.s32 s5, s0;
	[dreg:$0xb] =	wrdreg s22  }
0x13: {  	s5 =	ssub.s32 s9, s15;
	s6 =	sshrl.u32 s6, $0x3;
	[dreg:$0xc] =	wrdreg s23  }
0x14: {  	[dreg:$0xd] =	wrdreg s25;
	s16 =	sadd.s32 $0xC800, s8;
	s17 =	sadd.s32 $0xDC00, s8  }
0x15: {  	s18 =	sadd.s32 $0xF000, s8;
	s19 =	sadd.s32 $0x10400, s8;
	s20 =	sadd.s32 $0x11800, s8  }
0x16: {  	s21 =	sadd.s32 $0x12C00, s8;
	s26 =	sshrl.u32 s2, $0x3;
	s25 =	simm.s32 $0x8  }
0x17: {  	s2 =	simm.s32 $0x8A20;
	s8 =	simm.s32 $0x3;
	s9 =	simm.s32 $0x4  }
0x18: {  	s15 =	simm.s32 $0x0;
	s6 =	sadd.s32 s7, s6;
	s22 =	sadd.s32 $0x16000, s0  }
0x19: {  	s23 =	smax.u32 s5, $0x1;
	s24 =	sadd.s32 s26, s7;
	s26 =	simm.s32 $0x4E20  }
0x1a: {  	s0 =	simm.s32 $0x7620;
	s5 =	simm.s32 $0x1;
	s7 =	simm.s32 $0x2  }
0x1b: {  	v0 =	vimm.f32 $0.0e+00;
	[dreg:$0x4] =	wrdreg s6;
	s6 =	sadd.s32 s4, s3;
	s4 =	simm.s32 $0x9E20  }
.LBB2_1:
0x1c: {  	s14 =	simm.s32 $0x0;
	s12 =	rddreg [dreg:$0x4]  }
0x1d: {  	[tilespmem:s14], [sflag:$0x8] =	stream.linear.gather [hbm4b:s12+s14], $0x2710, $0x38;
	[tilespmem:$0x1EAA0] =	vst v63  }
0x1e: {  	_ =	swait.ge [sflag:s25], $0x2710  }
0x1f: {  	[sflag:s25] =	ssyncset.done $0x0  }
0x20: {  	s13 =	sadd.s32 $0x0, s24;
	s12 =	simm.s32 $0x2710;
	[sflag:s25] =	ssyncadd.s32 $0xFFFFD8F0  }
0x21: {  	[tilespmem:s12], [sflag:$0x6] =	stream.linear.gather [hbm4b:s13+s14], $0x28, $0x38;
	[tilespmem:$0x1EAA0] =	vst v63  }
0x22: {  	s13 =	simm.s32 $0x5  }
.LBB2_2:
0x23: {  	p0 =	sne.s32 s13, $0x4DD  }
.Ltmp0:
0x24: {  	_ = 	snop;
	(pc) =	sbr.rel @p0 .LBB2_2-.Ltmp0, $4  }
0x25: {  	_ = 	snop  }
0x26: {  	s14 =	sadd.s32 s13, s24;
	s12 =	sadd.s32 $0x28, s12  }
0x27: {  	s13 =	sadd.s32 $0x5, s13  }
0x28: {  	[tilespmem:s12], [sflag:$0x6] =	stream.linear.gather [hbm4b:s14+s15], $0x28, $0x38;
	[tilespmem:$0x1EAA0] =	vst v63  }
0x29: {  	s12 =	simm.s32 $0x0;
	s13 =	simm.s32 $0x200  }
.LBB2_4:
0x2a: {  	p0 =	sne.s32 s13, $0x4E00;
	[tilespmem:s12+$0x4E90] =	vst v0  }
0x2b: {  	[tilespmem:s12+$0x4E20] =	vst v0  }
0x2c: {  	[tilespmem:s12+$0x4E30] =	vst v0  }
.Ltmp1:
0x2d: {  	[tilespmem:s12+$0x4E40] =	vst v0;
	(pc) =	sbr.rel @p0 .LBB2_4-.Ltmp1, $4  }
0x2e: {  	[tilespmem:s12+$0x4E50] =	vst v0  }
0x2f: {  	[tilespmem:s12+$0x4E60] =	vst v0  }
0x30: {  	[tilespmem:s12+$0x4E70] =	vst v0  }
0x31: {  	[tilespmem:s12+$0x4E80] =	vst v0;
	s12 =	sshra.s32 s13, $0x2;
	s13 =	sadd.s32 $0x200, s13  }
0x32: {  	[tilespmem:s12+$0x4E90] =	vst v0  }
0x33: {  	[tilespmem:s12+$0x4E20] =	vst v0  }
0x34: {  	[tilespmem:s12+$0x4E30] =	vst v0  }
0x35: {  	[tilespmem:s12+$0x4E40] =	vst v0  }
0x36: {  	[tilespmem:s12+$0x4E50] =	vst v0  }
0x37: {  	[tilespmem:s12+$0x4E60] =	vst v0  }
0x38: {  	[tilespmem:s12+$0x4E70] =	vst v0  }
0x39: {  	[tilespmem:s12+$0x4E80] =	vst v0  }
0x3a: {  	[spmem:s6] =	stream.linear.scatter [tilespmem:s26], [sflag:$0x7], $0x1400, $0x38;
	[tilespmem:$0x1EAA0] =	vst v63  }
0x3b: {  	s14 =	rddreg [dreg:$0x5]  }
0x3c: {  	[spmem:s14] =	stream.linear.scatter [tilespmem:s26], [sflag:$0x7], $0x1400, $0x38;
	[tilespmem:$0x1EAA0] =	vst v63  }
0x3d: {  	s13 =	rddreg [dreg:$0x6]  }
0x3e: {  	[spmem:s13] =	stream.linear.scatter [tilespmem:s26], [sflag:$0x7], $0x1400, $0x38;
	[tilespmem:$0x1EAA0] =	vst v63  }
0x3f: {  	s14 =	rddreg [dreg:$0x7]  }
0x40: {  	[spmem:s14] =	stream.linear.scatter [tilespmem:s26], [sflag:$0x7], $0x1400, $0x38;
	[tilespmem:$0x1EAA0] =	vst v63  }
0x41: {  	s13 =	rddreg [dreg:$0x8]  }
0x42: {  	[spmem:s13] =	stream.linear.scatter [tilespmem:s26], [sflag:$0x7], $0x1400, $0x38;
	[tilespmem:$0x1EAA0] =	vst v63  }
0x43: {  	s14 =	rddreg [dreg:$0x9]  }
0x44: {  	[spmem:s14] =	stream.linear.scatter [tilespmem:s26], [sflag:$0x7], $0x1400, $0x38;
	[tilespmem:$0x1EAA0] =	vst v63  }
0x45: {  	s13 =	rddreg [dreg:$0xa]  }
0x46: {  	[spmem:s13] =	stream.linear.scatter [tilespmem:s26], [sflag:$0x7], $0x1400, $0x38;
	[tilespmem:$0x1EAA0] =	vst v63  }
0x47: {  	s14 =	rddreg [dreg:$0xb]  }
0x48: {  	[spmem:s14] =	stream.linear.scatter [tilespmem:s26], [sflag:$0x7], $0x1400, $0x38;
	[tilespmem:$0x1EAA0] =	vst v63  }
0x49: {  	s13 =	rddreg [dreg:$0xc]  }
0x4a: {  	[spmem:s13] =	stream.linear.scatter [tilespmem:s26], [sflag:$0x7], $0x1400, $0x38;
	[tilespmem:$0x1EAA0] =	vst v63  }
0x4b: {  	s14 =	rddreg [dreg:$0xd]  }
0x4c: {  	[spmem:s14] =	stream.linear.scatter [tilespmem:s26], [sflag:$0x7], $0x1400, $0x38;
	[tilespmem:$0x1EAA0] =	vst v63  }
0x4d: {  	_ = 	snop  }
0x4e: {  	[spmem:s16] =	stream.linear.scatter [tilespmem:s26], [sflag:$0x7], $0x1400, $0x38;
	[tilespmem:$0x1EAA0] =	vst v63  }
0x4f: {  	_ = 	snop  }
0x50: {  	[spmem:s17] =	stream.linear.scatter [tilespmem:s26], [sflag:$0x7], $0x1400, $0x38;
	[tilespmem:$0x1EAA0] =	vst v63  }
0x51: {  	_ = 	snop  }
0x52: {  	[spmem:s18] =	stream.linear.scatter [tilespmem:s26], [sflag:$0x7], $0x1400, $0x38;
	[tilespmem:$0x1EAA0] =	vst v63  }
0x53: {  	_ = 	snop  }
0x54: {  	[spmem:s19] =	stream.linear.scatter [tilespmem:s26], [sflag:$0x7], $0x1400, $0x38;
	[tilespmem:$0x1EAA0] =	vst v63  }
0x55: {  	_ = 	snop  }
0x56: {  	[spmem:s20] =	stream.linear.scatter [tilespmem:s26], [sflag:$0x7], $0x1400, $0x38;
	[tilespmem:$0x1EAA0] =	vst v63  }
0x57: {  	_ = 	snop  }
0x58: {  	[spmem:s21] =	stream.linear.scatter [tilespmem:s26], [sflag:$0x7], $0xC80, $0x38;
	[tilespmem:$0x1EAA0] =	vst v63  }
0x59: {  	_ =	swait.ge [sflag:s28], $0x1400  }
0x5a: {  	[sflag:s28] =	ssyncset.done $0x0  }
0x5b: {  	[sflag:s28] =	ssyncadd.s32 $0xFFFFEC00  }
0x5c: {  	_ =	swait.ge [sflag:s28], $0x1400  }
0x5d: {  	[sflag:s28] =	ssyncset.done $0x0  }
0x5e: {  	[sflag:s28] =	ssyncadd.s32 $0xFFFFEC00  }
0x5f: {  	_ =	swait.ge [sflag:s28], $0x1400  }
0x60: {  	[sflag:s28] =	ssyncset.done $0x0  }
0x61: {  	[sflag:s28] =	ssyncadd.s32 $0xFFFFEC00  }
0x62: {  	_ =	swait.ge [sflag:s28], $0x1400  }
0x63: {  	[sflag:s28] =	ssyncset.done $0x0  }
0x64: {  	[sflag:s28] =	ssyncadd.s32 $0xFFFFEC00  }
0x65: {  	_ =	swait.ge [sflag:s28], $0x1400  }
0x66: {  	[sflag:s28] =	ssyncset.done $0x0  }
0x67: {  	[sflag:s28] =	ssyncadd.s32 $0xFFFFEC00  }
0x68: {  	_ =	swait.ge [sflag:s28], $0x1400  }
0x69: {  	[sflag:s28] =	ssyncset.done $0x0  }
0x6a: {  	[sflag:s28] =	ssyncadd.s32 $0xFFFFEC00  }
0x6b: {  	_ =	swait.ge [sflag:s28], $0x1400  }
0x6c: {  	[sflag:s28] =	ssyncset.done $0x0  }
0x6d: {  	[sflag:s28] =	ssyncadd.s32 $0xFFFFEC00  }
0x6e: {  	_ =	swait.ge [sflag:s28], $0x1400  }
0x6f: {  	[sflag:s28] =	ssyncset.done $0x0  }
0x70: {  	[sflag:s28] =	ssyncadd.s32 $0xFFFFEC00  }
0x71: {  	_ =	swait.ge [sflag:s28], $0x1400  }
0x72: {  	[sflag:s28] =	ssyncset.done $0x0  }
0x73: {  	[sflag:s28] =	ssyncadd.s32 $0xFFFFEC00  }
0x74: {  	_ =	swait.ge [sflag:s28], $0x1400  }
0x75: {  	[sflag:s28] =	ssyncset.done $0x0  }
0x76: {  	[sflag:s28] =	ssyncadd.s32 $0xFFFFEC00  }
0x77: {  	_ =	swait.ge [sflag:s28], $0x1400  }
0x78: {  	[sflag:s28] =	ssyncset.done $0x0  }
0x79: {  	[sflag:s28] =	ssyncadd.s32 $0xFFFFEC00  }
0x7a: {  	_ =	swait.ge [sflag:s28], $0x1400  }
0x7b: {  	[sflag:s28] =	ssyncset.done $0x0  }
0x7c: {  	[sflag:s28] =	ssyncadd.s32 $0xFFFFEC00  }
0x7d: {  	_ =	swait.ge [sflag:s28], $0x1400  }
0x7e: {  	[sflag:s28] =	ssyncset.done $0x0  }
0x7f: {  	[sflag:s28] =	ssyncadd.s32 $0xFFFFEC00  }
0x80: {  	_ =	swait.ge [sflag:s28], $0x1400  }
0x81: {  	[sflag:s28] =	ssyncset.done $0x0  }
0x82: {  	[sflag:s28] =	ssyncadd.s32 $0xFFFFEC00  }
0x83: {  	_ =	swait.ge [sflag:s28], $0x1400  }
0x84: {  	[sflag:s28] =	ssyncset.done $0x0  }
0x85: {  	[sflag:s28] =	ssyncadd.s32 $0xFFFFEC00  }
0x86: {  	_ =	swait.ge [sflag:s28], $0xC80  }
0x87: {  	[sflag:s28] =	ssyncset.done $0x0  }
0x88: {  	[sflag:s28] =	ssyncadd.s32 $0xFFFFF380  }
0x89: {  	_ =	swait.ge [sflag:s29], $0x28  }
0x8a: {  	s12 =	simm.s32 $0xF9;
	[sflag:s29] =	ssyncset.done $0x0  }
.LBB2_6:
0x8b: {  	p0 =	sne.s32 s12, $0x1;
	s12 =	sadd.s32 $0xFFFFFFFF, s12;
	[sflag:s29] =	ssyncadd.s32 $0xFFFFFFD8  }
.Ltmp2:
0x8c: {  	(pc) =	sbr.rel @p0 .LBB2_6-.Ltmp2, $3  }
0x8d: {  	_ =	sdelay $0x1  }
0x8e: {  	_ =	swait.ge [sflag:s29], $0x28  }
0x8f: {  	[sflag:s29] =	ssyncset.done $0x0  }
0x90: {  	[sflag:s29] =	ssyncadd.s32 $0xFFFFFFD8  }
0x91: {  	s12 =	simm.s32 $0x0;
	[bflag:$0x0] =	sbarrier.arrive $0xFFFF  }
0x92: {  	[tilespmem:s26], [sflag:$0x1] =	stream.indirect.gather [hbm4b:s1+s30], $0x80, s12, s30, $0xb8;
	[tilespmem:$0x1EAA0] =	vst v63  }
0x93: {  	_ = 	snop  }
0x94: {  	[tilespmem:s31], [sflag:$0x2] =	stream.indirect.gather [hbm4b:s1+s30], $0x80, s30, s30, $0xb8;
	[tilespmem:$0x1EAA0] =	vst v63  }
0x95: {  	s13 =	simm.s32 $0x50  }
0x96: {  	[tilespmem:s0], [sflag:$0x3] =	stream.indirect.gather [hbm4b:s1+s30], $0x80, s13, s30, $0xb8;
	[tilespmem:$0x1EAA0] =	vst v63  }
0x97: {  	s14 =	simm.s32 $0x78  }
0x98: {  	[tilespmem:s2], [sflag:$0x4] =	stream.indirect.gather [hbm4b:s1+s30], $0x80, s14, s30, $0xb8;
	[tilespmem:$0x1EAA0] =	vst v63  }
0x99: {  	s13 =	simm.s32 $0xA0  }
0x9a: {  	[tilespmem:s4], [sflag:$0x5] =	stream.indirect.gather [hbm4b:s1+s30], $0x80, s13, s30, $0xb8;
	[tilespmem:$0x1EAA0] =	vst v63  }
0x9b: {  	_ =	swait.ge [sflag:s5], $0x1400  }
0x9c: {  	[sflag:s5] =	ssyncset.done $0x0  }
0x9d: {  	s14 =	simm.s32 $0x2710;
	[sflag:s5] =	ssyncadd.s32 $0xFFFFEC00  }
0x9e: {  	[spmem:s3] =	stream.indirect.scatter.add.f32 [tilespmem:s26], [sflag:$0x8], $0x80, s14, s30, $0xb8;
	[tilespmem:$0x1EAA0] =	vst v63  }
0x9f: {  	_ =	swait.ge [sflag:s25], $0x1400  }
0xa0: {  	[sflag:s25] =	ssyncset.done $0x0  }
0xa1: {  	s13 =	simm.s32 $0xC8;
	[sflag:s25] =	ssyncadd.s32 $0xFFFFEC00  }
0xa2: {  	[tilespmem:s26], [sflag:$0x1] =	stream.indirect.gather [hbm4b:s1+s30], $0x80, s13, s30, $0xb8;
	[tilespmem:$0x1EAA0] =	vst v63  }
0xa3: {  	_ =	swait.ge [sflag:s7], $0x1400  }
0xa4: {  	[sflag:s7] =	ssyncset.done $0x0  }
0xa5: {  	s14 =	simm.s32 $0x2738;
	[sflag:s7] =	ssyncadd.s32 $0xFFFFEC00  }
0xa6: {  	[spmem:s3] =	stream.indirect.scatter.add.f32 [tilespmem:s31], [sflag:$0x8], $0x80, s14, s30, $0xb8;
	[tilespmem:$0x1EAA0] =	vst v63  }
0xa7: {  	_ =	swait.ge [sflag:s25], $0x1400  }
0xa8: {  	[sflag:s25] =	ssyncset.done $0x0  }
0xa9: {  	s13 =	simm.s32 $0xF0;
	[sflag:s25] =	ssyncadd.s32 $0xFFFFEC00  }
0xaa: {  	[tilespmem:s31], [sflag:$0x2] =	stream.indirect.gather [hbm4b:s1+s30], $0x80, s13, s30, $0xb8;
	[tilespmem:$0x1EAA0] =	vst v63  }
0xab: {  	_ =	swait.ge [sflag:s8], $0x1400  }
0xac: {  	[sflag:s8] =	ssyncset.done $0x0  }
0xad: {  	s14 =	simm.s32 $0x2760;
	[sflag:s8] =	ssyncadd.s32 $0xFFFFEC00  }
0xae: {  	[spmem:s3] =	stream.indirect.scatter.add.f32 [tilespmem:s0], [sflag:$0x8], $0x80, s14, s30, $0xb8;
	[tilespmem:$0x1EAA0] =	vst v63  }
0xaf: {  	_ =	swait.ge [sflag:s25], $0x1400  }
0xb0: {  	[sflag:s25] =	ssyncset.done $0x0  }
0xb1: {  	s13 =	simm.s32 $0x118;
	[sflag:s25] =	ssyncadd.s32 $0xFFFFEC00  }
0xb2: {  	[tilespmem:s0], [sflag:$0x3] =	stream.indirect.gather [hbm4b:s1+s30], $0x80, s13, s30, $0xb8;
	[tilespmem:$0x1EAA0] =	vst v63  }
0xb3: {  	_ =	swait.ge [sflag:s9], $0x1400  }
0xb4: {  	[sflag:s9] =	ssyncset.done $0x0  }
0xb5: {  	s14 =	simm.s32 $0x2788;
	[sflag:s9] =	ssyncadd.s32 $0xFFFFEC00  }
0xb6: {  	[spmem:s3] =	stream.indirect.scatter.add.f32 [tilespmem:s2], [sflag:$0x8], $0x80, s14, s30, $0xb8;
	[tilespmem:$0x1EAA0] =	vst v63  }
0xb7: {  	_ =	swait.ge [sflag:s25], $0x1400  }
0xb8: {  	[sflag:s25] =	ssyncset.done $0x0  }
0xb9: {  	s13 =	simm.s32 $0x140;
	[sflag:s25] =	ssyncadd.s32 $0xFFFFEC00  }
0xba: {  	[tilespmem:s2], [sflag:$0x4] =	stream.indirect.gather [hbm4b:s1+s30], $0x80, s13, s30, $0xb8;
	[tilespmem:$0x1EAA0] =	vst v63  }
0xbb: {  	_ =	swait.ge [sflag:s10], $0x1400  }
0xbc: {  	[sflag:s10] =	ssyncset.done $0x0  }
0xbd: {  	s14 =	simm.s32 $0x27B0;
	[sflag:s10] =	ssyncadd.s32 $0xFFFFEC00  }
0xbe: {  	[spmem:s3] =	stream.indirect.scatter.add.f32 [tilespmem:s4], [sflag:$0x8], $0x80, s14, s30, $0xb8;
	[tilespmem:$0x1EAA0] =	vst v63  }
0xbf: {  	_ =	swait.ge [sflag:s25], $0x1400  }
0xc0: {  	[sflag:s25] =	ssyncset.done $0x0  }
0xc1: {  	s12 =	simm.s32 $0x320;
	s13 =	simm.s32 $0x168;
	[sflag:s25] =	ssyncadd.s32 $0xFFFFEC00  }
.LBB2_8:
0xc2: {  	[tilespmem:s4], [sflag:$0x5] =	stream.indirect.gather [hbm4b:s1+s30], $0x80, s13, s30, $0xb8;
	[tilespmem:$0x1EAA0] =	vst v63  }
0xc3: {  	s13 =	smov.u32 s12  }
0xc4: {  	p0 =	sne.s32 s12, $0x9600;
	s12 =	sadd.s32 $0x320, s12;
	_ =	swait.ge [sflag:s5], $0x1400  }
0xc5: {  	s13 =	sshra.s32 s13, $0x2;
	[sflag:s5] =	ssyncset.done $0x0  }
0xc6: {  	s14 =	sadd.s32 $0x2710, s13;
	[sflag:s5] =	ssyncadd.s32 $0xFFFFEC00  }
0xc7: {  	[spmem:s3] =	stream.indirect.scatter.add.f32 [tilespmem:s26], [sflag:$0x8], $0x80, s14, s30, $0xb8;
	[tilespmem:$0x1EAA0] =	vst v63  }
0xc8: {  	_ =	swait.ge [sflag:s25], $0x1400  }
0xc9: {  	[sflag:s25] =	ssyncset.done $0x0  }
0xca: {  	s14 =	sadd.s32 $0xC8, s13;
	[sflag:s25] =	ssyncadd.s32 $0xFFFFEC00  }
0xcb: {  	[tilespmem:s26], [sflag:$0x1] =	stream.indirect.gather [hbm4b:s1+s30], $0x80, s14, s30, $0xb8;
	[tilespmem:$0x1EAA0] =	vst v63  }
0xcc: {  	_ =	swait.ge [sflag:s7], $0x1400  }
0xcd: {  	[sflag:s7] =	ssyncset.done $0x0  }
0xce: {  	s14 =	sadd.s32 $0x2738, s13;
	[sflag:s7] =	ssyncadd.s32 $0xFFFFEC00  }
0xcf: {  	[spmem:s3] =	stream.indirect.scatter.add.f32 [tilespmem:s31], [sflag:$0x8], $0x80, s14, s30, $0xb8;
	[tilespmem:$0x1EAA0] =	vst v63  }
0xd0: {  	_ =	swait.ge [sflag:s25], $0x1400  }
0xd1: {  	[sflag:s25] =	ssyncset.done $0x0  }
0xd2: {  	s14 =	sadd.s32 $0xF0, s13;
	[sflag:s25] =	ssyncadd.s32 $0xFFFFEC00  }
0xd3: {  	[tilespmem:s31], [sflag:$0x2] =	stream.indirect.gather [hbm4b:s1+s30], $0x80, s14, s30, $0xb8;
	[tilespmem:$0x1EAA0] =	vst v63  }
0xd4: {  	_ =	swait.ge [sflag:s8], $0x1400  }
0xd5: {  	[sflag:s8] =	ssyncset.done $0x0  }
0xd6: {  	s14 =	sadd.s32 $0x2760, s13;
	[sflag:s8] =	ssyncadd.s32 $0xFFFFEC00  }
0xd7: {  	[spmem:s3] =	stream.indirect.scatter.add.f32 [tilespmem:s0], [sflag:$0x8], $0x80, s14, s30, $0xb8;
	[tilespmem:$0x1EAA0] =	vst v63  }
0xd8: {  	_ =	swait.ge [sflag:s25], $0x1400  }
0xd9: {  	[sflag:s25] =	ssyncset.done $0x0  }
0xda: {  	s14 =	sadd.s32 $0x118, s13;
	[sflag:s25] =	ssyncadd.s32 $0xFFFFEC00  }
0xdb: {  	[tilespmem:s0], [sflag:$0x3] =	stream.indirect.gather [hbm4b:s1+s30], $0x80, s14, s30, $0xb8;
	[tilespmem:$0x1EAA0] =	vst v63  }
0xdc: {  	_ =	swait.ge [sflag:s9], $0x1400  }
0xdd: {  	[sflag:s9] =	ssyncset.done $0x0  }
0xde: {  	s14 =	sadd.s32 $0x2788, s13;
	[sflag:s9] =	ssyncadd.s32 $0xFFFFEC00  }
0xdf: {  	[spmem:s3] =	stream.indirect.scatter.add.f32 [tilespmem:s2], [sflag:$0x8], $0x80, s14, s30, $0xb8;
	[tilespmem:$0x1EAA0] =	vst v63  }
0xe0: {  	_ =	swait.ge [sflag:s25], $0x1400  }
0xe1: {  	[sflag:s25] =	ssyncset.done $0x0  }
0xe2: {  	s14 =	sadd.s32 $0x140, s13;
	[sflag:s25] =	ssyncadd.s32 $0xFFFFEC00  }
0xe3: {  	[tilespmem:s2], [sflag:$0x4] =	stream.indirect.gather [hbm4b:s1+s30], $0x80, s14, s30, $0xb8;
	[tilespmem:$0x1EAA0] =	vst v63  }
0xe4: {  	_ =	swait.ge [sflag:s10], $0x1400  }
0xe5: {  	[sflag:s10] =	ssyncset.done $0x0  }
.Ltmp3:
0xe6: {  	s14 =	sadd.s32 $0x27B0, s13;
	[sflag:s10] =	ssyncadd.s32 $0xFFFFEC00;
	(pc) =	sbr.rel @p0 .LBB2_8-.Ltmp3, $4  }
0xe7: {  	[spmem:s3] =	stream.indirect.scatter.add.f32 [tilespmem:s4], [sflag:$0x8], $0x80, s14, s30, $0xb8;
	[tilespmem:$0x1EAA0] =	vst v63  }
0xe8: {  	_ =	swait.ge [sflag:s25], $0x1400  }
0xe9: {  	[sflag:s25] =	ssyncset.done $0x0  }
0xea: {  	s13 =	sadd.s32 $0x168, s13;
	[sflag:s25] =	ssyncadd.s32 $0xFFFFEC00  }
0xeb: {  	[tilespmem:s4], [sflag:$0x5] =	stream.indirect.gather [hbm4b:s1+s30], $0x80, s13, s30, $0xb8;
	[tilespmem:$0x1EAA0] =	vst v63  }
0xec: {  	_ =	swait.ge [sflag:s5], $0x1400  }
0xed: {  	[sflag:s5] =	ssyncset.done $0x0  }
0xee: {  	s12 =	simm.s32 $0x4D58;
	[sflag:s5] =	ssyncadd.s32 $0xFFFFEC00  }
0xef: {  	[spmem:s3] =	stream.indirect.scatter.add.f32 [tilespmem:s26], [sflag:$0x8], $0x80, s12, s30, $0xb8;
	[tilespmem:$0x1EAA0] =	vst v63  }
0xf0: {  	_ =	swait.ge [sflag:s25], $0x1400  }
0xf1: {  	[sflag:s25] =	ssyncset.done $0x0  }
0xf2: {  	[sflag:s25] =	ssyncadd.s32 $0xFFFFEC00  }
0xf3: {  	_ =	swait.ge [sflag:s7], $0x1400  }
0xf4: {  	[sflag:s7] =	ssyncset.done $0x0  }
0xf5: {  	s13 =	simm.s32 $0x4D80;
	[sflag:s7] =	ssyncadd.s32 $0xFFFFEC00  }
0xf6: {  	[spmem:s3] =	stream.indirect.scatter.add.f32 [tilespmem:s31], [sflag:$0x8], $0x80, s13, s30, $0xb8;
	[tilespmem:$0x1EAA0] =	vst v63  }
0xf7: {  	_ =	swait.ge [sflag:s25], $0x1400  }
0xf8: {  	[sflag:s25] =	ssyncset.done $0x0  }
0xf9: {  	[sflag:s25] =	ssyncadd.s32 $0xFFFFEC00  }
0xfa: {  	_ =	swait.ge [sflag:s8], $0x1400  }
0xfb: {  	[sflag:s8] =	ssyncset.done $0x0  }
0xfc: {  	s14 =	simm.s32 $0x4DA8;
	[sflag:s8] =	ssyncadd.s32 $0xFFFFEC00  }
0xfd: {  	[spmem:s3] =	stream.indirect.scatter.add.f32 [tilespmem:s0], [sflag:$0x8], $0x80, s14, s30, $0xb8;
	[tilespmem:$0x1EAA0] =	vst v63  }
0xfe: {  	_ =	swait.ge [sflag:s25], $0x1400  }
0xff: {  	[sflag:s25] =	ssyncset.done $0x0  }
0x100: {  	[sflag:s25] =	ssyncadd.s32 $0xFFFFEC00  }
0x101: {  	_ =	swait.ge [sflag:s9], $0x1400  }
0x102: {  	[sflag:s9] =	ssyncset.done $0x0  }
0x103: {  	s13 =	simm.s32 $0x4DD0;
	[sflag:s9] =	ssyncadd.s32 $0xFFFFEC00  }
0x104: {  	[spmem:s3] =	stream.indirect.scatter.add.f32 [tilespmem:s2], [sflag:$0x8], $0x80, s13, s30, $0xb8;
	[tilespmem:$0x1EAA0] =	vst v63  }
0x105: {  	_ =	swait.ge [sflag:s25], $0x1400  }
0x106: {  	[sflag:s25] =	ssyncset.done $0x0  }
0x107: {  	[sflag:s25] =	ssyncadd.s32 $0xFFFFEC00  }
0x108: {  	_ =	swait.ge [sflag:s10], $0x1400  }
0x109: {  	[sflag:s10] =	ssyncset.done $0x0  }
0x10a: {  	s14 =	simm.s32 $0x4DF8;
	[sflag:s10] =	ssyncadd.s32 $0xFFFFEC00  }
0x10b: {  	[spmem:s3] =	stream.indirect.scatter.add.f32 [tilespmem:s4], [sflag:$0x8], $0x80, s14, s30, $0xb8;
	[tilespmem:$0x1EAA0] =	vst v63  }
0x10c: {  	s13 =	stileid.u32;
	_ =	swait.ge [sflag:s25], $0x1400  }
0x10d: {  	s11 =	sadd.s32 $0x1, s11;
	s12 =	sshll.u32 s13, $0x6;
	[sflag:s25] =	ssyncset.done $0x0  }
0x10e: {  	p0 =	sne.s32 s11, s23;
	s12 =	sor.u32 $0x1C08, s12;
	[sflag:s25] =	ssyncadd.s32 $0xFFFFEC00  }
.Ltmp4:
0x10f: {  	s14 =	sshrl.u32 s6, $0x3;
	[bflag:$0x0] =	sbarrier.arrive $0xFFFF;
	(pc) =	sbr.rel @p0 .LBB2_1-.Ltmp4, $4  }
0x110: {  	[hbm:s22], [sflag:s12] =	dma.local [spmem:s14], $0x2710  }
0x111: {  	_ =	swait.ge [sflag:s25], $0x2710  }
0x112: {  	[sflag:s25] =	ssyncset.done $0x0  }
0x113: {  	[sflag:s25] =	ssyncadd.s32 $0xFFFFD8F0  }
0x114: {  	_ =	sfence.sel $0x180000  }
0x115: {  	[bflag:$0x0] =	sbarrier.arrive $0xFFFF  }
0x116: {  	_ =	strace $0x9000004D  }
0x117: {  	s0 =	stileid.u32;
	[bflag:$0x2] =	sbarrier.arrive $0xFFFF  }
0x118: {  	p0 =	sne.s32 s0, $0x0;
	s0 =	rddreg [dreg:$0x3]  }
0x119: {  	s0 =	sadd.s32 @!p0 $0x100000, s0  }
0x11a: {  	[sflag:s0] =	ssyncadd.tile.s32 @!p0 $0x1;
	_ =	shalt  }
.Lfunc_end2:
_tile_overlayer_lowered:
.L_overlay_start_2:
0x11b: {  	(tag) =	ssettag $0x2  }
0x11c: {  	s0 =	rddreg [dreg:$0x0];
	s2 =	stileid.u32  }
0x11d: {  	s1 =	rddreg [dreg:$0x1];
	p0 =	sne.s32 s2, $0x0  }
0x11e: {  	s3 =	rddreg [dreg:$0x2];
	[bflag:$0x3] =	sbarrier.arrive $0xFFFF;
	s2 =	simm.s32 @!p0 $0x1C08  }
0x11f: {  	[timem:s3], [sflag:s2] =	dma.local @!p0 [hbm:s0], s1  }
0x120: {  	s0 =	simm.s32 @!p0 $0x8  }
0x121: {  	_ =	swait.ge @!p0 [sflag:s0], s1  }
0x122: {  	s1 =	ssub.s32 @!p0 $0x0, s1;
	[sflag:s0] =	ssyncset.done @!p0 $0x0  }
0x123: {  	[sflag:s0] =	ssyncadd.s32 @!p0 s1  }
0x124: {  	[bflag:$0x3] =	sbarrier.arrive $0xFFFF  }
0x125: {  	_ =	shalt  }

// kernel: kernel.9.cloned.1.call-start
scs
__scs_entry_jumppad:
0x0: {  	(pc) =	sbr.rel $0x88, $3  }
0x1: {  	(tag) =	ssettag $0x0;
	lr =	simm.s32 $0x1  }
0x2: {  	[smem:$0x3F9B] =	sst lr;
	_ =	strace $0xD0000000  }
0x3: {  	_ = 	snop  }
0x4: {  	_ = 	snop  }
0x5: {  	_ = 	snop  }
0x6: {  	_ = 	snop  }
0x7: {  	_ = 	snop  }
__scs_overlays_trampoline_lowered:
0x8: {  	[smem:$0x3FAA] =	sst s0  }
0x9: {  	[smem:$0x3FAB] =	sst s1  }
0xa: {  	[smem:$0x3FAC] =	sst s2  }
0xb: {  	[smem:$0x3FAD] =	sst s3  }
0xc: {  	[smem:$0x3FAE] =	sst s4  }
0xd: {  	[smem:$0x3FAF] =	sst s5  }
0xe: {  	[smem:$0x3FB0] =	sst s6  }
0xf: {  	[smem:$0x3FB1] =	sst s7  }
0x10: {  	[smem:$0x3FB2] =	sst s8  }
0x11: {  	[smem:$0x3FB3] =	sst s9;
	s0 =	simm.s32 @!p0 $0x0  }
0x12: {  	s1 =	sld [smem:$0x3F99];
	s0 =	simm.s32 @p0 $0x1  }
0x13: {  	[smem:$0x3FB4] =	sst s0;
	s0 =	simm.s32 @!p1 $0x0  }
0x14: {  	s2 =	sld [smem:$0x3F98];
	s0 =	simm.s32 @p1 $0x1  }
0x15: {  	[smem:$0x3FB5] =	sst s0;
	s0 =	simm.s32 @!p2 $0x0  }
0x16: {  	s3 =	sld [smem:$0x3FDB];
	s0 =	simm.s32 @p2 $0x1  }
0x17: {  	s4 =	simm.s32 $0x1BF5;
	[smem:$0x3FB7] =	sst s0  }
0x18: {  	s0 =	sld [smem:$0x3F9A];
	_ =	swait.ge [sflag:s4], $0x0  }
0x19: {  	s7 =	sld [smem:$0x3F9B]  }
0x1a: {  	s8 =	sadd.s32 $0xFFFFE003, lr  }
0x1b: {  	s9 =	sadd.s32 $0xFFFFFEF7, lr;
	s5 =	simm.s32 $0xFFFFFFFF;
	p2 =	slt.u32 s8, $0xFFFFF086  }
0x1c: {  	p1 =	slt.u32 s9, $0xF7A;
	s5 =	simm.s32 @!p2 $0x0  }
0x1d: {  	s5 =	simm.s32 @p1 $0x1;
	p0 =	seq.s32 s7, s2  }
0x1e: {  	s7 =	smul.u32 @!p0 $0xF7A, s2;
	p2 =	seq.s32 @!p0 s5, $0x0  }
0x1f: {  	s9 =	smul.u32 $0xF7A, s1;
	s8 =	simm.s32 @!p0 $0x1BF5;
	p2 =	por !p2, p0  }
0x20: {  	[sflag:s8] =	ssyncset.s32 @!p0 $0xFFFFF086;
	s6 =	sadd.s32 @!p0 s3, s7;
	s7 =	simm.s32 @!p0 $0x108  }
0x21: {  	s3 =	sadd.s32 s3, s9;
	s6 =	sadd.s32 @!p0 $0x88, s6;
	s7 =	simm.s32 @p2 $0x1082  }
0x22: {  	[simem:s7], [sflag:s8] =	dma.local @!p0 [hbm:s6], $0xF7A  }
0x23: {  	s9 =	sor.u32 $0xD0000000, s2;
	s6 =	simm.s32 $0x108;
	_ =	swait.ge @!p0 [sflag:s8], $0x0  }
0x24: {  	s3 =	sadd.s32 $0x88, s3;
	s6 =	simm.s32 @!p1 $0x1082;
	[sflag:s4] =	ssyncset.s32 $0xFFFFF086  }
0x25: {  	[simem:s6], [sflag:s4] =	dma.local [hbm:s3], $0xF7A  }
0x26: {  	[smem:$0x3F9B] =	sst s1;
	(tag) =	ssettag s2;
	_ =	strace s9  }
0x27: {  	s1 =	sld [smem:$0x3FAB]  }
0x28: {  	s2 =	sld [smem:$0x3FAC]  }
0x29: {  	s4 =	sld [smem:$0x3FAE]  }
0x2a: {  	p0 =	seq.s32 s5, $0x0;
	s5 =	sld [smem:$0x3FAF]  }
0x2b: {  	s6 =	sld [smem:$0x3FB0]  }
0x2c: {  	s7 =	sld [smem:$0x3FB1]  }
0x2d: {  	s3 =	simm.s32 $0x108;
	s8 =	sld [smem:$0x3FB2]  }
0x2e: {  	s3 =	simm.s32 @!p0 $0x1082;
	s9 =	sld [smem:$0x3FB3]  }
0x2f: {  	lr =	sadd.s32 s0, s3;
	s0 =	sld [smem:$0x3FAA]  }
0x30: {  	s3 =	sld [smem:$0x3FAD]  }
0x31: {  	[smem:$0x3FB6] =	sst s10  }
0x32: {  	s10 =	sld [smem:$0x3FB4];
	_ =	sdelay $0x3  }
0x33: {  	p0 =	seq.s32 s10, $0x1;
	s10 =	sld [smem:$0x3FB6];
	_ =	sdelay $0x3  }
0x34: {  	[smem:$0x3FB6] =	sst s10  }
0x35: {  	s10 =	sld [smem:$0x3FB5];
	_ =	sdelay $0x3  }
0x36: {  	p1 =	seq.s32 s10, $0x1;
	s10 =	sld [smem:$0x3FB6];
	_ =	sdelay $0x3  }
0x37: {  	[smem:$0x3FB6] =	sst s10  }
0x38: {  	s10 =	sld [smem:$0x3FB7]  }
0x39: {  	_ = 	snop;
	(pc) =	sbr.ind lr, $3  }
0x3a: {  	_ = 	snop  }
0x3b: {  	_ = 	snop  }
0x3c: {  	p2 =	seq.s32 s10, $0x1;
	s10 =	sld [smem:$0x3FB6]  }
0x3d: {  	_ =	shalt  }
0x3e: {  	_ =	shalt  }
0x3f: {  	_ =	shalt  }
0x40: {  	_ =	shalt  }
0x41: {  	_ =	shalt  }
0x42: {  	_ =	shalt  }
0x43: {  	_ =	shalt  }
0x44: {  	_ =	shalt  }
0x45: {  	_ =	shalt  }
0x46: {  	_ =	shalt  }
0x47: {  	_ =	shalt  }
0x48: {  	_ =	shalt  }
0x49: {  	_ =	shalt  }
0x4a: {  	_ =	shalt  }
0x4b: {  	_ =	shalt  }
0x4c: {  	_ =	shalt  }
0x4d: {  	_ =	shalt  }
0x4e: {  	_ =	shalt  }
0x4f: {  	_ =	shalt  }
0x50: {  	_ =	shalt  }
0x51: {  	_ =	shalt  }
0x52: {  	_ =	shalt  }
0x53: {  	_ =	shalt  }
0x54: {  	_ =	shalt  }
0x55: {  	_ =	shalt  }
0x56: {  	_ =	shalt  }
0x57: {  	_ =	shalt  }
0x58: {  	_ =	shalt  }
0x59: {  	_ =	shalt  }
0x5a: {  	_ =	shalt  }
0x5b: {  	_ =	shalt  }
0x5c: {  	_ =	shalt  }
0x5d: {  	_ =	shalt  }
0x5e: {  	_ =	shalt  }
0x5f: {  	_ =	shalt  }
0x60: {  	_ =	shalt  }
0x61: {  	_ =	shalt  }
0x62: {  	_ =	shalt  }
0x63: {  	_ =	shalt  }
0x64: {  	_ =	shalt  }
0x65: {  	_ =	shalt  }
0x66: {  	_ =	shalt  }
0x67: {  	_ =	shalt  }
0x68: {  	_ =	shalt  }
0x69: {  	_ =	shalt  }
0x6a: {  	_ =	shalt  }
0x6b: {  	_ =	shalt  }
0x6c: {  	_ =	shalt  }
0x6d: {  	_ =	shalt  }
0x6e: {  	_ =	shalt  }
0x6f: {  	_ =	shalt  }
0x70: {  	_ =	shalt  }
0x71: {  	_ =	shalt  }
0x72: {  	_ =	shalt  }
0x73: {  	_ =	shalt  }
0x74: {  	_ =	shalt  }
0x75: {  	_ =	shalt  }
0x76: {  	_ =	shalt  }
0x77: {  	_ =	shalt  }
0x78: {  	_ =	shalt  }
0x79: {  	_ =	shalt  }
0x7a: {  	_ =	shalt  }
0x7b: {  	_ =	shalt  }
0x7c: {  	_ =	shalt  }
0x7d: {  	_ =	shalt  }
0x7e: {  	_ =	shalt  }
0x7f: {  	_ =	shalt  }
0x80: {  	_ =	shalt  }
0x81: {  	_ =	shalt  }
0x82: {  	_ =	shalt  }
0x83: {  	_ =	shalt  }
0x84: {  	_ =	shalt  }
0x85: {  	_ =	shalt  }
0x86: {  	_ =	shalt  }
0x87: {  	_ =	shalt  }
.Lfunc_end0:
.L_simem_size_0:
called_computation_lowered:
.L_overlay_start_0:
0x88: {  	s2 =	sld [smem:$0x3FD9]  }
0x89: {  	s3 =	sld [smem:$0x3FFE];
	_ =	sdelay $0x1  }
0x8a: {  	s1 =	srdreg.scid  }
0x8b: {  	s0 =	sand.u32 $0x1, s1  }
0x8c: {  	s17 =	sshll.u32 s0, $0xA;
	s2 =	sadd.s32 s3, s2  }
0x8d: {  	s2 =	sadd.s32 s2, s17  }
0x8e: {  	[smem:$0x3FC2] =	sst s2  }
0x8f: {  	_ = 	snop  }
0x90: {  	s2 =	sld [smem:$0x3FD0];
	(tm) =	ssettm $0x1  }
0x91: {  	s18 =	sld [smem:$0x3FFB];
	_ =	sdelay $0x3  }
0x92: {  	_ =	strace s18  }
0x93: {  	s3 =	sld [smem:$0x3FFC];
	_ =	sdelay $0x3  }
0x94: {  	_ =	strace s3  }
0x95: {  	s3 =	sld [smem:$0x3FFD];
	_ =	sdelay $0x3  }
0x96: {  	_ =	strace s3  }
0x97: {  	_ =	strace $0x8FFFFFFF  }
0x98: {  	s19 =	sld [smem:$0x3FDB];
	_ =	sdelay $0x1  }
0x99: {  	s4 =	simm.s32 $_scs_section_size  }
0x9a: {  	s5 =	simm.s32 $_size__tile_overlayer_lowered;
	s6 =	simm.s32 $_tile_overlayer_lowered  }
0x9b: {  	s22 =	simm.s32 $0x1BFF;
	s21 =	sshll.u32 s6, $0x1;
	s3 =	sadd.s32 s4, s19  }
0x9c: {  	s7 =	simm.s32 $0x0;
	s20 =	sshll.u32 s5, $0x1;
	s5 =	sadd.s32 s21, s3  }
0x9d: {  	[timem:s7], [sflag:s22] =	dma.local [hbm:s5], s20  }
0x9e: {  	_ =	swait.ge [sflag:s22], s20  }
0x9f: {  	s4 =	ssub.s32 $0x0, s20;
	[sflag:s22] =	ssyncset.done $0x0  }
0xa0: {  	[sflag:s22] =	ssyncadd.s32 s4;
	_ =	sdelay $0x1  }
0xa1: {  	s23 =	simm.s32 $0x1B8B  }
0xa2: {  	_ =	swait.ge [sflag:s23], $0x1  }
0xa3: {  	[sflag:s23] =	ssyncset.done $0x0  }
0xa4: {  	s25 =	simm.s32 $0x1B8E;
	s24 =	sld [smem:$0x3FFE];
	[sflag:s23] =	ssyncadd.s32 $0xFFFFFFFF  }
0xa5: {  	s26 =	simm.s32 $execute0_lowered;
	[smem:$0x3FD2] =	sst s25  }
0xa6: {  	s5 =	sshll.u32 s26, $0x1;
	_ =	strace $0x80000046;
	[dreg:$0x1] =	wrdreg $0xFFFFFFFF  }
0xa7: {  	s28 =	simm.s32 $_size_execute0_lowered;
	s3 =	sadd.s32 s3, s5;
	[dreg:$0x0] =	wrdreg $0x0  }
0xa8: {  	s5 =	sshll.u32 s28, $0x1;
	[dreg:$0x2] =	wrdreg s3  }
0xa9: {  	[dreg:$0x3] =	wrdreg s5  }
0xaa: {  	[dreg:$0x4] =	wrdreg $0xC0  }
0xab: {  	_ =	task [dreg:s7], $0x5FFFF  }
0xac: {  	[dreg:$0x1] =	wrdreg $0xFFFFFFFF  }
0xad: {  	[dreg:$0x0] =	wrdreg $0x60  }
0xae: {  	[dreg:$0x2] =	wrdreg s24  }
0xaf: {  	[dreg:$0x3] =	wrdreg s2  }
0xb0: {  	[dreg:$0x4] =	wrdreg $0x9C500  }
0xb1: {  	[dreg:$0x5] =	wrdreg $0x9  }
0xb2: {  	_ =	task.clear_ibuf [dreg:s7], $0x6FFFF;
	_ =	strace $0x90000046  }
0xb3: {  	s29 =	simm.s32 $0x9;
	_ =	strace $0x80000048  }
0xb4: {  	_ =	swait.ge [sflag:s29], $0x1  }
0xb5: {  	[sflag:s29] =	ssyncadd.s32 $0xFFFFFFFF  }
0xb6: {  	_ =	strace $0x90000048  }
0xb7: {  	_ =	sfence  }
0xb8: {  	s30 =	sld [smem:$0x0];
	_ =	sdelay $0x2  }
0xb9: {  	s31 =	sshll.u32 s1, $0xD;
	s1 =	sshrl.u32 s1, $0x2  }
0xba: {  	s3 =	sand.u32 $0x4000, s31;
	s1 =	sadd.s32 s1, s30  }
0xbb: {  	s0 =	sor.u32 s3, s0;
	s1 =	sshll.u32 s1, $0x11  }
0xbc: {  	s0 =	sor.u32 s1, s0  }
0xbd: {  	s0 =	sadd.s32 $0x8F2B, s0  }
0xbe: {  	[sflag:s0] =	ssyncadd.remote.s32 $0x1  }
0xbf: {  	_ =	sfence.sel $0xFFFF  }
0xc0: {  	[dreg:$0x0] =	wrdreg $0xFFFFFFFF;
	(pc) =	sbr.abs _section_cstart, $3  }
0xc1: {  	[dreg:$0x1] =	wrdreg $0xFFFFFFFF  }
0xc2: {  	_ =	task.clear_ibuf [dreg:s7], $0x2FFFF;
	_ =	strace $0x9FFFFFFF  }
0xc3: {  	(tm) =	ssettm $0x7FFFFFFF  }
tec
execute0_lowered:
.L_overlay_start_1:
0x0: {  	(tag) =	ssettag $0x1  }
0x1: {  	s3 =	rddreg [dreg:$0x0]  }
0x2: {  	s0 =	srdreg.scid;
	s7 =	rddreg [dreg:$0x1]  }
0x3: {  	s16 =	stileid.u32;
	s1 =	rddreg [dreg:$0x2];
	s2 =	simm.s32 $0x0  }
0x4: {  	s10 =	simm.s32 $0x2710;
	s13 =	simm.s32 $0x9C40;
	s14 =	simm.s32 $0x4E20  }
0x5: {  	s15 =	simm.s32 $0x7530;
	s19 =	simm.s32 $0x0;
	s4 =	sand.u32 $0x1, s0  }
0x6: {  	[smem:$0x7FF] =	sst s2;
	s6 =	sadd.s32 $0xFFFFFFFB, s16;
	p0 =	sgt.u32 s16, $0x4  }
0x7: {  	s18 =	sadd.s32 $0x2710, s1;
	p1 =	sgt.u32 s16, $0x9;
	s0 =	sshll.u32 s4, $0x4  }
0x8: {  	s8 =	ssub.s32 $0x2, s4;
	s6 =	smin.u32 s16, s6;
	s11 =	smul.u32 $0x2710, s4  }
0x9: {  	s10 =	simm.s32 @!p0 $0x0;
	p0 =	sne.s32 s16, $0x0;
	s5 =	sadd.s32 s16, s0  }
0xa: {  	s0 =	rddreg [dreg:$0x3];
	_ =	strace $0x80000047;
	s9 =	sshrl.u32 s8, $0x1  }
0xb: {  	s6 =	smul.u32 $0x1F40, s6;
	s30 =	sadd.s32 s10, s1;
	s16 =	simm.s32 $0x9C48  }
0xc: {  	s17 =	sshrl.u32 @!p0 s1, $0x3;
	s18 =	sshrl.u32 @!p0 s18, $0x3;
	s5 =	smul.u32 $0x2710, s5  }
0xd: {  	s12 =	ssub.s32 s8, s9;
	s31 =	sshrl.u32 s11, $0x3;
	s8 =	simm.s32 $0x2710  }
0xe: {  	s6 =	sshra.s32 s6, $0x2;
	s7 =	sadd.s32 s7, s31;
	s11 =	smax.u32 s12, $0x1  }
0xf: {  	s12 =	simm.s32 $0x1;
	s5 =	sshrl.u32 s5, $0x3;
	s6 =	sadd.s32 s6, s30  }
0x10: {  	s10 =	sadd.s32 $0x9C4, s7;
	s5 =	sadd.s32 s5, s3;
	s3 =	sadd.s32 $0x16000, s3  }
0x11: {  	v0 =	vimm.f32 $0.0e+00;
	v1 =	vimm.f32 $1.000000000e+00;
	s9 =	sadd.s32 $0x3E8, s6;
	s4 =	sadd.s32 $0x2600, s5;
	s5 =	sadd.s32 $0xC240, s5  }
.LBB2_1:
0x12: {  	[tilespmem:s2], [sflag:$0x1] =	stream.linear.gather [hbm4b:s4+s2], $0x2710, $0x38;
	[tilespmem:$0xA138] =	vst v63  }
0x13: {  	_ =	swait.ge [sflag:s12], $0x2710  }
0x14: {  	[sflag:s12] =	ssyncset.done $0x0  }
0x15: {  	[sflag:s12] =	ssyncadd.s32 $0xFFFFD8F0  }
0x16: {  	[tilespmem:s8], [sflag:$0x1] =	stream.linear.gather [hbm4b:s5+s2], $0x2710, $0x38;
	[tilespmem:$0xA138] =	vst v63  }
0x17: {  	_ =	swait.ge [sflag:s12], $0x2710  }
0x18: {  	[sflag:s12] =	ssyncset.done $0x0  }
0x19: {  	[sflag:s12] =	ssyncadd.s32 $0xFFFFD8F0  }
0x1a: {  	[tilespmem:s13], [sflag:$0x1] =	stream.linear.gather [hbm4b:s3+s2], $0x10, $0x38;
	[tilespmem:$0xA138] =	vst v63  }
0x1b: {  	_ =	swait.ge [sflag:s12], $0x10  }
0x1c: {  	[sflag:s12] =	ssyncset.done $0x0  }
0x1d: {  	s20 =	simm.s32 $0x0;
	s21 =	simm.s32 $0x140;
	[sflag:s12] =	ssyncadd.s32 $0xFFFFFFF0  }
.LBB2_2:
0x1e: {  	p2 =	sne.s32 s21, $0x9B00;
	[tilespmem:s20+$0x7570] =	vst v0  }
0x1f: {  	[tilespmem:s20+$0x4E20] =	vst v0  }
0x20: {  	[tilespmem:s20+$0x7530] =	vst v0  }
0x21: {  	[tilespmem:s20+$0x4E30] =	vst v0  }
0x22: {  	[tilespmem:s20+$0x7540] =	vst v0  }
.Ltmp0:
0x23: {  	[tilespmem:s20+$0x4E40] =	vst v0;
	(pc) =	sbr.rel @p2 .LBB2_2-.Ltmp0, $4  }
0x24: {  	[tilespmem:s20+$0x7550] =	vst v0  }
0x25: {  	[tilespmem:s20+$0x4E50] =	vst v0  }
0x26: {  	[tilespmem:s20+$0x7560] =	vst v0  }
0x27: {  	[tilespmem:s20+$0x4E60] =	vst v0;
	s20 =	sshra.s32 s21, $0x2;
	s21 =	sadd.s32 $0x140, s21  }
0x28: {  	[tilespmem:s20+$0x7570] =	vst v0  }
0x29: {  	[tilespmem:s20+$0x4E20] =	vst v0  }
0x2a: {  	[tilespmem:s20+$0x7530] =	vst v0  }
0x2b: {  	[tilespmem:s20+$0x4E30] =	vst v0  }
0x2c: {  	[tilespmem:s20+$0x7540] =	vst v0  }
0x2d: {  	[tilespmem:s20+$0x4E40] =	vst v0  }
0x2e: {  	[tilespmem:s20+$0x7550] =	vst v0  }
0x2f: {  	[tilespmem:s20+$0x4E50] =	vst v0  }
0x30: {  	[tilespmem:s20+$0x7560] =	vst v0  }
0x31: {  	[tilespmem:s20+$0x4E60] =	vst v0;
	s20 =	simm.s32 @!p1 $0x4E20  }
0x32: {  	[spmem:s6] =	stream.linear.scatter @!p1 [tilespmem:s20], [sflag:$0x1], $0x3E8, $0x38;
	[tilespmem:$0xA138] =	vst v63  }
0x33: {  	s20 =	simm.s32 @!p1 $0x1  }
0x34: {  	_ =	swait.ge @!p1 [sflag:s20], $0x3E8  }
0x35: {  	[sflag:s20] =	ssyncset.done @!p1 $0x0  }
0x36: {  	s21 =	simm.s32 @!p1 $0x7530;
	[sflag:s20] =	ssyncadd.s32 @!p1 $0xFFFFFC18  }
0x37: {  	[spmem:s9] =	stream.linear.scatter @!p1 [tilespmem:s21], [sflag:$0x1], $0x3E8, $0x38;
	[tilespmem:$0xA138] =	vst v63  }
0x38: {  	_ =	swait.ge @!p1 [sflag:s20], $0x3E8  }
0x39: {  	[sflag:s20] =	ssyncset.done @!p1 $0x0  }
0x3a: {  	[sflag:s20] =	ssyncadd.s32 @!p1 $0xFFFFFC18  }
0x3b: {  	s20 =	simm.s32 $0x0;
	[bflag:$0x0] =	sbarrier.arrive $0xFFFF  }
.LBB2_4:
0x3c: {  	s21 =	sshra.s32 s20, $0x2  }
0x3d: {  	v2 =	vld [tilespmem:s21+$0x0];
	_ =	sdelay $0x7  }
0x3e: {  	[tilespmem:v2+s14+$0x0] =	vst.idx.add.f32.msk $0xffff, v1  }
0x3f: {  	v2 =	vld [tilespmem:s21+$0x2710];
	_ =	sdelay $0x7  }
0x40: {  	[tilespmem:v2+s15+$0x0] =	vst.idx.add.f32.msk $0xffff, v1  }
0x41: {  	v2 =	vld [tilespmem:s21+$0x10];
	_ =	sdelay $0x7  }
0x42: {  	[tilespmem:v2+s14+$0x0] =	vst.idx.add.f32.msk $0xffff, v1  }
0x43: {  	v2 =	vld [tilespmem:s21+$0x2720];
	_ =	sdelay $0x7  }
0x44: {  	[tilespmem:v2+s15+$0x0] =	vst.idx.add.f32.msk $0xffff, v1  }
0x45: {  	v2 =	vld [tilespmem:s21+$0x20];
	_ =	sdelay $0x7  }
0x46: {  	[tilespmem:v2+s14+$0x0] =	vst.idx.add.f32.msk $0xffff, v1  }
0x47: {  	v2 =	vld [tilespmem:s21+$0x2730];
	_ =	sdelay $0x7  }
0x48: {  	[tilespmem:v2+s15+$0x0] =	vst.idx.add.f32.msk $0xffff, v1  }
0x49: {  	v2 =	vld [tilespmem:s21+$0x30];
	_ =	sdelay $0x7  }
0x4a: {  	[tilespmem:v2+s14+$0x0] =	vst.idx.add.f32.msk $0xffff, v1  }
0x4b: {  	v2 =	vld [tilespmem:s21+$0x2740];
	_ =	sdelay $0x7  }
0x4c: {  	[tilespmem:v2+s15+$0x0] =	vst.idx.add.f32.msk $0xffff, v1  }
0x4d: {  	v2 =	vld [tilespmem:s21+$0x40];
	_ =	sdelay $0x7  }
0x4e: {  	[tilespmem:v2+s14+$0x0] =	vst.idx.add.f32.msk $0xffff, v1  }
0x4f: {  	v2 =	vld [tilespmem:s21+$0x2750];
	_ =	sdelay $0x2  }
0x50: {  	p2 =	sne.s32 s20, $0x9B00  }
.Ltmp1:
0x51: {  	_ = 	snop;
	(pc) =	sbr.rel @p2 .LBB2_4-.Ltmp1, $2  }
0x52: {  	_ =	sdelay $0x2  }
0x53: {  	s20 =	sadd.s32 $0x140, s20;
	[tilespmem:v2+s15+$0x0] =	vst.idx.add.f32.msk $0xffff, v1  }
0x54: {  	[spmem:s1] =	stream.indirect.scatter.add.f32 [tilespmem:s14], [sflag:$0x1], $0x2710, s13, s12, $0xb8;
	[tilespmem:$0xA138] =	vst v63  }
0x55: {  	_ =	swait.ge [sflag:s12], $0x2710  }
0x56: {  	[sflag:s12] =	ssyncset.done $0x0  }
0x57: {  	[sflag:s12] =	ssyncadd.s32 $0xFFFFD8F0  }
0x58: {  	[spmem:s1] =	stream.indirect.scatter.add.f32 [tilespmem:s15], [sflag:$0x1], $0x2710, s16, s12, $0xb8;
	[tilespmem:$0xA138] =	vst v63  }
0x59: {  	_ =	swait.ge [sflag:s12], $0x2710  }
0x5a: {  	[sflag:s12] =	ssyncset.done $0x0  }
0x5b: {  	[sflag:s12] =	ssyncadd.s32 $0xFFFFD8F0  }
0x5c: {  	s20 =	simm.s32 @!p0 $0x1C01;
	s21 =	simm.s32 @!p0 $0x1;
	[bflag:$0x0] =	sbarrier.arrive $0xFFFF  }
0x5d: {  	[hbm:s7], [sflag:s20] =	dma.local @!p0 [spmem:s17], $0x4E2  }
0x5e: {  	s19 =	sadd.s32 $0x1, s19;
	_ =	swait.ge @!p0 [sflag:s21], $0x4E2  }
0x5f: {  	p2 =	sne.s32 s19, s11;
	[sflag:s21] =	ssyncset.done @!p0 $0x0  }
.Ltmp2:
0x60: {  	[sflag:s21] =	ssyncadd.s32 @!p0 $0xFFFFFB1E;
	(pc) =	sbr.rel @p2 .LBB2_1-.Ltmp2, $4  }
0x61: {  	[hbm:s10], [sflag:s20] =	dma.local @!p0 [spmem:s18], $0x4E2  }
0x62: {  	_ =	swait.ge @!p0 [sflag:s21], $0x4E2  }
0x63: {  	[sflag:s21] =	ssyncset.done @!p0 $0x0  }
0x64: {  	[sflag:s21] =	ssyncadd.s32 @!p0 $0xFFFFFB1E  }
0x65: {  	_ =	sfence.sel $0x180000  }
0x66: {  	[bflag:$0x0] =	sbarrier.arrive $0xFFFF  }
0x67: {  	_ =	strace $0x90000047  }
0x68: {  	s0 =	sadd.s32 @!p0 $0x100000, s0;
	[bflag:$0x2] =	sbarrier.arrive $0xFFFF  }
0x69: {  	[sflag:s0] =	ssyncadd.tile.s32 @!p0 $0x1;
	_ =	shalt  }
.Lfunc_end2:
_tile_overlayer_lowered:
.L_overlay_start_2:
0x6a: {  	(tag) =	ssettag $0x2  }
0x6b: {  	s0 =	rddreg [dreg:$0x0];
	s2 =	stileid.u32  }
0x6c: {  	s1 =	rddreg [dreg:$0x1];
	p0 =	sne.s32 s2, $0x0  }
0x6d: {  	s3 =	rddreg [dreg:$0x2];
	[bflag:$0x3] =	sbarrier.arrive $0xFFFF;
	s2 =	simm.s32 @!p0 $0x1C01  }
0x6e: {  	[timem:s3], [sflag:s2] =	dma.local @!p0 [hbm:s0], s1  }
0x6f: {  	s0 =	simm.s32 @!p0 $0x1  }
0x70: {  	_ =	swait.ge @!p0 [sflag:s0], s1  }
0x71: {  	s1 =	ssub.s32 @!p0 $0x0, s1;
	[sflag:s0] =	ssyncset.done @!p0 $0x0  }
0x72: {  	[sflag:s0] =	ssyncadd.s32 @!p0 s1  }
0x73: {  	[bflag:$0x3] =	sbarrier.arrive $0xFFFF  }
0x74: {  	_ =	shalt  }

</sc_bundles>
